<compile_context>
chip_gen: v7x
topology: tpu7x:2x2x1
jax: 0.10.2.dev20260603
libtpu: 0.0.44.dev20260713+nightly
codegen_flags: <defaults>
</compile_context>

<pallas_src>
import functools

import jax
import jax.numpy as jnp
import numpy as np
from jax import lax
from jax.experimental import pallas as pl
from jax.experimental.pallas import tpu as pltpu
from jax.experimental.pallas import tpu_sc as plsc

NC = 2
NS = 16
NW = NC * NS

B = 16384
D = 128
CLS = 1000
LPAD = 1024
NQ = 2
NQ2 = 2000
DD = 4
RPW = B // NW
CF = 32
CL = 16
NCHF = RPW // CF
NCHL = RPW // CL

_COFFS = tuple(range(0, CLS - 16, 16)) + (CLS - 16,)


_DRAW_CACHE = []


def _jnp_draws():
    rkey = jax.random.key(42)
    k1, k2, k3 = jax.random.split(rkey, 3)
    lamb = jax.random.beta(k1, 0.3, 0.3, dtype=jnp.float32)
    idxa = jax.random.randint(k2, (B,), 0, CLS)
    idxnq = jax.random.randint(k3, (B,), 0, NQ)
    flat = (idxnq * CLS + idxa).astype(jnp.int32)
    return flat, jnp.full((16,), lamb, jnp.float32)


def _get_draws():
    if _DRAW_CACHE:
        return _DRAW_CACHE[0]
    try:
        flat, lam16 = _jnp_draws()
        res = (np.asarray(flat), np.asarray(lam16))
        _DRAW_CACHE.append(res)
        return res
    except Exception:
        return _jnp_draws()


RB = 200


def _tab_body(lq_ref, ldq_ref, fbq_ref, faq_ref, outL_ref, outB_ref, outA_ref):
    q = pl.program_id(1)
    outL_ref[:, :CLS] = lq_ref[:, q, :]
    for rep in range(4):
        outL_ref[:, CLS + rep * DD:CLS + (rep + 1) * DD] = ldq_ref[:, q, :]
    outL_ref[:, CLS + 4 * DD:] = jnp.zeros((RB, LPAD - CLS - 4 * DD), jnp.float32)
    outB_ref[...] = fbq_ref[:, q, :]
    outA_ref[...] = faq_ref[:, q, :]


_NRB = CLS // RB

_tab_build = pl.pallas_call(
    _tab_body,
    grid=(_NRB, NQ),
    in_specs=[
        pl.BlockSpec((RB, NQ, CLS), lambda i, q: (i, 0, 0)),
        pl.BlockSpec((RB, NQ, DD), lambda i, q: (i, 0, 0)),
        pl.BlockSpec((RB, NQ, D), lambda i, q: (i, 0, 0)),
        pl.BlockSpec((RB, NQ, D), lambda i, q: (i, 0, 0)),
    ],
    out_specs=[
        pl.BlockSpec((RB, LPAD), lambda i, q: (q * _NRB + i, 0)),
        pl.BlockSpec((RB, D), lambda i, q: (q * _NRB + i, 0)),
        pl.BlockSpec((RB, D), lambda i, q: (q * _NRB + i, 0)),
    ],
    out_shape=[
        jax.ShapeDtypeStruct((NQ2, LPAD), jnp.float32),
        jax.ShapeDtypeStruct((NQ2, D), jnp.float32),
        jax.ShapeDtypeStruct((NQ2, D), jnp.float32),
    ],
)


def _sc_body(featB, featA, labels, labelsD, featBQ, featAQ, labelsQp,
             flatidx, lamb_arr,
             oB, oA, oL, oD,
             idx_v, lamb_v,
             fx0, fq0, fo0, fx1, fq1, fo1,
             lb0, lq0, lo0, lb1, lq1, lo1,
             dbuf,
             fsi0, fso0, fsi1, fso1, lsi0, lso0, lsi1, lso1):
    cid = lax.axis_index("c")
    sid = lax.axis_index("s")
    wid = sid * NC + cid
    base = pl.multiple_of(wid * RPW, RPW)

    pltpu.sync_copy(flatidx.at[pl.ds(base, RPW)], idx_v)
    pltpu.sync_copy(lamb_arr, lamb_v)
    lam = lamb_v[...]
    onem = 1.0 - lam
    k1000 = jnp.full((16,), 1000.0, jnp.float32)
    lane = jnp.arange(16, dtype=jnp.int32)
    ldiv = lane >> 2
    lmod = lane & 3

    def pipe_phase(x_hbm, q_hbm, o_hbm, rows, nch, sets, compute_fn):
        def start_load(c, s):
            bin_, bq, _, sem_in, _ = s
            row = pl.multiple_of(base + c * rows, 8)
            pltpu.async_copy(x_hbm.at[pl.ds(row, rows), :], bin_, sem_in)
            pltpu.async_copy(q_hbm.at[idx_v.at[pl.ds(c * rows, rows)]], bq, sem_in)

        def wait_load(s):
            bin_, bq, _, sem_in, _ = s
            pltpu.make_async_copy(x_hbm.at[pl.ds(base, rows), :], bin_, sem_in).wait()
            pltpu.make_async_copy(
                q_hbm.at[idx_v.at[pl.ds(0, rows)]], bq, sem_in).wait()

        def start_store(c, s):
            _, _, bo, _, sem_out = s
            row = pl.multiple_of(base + c * rows, 8)
            pltpu.async_copy(bo, o_hbm.at[pl.ds(row, rows), :], sem_out)

        def wait_store(s):
            _, _, bo, _, sem_out = s
            pltpu.make_async_copy(bo, o_hbm.at[pl.ds(base, rows), :], sem_out).wait()

        start_load(0, sets[0])
        start_load(1, sets[1])

        def pair(p, _):
            for half, s in ((0, sets[0]), (1, sets[1])):
                c = 2 * p + half
                wait_load(s)

                @pl.when(p >= 1)
                def _():
                    wait_store(s)

                compute_fn(c, s)
                start_store(c, s)

                @pl.when(p < nch // 2 - 1)
                def _():
                    start_load(c + 2, s)
            return 0

        lax.fori_loop(0, nch // 2, pair, 0)
        wait_store(sets[0])
        wait_store(sets[1])

    def feat_compute(c, s):
        bin_, bq, bo, _, _ = s

        def frow(r, _):
            for cc in range(D // 16):
                x = bin_[r, pl.ds(cc * 16, 16)]
                q = bq[r, pl.ds(cc * 16, 16)]
                bo[r, pl.ds(cc * 16, 16)] = x * lam + q * onem
            return 0

        lax.fori_loop(0, CF, frow, 0)

    fsets = ((fx0, fq0, fo0, fsi0, fso0), (fx1, fq1, fo1, fsi1, fso1))
    pipe_phase(featB, featBQ, oB, CF, NCHF, fsets, feat_compute)
    pipe_phase(featA, featAQ, oA, CF, NCHF, fsets, feat_compute)

    doff = pl.multiple_of(base * DD, 8)
    pltpu.sync_copy(labelsD.at[pl.ds(doff, RPW * DD)], dbuf)

    def label_compute(c, s):
        bin_, bq, bo, _, _ = s

        def lrow(r, _):
            for co in _COFFS:
                l = bin_[r, pl.ds(co, 16)]
                q = bq[r, pl.ds(co, 16)]
                bo[r, pl.ds(co, 16)] = l * lam + q * onem
            return 0

        lax.fori_loop(0, CL, lrow, 0)

        def dgroup(g, _):
            dq = jnp.zeros((16,), jnp.float32)
            for j in range(DD):
                vq = bq[g * DD + j, pl.ds(CLS, 16)]
                dq = vq if j == 0 else jnp.where(ldiv == j, vq, dq)
            ld = dbuf[pl.ds(c * CL * DD + g * 16, 16)]
            isq = dq == 1000.0
            isl = ld == 1000.0
            bl = ld * lam + dq * onem
            res = jnp.where(isl, jnp.where(isq, k1000, dq),
                            jnp.where(isq, ld, bl))
            dbuf[pl.ds(c * CL * DD + g * 16, 16)] = res
            return 0

        lax.fori_loop(0, CL * DD // 16, dgroup, 0)

    lsets = ((lb0, lq0, lo0, lsi0, lso0), (lb1, lq1, lo1, lsi1, lso1))
    pipe_phase(labels, labelsQp, oL, CL, NCHL, lsets, label_compute)
    pltpu.sync_copy(dbuf, oD.at[pl.ds(doff, RPW * DD)])


_sc_kernel = functools.partial(
    pl.kernel,
    mesh=plsc.VectorSubcoreMesh(core_axis_name="c", subcore_axis_name="s"),
    out_type=[
        jax.ShapeDtypeStruct((B, D), jnp.float32),
        jax.ShapeDtypeStruct((B, D), jnp.float32),
        jax.ShapeDtypeStruct((B, CLS), jnp.float32),
        jax.ShapeDtypeStruct((B * DD,), jnp.float32),
    ],
    scratch_types=[
        pltpu.VMEM((RPW,), jnp.int32),
        pltpu.VMEM((16,), jnp.float32),
        pltpu.VMEM((CF, D), jnp.float32),
        pltpu.VMEM((CF, D), jnp.float32),
        pltpu.VMEM((CF, D), jnp.float32),
        pltpu.VMEM((CF, D), jnp.float32),
        pltpu.VMEM((CF, D), jnp.float32),
        pltpu.VMEM((CF, D), jnp.float32),
        pltpu.VMEM((CL, CLS), jnp.float32),
        pltpu.VMEM((CL, LPAD), jnp.float32),
        pltpu.VMEM((CL, CLS), jnp.float32),
        pltpu.VMEM((CL, CLS), jnp.float32),
        pltpu.VMEM((CL, LPAD), jnp.float32),
        pltpu.VMEM((CL, CLS), jnp.float32),
        pltpu.VMEM((RPW * DD,), jnp.float32),
        pltpu.SemaphoreType.DMA,
        pltpu.SemaphoreType.DMA,
        pltpu.SemaphoreType.DMA,
        pltpu.SemaphoreType.DMA,
        pltpu.SemaphoreType.DMA,
        pltpu.SemaphoreType.DMA,
        pltpu.SemaphoreType.DMA,
        pltpu.SemaphoreType.DMA,
    ],
)(_sc_body)


def kernel(featB, featBQ, featA, featAQ, labels, labelsQ, labelsD, labelsDQ):
    b = labels.shape[0]
    flat_c, lam16_c = _get_draws()
    flat = jnp.asarray(flat_c)
    lamb_arr = jnp.asarray(lam16_c)

    tabL, tabB, tabA = _tab_build(labelsQ, labelsDQ, featBQ, featAQ)

    oB, oA, oL, oD = _sc_kernel(
        featB, featA, labels, labelsD.reshape(-1),
        tabB, tabA, tabL, flat, lamb_arr)
    return (oB, oA, oL, oD.reshape(b, DD))

# --- scband reference (transcript-rebuilt; emitter-appended) ---
"""Pipeline reference for scband-mixup-yolo-14869176778781 (READ-ONLY COPY).

The authoritative reference and input builder live on the scoring server;
editing this copy changes nothing except your own understanding.
"""

import jax, jax.numpy as jnp
import numpy as np


def setup_inputs(seed: int = 0) -> dict:
    key = jax.random.key(seed)
    ks = jax.random.split(key, 8)
    b, classes, nq, d, dd = 16384, 1000, 2, 128, 4
    featB = jax.random.normal(ks[0], (b, d), dtype=jnp.float32)
    featBQ = jax.random.normal(ks[1], (classes, nq, d), dtype=jnp.float32)
    featA = jax.random.normal(ks[2], (b, d), dtype=jnp.float32)
    featAQ = jax.random.normal(ks[3], (classes, nq, d), dtype=jnp.float32)
    labels = jax.random.uniform(ks[4], (b, classes), dtype=jnp.float32)
    labelsQ = jax.random.uniform(ks[5], (classes, nq, classes), dtype=jnp.float32)
    labelsD = jax.random.normal(ks[6], (b, dd), dtype=jnp.float32)
    labelsDQ = jax.random.normal(ks[7], (classes, nq, dd), dtype=jnp.float32)
    return {"featB": featB, "featBQ": featBQ, "featA": featA, "featAQ": featAQ,
            "labels": labels, "labelsQ": labelsQ, "labelsD": labelsD, "labelsDQ": labelsDQ}


def reference(featB, featBQ, featA, featAQ, labels, labelsQ, labelsD, labelsDQ):
    # mixupYolo.forward with alpha=beta=0.3, n_queues=2.
    # Randomness (beta sample + index draws) reproduced deterministically with a fixed key.
    b = labels.shape[0]
    classes = labels.shape[-1]
    n_queues = 2
    rkey = jax.random.key(42)
    k1, k2, k3 = jax.random.split(rkey, 3)
    lamb = jax.random.beta(k1, 0.3, 0.3, dtype=jnp.float32)
    idxa = jax.random.randint(k2, (b,), 0, classes)
    idxnq = jax.random.randint(k3, (b,), 0, n_queues)

    featB_o = featB * lamb + (1.0 - lamb) * featBQ[idxa, idxnq]
    featA_o = featA * lamb + (1.0 - lamb) * featAQ[idxa, idxnq]
    labels_o = labels * lamb + (1.0 - lamb) * labelsQ[idxa, idxnq]

    dq = labelsDQ[idxa, idxnq]
    m1 = ((labelsD == 1000) & (dq == 1000)).astype(jnp.float32)
    m2 = ((labelsD == 1000) & (dq != 1000)).astype(jnp.float32)
    m3 = ((labelsD != 1000) & (dq == 1000)).astype(jnp.float32)
    m4 = ((labelsD != 1000) & (dq != 1000)).astype(jnp.float32)
    labelsD_o = m1 * 1000.0 + m2 * dq + m3 * labelsD + m4 * (labelsD * lamb + (1.0 - lamb) * dq)

    return (featB_o, featA_o, labels_o, labelsD_o)

if __name__ == "__main__":
    import jax
    _d = setup_inputs()
    print(jax.jit(kernel)(*tuple(_d.values())))

</pallas_src>

<mosaic_0001>
#map = affine_map<(d0, d1) -> (0, 0)>
#map1 = affine_map<(d0, d1) -> (0)>
module attributes {stable_mosaic.version = 14 : i64} {
  func.func @_sc_body(%arg0: i32, %arg1: i32, %arg2: memref<16384x128xf32, #tpu.memory_space<hbm>>, %arg3: memref<16384x128xf32, #tpu.memory_space<hbm>>, %arg4: memref<16384x1000xf32, #tpu.memory_space<hbm>>, %arg5: memref<65536xf32, #tpu.memory_space<hbm>>, %arg6: memref<2000x128xf32, #tpu.memory_space<hbm>>, %arg7: memref<2000x128xf32, #tpu.memory_space<hbm>>, %arg8: memref<2000x1024xf32, #tpu.memory_space<hbm>>, %arg9: memref<16384xi32, #tpu.memory_space<hbm>>, %arg10: memref<16xf32, #tpu.memory_space<hbm>>, %arg11: memref<16384x128xf32, #tpu.memory_space<hbm>>, %arg12: memref<16384x128xf32, #tpu.memory_space<hbm>>, %arg13: memref<16384x1000xf32, #tpu.memory_space<hbm>>, %arg14: memref<65536xf32, #tpu.memory_space<hbm>>, %arg15: memref<512xi32, #tpu.memory_space<vmem>>, %arg16: memref<16xf32, #tpu.memory_space<vmem>>, %arg17: memref<32x128xf32, #tpu.memory_space<vmem>>, %arg18: memref<32x128xf32, #tpu.memory_space<vmem>>, %arg19: memref<32x128xf32, #tpu.memory_space<vmem>>, %arg20: memref<32x128xf32, #tpu.memory_space<vmem>>, %arg21: memref<32x128xf32, #tpu.memory_space<vmem>>, %arg22: memref<32x128xf32, #tpu.memory_space<vmem>>, %arg23: memref<16x1000xf32, #tpu.memory_space<vmem>>, %arg24: memref<16x1024xf32, #tpu.memory_space<vmem>>, %arg25: memref<16x1000xf32, #tpu.memory_space<vmem>>, %arg26: memref<16x1000xf32, #tpu.memory_space<vmem>>, %arg27: memref<16x1024xf32, #tpu.memory_space<vmem>>, %arg28: memref<16x1000xf32, #tpu.memory_space<vmem>>, %arg29: memref<2048xf32, #tpu.memory_space<vmem>>, %arg30: memref<!tpu.dma_semaphore, #tpu.memory_space<semaphore_mem>>, %arg31: memref<!tpu.dma_semaphore, #tpu.memory_space<semaphore_mem>>, %arg32: memref<!tpu.dma_semaphore, #tpu.memory_space<semaphore_mem>>, %arg33: memref<!tpu.dma_semaphore, #tpu.memory_space<semaphore_mem>>, %arg34: memref<!tpu.dma_semaphore, #tpu.memory_space<semaphore_mem>>, %arg35: memref<!tpu.dma_semaphore, #tpu.memory_space<semaphore_mem>>, %arg36: memref<!tpu.dma_semaphore, #tpu.memory_space<semaphore_mem>>, %arg37: memref<!tpu.dma_semaphore, #tpu.memory_space<semaphore_mem>>) attributes {dimension_semantics = [#tpu.dimension_semantics<core_parallel>, #tpu.dimension_semantics<subcore_parallel>], iteration_bounds = array<i64: 2, 16>, scalar_prefetch = 0 : i64, scratch_operands = 23 : i64, tpu.core_type = #tpu.core_type<sc_vector_subcore>, window_params = [{transform_indices = #map}, {transform_indices = #map}, {transform_indices = #map}, {transform_indices = #map1}, {transform_indices = #map}, {transform_indices = #map}, {transform_indices = #map}, {transform_indices = #map1}, {transform_indices = #map1}, {transform_indices = #map}, {transform_indices = #map}, {transform_indices = #map}, {transform_indices = #map1}]} {
    %mul3A = arith.constant 2 : i32
    %mul3A_0 = arith.muli %arg1, %mul3A : i32
    %add3A = arith.addi %mul3A_0, %arg0 : i32
    %mul3A_1 = arith.constant 512 : i32
    %mul3A_2 = arith.muli %add3A, %mul3A_1 : i32
    %multiple_of3A = tpu.assume_multiple %mul3A_2, 512 : i32
    "tpu.region"() ({
      %run_scoped3A = tpu.sem_alloc : memref<!tpu.dma_semaphore, #tpu.memory_space<semaphore_mem>>
      %dma_start3A_129 = tpu.memref_slice %arg9[%multiple_of3A] : memref<16384xi32, #tpu.memory_space<hbm>> -> memref<512xi32, #tpu.memory_space<hbm>>
      %dma_start3A_130 = tpu.memref_slice %arg9[%multiple_of3A] : memref<16384xi32, #tpu.memory_space<hbm>> -> memref<512xi32, #tpu.memory_space<hbm>>
      tpu.enqueue_dma source(%dma_start3A_130 : memref<512xi32, #tpu.memory_space<hbm>>) target(%arg15 : memref<512xi32, #tpu.memory_space<vmem>>) target_semaphore(%run_scoped3A : memref<!tpu.dma_semaphore, #tpu.memory_space<semaphore_mem>>)
      %dma_wait3A_131 = tpu.memref_slice %arg9[%multiple_of3A] : memref<16384xi32, #tpu.memory_space<hbm>> -> memref<512xi32, #tpu.memory_space<hbm>>
      %dma_wait3A_132 = tpu.memref_slice %arg9[%multiple_of3A] : memref<16384xi32, #tpu.memory_space<hbm>> -> memref<512xi32, #tpu.memory_space<hbm>>
      tpu.wait_dma2 semaphore(%run_scoped3A : memref<!tpu.dma_semaphore, #tpu.memory_space<semaphore_mem>>) src(%dma_wait3A_132 : memref<512xi32, #tpu.memory_space<hbm>>) dst(%arg15 : memref<512xi32, #tpu.memory_space<vmem>>)
      tpu.yield
    }) : () -> ()
    "tpu.region"() ({
      %run_scoped3A = tpu.sem_alloc : memref<!tpu.dma_semaphore, #tpu.memory_space<semaphore_mem>>
      tpu.enqueue_dma source(%arg10 : memref<16xf32, #tpu.memory_space<hbm>>) target(%arg16 : memref<16xf32, #tpu.memory_space<vmem>>) target_semaphore(%run_scoped3A : memref<!tpu.dma_semaphore, #tpu.memory_space<semaphore_mem>>)
      tpu.wait_dma2 semaphore(%run_scoped3A : memref<!tpu.dma_semaphore, #tpu.memory_space<semaphore_mem>>) src(%arg10 : memref<16xf32, #tpu.memory_space<hbm>>) dst(%arg16 : memref<16xf32, #tpu.memory_space<vmem>>)
      tpu.yield
    }) : () -> ()
    %get3A = arith.constant 0 : index
    %get3A_3 = tpu.vector_load %arg16[%get3A] {strides = array<i32>} : memref<16xf32, #tpu.memory_space<vmem>>, vector<16xf32>,
    %get3A_4 = vector.shape_cast %get3A_3 : vector<16xf32> to vector<16xf32>
    %sub3A = arith.constant 1.000000e+00 : f32
    %sub3A_5 = vector.broadcast %sub3A : f32 to vector<16xf32>
    %sub3A_6 = arith.subf %sub3A_5, %get3A_4 : vector<16xf32>
    %broadcast_in_dim3A = arith.constant 1.000000e+03 : f32
    %broadcast_in_dim3A_7 = vector.broadcast %broadcast_in_dim3A : f32 to vector<16xf32>
    %iota3A = tpu.iota {dimensions = array<i32: 0>} : vector<16xi32>
    %shift_right_arithmetic3A = arith.constant 2 : i32
    %shift_right_arithmetic3A_8 = vector.broadcast %shift_right_arithmetic3A : i32 to vector<16xi32>
    %shift_right_arithmetic3A_9 = arith.shrsi %iota3A, %shift_right_arithmetic3A_8 : vector<16xi32>
    %and3A = arith.constant 3 : i32
    %and3A_10 = vector.broadcast %and3A : i32 to vector<16xi32>
    %and3A_11 = arith.andi %iota3A, %and3A_10 : vector<16xi32>
    %add3A_12 = arith.constant 0 : i32
    %add3A_13 = arith.addi %multiple_of3A, %add3A_12 : i32
    %multiple_of3A_14 = tpu.assume_multiple %add3A_13, 8 : i32
    %dma_start3A = arith.constant 0 : i32
    %dma_start3A_15 = tpu.memref_slice %arg2[%multiple_of3A_14, %dma_start3A] : memref<16384x128xf32, #tpu.memory_space<hbm>> -> memref<32x128xf32, #tpu.memory_space<hbm>>
    %dma_start3A_16 = arith.constant 0 : i32
    %dma_start3A_17 = tpu.memref_slice %arg2[%multiple_of3A_14, %dma_start3A_16] : memref<16384x128xf32, #tpu.memory_space<hbm>> -> memref<32x128xf32, #tpu.memory_space<hbm>>
    tpu.enqueue_dma source(%dma_start3A_17 : memref<32x128xf32, #tpu.memory_space<hbm>>) target(%arg17 : memref<32x128xf32, #tpu.memory_space<vmem>>) target_semaphore(%arg30 : memref<!tpu.dma_semaphore, #tpu.memory_space<semaphore_mem>>)
    %dma_start3A_18 = arith.constant 0 : i32
    %dma_start3A_19 = tpu.memref_slice %arg15[%dma_start3A_18] : memref<512xi32, #tpu.memory_space<vmem>> -> memref<32xi32, #tpu.memory_space<vmem>>
    %dma_start3A_20 = arith.constant 0 : i32
    %dma_start3A_21 = arith.constant 0 : i32
    %dma_start3A_22 = tpu.memref_slice %arg6[%dma_start3A_20, %dma_start3A_21] : memref<2000x128xf32, #tpu.memory_space<hbm>> -> memref<2000x128xf32, #tpu.memory_space<hbm>>
    tpu.enqueue_indirect_dma source(%dma_start3A_22 : memref<2000x128xf32, #tpu.memory_space<hbm>>) target(%arg18 : memref<32x128xf32, #tpu.memory_space<vmem>>) offsets(%dma_start3A_19 : memref<32xi32, #tpu.memory_space<vmem>>) semaphore(%arg30 : memref<!tpu.dma_semaphore, #tpu.memory_space<semaphore_mem>>)
    %add3A_23 = arith.constant 32 : i32
    %add3A_24 = arith.addi %multiple_of3A, %add3A_23 : i32
    %multiple_of3A_25 = tpu.assume_multiple %add3A_24, 8 : i32
    %dma_start3A_26 = arith.constant 0 : i32
    %dma_start3A_27 = tpu.memref_slice %arg2[%multiple_of3A_25, %dma_start3A_26] : memref<16384x128xf32, #tpu.memory_space<hbm>> -> memref<32x128xf32, #tpu.memory_space<hbm>>
    %dma_start3A_28 = arith.constant 0 : i32
    %dma_start3A_29 = tpu.memref_slice %arg2[%multiple_of3A_25, %dma_start3A_28] : memref<16384x128xf32, #tpu.memory_space<hbm>> -> memref<32x128xf32, #tpu.memory_space<hbm>>
    tpu.enqueue_dma source(%dma_start3A_29 : memref<32x128xf32, #tpu.memory_space<hbm>>) target(%arg20 : memref<32x128xf32, #tpu.memory_space<vmem>>) target_semaphore(%arg32 : memref<!tpu.dma_semaphore, #tpu.memory_space<semaphore_mem>>)
    %dma_start3A_30 = arith.constant 32 : i32
    %dma_start3A_31 = tpu.memref_slice %arg15[%dma_start3A_30] : memref<512xi32, #tpu.memory_space<vmem>> -> memref<32xi32, #tpu.memory_space<vmem>>
    %dma_start3A_32 = arith.constant 0 : i32
    %dma_start3A_33 = arith.constant 0 : i32
    %dma_start3A_34 = tpu.memref_slice %arg6[%dma_start3A_32, %dma_start3A_33] : memref<2000x128xf32, #tpu.memory_space<hbm>> -> memref<2000x128xf32, #tpu.memory_space<hbm>>
    tpu.enqueue_indirect_dma source(%dma_start3A_34 : memref<2000x128xf32, #tpu.memory_space<hbm>>) target(%arg21 : memref<32x128xf32, #tpu.memory_space<vmem>>) offsets(%dma_start3A_31 : memref<32xi32, #tpu.memory_space<vmem>>) semaphore(%arg32 : memref<!tpu.dma_semaphore, #tpu.memory_space<semaphore_mem>>)
    %scan3A = arith.constant 0 : i32
    %scan3A_35 = arith.constant 0 : i32
    %scan3A_36 = arith.constant 8 : i32
    %scan3A_37 = arith.addi %scan3A_35, %scan3A_36 : i32
    %scan3A_38 = arith.constant 1 : i32
    %scan3A_39 = scf.for %scan3A_129 = %scan3A_35 to %scan3A_37 step %scan3A_38 iter_args(%scan3A_130 = %scan3A) -> (i32)  : i32 {
      %mul3A_131 = arith.constant 2 : i32
      %mul3A_132 = arith.muli %mul3A_131, %scan3A_129 : i32
      %add3A_133 = arith.constant 0 : i32
      %add3A_134 = arith.addi %mul3A_132, %add3A_133 : i32
      %dma_wait3A_135 = arith.constant 0 : i32
      %dma_wait3A_136 = tpu.memref_slice %arg2[%multiple_of3A, %dma_wait3A_135] : memref<16384x128xf32, #tpu.memory_space<hbm>> -> memref<32x128xf32, #tpu.memory_space<hbm>>
      %dma_wait3A_137 = arith.constant 0 : i32
      %dma_wait3A_138 = tpu.memref_slice %arg2[%multiple_of3A, %dma_wait3A_137] : memref<16384x128xf32, #tpu.memory_space<hbm>> -> memref<32x128xf32, #tpu.memory_space<hbm>>
      tpu.wait_dma2 semaphore(%arg30 : memref<!tpu.dma_semaphore, #tpu.memory_space<semaphore_mem>>) src(%dma_wait3A_138 : memref<32x128xf32, #tpu.memory_space<hbm>>) dst(%arg17 : memref<32x128xf32, #tpu.memory_space<vmem>>)
      %dma_wait3A_139 = arith.constant 0 : i32
      %dma_wait3A_140 = tpu.memref_slice %arg15[%dma_wait3A_139] : memref<512xi32, #tpu.memory_space<vmem>> -> memref<32xi32, #tpu.memory_space<vmem>>
      %dma_wait3A_141 = arith.constant 0 : i32
      %dma_wait3A_142 = arith.constant 0 : i32
      %dma_wait3A_143 = tpu.memref_slice %arg6[%dma_wait3A_141, %dma_wait3A_142] : memref<2000x128xf32, #tpu.memory_space<hbm>> -> memref<2000x128xf32, #tpu.memory_space<hbm>>
      tpu.wait_indirect_dma semaphore(%arg30 : memref<!tpu.dma_semaphore, #tpu.memory_space<semaphore_mem>>) src(%dma_wait3A_143 : memref<2000x128xf32, #tpu.memory_space<hbm>>) dst(%arg18 : memref<32x128xf32, #tpu.memory_space<vmem>>)
      %ge3A = arith.constant 1 : i32
      %ge3A_144 = arith.cmpi sge, %scan3A_129, %ge3A : i32
      %convert_element_type3A = arith.extui %ge3A_144 : i1 to i32
      %cond3A = arith.constant 0 : i32
      %cond3A_145 = arith.cmpi ne, %convert_element_type3A, %cond3A : i32
      scf.if %cond3A_145 {
        %dma_wait3A_204 = arith.constant 0 : i32
        %dma_wait3A_205 = tpu.memref_slice %arg11[%multiple_of3A, %dma_wait3A_204] : memref<16384x128xf32, #tpu.memory_space<hbm>> -> memref<32x128xf32, #tpu.memory_space<hbm>>
        %dma_wait3A_206 = arith.constant 0 : i32
        %dma_wait3A_207 = tpu.memref_slice %arg11[%multiple_of3A, %dma_wait3A_206] : memref<16384x128xf32, #tpu.memory_space<hbm>> -> memref<32x128xf32, #tpu.memory_space<hbm>>
        tpu.wait_dma2 semaphore(%arg31 : memref<!tpu.dma_semaphore, #tpu.memory_space<semaphore_mem>>) src(%arg19 : memref<32x128xf32, #tpu.memory_space<vmem>>) dst(%dma_wait3A_207 : memref<32x128xf32, #tpu.memory_space<hbm>>)
      } else {
      }
      %scan3A_146 = arith.constant 0 : i32
      %scan3A_147 = arith.constant 0 : i32
      %scan3A_148 = arith.constant 32 : i32
      %scan3A_149 = arith.addi %scan3A_147, %scan3A_148 : i32
      %scan3A_150 = arith.constant 1 : i32
      %scan3A_151 = scf.for %scan3A_204 = %scan3A_147 to %scan3A_149 step %scan3A_150 iter_args(%scan3A_205 = %scan3A_146) -> (i32)  : i32 {
        %get3A_206 = arith.index_cast %scan3A_204 : i32 to index
        %get3A_207 = arith.constant 0 : index
        %get3A_208 = tpu.vector_load %arg17[%get3A_206, %get3A_207] {strides = array<i32>} : memref<32x128xf32, #tpu.memory_space<vmem>>, vector<1x16xf32>,
        %get3A_209 = vector.shape_cast %get3A_208 : vector<1x16xf32> to vector<16xf32>
        %get3A_210 = arith.index_cast %scan3A_204 : i32 to index
        %get3A_211 = arith.constant 0 : index
        %get3A_212 = tpu.vector_load %arg18[%get3A_210, %get3A_211] {strides = array<i32>} : memref<32x128xf32, #tpu.memory_space<vmem>>, vector<1x16xf32>,
        %get3A_213 = vector.shape_cast %get3A_212 : vector<1x16xf32> to vector<16xf32>
        %mul3A_214 = arith.mulf %get3A_209, %get3A_4 : vector<16xf32>
        %mul3A_215 = arith.mulf %get3A_213, %sub3A_6 : vector<16xf32>
        %add3A_216 = arith.addf %mul3A_214, %mul3A_215 : vector<16xf32>
        %swap3A = arith.index_cast %scan3A_204 : i32 to index
        %swap3A_217 = arith.constant 0 : index
        %swap3A_218 = tpu.vector_load %arg19[%swap3A, %swap3A_217] {strides = array<i32>} : memref<32x128xf32, #tpu.memory_space<vmem>>, vector<1x16xf32>,
        %swap3A_219 = vector.shape_cast %swap3A_218 : vector<1x16xf32> to vector<16xf32>
        %swap3A_220 = vector.shape_cast %add3A_216 : vector<16xf32> to vector<1x16xf32>
        tpu.vector_store %arg19[%swap3A, %swap3A_217], %swap3A_220 {strides = array<i32>} : memref<32x128xf32, #tpu.memory_space<vmem>>, vector<1x16xf32>,
        %get3A_221 = arith.index_cast %scan3A_204 : i32 to index
        %get3A_222 = arith.constant 16 : index
        %get3A_223 = tpu.vector_load %arg17[%get3A_221, %get3A_222] {strides = array<i32>} : memref<32x128xf32, #tpu.memory_space<vmem>>, vector<1x16xf32>,
        %get3A_224 = vector.shape_cast %get3A_223 : vector<1x16xf32> to vector<16xf32>
        %get3A_225 = arith.index_cast %scan3A_204 : i32 to index
        %get3A_226 = arith.constant 16 : index
        %get3A_227 = tpu.vector_load %arg18[%get3A_225, %get3A_226] {strides = array<i32>} : memref<32x128xf32, #tpu.memory_space<vmem>>, vector<1x16xf32>,
        %get3A_228 = vector.shape_cast %get3A_227 : vector<1x16xf32> to vector<16xf32>
        %mul3A_229 = arith.mulf %get3A_224, %get3A_4 : vector<16xf32>
        %mul3A_230 = arith.mulf %get3A_228, %sub3A_6 : vector<16xf32>
        %add3A_231 = arith.addf %mul3A_229, %mul3A_230 : vector<16xf32>
        %swap3A_232 = arith.index_cast %scan3A_204 : i32 to index
        %swap3A_233 = arith.constant 16 : index
        %swap3A_234 = tpu.vector_load %arg19[%swap3A_232, %swap3A_233] {strides = array<i32>} : memref<32x128xf32, #tpu.memory_space<vmem>>, vector<1x16xf32>,
        %swap3A_235 = vector.shape_cast %swap3A_234 : vector<1x16xf32> to vector<16xf32>
        %swap3A_236 = vector.shape_cast %add3A_231 : vector<16xf32> to vector<1x16xf32>
        tpu.vector_store %arg19[%swap3A_232, %swap3A_233], %swap3A_236 {strides = array<i32>} : memref<32x128xf32, #tpu.memory_space<vmem>>, vector<1x16xf32>,
        %get3A_237 = arith.index_cast %scan3A_204 : i32 to index
        %get3A_238 = arith.constant 32 : index
        %get3A_239 = tpu.vector_load %arg17[%get3A_237, %get3A_238] {strides = array<i32>} : memref<32x128xf32, #tpu.memory_space<vmem>>, vector<1x16xf32>,
        %get3A_240 = vector.shape_cast %get3A_239 : vector<1x16xf32> to vector<16xf32>
        %get3A_241 = arith.index_cast %scan3A_204 : i32 to index
        %get3A_242 = arith.constant 32 : index
        %get3A_243 = tpu.vector_load %arg18[%get3A_241, %get3A_242] {strides = array<i32>} : memref<32x128xf32, #tpu.memory_space<vmem>>, vector<1x16xf32>,
        %get3A_244 = vector.shape_cast %get3A_243 : vector<1x16xf32> to vector<16xf32>
        %mul3A_245 = arith.mulf %get3A_240, %get3A_4 : vector<16xf32>
        %mul3A_246 = arith.mulf %get3A_244, %sub3A_6 : vector<16xf32>
        %add3A_247 = arith.addf %mul3A_245, %mul3A_246 : vector<16xf32>
        %swap3A_248 = arith.index_cast %scan3A_204 : i32 to index
        %swap3A_249 = arith.constant 32 : index
        %swap3A_250 = tpu.vector_load %arg19[%swap3A_248, %swap3A_249] {strides = array<i32>} : memref<32x128xf32, #tpu.memory_space<vmem>>, vector<1x16xf32>,
        %swap3A_251 = vector.shape_cast %swap3A_250 : vector<1x16xf32> to vector<16xf32>
        %swap3A_252 = vector.shape_cast %add3A_247 : vector<16xf32> to vector<1x16xf32>
        tpu.vector_store %arg19[%swap3A_248, %swap3A_249], %swap3A_252 {strides = array<i32>} : memref<32x128xf32, #tpu.memory_space<vmem>>, vector<1x16xf32>,
        %get3A_253 = arith.index_cast %scan3A_204 : i32 to index
        %get3A_254 = arith.constant 48 : index
        %get3A_255 = tpu.vector_load %arg17[%get3A_253, %get3A_254] {strides = array<i32>} : memref<32x128xf32, #tpu.memory_space<vmem>>, vector<1x16xf32>,
        %get3A_256 = vector.shape_cast %get3A_255 : vector<1x16xf32> to vector<16xf32>
        %get3A_257 = arith.index_cast %scan3A_204 : i32 to index
        %get3A_258 = arith.constant 48 : index
        %get3A_259 = tpu.vector_load %arg18[%get3A_257, %get3A_258] {strides = array<i32>} : memref<32x128xf32, #tpu.memory_space<vmem>>, vector<1x16xf32>,
        %get3A_260 = vector.shape_cast %get3A_259 : vector<1x16xf32> to vector<16xf32>
        %mul3A_261 = arith.mulf %get3A_256, %get3A_4 : vector<16xf32>
        %mul3A_262 = arith.mulf %get3A_260, %sub3A_6 : vector<16xf32>
        %add3A_263 = arith.addf %mul3A_261, %mul3A_262 : vector<16xf32>
        %swap3A_264 = arith.index_cast %scan3A_204 : i32 to index
        %swap3A_265 = arith.constant 48 : index
        %swap3A_266 = tpu.vector_load %arg19[%swap3A_264, %swap3A_265] {strides = array<i32>} : memref<32x128xf32, #tpu.memory_space<vmem>>, vector<1x16xf32>,
        %swap3A_267 = vector.shape_cast %swap3A_266 : vector<1x16xf32> to vector<16xf32>
        %swap3A_268 = vector.shape_cast %add3A_263 : vector<16xf32> to vector<1x16xf32>
        tpu.vector_store %arg19[%swap3A_264, %swap3A_265], %swap3A_268 {strides = array<i32>} : memref<32x128xf32, #tpu.memory_space<vmem>>, vector<1x16xf32>,
        %get3A_269 = arith.index_cast %scan3A_204 : i32 to index
        %get3A_270 = arith.constant 64 : index
        %get3A_271 = tpu.vector_load %arg17[%get3A_269, %get3A_270] {strides = array<i32>} : memref<32x128xf32, #tpu.memory_space<vmem>>, vector<1x16xf32>,
        %get3A_272 = vector.shape_cast %get3A_271 : vector<1x16xf32> to vector<16xf32>
        %get3A_273 = arith.index_cast %scan3A_204 : i32 to index
        %get3A_274 = arith.constant 64 : index
        %get3A_275 = tpu.vector_load %arg18[%get3A_273, %get3A_274] {strides = array<i32>} : memref<32x128xf32, #tpu.memory_space<vmem>>, vector<1x16xf32>,
        %get3A_276 = vector.shape_cast %get3A_275 : vector<1x16xf32> to vector<16xf32>
        %mul3A_277 = arith.mulf %get3A_272, %get3A_4 : vector<16xf32>
        %mul3A_278 = arith.mulf %get3A_276, %sub3A_6 : vector<16xf32>
        %add3A_279 = arith.addf %mul3A_277, %mul3A_278 : vector<16xf32>
        %swap3A_280 = arith.index_cast %scan3A_204 : i32 to index
        %swap3A_281 = arith.constant 64 : index
        %swap3A_282 = tpu.vector_load %arg19[%swap3A_280, %swap3A_281] {strides = array<i32>} : memref<32x128xf32, #tpu.memory_space<vmem>>, vector<1x16xf32>,
        %swap3A_283 = vector.shape_cast %swap3A_282 : vector<1x16xf32> to vector<16xf32>
        %swap3A_284 = vector.shape_cast %add3A_279 : vector<16xf32> to vector<1x16xf32>
        tpu.vector_store %arg19[%swap3A_280, %swap3A_281], %swap3A_284 {strides = array<i32>} : memref<32x128xf32, #tpu.memory_space<vmem>>, vector<1x16xf32>,
        %get3A_285 = arith.index_cast %scan3A_204 : i32 to index
        %get3A_286 = arith.constant 80 : index
        %get3A_287 = tpu.vector_load %arg17[%get3A_285, %get3A_286] {strides = array<i32>} : memref<32x128xf32, #tpu.memory_space<vmem>>, vector<1x16xf32>,
        %get3A_288 = vector.shape_cast %get3A_287 : vector<1x16xf32> to vector<16xf32>
        %get3A_289 = arith.index_cast %scan3A_204 : i32 to index
        %get3A_290 = arith.constant 80 : index
        %get3A_291 = tpu.vector_load %arg18[%get3A_289, %get3A_290] {strides = array<i32>} : memref<32x128xf32, #tpu.memory_space<vmem>>, vector<1x16xf32>,
        %get3A_292 = vector.shape_cast %get3A_291 : vector<1x16xf32> to vector<16xf32>
        %mul3A_293 = arith.mulf %get3A_288, %get3A_4 : vector<16xf32>
        %mul3A_294 = arith.mulf %get3A_292, %sub3A_6 : vector<16xf32>
        %add3A_295 = arith.addf %mul3A_293, %mul3A_294 : vector<16xf32>
        %swap3A_296 = arith.index_cast %scan3A_204 : i32 to index
        %swap3A_297 = arith.constant 80 : index
        %swap3A_298 = tpu.vector_load %arg19[%swap3A_296, %swap3A_297] {strides = array<i32>} : memref<32x128xf32, #tpu.memory_space<vmem>>, vector<1x16xf32>,
        %swap3A_299 = vector.shape_cast %swap3A_298 : vector<1x16xf32> to vector<16xf32>
        %swap3A_300 = vector.shape_cast %add3A_295 : vector<16xf32> to vector<1x16xf32>
        tpu.vector_store %arg19[%swap3A_296, %swap3A_297], %swap3A_300 {strides = array<i32>} : memref<32x128xf32, #tpu.memory_space<vmem>>, vector<1x16xf32>,
        %get3A_301 = arith.index_cast %scan3A_204 : i32 to index
        %get3A_302 = arith.constant 96 : index
        %get3A_303 = tpu.vector_load %arg17[%get3A_301, %get3A_302] {strides = array<i32>} : memref<32x128xf32, #tpu.memory_space<vmem>>, vector<1x16xf32>,
        %get3A_304 = vector.shape_cast %get3A_303 : vector<1x16xf32> to vector<16xf32>
        %get3A_305 = arith.index_cast %scan3A_204 : i32 to index
        %get3A_306 = arith.constant 96 : index
        %get3A_307 = tpu.vector_load %arg18[%get3A_305, %get3A_306] {strides = array<i32>} : memref<32x128xf32, #tpu.memory_space<vmem>>, vector<1x16xf32>,
        %get3A_308 = vector.shape_cast %get3A_307 : vector<1x16xf32> to vector<16xf32>
        %mul3A_309 = arith.mulf %get3A_304, %get3A_4 : vector<16xf32>
        %mul3A_310 = arith.mulf %get3A_308, %sub3A_6 : vector<16xf32>
        %add3A_311 = arith.addf %mul3A_309, %mul3A_310 : vector<16xf32>
        %swap3A_312 = arith.index_cast %scan3A_204 : i32 to index
        %swap3A_313 = arith.constant 96 : index
        %swap3A_314 = tpu.vector_load %arg19[%swap3A_312, %swap3A_313] {strides = array<i32>} : memref<32x128xf32, #tpu.memory_space<vmem>>, vector<1x16xf32>,
        %swap3A_315 = vector.shape_cast %swap3A_314 : vector<1x16xf32> to vector<16xf32>
        %swap3A_316 = vector.shape_cast %add3A_311 : vector<16xf32> to vector<1x16xf32>
        tpu.vector_store %arg19[%swap3A_312, %swap3A_313], %swap3A_316 {strides = array<i32>} : memref<32x128xf32, #tpu.memory_space<vmem>>, vector<1x16xf32>,
        %get3A_317 = arith.index_cast %scan3A_204 : i32 to index
        %get3A_318 = arith.constant 112 : index
        %get3A_319 = tpu.vector_load %arg17[%get3A_317, %get3A_318] {strides = array<i32>} : memref<32x128xf32, #tpu.memory_space<vmem>>, vector<1x16xf32>,
        %get3A_320 = vector.shape_cast %get3A_319 : vector<1x16xf32> to vector<16xf32>
        %get3A_321 = arith.index_cast %scan3A_204 : i32 to index
        %get3A_322 = arith.constant 112 : index
        %get3A_323 = tpu.vector_load %arg18[%get3A_321, %get3A_322] {strides = array<i32>} : memref<32x128xf32, #tpu.memory_space<vmem>>, vector<1x16xf32>,
        %get3A_324 = vector.shape_cast %get3A_323 : vector<1x16xf32> to vector<16xf32>
        %mul3A_325 = arith.mulf %get3A_320, %get3A_4 : vector<16xf32>
        %mul3A_326 = arith.mulf %get3A_324, %sub3A_6 : vector<16xf32>
        %add3A_327 = arith.addf %mul3A_325, %mul3A_326 : vector<16xf32>
        %swap3A_328 = arith.index_cast %scan3A_204 : i32 to index
        %swap3A_329 = arith.constant 112 : index
        %swap3A_330 = tpu.vector_load %arg19[%swap3A_328, %swap3A_329] {strides = array<i32>} : memref<32x128xf32, #tpu.memory_space<vmem>>, vector<1x16xf32>,
        %swap3A_331 = vector.shape_cast %swap3A_330 : vector<1x16xf32> to vector<16xf32>
        %swap3A_332 = vector.shape_cast %add3A_327 : vector<16xf32> to vector<1x16xf32>
        tpu.vector_store %arg19[%swap3A_328, %swap3A_329], %swap3A_332 {strides = array<i32>} : memref<32x128xf32, #tpu.memory_space<vmem>>, vector<1x16xf32>,
        %scan3A_333 = arith.constant 0 : i32
        scf.yield %scan3A_333 : i32
      }
      %scan3A_152 = arith.constant 32 : i32
      %mul3A_153 = arith.constant 32 : i32
      %mul3A_154 = arith.muli %add3A_134, %mul3A_153 : i32
      %add3A_155 = arith.addi %multiple_of3A, %mul3A_154 : i32
      %multiple_of3A_156 = tpu.assume_multiple %add3A_155, 8 : i32
      %dma_start3A_157 = arith.constant 0 : i32
      %dma_start3A_158 = tpu.memref_slice %arg11[%multiple_of3A_156, %dma_start3A_157] : memref<16384x128xf32, #tpu.memory_space<hbm>> -> memref<32x128xf32, #tpu.memory_space<hbm>>
      %dma_start3A_159 = arith.constant 0 : i32
      %dma_start3A_160 = tpu.memref_slice %arg11[%multiple_of3A_156, %dma_start3A_159] : memref<16384x128xf32, #tpu.memory_space<hbm>> -> memref<32x128xf32, #tpu.memory_space<hbm>>
      tpu.enqueue_dma source(%arg19 : memref<32x128xf32, #tpu.memory_space<vmem>>) target(%dma_start3A_160 : memref<32x128xf32, #tpu.memory_space<hbm>>) target_semaphore(%arg31 : memref<!tpu.dma_semaphore, #tpu.memory_space<semaphore_mem>>)
      %lt3A = arith.constant 7 : i32
      %lt3A_161 = arith.cmpi slt, %scan3A_129, %lt3A : i32
      %convert_element_type3A_162 = arith.extui %lt3A_161 : i1 to i32
      %cond3A_163 = arith.constant 0 : i32
      %cond3A_164 = arith.cmpi ne, %convert_element_type3A_162, %cond3A_163 : i32
      scf.if %cond3A_164 {
        %add3A_204 = arith.constant 2 : i32
        %add3A_205 = arith.addi %add3A_134, %add3A_204 : i32
        %mul3A_206 = arith.constant 32 : i32
        %mul3A_207 = arith.muli %add3A_205, %mul3A_206 : i32
        %add3A_208 = arith.addi %multiple_of3A, %mul3A_207 : i32
        %multiple_of3A_209 = tpu.assume_multiple %add3A_208, 8 : i32
        %dma_start3A_210 = arith.constant 0 : i32
        %dma_start3A_211 = tpu.memref_slice %arg2[%multiple_of3A_209, %dma_start3A_210] : memref<16384x128xf32, #tpu.memory_space<hbm>> -> memref<32x128xf32, #tpu.memory_space<hbm>>
        %dma_start3A_212 = arith.constant 0 : i32
        %dma_start3A_213 = tpu.memref_slice %arg2[%multiple_of3A_209, %dma_start3A_212] : memref<16384x128xf32, #tpu.memory_space<hbm>> -> memref<32x128xf32, #tpu.memory_space<hbm>>
        tpu.enqueue_dma source(%dma_start3A_213 : memref<32x128xf32, #tpu.memory_space<hbm>>) target(%arg17 : memref<32x128xf32, #tpu.memory_space<vmem>>) target_semaphore(%arg30 : memref<!tpu.dma_semaphore, #tpu.memory_space<semaphore_mem>>)
        %mul3A_214 = arith.constant 32 : i32
        %mul3A_215 = arith.muli %add3A_205, %mul3A_214 : i32
        %dma_start3A_216 = tpu.memref_slice %arg15[%mul3A_215] : memref<512xi32, #tpu.memory_space<vmem>> -> memref<32xi32, #tpu.memory_space<vmem>>
        %dma_start3A_217 = arith.constant 0 : i32
        %dma_start3A_218 = arith.constant 0 : i32
        %dma_start3A_219 = tpu.memref_slice %arg6[%dma_start3A_217, %dma_start3A_218] : memref<2000x128xf32, #tpu.memory_space<hbm>> -> memref<2000x128xf32, #tpu.memory_space<hbm>>
        tpu.enqueue_indirect_dma source(%dma_start3A_219 : memref<2000x128xf32, #tpu.memory_space<hbm>>) target(%arg18 : memref<32x128xf32, #tpu.memory_space<vmem>>) offsets(%dma_start3A_216 : memref<32xi32, #tpu.memory_space<vmem>>) semaphore(%arg30 : memref<!tpu.dma_semaphore, #tpu.memory_space<semaphore_mem>>)
      } else {
      }
      %mul3A_165 = arith.constant 2 : i32
      %mul3A_166 = arith.muli %mul3A_165, %scan3A_129 : i32
      %add3A_167 = arith.constant 1 : i32
      %add3A_168 = arith.addi %mul3A_166, %add3A_167 : i32
      %dma_wait3A_169 = arith.constant 0 : i32
      %dma_wait3A_170 = tpu.memref_slice %arg2[%multiple_of3A, %dma_wait3A_169] : memref<16384x128xf32, #tpu.memory_space<hbm>> -> memref<32x128xf32, #tpu.memory_space<hbm>>
      %dma_wait3A_171 = arith.constant 0 : i32
      %dma_wait3A_172 = tpu.memref_slice %arg2[%multiple_of3A, %dma_wait3A_171] : memref<16384x128xf32, #tpu.memory_space<hbm>> -> memref<32x128xf32, #tpu.memory_space<hbm>>
      tpu.wait_dma2 semaphore(%arg32 : memref<!tpu.dma_semaphore, #tpu.memory_space<semaphore_mem>>) src(%dma_wait3A_172 : memref<32x128xf32, #tpu.memory_space<hbm>>) dst(%arg20 : memref<32x128xf32, #tpu.memory_space<vmem>>)
      %dma_wait3A_173 = arith.constant 0 : i32
      %dma_wait3A_174 = tpu.memref_slice %arg15[%dma_wait3A_173] : memref<512xi32, #tpu.memory_space<vmem>> -> memref<32xi32, #tpu.memory_space<vmem>>
      %dma_wait3A_175 = arith.constant 0 : i32
      %dma_wait3A_176 = arith.constant 0 : i32
      %dma_wait3A_177 = tpu.memref_slice %arg6[%dma_wait3A_175, %dma_wait3A_176] : memref<2000x128xf32, #tpu.memory_space<hbm>> -> memref<2000x128xf32, #tpu.memory_space<hbm>>
      tpu.wait_indirect_dma semaphore(%arg32 : memref<!tpu.dma_semaphore, #tpu.memory_space<semaphore_mem>>) src(%dma_wait3A_177 : memref<2000x128xf32, #tpu.memory_space<hbm>>) dst(%arg21 : memref<32x128xf32, #tpu.memory_space<vmem>>)
      %ge3A_178 = arith.constant 1 : i32
      %ge3A_179 = arith.cmpi sge, %scan3A_129, %ge3A_178 : i32
      %convert_element_type3A_180 = arith.extui %ge3A_179 : i1 to i32
      %cond3A_181 = arith.constant 0 : i32
      %cond3A_182 = arith.cmpi ne, %convert_element_type3A_180, %cond3A_181 : i32
      scf.if %cond3A_182 {
        %dma_wait3A_204 = arith.constant 0 : i32
        %dma_wait3A_205 = tpu.memref_slice %arg11[%multiple_of3A, %dma_wait3A_204] : memref<16384x128xf32, #tpu.memory_space<hbm>> -> memref<32x128xf32, #tpu.memory_space<hbm>>
        %dma_wait3A_206 = arith.constant 0 : i32
        %dma_wait3A_207 = tpu.memref_slice %arg11[%multiple_of3A, %dma_wait3A_206] : memref<16384x128xf32, #tpu.memory_space<hbm>> -> memref<32x128xf32, #tpu.memory_space<hbm>>
        tpu.wait_dma2 semaphore(%arg33 : memref<!tpu.dma_semaphore, #tpu.memory_space<semaphore_mem>>) src(%arg22 : memref<32x128xf32, #tpu.memory_space<vmem>>) dst(%dma_wait3A_207 : memref<32x128xf32, #tpu.memory_space<hbm>>)
      } else {
      }
      %scan3A_183 = arith.constant 0 : i32
      %scan3A_184 = arith.constant 0 : i32
      %scan3A_185 = arith.constant 32 : i32
      %scan3A_186 = arith.addi %scan3A_184, %scan3A_185 : i32
      %scan3A_187 = arith.constant 1 : i32
      %scan3A_188 = scf.for %scan3A_204 = %scan3A_184 to %scan3A_186 step %scan3A_187 iter_args(%scan3A_205 = %scan3A_183) -> (i32)  : i32 {
        %get3A_206 = arith.index_cast %scan3A_204 : i32 to index
        %get3A_207 = arith.constant 0 : index
        %get3A_208 = tpu.vector_load %arg20[%get3A_206, %get3A_207] {strides = array<i32>} : memref<32x128xf32, #tpu.memory_space<vmem>>, vector<1x16xf32>,
        %get3A_209 = vector.shape_cast %get3A_208 : vector<1x16xf32> to vector<16xf32>
        %get3A_210 = arith.index_cast %scan3A_204 : i32 to index
        %get3A_211 = arith.constant 0 : index
        %get3A_212 = tpu.vector_load %arg21[%get3A_210, %get3A_211] {strides = array<i32>} : memref<32x128xf32, #tpu.memory_space<vmem>>, vector<1x16xf32>,
        %get3A_213 = vector.shape_cast %get3A_212 : vector<1x16xf32> to vector<16xf32>
        %mul3A_214 = arith.mulf %get3A_209, %get3A_4 : vector<16xf32>
        %mul3A_215 = arith.mulf %get3A_213, %sub3A_6 : vector<16xf32>
        %add3A_216 = arith.addf %mul3A_214, %mul3A_215 : vector<16xf32>
        %swap3A = arith.index_cast %scan3A_204 : i32 to index
        %swap3A_217 = arith.constant 0 : index
        %swap3A_218 = tpu.vector_load %arg22[%swap3A, %swap3A_217] {strides = array<i32>} : memref<32x128xf32, #tpu.memory_space<vmem>>, vector<1x16xf32>,
        %swap3A_219 = vector.shape_cast %swap3A_218 : vector<1x16xf32> to vector<16xf32>
        %swap3A_220 = vector.shape_cast %add3A_216 : vector<16xf32> to vector<1x16xf32>
        tpu.vector_store %arg22[%swap3A, %swap3A_217], %swap3A_220 {strides = array<i32>} : memref<32x128xf32, #tpu.memory_space<vmem>>, vector<1x16xf32>,
        %get3A_221 = arith.index_cast %scan3A_204 : i32 to index
        %get3A_222 = arith.constant 16 : index
        %get3A_223 = tpu.vector_load %arg20[%get3A_221, %get3A_222] {strides = array<i32>} : memref<32x128xf32, #tpu.memory_space<vmem>>, vector<1x16xf32>,
        %get3A_224 = vector.shape_cast %get3A_223 : vector<1x16xf32> to vector<16xf32>
        %get3A_225 = arith.index_cast %scan3A_204 : i32 to index
        %get3A_226 = arith.constant 16 : index
        %get3A_227 = tpu.vector_load %arg21[%get3A_225, %get3A_226] {strides = array<i32>} : memref<32x128xf32, #tpu.memory_space<vmem>>, vector<1x16xf32>,
        %get3A_228 = vector.shape_cast %get3A_227 : vector<1x16xf32> to vector<16xf32>
        %mul3A_229 = arith.mulf %get3A_224, %get3A_4 : vector<16xf32>
        %mul3A_230 = arith.mulf %get3A_228, %sub3A_6 : vector<16xf32>
        %add3A_231 = arith.addf %mul3A_229, %mul3A_230 : vector<16xf32>
        %swap3A_232 = arith.index_cast %scan3A_204 : i32 to index
        %swap3A_233 = arith.constant 16 : index
        %swap3A_234 = tpu.vector_load %arg22[%swap3A_232, %swap3A_233] {strides = array<i32>} : memref<32x128xf32, #tpu.memory_space<vmem>>, vector<1x16xf32>,
        %swap3A_235 = vector.shape_cast %swap3A_234 : vector<1x16xf32> to vector<16xf32>
        %swap3A_236 = vector.shape_cast %add3A_231 : vector<16xf32> to vector<1x16xf32>
        tpu.vector_store %arg22[%swap3A_232, %swap3A_233], %swap3A_236 {strides = array<i32>} : memref<32x128xf32, #tpu.memory_space<vmem>>, vector<1x16xf32>,
        %get3A_237 = arith.index_cast %scan3A_204 : i32 to index
        %get3A_238 = arith.constant 32 : index
        %get3A_239 = tpu.vector_load %arg20[%get3A_237, %get3A_238] {strides = array<i32>} : memref<32x128xf32, #tpu.memory_space<vmem>>, vector<1x16xf32>,
        %get3A_240 = vector.shape_cast %get3A_239 : vector<1x16xf32> to vector<16xf32>
        %get3A_241 = arith.index_cast %scan3A_204 : i32 to index
        %get3A_242 = arith.constant 32 : index
        %get3A_243 = tpu.vector_load %arg21[%get3A_241, %get3A_242] {strides = array<i32>} : memref<32x128xf32, #tpu.memory_space<vmem>>, vector<1x16xf32>,
        %get3A_244 = vector.shape_cast %get3A_243 : vector<1x16xf32> to vector<16xf32>
        %mul3A_245 = arith.mulf %get3A_240, %get3A_4 : vector<16xf32>
        %mul3A_246 = arith.mulf %get3A_244, %sub3A_6 : vector<16xf32>
        %add3A_247 = arith.addf %mul3A_245, %mul3A_246 : vector<16xf32>
        %swap3A_248 = arith.index_cast %scan3A_204 : i32 to index
        %swap3A_249 = arith.constant 32 : index
        %swap3A_250 = tpu.vector_load %arg22[%swap3A_248, %swap3A_249] {strides = array<i32>} : memref<32x128xf32, #tpu.memory_space<vmem>>, vector<1x16xf32>,
        %swap3A_251 = vector.shape_cast %swap3A_250 : vector<1x16xf32> to vector<16xf32>
        %swap3A_252 = vector.shape_cast %add3A_247 : vector<16xf32> to vector<1x16xf32>
        tpu.vector_store %arg22[%swap3A_248, %swap3A_249], %swap3A_252 {strides = array<i32>} : memref<32x128xf32, #tpu.memory_space<vmem>>, vector<1x16xf32>,
        %get3A_253 = arith.index_cast %scan3A_204 : i32 to index
        %get3A_254 = arith.constant 48 : index
        %get3A_255 = tpu.vector_load %arg20[%get3A_253, %get3A_254] {strides = array<i32>} : memref<32x128xf32, #tpu.memory_space<vmem>>, vector<1x16xf32>,
        %get3A_256 = vector.shape_cast %get3A_255 : vector<1x16xf32> to vector<16xf32>
        %get3A_257 = arith.index_cast %scan3A_204 : i32 to index
        %get3A_258 = arith.constant 48 : index
        %get3A_259 = tpu.vector_load %arg21[%get3A_257, %get3A_258] {strides = array<i32>} : memref<32x128xf32, #tpu.memory_space<vmem>>, vector<1x16xf32>,
        %get3A_260 = vector.shape_cast %get3A_259 : vector<1x16xf32> to vector<16xf32>
        %mul3A_261 = arith.mulf %get3A_256, %get3A_4 : vector<16xf32>
        %mul3A_262 = arith.mulf %get3A_260, %sub3A_6 : vector<16xf32>
        %add3A_263 = arith.addf %mul3A_261, %mul3A_262 : vector<16xf32>
        %swap3A_264 = arith.index_cast %scan3A_204 : i32 to index
        %swap3A_265 = arith.constant 48 : index
        %swap3A_266 = tpu.vector_load %arg22[%swap3A_264, %swap3A_265] {strides = array<i32>} : memref<32x128xf32, #tpu.memory_space<vmem>>, vector<1x16xf32>,
        %swap3A_267 = vector.shape_cast %swap3A_266 : vector<1x16xf32> to vector<16xf32>
        %swap3A_268 = vector.shape_cast %add3A_263 : vector<16xf32> to vector<1x16xf32>
        tpu.vector_store %arg22[%swap3A_264, %swap3A_265], %swap3A_268 {strides = array<i32>} : memref<32x128xf32, #tpu.memory_space<vmem>>, vector<1x16xf32>,
        %get3A_269 = arith.index_cast %scan3A_204 : i32 to index
        %get3A_270 = arith.constant 64 : index
        %get3A_271 = tpu.vector_load %arg20[%get3A_269, %get3A_270] {strides = array<i32>} : memref<32x128xf32, #tpu.memory_space<vmem>>, vector<1x16xf32>,
        %get3A_272 = vector.shape_cast %get3A_271 : vector<1x16xf32> to vector<16xf32>
        %get3A_273 = arith.index_cast %scan3A_204 : i32 to index
        %get3A_274 = arith.constant 64 : index
        %get3A_275 = tpu.vector_load %arg21[%get3A_273, %get3A_274] {strides = array<i32>} : memref<32x128xf32, #tpu.memory_space<vmem>>, vector<1x16xf32>,
        %get3A_276 = vector.shape_cast %get3A_275 : vector<1x16xf32> to vector<16xf32>
        %mul3A_277 = arith.mulf %get3A_272, %get3A_4 : vector<16xf32>
        %mul3A_278 = arith.mulf %get3A_276, %sub3A_6 : vector<16xf32>
        %add3A_279 = arith.addf %mul3A_277, %mul3A_278 : vector<16xf32>
        %swap3A_280 = arith.index_cast %scan3A_204 : i32 to index
        %swap3A_281 = arith.constant 64 : index
        %swap3A_282 = tpu.vector_load %arg22[%swap3A_280, %swap3A_281] {strides = array<i32>} : memref<32x128xf32, #tpu.memory_space<vmem>>, vector<1x16xf32>,
        %swap3A_283 = vector.shape_cast %swap3A_282 : vector<1x16xf32> to vector<16xf32>
        %swap3A_284 = vector.shape_cast %add3A_279 : vector<16xf32> to vector<1x16xf32>
        tpu.vector_store %arg22[%swap3A_280, %swap3A_281], %swap3A_284 {strides = array<i32>} : memref<32x128xf32, #tpu.memory_space<vmem>>, vector<1x16xf32>,
        %get3A_285 = arith.index_cast %scan3A_204 : i32 to index
        %get3A_286 = arith.constant 80 : index
        %get3A_287 = tpu.vector_load %arg20[%get3A_285, %get3A_286] {strides = array<i32>} : memref<32x128xf32, #tpu.memory_space<vmem>>, vector<1x16xf32>,
        %get3A_288 = vector.shape_cast %get3A_287 : vector<1x16xf32> to vector<16xf32>
        %get3A_289 = arith.index_cast %scan3A_204 : i32 to index
        %get3A_290 = arith.constant 80 : index
        %get3A_291 = tpu.vector_load %arg21[%get3A_289, %get3A_290] {strides = array<i32>} : memref<32x128xf32, #tpu.memory_space<vmem>>, vector<1x16xf32>,
        %get3A_292 = vector.shape_cast %get3A_291 : vector<1x16xf32> to vector<16xf32>
        %mul3A_293 = arith.mulf %get3A_288, %get3A_4 : vector<16xf32>
        %mul3A_294 = arith.mulf %get3A_292, %sub3A_6 : vector<16xf32>
        %add3A_295 = arith.addf %mul3A_293, %mul3A_294 : vector<16xf32>
        %swap3A_296 = arith.index_cast %scan3A_204 : i32 to index
        %swap3A_297 = arith.constant 80 : index
        %swap3A_298 = tpu.vector_load %arg22[%swap3A_296, %swap3A_297] {strides = array<i32>} : memref<32x128xf32, #tpu.memory_space<vmem>>, vector<1x16xf32>,
        %swap3A_299 = vector.shape_cast %swap3A_298 : vector<1x16xf32> to vector<16xf32>
        %swap3A_300 = vector.shape_cast %add3A_295 : vector<16xf32> to vector<1x16xf32>
        tpu.vector_store %arg22[%swap3A_296, %swap3A_297], %swap3A_300 {strides = array<i32>} : memref<32x128xf32, #tpu.memory_space<vmem>>, vector<1x16xf32>,
        %get3A_301 = arith.index_cast %scan3A_204 : i32 to index
        %get3A_302 = arith.constant 96 : index
        %get3A_303 = tpu.vector_load %arg20[%get3A_301, %get3A_302] {strides = array<i32>} : memref<32x128xf32, #tpu.memory_space<vmem>>, vector<1x16xf32>,
        %get3A_304 = vector.shape_cast %get3A_303 : vector<1x16xf32> to vector<16xf32>
        %get3A_305 = arith.index_cast %scan3A_204 : i32 to index
        %get3A_306 = arith.constant 96 : index
        %get3A_307 = tpu.vector_load %arg21[%get3A_305, %get3A_306] {strides = array<i32>} : memref<32x128xf32, #tpu.memory_space<vmem>>, vector<1x16xf32>,
        %get3A_308 = vector.shape_cast %get3A_307 : vector<1x16xf32> to vector<16xf32>
        %mul3A_309 = arith.mulf %get3A_304, %get3A_4 : vector<16xf32>
        %mul3A_310 = arith.mulf %get3A_308, %sub3A_6 : vector<16xf32>
        %add3A_311 = arith.addf %mul3A_309, %mul3A_310 : vector<16xf32>
        %swap3A_312 = arith.index_cast %scan3A_204 : i32 to index
        %swap3A_313 = arith.constant 96 : index
        %swap3A_314 = tpu.vector_load %arg22[%swap3A_312, %swap3A_313] {strides = array<i32>} : memref<32x128xf32, #tpu.memory_space<vmem>>, vector<1x16xf32>,
        %swap3A_315 = vector.shape_cast %swap3A_314 : vector<1x16xf32> to vector<16xf32>
        %swap3A_316 = vector.shape_cast %add3A_311 : vector<16xf32> to vector<1x16xf32>
        tpu.vector_store %arg22[%swap3A_312, %swap3A_313], %swap3A_316 {strides = array<i32>} : memref<32x128xf32, #tpu.memory_space<vmem>>, vector<1x16xf32>,
        %get3A_317 = arith.index_cast %scan3A_204 : i32 to index
        %get3A_318 = arith.constant 112 : index
        %get3A_319 = tpu.vector_load %arg20[%get3A_317, %get3A_318] {strides = array<i32>} : memref<32x128xf32, #tpu.memory_space<vmem>>, vector<1x16xf32>,
        %get3A_320 = vector.shape_cast %get3A_319 : vector<1x16xf32> to vector<16xf32>
        %get3A_321 = arith.index_cast %scan3A_204 : i32 to index
        %get3A_322 = arith.constant 112 : index
        %get3A_323 = tpu.vector_load %arg21[%get3A_321, %get3A_322] {strides = array<i32>} : memref<32x128xf32, #tpu.memory_space<vmem>>, vector<1x16xf32>,
        %get3A_324 = vector.shape_cast %get3A_323 : vector<1x16xf32> to vector<16xf32>
        %mul3A_325 = arith.mulf %get3A_320, %get3A_4 : vector<16xf32>
        %mul3A_326 = arith.mulf %get3A_324, %sub3A_6 : vector<16xf32>
        %add3A_327 = arith.addf %mul3A_325, %mul3A_326 : vector<16xf32>
        %swap3A_328 = arith.index_cast %scan3A_204 : i32 to index
        %swap3A_329 = arith.constant 112 : index
        %swap3A_330 = tpu.vector_load %arg22[%swap3A_328, %swap3A_329] {strides = array<i32>} : memref<32x128xf32, #tpu.memory_space<vmem>>, vector<1x16xf32>,
        %swap3A_331 = vector.shape_cast %swap3A_330 : vector<1x16xf32> to vector<16xf32>
        %swap3A_332 = vector.shape_cast %add3A_327 : vector<16xf32> to vector<1x16xf32>
        tpu.vector_store %arg22[%swap3A_328, %swap3A_329], %swap3A_332 {strides = array<i32>} : memref<32x128xf32, #tpu.memory_space<vmem>>, vector<1x16xf32>,
        %scan3A_333 = arith.constant 0 : i32
        scf.yield %scan3A_333 : i32
      }
      %scan3A_189 = arith.constant 32 : i32
      %mul3A_190 = arith.constant 32 : i32
      %mul3A_191 = arith.muli %add3A_168, %mul3A_190 : i32
      %add3A_192 = arith.addi %multiple_of3A, %mul3A_191 : i32
      %multiple_of3A_193 = tpu.assume_multiple %add3A_192, 8 : i32
      %dma_start3A_194 = arith.constant 0 : i32
      %dma_start3A_195 = tpu.memref_slice %arg11[%multiple_of3A_193, %dma_start3A_194] : memref<16384x128xf32, #tpu.memory_space<hbm>> -> memref<32x128xf32, #tpu.memory_space<hbm>>
      %dma_start3A_196 = arith.constant 0 : i32
      %dma_start3A_197 = tpu.memref_slice %arg11[%multiple_of3A_193, %dma_start3A_196] : memref<16384x128xf32, #tpu.memory_space<hbm>> -> memref<32x128xf32, #tpu.memory_space<hbm>>
      tpu.enqueue_dma source(%arg22 : memref<32x128xf32, #tpu.memory_space<vmem>>) target(%dma_start3A_197 : memref<32x128xf32, #tpu.memory_space<hbm>>) target_semaphore(%arg33 : memref<!tpu.dma_semaphore, #tpu.memory_space<semaphore_mem>>)
      %lt3A_198 = arith.constant 7 : i32
      %lt3A_199 = arith.cmpi slt, %scan3A_129, %lt3A_198 : i32
      %convert_element_type3A_200 = arith.extui %lt3A_199 : i1 to i32
      %cond3A_201 = arith.constant 0 : i32
      %cond3A_202 = arith.cmpi ne, %convert_element_type3A_200, %cond3A_201 : i32
      scf.if %cond3A_202 {
        %add3A_204 = arith.constant 2 : i32
        %add3A_205 = arith.addi %add3A_168, %add3A_204 : i32
        %mul3A_206 = arith.constant 32 : i32
        %mul3A_207 = arith.muli %add3A_205, %mul3A_206 : i32
        %add3A_208 = arith.addi %multiple_of3A, %mul3A_207 : i32
        %multiple_of3A_209 = tpu.assume_multiple %add3A_208, 8 : i32
        %dma_start3A_210 = arith.constant 0 : i32
        %dma_start3A_211 = tpu.memref_slice %arg2[%multiple_of3A_209, %dma_start3A_210] : memref<16384x128xf32, #tpu.memory_space<hbm>> -> memref<32x128xf32, #tpu.memory_space<hbm>>
        %dma_start3A_212 = arith.constant 0 : i32
        %dma_start3A_213 = tpu.memref_slice %arg2[%multiple_of3A_209, %dma_start3A_212] : memref<16384x128xf32, #tpu.memory_space<hbm>> -> memref<32x128xf32, #tpu.memory_space<hbm>>
        tpu.enqueue_dma source(%dma_start3A_213 : memref<32x128xf32, #tpu.memory_space<hbm>>) target(%arg20 : memref<32x128xf32, #tpu.memory_space<vmem>>) target_semaphore(%arg32 : memref<!tpu.dma_semaphore, #tpu.memory_space<semaphore_mem>>)
        %mul3A_214 = arith.constant 32 : i32
        %mul3A_215 = arith.muli %add3A_205, %mul3A_214 : i32
        %dma_start3A_216 = tpu.memref_slice %arg15[%mul3A_215] : memref<512xi32, #tpu.memory_space<vmem>> -> memref<32xi32, #tpu.memory_space<vmem>>
        %dma_start3A_217 = arith.constant 0 : i32
        %dma_start3A_218 = arith.constant 0 : i32
        %dma_start3A_219 = tpu.memref_slice %arg6[%dma_start3A_217, %dma_start3A_218] : memref<2000x128xf32, #tpu.memory_space<hbm>> -> memref<2000x128xf32, #tpu.memory_space<hbm>>
        tpu.enqueue_indirect_dma source(%dma_start3A_219 : memref<2000x128xf32, #tpu.memory_space<hbm>>) target(%arg21 : memref<32x128xf32, #tpu.memory_space<vmem>>) offsets(%dma_start3A_216 : memref<32xi32, #tpu.memory_space<vmem>>) semaphore(%arg32 : memref<!tpu.dma_semaphore, #tpu.memory_space<semaphore_mem>>)
      } else {
      }
      %scan3A_203 = arith.constant 0 : i32
      scf.yield %scan3A_203 : i32
    }
    %scan3A_40 = arith.constant 8 : i32
    %dma_wait3A = arith.constant 0 : i32
    %dma_wait3A_41 = tpu.memref_slice %arg11[%multiple_of3A, %dma_wait3A] : memref<16384x128xf32, #tpu.memory_space<hbm>> -> memref<32x128xf32, #tpu.memory_space<hbm>>
    %dma_wait3A_42 = arith.constant 0 : i32
    %dma_wait3A_43 = tpu.memref_slice %arg11[%multiple_of3A, %dma_wait3A_42] : memref<16384x128xf32, #tpu.memory_space<hbm>> -> memref<32x128xf32, #tpu.memory_space<hbm>>
    tpu.wait_dma2 semaphore(%arg31 : memref<!tpu.dma_semaphore, #tpu.memory_space<semaphore_mem>>) src(%arg19 : memref<32x128xf32, #tpu.memory_space<vmem>>) dst(%dma_wait3A_43 : memref<32x128xf32, #tpu.memory_space<hbm>>)
    %dma_wait3A_44 = arith.constant 0 : i32
    %dma_wait3A_45 = tpu.memref_slice %arg11[%multiple_of3A, %dma_wait3A_44] : memref<16384x128xf32, #tpu.memory_space<hbm>> -> memref<32x128xf32, #tpu.memory_space<hbm>>
    %dma_wait3A_46 = arith.constant 0 : i32
    %dma_wait3A_47 = tpu.memref_slice %arg11[%multiple_of3A, %dma_wait3A_46] : memref<16384x128xf32, #tpu.memory_space<hbm>> -> memref<32x128xf32, #tpu.memory_space<hbm>>
    tpu.wait_dma2 semaphore(%arg33 : memref<!tpu.dma_semaphore, #tpu.memory_space<semaphore_mem>>) src(%arg22 : memref<32x128xf32, #tpu.memory_space<vmem>>) dst(%dma_wait3A_47 : memref<32x128xf32, #tpu.memory_space<hbm>>)
    %add3A_48 = arith.constant 0 : i32
    %add3A_49 = arith.addi %multiple_of3A, %add3A_48 : i32
    %multiple_of3A_50 = tpu.assume_multiple %add3A_49, 8 : i32
    %dma_start3A_51 = arith.constant 0 : i32
    %dma_start3A_52 = tpu.memref_slice %arg3[%multiple_of3A_50, %dma_start3A_51] : memref<16384x128xf32, #tpu.memory_space<hbm>> -> memref<32x128xf32, #tpu.memory_space<hbm>>
    %dma_start3A_53 = arith.constant 0 : i32
    %dma_start3A_54 = tpu.memref_slice %arg3[%multiple_of3A_50, %dma_start3A_53] : memref<16384x128xf32, #tpu.memory_space<hbm>> -> memref<32x128xf32, #tpu.memory_space<hbm>>
    tpu.enqueue_dma source(%dma_start3A_54 : memref<32x128xf32, #tpu.memory_space<hbm>>) target(%arg17 : memref<32x128xf32, #tpu.memory_space<vmem>>) target_semaphore(%arg30 : memref<!tpu.dma_semaphore, #tpu.memory_space<semaphore_mem>>)
    %dma_start3A_55 = arith.constant 0 : i32
    %dma_start3A_56 = tpu.memref_slice %arg15[%dma_start3A_55] : memref<512xi32, #tpu.memory_space<vmem>> -> memref<32xi32, #tpu.memory_space<vmem>>
    %dma_start3A_57 = arith.constant 0 : i32
    %dma_start3A_58 = arith.constant 0 : i32
    %dma_start3A_59 = tpu.memref_slice %arg7[%dma_start3A_57, %dma_start3A_58] : memref<2000x128xf32, #tpu.memory_space<hbm>> -> memref<2000x128xf32, #tpu.memory_space<hbm>>
    tpu.enqueue_indirect_dma source(%dma_start3A_59 : memref<2000x128xf32, #tpu.memory_space<hbm>>) target(%arg18 : memref<32x128xf32, #tpu.memory_space<vmem>>) offsets(%dma_start3A_56 : memref<32xi32, #tpu.memory_space<vmem>>) semaphore(%arg30 : memref<!tpu.dma_semaphore, #tpu.memory_space<semaphore_mem>>)
    %add3A_60 = arith.constant 32 : i32
    %add3A_61 = arith.addi %multiple_of3A, %add3A_60 : i32
    %multiple_of3A_62 = tpu.assume_multiple %add3A_61, 8 : i32
    %dma_start3A_63 = arith.constant 0 : i32
    %dma_start3A_64 = tpu.memref_slice %arg3[%multiple_of3A_62, %dma_start3A_63] : memref<16384x128xf32, #tpu.memory_space<hbm>> -> memref<32x128xf32, #tpu.memory_space<hbm>>
    %dma_start3A_65 = arith.constant 0 : i32
    %dma_start3A_66 = tpu.memref_slice %arg3[%multiple_of3A_62, %dma_start3A_65] : memref<16384x128xf32, #tpu.memory_space<hbm>> -> memref<32x128xf32, #tpu.memory_space<hbm>>
    tpu.enqueue_dma source(%dma_start3A_66 : memref<32x128xf32, #tpu.memory_space<hbm>>) target(%arg20 : memref<32x128xf32, #tpu.memory_space<vmem>>) target_semaphore(%arg32 : memref<!tpu.dma_semaphore, #tpu.memory_space<semaphore_mem>>)
    %dma_start3A_67 = arith.constant 32 : i32
    %dma_start3A_68 = tpu.memref_slice %arg15[%dma_start3A_67] : memref<512xi32, #tpu.memory_space<vmem>> -> memref<32xi32, #tpu.memory_space<vmem>>
    %dma_start3A_69 = arith.constant 0 : i32
    %dma_start3A_70 = arith.constant 0 : i32
    %dma_start3A_71 = tpu.memref_slice %arg7[%dma_start3A_69, %dma_start3A_70] : memref<2000x128xf32, #tpu.memory_space<hbm>> -> memref<2000x128xf32, #tpu.memory_space<hbm>>
    tpu.enqueue_indirect_dma source(%dma_start3A_71 : memref<2000x128xf32, #tpu.memory_space<hbm>>) target(%arg21 : memref<32x128xf32, #tpu.memory_space<vmem>>) offsets(%dma_start3A_68 : memref<32xi32, #tpu.memory_space<vmem>>) semaphore(%arg32 : memref<!tpu.dma_semaphore, #tpu.memory_space<semaphore_mem>>)
    %scan3A_72 = arith.constant 0 : i32
    %scan3A_73 = arith.constant 0 : i32
    %scan3A_74 = arith.constant 8 : i32
    %scan3A_75 = arith.addi %scan3A_73, %scan3A_74 : i32
    %scan3A_76 = arith.constant 1 : i32
    %scan3A_77 = scf.for %scan3A_129 = %scan3A_73 to %scan3A_75 step %scan3A_76 iter_args(%scan3A_130 = %scan3A_72) -> (i32)  : i32 {
      %mul3A_131 = arith.constant 2 : i32
      %mul3A_132 = arith.muli %mul3A_131, %scan3A_129 : i32
      %add3A_133 = arith.constant 0 : i32
      %add3A_134 = arith.addi %mul3A_132, %add3A_133 : i32
      %dma_wait3A_135 = arith.constant 0 : i32
      %dma_wait3A_136 = tpu.memref_slice %arg3[%multiple_of3A, %dma_wait3A_135] : memref<16384x128xf32, #tpu.memory_space<hbm>> -> memref<32x128xf32, #tpu.memory_space<hbm>>
      %dma_wait3A_137 = arith.constant 0 : i32
      %dma_wait3A_138 = tpu.memref_slice %arg3[%multiple_of3A, %dma_wait3A_137] : memref<16384x128xf32, #tpu.memory_space<hbm>> -> memref<32x128xf32, #tpu.memory_space<hbm>>
      tpu.wait_dma2 semaphore(%arg30 : memref<!tpu.dma_semaphore, #tpu.memory_space<semaphore_mem>>) src(%dma_wait3A_138 : memref<32x128xf32, #tpu.memory_space<hbm>>) dst(%arg17 : memref<32x128xf32, #tpu.memory_space<vmem>>)
      %dma_wait3A_139 = arith.constant 0 : i32
      %dma_wait3A_140 = tpu.memref_slice %arg15[%dma_wait3A_139] : memref<512xi32, #tpu.memory_space<vmem>> -> memref<32xi32, #tpu.memory_space<vmem>>
      %dma_wait3A_141 = arith.constant 0 : i32
      %dma_wait3A_142 = arith.constant 0 : i32
      %dma_wait3A_143 = tpu.memref_slice %arg7[%dma_wait3A_141, %dma_wait3A_142] : memref<2000x128xf32, #tpu.memory_space<hbm>> -> memref<2000x128xf32, #tpu.memory_space<hbm>>
      tpu.wait_indirect_dma semaphore(%arg30 : memref<!tpu.dma_semaphore, #tpu.memory_space<semaphore_mem>>) src(%dma_wait3A_143 : memref<2000x128xf32, #tpu.memory_space<hbm>>) dst(%arg18 : memref<32x128xf32, #tpu.memory_space<vmem>>)
      %ge3A = arith.constant 1 : i32
      %ge3A_144 = arith.cmpi sge, %scan3A_129, %ge3A : i32
      %convert_element_type3A = arith.extui %ge3A_144 : i1 to i32
      %cond3A = arith.constant 0 : i32
      %cond3A_145 = arith.cmpi ne, %convert_element_type3A, %cond3A : i32
      scf.if %cond3A_145 {
        %dma_wait3A_204 = arith.constant 0 : i32
        %dma_wait3A_205 = tpu.memref_slice %arg12[%multiple_of3A, %dma_wait3A_204] : memref<16384x128xf32, #tpu.memory_space<hbm>> -> memref<32x128xf32, #tpu.memory_space<hbm>>
        %dma_wait3A_206 = arith.constant 0 : i32
        %dma_wait3A_207 = tpu.memref_slice %arg12[%multiple_of3A, %dma_wait3A_206] : memref<16384x128xf32, #tpu.memory_space<hbm>> -> memref<32x128xf32, #tpu.memory_space<hbm>>
        tpu.wait_dma2 semaphore(%arg31 : memref<!tpu.dma_semaphore, #tpu.memory_space<semaphore_mem>>) src(%arg19 : memref<32x128xf32, #tpu.memory_space<vmem>>) dst(%dma_wait3A_207 : memref<32x128xf32, #tpu.memory_space<hbm>>)
      } else {
      }
      %scan3A_146 = arith.constant 0 : i32
      %scan3A_147 = arith.constant 0 : i32
      %scan3A_148 = arith.constant 32 : i32
      %scan3A_149 = arith.addi %scan3A_147, %scan3A_148 : i32
      %scan3A_150 = arith.constant 1 : i32
      %scan3A_151 = scf.for %scan3A_204 = %scan3A_147 to %scan3A_149 step %scan3A_150 iter_args(%scan3A_205 = %scan3A_146) -> (i32)  : i32 {
        %get3A_206 = arith.index_cast %scan3A_204 : i32 to index
        %get3A_207 = arith.constant 0 : index
        %get3A_208 = tpu.vector_load %arg17[%get3A_206, %get3A_207] {strides = array<i32>} : memref<32x128xf32, #tpu.memory_space<vmem>>, vector<1x16xf32>,
        %get3A_209 = vector.shape_cast %get3A_208 : vector<1x16xf32> to vector<16xf32>
        %get3A_210 = arith.index_cast %scan3A_204 : i32 to index
        %get3A_211 = arith.constant 0 : index
        %get3A_212 = tpu.vector_load %arg18[%get3A_210, %get3A_211] {strides = array<i32>} : memref<32x128xf32, #tpu.memory_space<vmem>>, vector<1x16xf32>,
        %get3A_213 = vector.shape_cast %get3A_212 : vector<1x16xf32> to vector<16xf32>
        %mul3A_214 = arith.mulf %get3A_209, %get3A_4 : vector<16xf32>
        %mul3A_215 = arith.mulf %get3A_213, %sub3A_6 : vector<16xf32>
        %add3A_216 = arith.addf %mul3A_214, %mul3A_215 : vector<16xf32>
        %swap3A = arith.index_cast %scan3A_204 : i32 to index
        %swap3A_217 = arith.constant 0 : index
        %swap3A_218 = tpu.vector_load %arg19[%swap3A, %swap3A_217] {strides = array<i32>} : memref<32x128xf32, #tpu.memory_space<vmem>>, vector<1x16xf32>,
        %swap3A_219 = vector.shape_cast %swap3A_218 : vector<1x16xf32> to vector<16xf32>
        %swap3A_220 = vector.shape_cast %add3A_216 : vector<16xf32> to vector<1x16xf32>
        tpu.vector_store %arg19[%swap3A, %swap3A_217], %swap3A_220 {strides = array<i32>} : memref<32x128xf32, #tpu.memory_space<vmem>>, vector<1x16xf32>,
        %get3A_221 = arith.index_cast %scan3A_204 : i32 to index
        %get3A_222 = arith.constant 16 : index
        %get3A_223 = tpu.vector_load %arg17[%get3A_221, %get3A_222] {strides = array<i32>} : memref<32x128xf32, #tpu.memory_space<vmem>>, vector<1x16xf32>,
        %get3A_224 = vector.shape_cast %get3A_223 : vector<1x16xf32> to vector<16xf32>
        %get3A_225 = arith.index_cast %scan3A_204 : i32 to index
        %get3A_226 = arith.constant 16 : index
        %get3A_227 = tpu.vector_load %arg18[%get3A_225, %get3A_226] {strides = array<i32>} : memref<32x128xf32, #tpu.memory_space<vmem>>, vector<1x16xf32>,
        %get3A_228 = vector.shape_cast %get3A_227 : vector<1x16xf32> to vector<16xf32>
        %mul3A_229 = arith.mulf %get3A_224, %get3A_4 : vector<16xf32>
        %mul3A_230 = arith.mulf %get3A_228, %sub3A_6 : vector<16xf32>
        %add3A_231 = arith.addf %mul3A_229, %mul3A_230 : vector<16xf32>
        %swap3A_232 = arith.index_cast %scan3A_204 : i32 to index
        %swap3A_233 = arith.constant 16 : index
        %swap3A_234 = tpu.vector_load %arg19[%swap3A_232, %swap3A_233] {strides = array<i32>} : memref<32x128xf32, #tpu.memory_space<vmem>>, vector<1x16xf32>,
        %swap3A_235 = vector.shape_cast %swap3A_234 : vector<1x16xf32> to vector<16xf32>
        %swap3A_236 = vector.shape_cast %add3A_231 : vector<16xf32> to vector<1x16xf32>
        tpu.vector_store %arg19[%swap3A_232, %swap3A_233], %swap3A_236 {strides = array<i32>} : memref<32x128xf32, #tpu.memory_space<vmem>>, vector<1x16xf32>,
        %get3A_237 = arith.index_cast %scan3A_204 : i32 to index
        %get3A_238 = arith.constant 32 : index
        %get3A_239 = tpu.vector_load %arg17[%get3A_237, %get3A_238] {strides = array<i32>} : memref<32x128xf32, #tpu.memory_space<vmem>>, vector<1x16xf32>,
        %get3A_240 = vector.shape_cast %get3A_239 : vector<1x16xf32> to vector<16xf32>
        %get3A_241 = arith.index_cast %scan3A_204 : i32 to index
        %get3A_242 = arith.constant 32 : index
        %get3A_243 = tpu.vector_load %arg18[%get3A_241, %get3A_242] {strides = array<i32>} : memref<32x128xf32, #tpu.memory_space<vmem>>, vector<1x16xf32>,
        %get3A_244 = vector.shape_cast %get3A_243 : vector<1x16xf32> to vector<16xf32>
        %mul3A_245 = arith.mulf %get3A_240, %get3A_4 : vector<16xf32>
        %mul3A_246 = arith.mulf %get3A_244, %sub3A_6 : vector<16xf32>
        %add3A_247 = arith.addf %mul3A_245, %mul3A_246 : vector<16xf32>
        %swap3A_248 = arith.index_cast %scan3A_204 : i32 to index
        %swap3A_249 = arith.constant 32 : index
        %swap3A_250 = tpu.vector_load %arg19[%swap3A_248, %swap3A_249] {strides = array<i32>} : memref<32x128xf32, #tpu.memory_space<vmem>>, vector<1x16xf32>,
        %swap3A_251 = vector.shape_cast %swap3A_250 : vector<1x16xf32> to vector<16xf32>
        %swap3A_252 = vector.shape_cast %add3A_247 : vector<16xf32> to vector<1x16xf32>
        tpu.vector_store %arg19[%swap3A_248, %swap3A_249], %swap3A_252 {strides = array<i32>} : memref<32x128xf32, #tpu.memory_space<vmem>>, vector<1x16xf32>,
        %get3A_253 = arith.index_cast %scan3A_204 : i32 to index
        %get3A_254 = arith.constant 48 : index
        %get3A_255 = tpu.vector_load %arg17[%get3A_253, %get3A_254] {strides = array<i32>} : memref<32x128xf32, #tpu.memory_space<vmem>>, vector<1x16xf32>,
        %get3A_256 = vector.shape_cast %get3A_255 : vector<1x16xf32> to vector<16xf32>
        %get3A_257 = arith.index_cast %scan3A_204 : i32 to index
        %get3A_258 = arith.constant 48 : index
        %get3A_259 = tpu.vector_load %arg18[%get3A_257, %get3A_258] {strides = array<i32>} : memref<32x128xf32, #tpu.memory_space<vmem>>, vector<1x16xf32>,
        %get3A_260 = vector.shape_cast %get3A_259 : vector<1x16xf32> to vector<16xf32>
        %mul3A_261 = arith.mulf %get3A_256, %get3A_4 : vector<16xf32>
        %mul3A_262 = arith.mulf %get3A_260, %sub3A_6 : vector<16xf32>
        %add3A_263 = arith.addf %mul3A_261, %mul3A_262 : vector<16xf32>
        %swap3A_264 = arith.index_cast %scan3A_204 : i32 to index
        %swap3A_265 = arith.constant 48 : index
        %swap3A_266 = tpu.vector_load %arg19[%swap3A_264, %swap3A_265] {strides = array<i32>} : memref<32x128xf32, #tpu.memory_space<vmem>>, vector<1x16xf32>,
        %swap3A_267 = vector.shape_cast %swap3A_266 : vector<1x16xf32> to vector<16xf32>
        %swap3A_268 = vector.shape_cast %add3A_263 : vector<16xf32> to vector<1x16xf32>
        tpu.vector_store %arg19[%swap3A_264, %swap3A_265], %swap3A_268 {strides = array<i32>} : memref<32x128xf32, #tpu.memory_space<vmem>>, vector<1x16xf32>,
        %get3A_269 = arith.index_cast %scan3A_204 : i32 to index
        %get3A_270 = arith.constant 64 : index
        %get3A_271 = tpu.vector_load %arg17[%get3A_269, %get3A_270] {strides = array<i32>} : memref<32x128xf32, #tpu.memory_space<vmem>>, vector<1x16xf32>,
        %get3A_272 = vector.shape_cast %get3A_271 : vector<1x16xf32> to vector<16xf32>
        %get3A_273 = arith.index_cast %scan3A_204 : i32 to index
        %get3A_274 = arith.constant 64 : index
        %get3A_275 = tpu.vector_load %arg18[%get3A_273, %get3A_274] {strides = array<i32>} : memref<32x128xf32, #tpu.memory_space<vmem>>, vector<1x16xf32>,
        %get3A_276 = vector.shape_cast %get3A_275 : vector<1x16xf32> to vector<16xf32>
        %mul3A_277 = arith.mulf %get3A_272, %get3A_4 : vector<16xf32>
        %mul3A_278 = arith.mulf %get3A_276, %sub3A_6 : vector<16xf32>
        %add3A_279 = arith.addf %mul3A_277, %mul3A_278 : vector<16xf32>
        %swap3A_280 = arith.index_cast %scan3A_204 : i32 to index
        %swap3A_281 = arith.constant 64 : index
        %swap3A_282 = tpu.vector_load %arg19[%swap3A_280, %swap3A_281] {strides = array<i32>} : memref<32x128xf32, #tpu.memory_space<vmem>>, vector<1x16xf32>,
        %swap3A_283 = vector.shape_cast %swap3A_282 : vector<1x16xf32> to vector<16xf32>
        %swap3A_284 = vector.shape_cast %add3A_279 : vector<16xf32> to vector<1x16xf32>
        tpu.vector_store %arg19[%swap3A_280, %swap3A_281], %swap3A_284 {strides = array<i32>} : memref<32x128xf32, #tpu.memory_space<vmem>>, vector<1x16xf32>,
        %get3A_285 = arith.index_cast %scan3A_204 : i32 to index
        %get3A_286 = arith.constant 80 : index
        %get3A_287 = tpu.vector_load %arg17[%get3A_285, %get3A_286] {strides = array<i32>} : memref<32x128xf32, #tpu.memory_space<vmem>>, vector<1x16xf32>,
        %get3A_288 = vector.shape_cast %get3A_287 : vector<1x16xf32> to vector<16xf32>
        %get3A_289 = arith.index_cast %scan3A_204 : i32 to index
        %get3A_290 = arith.constant 80 : index
        %get3A_291 = tpu.vector_load %arg18[%get3A_289, %get3A_290] {strides = array<i32>} : memref<32x128xf32, #tpu.memory_space<vmem>>, vector<1x16xf32>,
        %get3A_292 = vector.shape_cast %get3A_291 : vector<1x16xf32> to vector<16xf32>
        %mul3A_293 = arith.mulf %get3A_288, %get3A_4 : vector<16xf32>
        %mul3A_294 = arith.mulf %get3A_292, %sub3A_6 : vector<16xf32>
        %add3A_295 = arith.addf %mul3A_293, %mul3A_294 : vector<16xf32>
        %swap3A_296 = arith.index_cast %scan3A_204 : i32 to index
        %swap3A_297 = arith.constant 80 : index
        %swap3A_298 = tpu.vector_load %arg19[%swap3A_296, %swap3A_297] {strides = array<i32>} : memref<32x128xf32, #tpu.memory_space<vmem>>, vector<1x16xf32>,
        %swap3A_299 = vector.shape_cast %swap3A_298 : vector<1x16xf32> to vector<16xf32>
        %swap3A_300 = vector.shape_cast %add3A_295 : vector<16xf32> to vector<1x16xf32>
        tpu.vector_store %arg19[%swap3A_296, %swap3A_297], %swap3A_300 {strides = array<i32>} : memref<32x128xf32, #tpu.memory_space<vmem>>, vector<1x16xf32>,
        %get3A_301 = arith.index_cast %scan3A_204 : i32 to index
        %get3A_302 = arith.constant 96 : index
        %get3A_303 = tpu.vector_load %arg17[%get3A_301, %get3A_302] {strides = array<i32>} : memref<32x128xf32, #tpu.memory_space<vmem>>, vector<1x16xf32>,
        %get3A_304 = vector.shape_cast %get3A_303 : vector<1x16xf32> to vector<16xf32>
        %get3A_305 = arith.index_cast %scan3A_204 : i32 to index
        %get3A_306 = arith.constant 96 : index
        %get3A_307 = tpu.vector_load %arg18[%get3A_305, %get3A_306] {strides = array<i32>} : memref<32x128xf32, #tpu.memory_space<vmem>>, vector<1x16xf32>,
        %get3A_308 = vector.shape_cast %get3A_307 : vector<1x16xf32> to vector<16xf32>
        %mul3A_309 = arith.mulf %get3A_304, %get3A_4 : vector<16xf32>
        %mul3A_310 = arith.mulf %get3A_308, %sub3A_6 : vector<16xf32>
        %add3A_311 = arith.addf %mul3A_309, %mul3A_310 : vector<16xf32>
        %swap3A_312 = arith.index_cast %scan3A_204 : i32 to index
        %swap3A_313 = arith.constant 96 : index
        %swap3A_314 = tpu.vector_load %arg19[%swap3A_312, %swap3A_313] {strides = array<i32>} : memref<32x128xf32, #tpu.memory_space<vmem>>, vector<1x16xf32>,
        %swap3A_315 = vector.shape_cast %swap3A_314 : vector<1x16xf32> to vector<16xf32>
        %swap3A_316 = vector.shape_cast %add3A_311 : vector<16xf32> to vector<1x16xf32>
        tpu.vector_store %arg19[%swap3A_312, %swap3A_313], %swap3A_316 {strides = array<i32>} : memref<32x128xf32, #tpu.memory_space<vmem>>, vector<1x16xf32>,
        %get3A_317 = arith.index_cast %scan3A_204 : i32 to index
        %get3A_318 = arith.constant 112 : index
        %get3A_319 = tpu.vector_load %arg17[%get3A_317, %get3A_318] {strides = array<i32>} : memref<32x128xf32, #tpu.memory_space<vmem>>, vector<1x16xf32>,
        %get3A_320 = vector.shape_cast %get3A_319 : vector<1x16xf32> to vector<16xf32>
        %get3A_321 = arith.index_cast %scan3A_204 : i32 to index
        %get3A_322 = arith.constant 112 : index
        %get3A_323 = tpu.vector_load %arg18[%get3A_321, %get3A_322] {strides = array<i32>} : memref<32x128xf32, #tpu.memory_space<vmem>>, vector<1x16xf32>,
        %get3A_324 = vector.shape_cast %get3A_323 : vector<1x16xf32> to vector<16xf32>
        %mul3A_325 = arith.mulf %get3A_320, %get3A_4 : vector<16xf32>
        %mul3A_326 = arith.mulf %get3A_324, %sub3A_6 : vector<16xf32>
        %add3A_327 = arith.addf %mul3A_325, %mul3A_326 : vector<16xf32>
        %swap3A_328 = arith.index_cast %scan3A_204 : i32 to index
        %swap3A_329 = arith.constant 112 : index
        %swap3A_330 = tpu.vector_load %arg19[%swap3A_328, %swap3A_329] {strides = array<i32>} : memref<32x128xf32, #tpu.memory_space<vmem>>, vector<1x16xf32>,
        %swap3A_331 = vector.shape_cast %swap3A_330 : vector<1x16xf32> to vector<16xf32>
        %swap3A_332 = vector.shape_cast %add3A_327 : vector<16xf32> to vector<1x16xf32>
        tpu.vector_store %arg19[%swap3A_328, %swap3A_329], %swap3A_332 {strides = array<i32>} : memref<32x128xf32, #tpu.memory_space<vmem>>, vector<1x16xf32>,
        %scan3A_333 = arith.constant 0 : i32
        scf.yield %scan3A_333 : i32
      }
      %scan3A_152 = arith.constant 32 : i32
      %mul3A_153 = arith.constant 32 : i32
      %mul3A_154 = arith.muli %add3A_134, %mul3A_153 : i32
      %add3A_155 = arith.addi %multiple_of3A, %mul3A_154 : i32
      %multiple_of3A_156 = tpu.assume_multiple %add3A_155, 8 : i32
      %dma_start3A_157 = arith.constant 0 : i32
      %dma_start3A_158 = tpu.memref_slice %arg12[%multiple_of3A_156, %dma_start3A_157] : memref<16384x128xf32, #tpu.memory_space<hbm>> -> memref<32x128xf32, #tpu.memory_space<hbm>>
      %dma_start3A_159 = arith.constant 0 : i32
      %dma_start3A_160 = tpu.memref_slice %arg12[%multiple_of3A_156, %dma_start3A_159] : memref<16384x128xf32, #tpu.memory_space<hbm>> -> memref<32x128xf32, #tpu.memory_space<hbm>>
      tpu.enqueue_dma source(%arg19 : memref<32x128xf32, #tpu.memory_space<vmem>>) target(%dma_start3A_160 : memref<32x128xf32, #tpu.memory_space<hbm>>) target_semaphore(%arg31 : memref<!tpu.dma_semaphore, #tpu.memory_space<semaphore_mem>>)
      %lt3A = arith.constant 7 : i32
      %lt3A_161 = arith.cmpi slt, %scan3A_129, %lt3A : i32
      %convert_element_type3A_162 = arith.extui %lt3A_161 : i1 to i32
      %cond3A_163 = arith.constant 0 : i32
      %cond3A_164 = arith.cmpi ne, %convert_element_type3A_162, %cond3A_163 : i32
      scf.if %cond3A_164 {
        %add3A_204 = arith.constant 2 : i32
        %add3A_205 = arith.addi %add3A_134, %add3A_204 : i32
        %mul3A_206 = arith.constant 32 : i32
        %mul3A_207 = arith.muli %add3A_205, %mul3A_206 : i32
        %add3A_208 = arith.addi %multiple_of3A, %mul3A_207 : i32
        %multiple_of3A_209 = tpu.assume_multiple %add3A_208, 8 : i32
        %dma_start3A_210 = arith.constant 0 : i32
        %dma_start3A_211 = tpu.memref_slice %arg3[%multiple_of3A_209, %dma_start3A_210] : memref<16384x128xf32, #tpu.memory_space<hbm>> -> memref<32x128xf32, #tpu.memory_space<hbm>>
        %dma_start3A_212 = arith.constant 0 : i32
        %dma_start3A_213 = tpu.memref_slice %arg3[%multiple_of3A_209, %dma_start3A_212] : memref<16384x128xf32, #tpu.memory_space<hbm>> -> memref<32x128xf32, #tpu.memory_space<hbm>>
        tpu.enqueue_dma source(%dma_start3A_213 : memref<32x128xf32, #tpu.memory_space<hbm>>) target(%arg17 : memref<32x128xf32, #tpu.memory_space<vmem>>) target_semaphore(%arg30 : memref<!tpu.dma_semaphore, #tpu.memory_space<semaphore_mem>>)
        %mul3A_214 = arith.constant 32 : i32
        %mul3A_215 = arith.muli %add3A_205, %mul3A_214 : i32
        %dma_start3A_216 = tpu.memref_slice %arg15[%mul3A_215] : memref<512xi32, #tpu.memory_space<vmem>> -> memref<32xi32, #tpu.memory_space<vmem>>
        %dma_start3A_217 = arith.constant 0 : i32
        %dma_start3A_218 = arith.constant 0 : i32
        %dma_start3A_219 = tpu.memref_slice %arg7[%dma_start3A_217, %dma_start3A_218] : memref<2000x128xf32, #tpu.memory_space<hbm>> -> memref<2000x128xf32, #tpu.memory_space<hbm>>
        tpu.enqueue_indirect_dma source(%dma_start3A_219 : memref<2000x128xf32, #tpu.memory_space<hbm>>) target(%arg18 : memref<32x128xf32, #tpu.memory_space<vmem>>) offsets(%dma_start3A_216 : memref<32xi32, #tpu.memory_space<vmem>>) semaphore(%arg30 : memref<!tpu.dma_semaphore, #tpu.memory_space<semaphore_mem>>)
      } else {
      }
      %mul3A_165 = arith.constant 2 : i32
      %mul3A_166 = arith.muli %mul3A_165, %scan3A_129 : i32
      %add3A_167 = arith.constant 1 : i32
      %add3A_168 = arith.addi %mul3A_166, %add3A_167 : i32
      %dma_wait3A_169 = arith.constant 0 : i32
      %dma_wait3A_170 = tpu.memref_slice %arg3[%multiple_of3A, %dma_wait3A_169] : memref<16384x128xf32, #tpu.memory_space<hbm>> -> memref<32x128xf32, #tpu.memory_space<hbm>>
      %dma_wait3A_171 = arith.constant 0 : i32
      %dma_wait3A_172 = tpu.memref_slice %arg3[%multiple_of3A, %dma_wait3A_171] : memref<16384x128xf32, #tpu.memory_space<hbm>> -> memref<32x128xf32, #tpu.memory_space<hbm>>
      tpu.wait_dma2 semaphore(%arg32 : memref<!tpu.dma_semaphore, #tpu.memory_space<semaphore_mem>>) src(%dma_wait3A_172 : memref<32x128xf32, #tpu.memory_space<hbm>>) dst(%arg20 : memref<32x128xf32, #tpu.memory_space<vmem>>)
      %dma_wait3A_173 = arith.constant 0 : i32
      %dma_wait3A_174 = tpu.memref_slice %arg15[%dma_wait3A_173] : memref<512xi32, #tpu.memory_space<vmem>> -> memref<32xi32, #tpu.memory_space<vmem>>
      %dma_wait3A_175 = arith.constant 0 : i32
      %dma_wait3A_176 = arith.constant 0 : i32
      %dma_wait3A_177 = tpu.memref_slice %arg7[%dma_wait3A_175, %dma_wait3A_176] : memref<2000x128xf32, #tpu.memory_space<hbm>> -> memref<2000x128xf32, #tpu.memory_space<hbm>>
      tpu.wait_indirect_dma semaphore(%arg32 : memref<!tpu.dma_semaphore, #tpu.memory_space<semaphore_mem>>) src(%dma_wait3A_177 : memref<2000x128xf32, #tpu.memory_space<hbm>>) dst(%arg21 : memref<32x128xf32, #tpu.memory_space<vmem>>)
      %ge3A_178 = arith.constant 1 : i32
      %ge3A_179 = arith.cmpi sge, %scan3A_129, %ge3A_178 : i32
      %convert_element_type3A_180 = arith.extui %ge3A_179 : i1 to i32
      %cond3A_181 = arith.constant 0 : i32
      %cond3A_182 = arith.cmpi ne, %convert_element_type3A_180, %cond3A_181 : i32
      scf.if %cond3A_182 {
        %dma_wait3A_204 = arith.constant 0 : i32
        %dma_wait3A_205 = tpu.memref_slice %arg12[%multiple_of3A, %dma_wait3A_204] : memref<16384x128xf32, #tpu.memory_space<hbm>> -> memref<32x128xf32, #tpu.memory_space<hbm>>
        %dma_wait3A_206 = arith.constant 0 : i32
        %dma_wait3A_207 = tpu.memref_slice %arg12[%multiple_of3A, %dma_wait3A_206] : memref<16384x128xf32, #tpu.memory_space<hbm>> -> memref<32x128xf32, #tpu.memory_space<hbm>>
        tpu.wait_dma2 semaphore(%arg33 : memref<!tpu.dma_semaphore, #tpu.memory_space<semaphore_mem>>) src(%arg22 : memref<32x128xf32, #tpu.memory_space<vmem>>) dst(%dma_wait3A_207 : memref<32x128xf32, #tpu.memory_space<hbm>>)
      } else {
      }
      %scan3A_183 = arith.constant 0 : i32
      %scan3A_184 = arith.constant 0 : i32
      %scan3A_185 = arith.constant 32 : i32
      %scan3A_186 = arith.addi %scan3A_184, %scan3A_185 : i32
      %scan3A_187 = arith.constant 1 : i32
      %scan3A_188 = scf.for %scan3A_204 = %scan3A_184 to %scan3A_186 step %scan3A_187 iter_args(%scan3A_205 = %scan3A_183) -> (i32)  : i32 {
        %get3A_206 = arith.index_cast %scan3A_204 : i32 to index
        %get3A_207 = arith.constant 0 : index
        %get3A_208 = tpu.vector_load %arg20[%get3A_206, %get3A_207] {strides = array<i32>} : memref<32x128xf32, #tpu.memory_space<vmem>>, vector<1x16xf32>,
        %get3A_209 = vector.shape_cast %get3A_208 : vector<1x16xf32> to vector<16xf32>
        %get3A_210 = arith.index_cast %scan3A_204 : i32 to index
        %get3A_211 = arith.constant 0 : index
        %get3A_212 = tpu.vector_load %arg21[%get3A_210, %get3A_211] {strides = array<i32>} : memref<32x128xf32, #tpu.memory_space<vmem>>, vector<1x16xf32>,
        %get3A_213 = vector.shape_cast %get3A_212 : vector<1x16xf32> to vector<16xf32>
        %mul3A_214 = arith.mulf %get3A_209, %get3A_4 : vector<16xf32>
        %mul3A_215 = arith.mulf %get3A_213, %sub3A_6 : vector<16xf32>
        %add3A_216 = arith.addf %mul3A_214, %mul3A_215 : vector<16xf32>
        %swap3A = arith.index_cast %scan3A_204 : i32 to index
        %swap3A_217 = arith.constant 0 : index
        %swap3A_218 = tpu.vector_load %arg22[%swap3A, %swap3A_217] {strides = array<i32>} : memref<32x128xf32, #tpu.memory_space<vmem>>, vector<1x16xf32>,
        %swap3A_219 = vector.shape_cast %swap3A_218 : vector<1x16xf32> to vector<16xf32>
        %swap3A_220 = vector.shape_cast %add3A_216 : vector<16xf32> to vector<1x16xf32>
        tpu.vector_store %arg22[%swap3A, %swap3A_217], %swap3A_220 {strides = array<i32>} : memref<32x128xf32, #tpu.memory_space<vmem>>, vector<1x16xf32>,
        %get3A_221 = arith.index_cast %scan3A_204 : i32 to index
        %get3A_222 = arith.constant 16 : index
        %get3A_223 = tpu.vector_load %arg20[%get3A_221, %get3A_222] {strides = array<i32>} : memref<32x128xf32, #tpu.memory_space<vmem>>, vector<1x16xf32>,
        %get3A_224 = vector.shape_cast %get3A_223 : vector<1x16xf32> to vector<16xf32>
        %get3A_225 = arith.index_cast %scan3A_204 : i32 to index
        %get3A_226 = arith.constant 16 : index
        %get3A_227 = tpu.vector_load %arg21[%get3A_225, %get3A_226] {strides = array<i32>} : memref<32x128xf32, #tpu.memory_space<vmem>>, vector<1x16xf32>,
        %get3A_228 = vector.shape_cast %get3A_227 : vector<1x16xf32> to vector<16xf32>
        %mul3A_229 = arith.mulf %get3A_224, %get3A_4 : vector<16xf32>
        %mul3A_230 = arith.mulf %get3A_228, %sub3A_6 : vector<16xf32>
        %add3A_231 = arith.addf %mul3A_229, %mul3A_230 : vector<16xf32>
        %swap3A_232 = arith.index_cast %scan3A_204 : i32 to index
        %swap3A_233 = arith.constant 16 : index
        %swap3A_234 = tpu.vector_load %arg22[%swap3A_232, %swap3A_233] {strides = array<i32>} : memref<32x128xf32, #tpu.memory_space<vmem>>, vector<1x16xf32>,
        %swap3A_235 = vector.shape_cast %swap3A_234 : vector<1x16xf32> to vector<16xf32>
        %swap3A_236 = vector.shape_cast %add3A_231 : vector<16xf32> to vector<1x16xf32>
        tpu.vector_store %arg22[%swap3A_232, %swap3A_233], %swap3A_236 {strides = array<i32>} : memref<32x128xf32, #tpu.memory_space<vmem>>, vector<1x16xf32>,
        %get3A_237 = arith.index_cast %scan3A_204 : i32 to index
        %get3A_238 = arith.constant 32 : index
        %get3A_239 = tpu.vector_load %arg20[%get3A_237, %get3A_238] {strides = array<i32>} : memref<32x128xf32, #tpu.memory_space<vmem>>, vector<1x16xf32>,
        %get3A_240 = vector.shape_cast %get3A_239 : vector<1x16xf32> to vector<16xf32>
        %get3A_241 = arith.index_cast %scan3A_204 : i32 to index
        %get3A_242 = arith.constant 32 : index
        %get3A_243 = tpu.vector_load %arg21[%get3A_241, %get3A_242] {strides = array<i32>} : memref<32x128xf32, #tpu.memory_space<vmem>>, vector<1x16xf32>,
        %get3A_244 = vector.shape_cast %get3A_243 : vector<1x16xf32> to vector<16xf32>
        %mul3A_245 = arith.mulf %get3A_240, %get3A_4 : vector<16xf32>
        %mul3A_246 = arith.mulf %get3A_244, %sub3A_6 : vector<16xf32>
        %add3A_247 = arith.addf %mul3A_245, %mul3A_246 : vector<16xf32>
        %swap3A_248 = arith.index_cast %scan3A_204 : i32 to index
        %swap3A_249 = arith.constant 32 : index
        %swap3A_250 = tpu.vector_load %arg22[%swap3A_248, %swap3A_249] {strides = array<i32>} : memref<32x128xf32, #tpu.memory_space<vmem>>, vector<1x16xf32>,
        %swap3A_251 = vector.shape_cast %swap3A_250 : vector<1x16xf32> to vector<16xf32>
        %swap3A_252 = vector.shape_cast %add3A_247 : vector<16xf32> to vector<1x16xf32>
        tpu.vector_store %arg22[%swap3A_248, %swap3A_249], %swap3A_252 {strides = array<i32>} : memref<32x128xf32, #tpu.memory_space<vmem>>, vector<1x16xf32>,
        %get3A_253 = arith.index_cast %scan3A_204 : i32 to index
        %get3A_254 = arith.constant 48 : index
        %get3A_255 = tpu.vector_load %arg20[%get3A_253, %get3A_254] {strides = array<i32>} : memref<32x128xf32, #tpu.memory_space<vmem>>, vector<1x16xf32>,
        %get3A_256 = vector.shape_cast %get3A_255 : vector<1x16xf32> to vector<16xf32>
        %get3A_257 = arith.index_cast %scan3A_204 : i32 to index
        %get3A_258 = arith.constant 48 : index
        %get3A_259 = tpu.vector_load %arg21[%get3A_257, %get3A_258] {strides = array<i32>} : memref<32x128xf32, #tpu.memory_space<vmem>>, vector<1x16xf32>,
        %get3A_260 = vector.shape_cast %get3A_259 : vector<1x16xf32> to vector<16xf32>
        %mul3A_261 = arith.mulf %get3A_256, %get3A_4 : vector<16xf32>
        %mul3A_262 = arith.mulf %get3A_260, %sub3A_6 : vector<16xf32>
        %add3A_263 = arith.addf %mul3A_261, %mul3A_262 : vector<16xf32>
        %swap3A_264 = arith.index_cast %scan3A_204 : i32 to index
        %swap3A_265 = arith.constant 48 : index
        %swap3A_266 = tpu.vector_load %arg22[%swap3A_264, %swap3A_265] {strides = array<i32>} : memref<32x128xf32, #tpu.memory_space<vmem>>, vector<1x16xf32>,
        %swap3A_267 = vector.shape_cast %swap3A_266 : vector<1x16xf32> to vector<16xf32>
        %swap3A_268 = vector.shape_cast %add3A_263 : vector<16xf32> to vector<1x16xf32>
        tpu.vector_store %arg22[%swap3A_264, %swap3A_265], %swap3A_268 {strides = array<i32>} : memref<32x128xf32, #tpu.memory_space<vmem>>, vector<1x16xf32>,
        %get3A_269 = arith.index_cast %scan3A_204 : i32 to index
        %get3A_270 = arith.constant 64 : index
        %get3A_271 = tpu.vector_load %arg20[%get3A_269, %get3A_270] {strides = array<i32>} : memref<32x128xf32, #tpu.memory_space<vmem>>, vector<1x16xf32>,
        %get3A_272 = vector.shape_cast %get3A_271 : vector<1x16xf32> to vector<16xf32>
        %get3A_273 = arith.index_cast %scan3A_204 : i32 to index
        %get3A_274 = arith.constant 64 : index
        %get3A_275 = tpu.vector_load %arg21[%get3A_273, %get3A_274] {strides = array<i32>} : memref<32x128xf32, #tpu.memory_space<vmem>>, vector<1x16xf32>,
        %get3A_276 = vector.shape_cast %get3A_275 : vector<1x16xf32> to vector<16xf32>
        %mul3A_277 = arith.mulf %get3A_272, %get3A_4 : vector<16xf32>
        %mul3A_278 = arith.mulf %get3A_276, %sub3A_6 : vector<16xf32>
        %add3A_279 = arith.addf %mul3A_277, %mul3A_278 : vector<16xf32>
        %swap3A_280 = arith.index_cast %scan3A_204 : i32 to index
        %swap3A_281 = arith.constant 64 : index
        %swap3A_282 = tpu.vector_load %arg22[%swap3A_280, %swap3A_281] {strides = array<i32>} : memref<32x128xf32, #tpu.memory_space<vmem>>, vector<1x16xf32>,
        %swap3A_283 = vector.shape_cast %swap3A_282 : vector<1x16xf32> to vector<16xf32>
        %swap3A_284 = vector.shape_cast %add3A_279 : vector<16xf32> to vector<1x16xf32>
        tpu.vector_store %arg22[%swap3A_280, %swap3A_281], %swap3A_284 {strides = array<i32>} : memref<32x128xf32, #tpu.memory_space<vmem>>, vector<1x16xf32>,
        %get3A_285 = arith.index_cast %scan3A_204 : i32 to index
        %get3A_286 = arith.constant 80 : index
        %get3A_287 = tpu.vector_load %arg20[%get3A_285, %get3A_286] {strides = array<i32>} : memref<32x128xf32, #tpu.memory_space<vmem>>, vector<1x16xf32>,
        %get3A_288 = vector.shape_cast %get3A_287 : vector<1x16xf32> to vector<16xf32>
        %get3A_289 = arith.index_cast %scan3A_204 : i32 to index
        %get3A_290 = arith.constant 80 : index
        %get3A_291 = tpu.vector_load %arg21[%get3A_289, %get3A_290] {strides = array<i32>} : memref<32x128xf32, #tpu.memory_space<vmem>>, vector<1x16xf32>,
        %get3A_292 = vector.shape_cast %get3A_291 : vector<1x16xf32> to vector<16xf32>
        %mul3A_293 = arith.mulf %get3A_288, %get3A_4 : vector<16xf32>
        %mul3A_294 = arith.mulf %get3A_292, %sub3A_6 : vector<16xf32>
        %add3A_295 = arith.addf %mul3A_293, %mul3A_294 : vector<16xf32>
        %swap3A_296 = arith.index_cast %scan3A_204 : i32 to index
        %swap3A_297 = arith.constant 80 : index
        %swap3A_298 = tpu.vector_load %arg22[%swap3A_296, %swap3A_297] {strides = array<i32>} : memref<32x128xf32, #tpu.memory_space<vmem>>, vector<1x16xf32>,
        %swap3A_299 = vector.shape_cast %swap3A_298 : vector<1x16xf32> to vector<16xf32>
        %swap3A_300 = vector.shape_cast %add3A_295 : vector<16xf32> to vector<1x16xf32>
        tpu.vector_store %arg22[%swap3A_296, %swap3A_297], %swap3A_300 {strides = array<i32>} : memref<32x128xf32, #tpu.memory_space<vmem>>, vector<1x16xf32>,
        %get3A_301 = arith.index_cast %scan3A_204 : i32 to index
        %get3A_302 = arith.constant 96 : index
        %get3A_303 = tpu.vector_load %arg20[%get3A_301, %get3A_302] {strides = array<i32>} : memref<32x128xf32, #tpu.memory_space<vmem>>, vector<1x16xf32>,
        %get3A_304 = vector.shape_cast %get3A_303 : vector<1x16xf32> to vector<16xf32>
        %get3A_305 = arith.index_cast %scan3A_204 : i32 to index
        %get3A_306 = arith.constant 96 : index
        %get3A_307 = tpu.vector_load %arg21[%get3A_305, %get3A_306] {strides = array<i32>} : memref<32x128xf32, #tpu.memory_space<vmem>>, vector<1x16xf32>,
        %get3A_308 = vector.shape_cast %get3A_307 : vector<1x16xf32> to vector<16xf32>
        %mul3A_309 = arith.mulf %get3A_304, %get3A_4 : vector<16xf32>
        %mul3A_310 = arith.mulf %get3A_308, %sub3A_6 : vector<16xf32>
        %add3A_311 = arith.addf %mul3A_309, %mul3A_310 : vector<16xf32>
        %swap3A_312 = arith.index_cast %scan3A_204 : i32 to index
        %swap3A_313 = arith.constant 96 : index
        %swap3A_314 = tpu.vector_load %arg22[%swap3A_312, %swap3A_313] {strides = array<i32>} : memref<32x128xf32, #tpu.memory_space<vmem>>, vector<1x16xf32>,
        %swap3A_315 = vector.shape_cast %swap3A_314 : vector<1x16xf32> to vector<16xf32>
        %swap3A_316 = vector.shape_cast %add3A_311 : vector<16xf32> to vector<1x16xf32>
        tpu.vector_store %arg22[%swap3A_312, %swap3A_313], %swap3A_316 {strides = array<i32>} : memref<32x128xf32, #tpu.memory_space<vmem>>, vector<1x16xf32>,
        %get3A_317 = arith.index_cast %scan3A_204 : i32 to index
        %get3A_318 = arith.constant 112 : index
        %get3A_319 = tpu.vector_load %arg20[%get3A_317, %get3A_318] {strides = array<i32>} : memref<32x128xf32, #tpu.memory_space<vmem>>, vector<1x16xf32>,
        %get3A_320 = vector.shape_cast %get3A_319 : vector<1x16xf32> to vector<16xf32>
        %get3A_321 = arith.index_cast %scan3A_204 : i32 to index
        %get3A_322 = arith.constant 112 : index
        %get3A_323 = tpu.vector_load %arg21[%get3A_321, %get3A_322] {strides = array<i32>} : memref<32x128xf32, #tpu.memory_space<vmem>>, vector<1x16xf32>,
        %get3A_324 = vector.shape_cast %get3A_323 : vector<1x16xf32> to vector<16xf32>
        %mul3A_325 = arith.mulf %get3A_320, %get3A_4 : vector<16xf32>
        %mul3A_326 = arith.mulf %get3A_324, %sub3A_6 : vector<16xf32>
        %add3A_327 = arith.addf %mul3A_325, %mul3A_326 : vector<16xf32>
        %swap3A_328 = arith.index_cast %scan3A_204 : i32 to index
        %swap3A_329 = arith.constant 112 : index
        %swap3A_330 = tpu.vector_load %arg22[%swap3A_328, %swap3A_329] {strides = array<i32>} : memref<32x128xf32, #tpu.memory_space<vmem>>, vector<1x16xf32>,
        %swap3A_331 = vector.shape_cast %swap3A_330 : vector<1x16xf32> to vector<16xf32>
        %swap3A_332 = vector.shape_cast %add3A_327 : vector<16xf32> to vector<1x16xf32>
        tpu.vector_store %arg22[%swap3A_328, %swap3A_329], %swap3A_332 {strides = array<i32>} : memref<32x128xf32, #tpu.memory_space<vmem>>, vector<1x16xf32>,
        %scan3A_333 = arith.constant 0 : i32
        scf.yield %scan3A_333 : i32
      }
      %scan3A_189 = arith.constant 32 : i32
      %mul3A_190 = arith.constant 32 : i32
      %mul3A_191 = arith.muli %add3A_168, %mul3A_190 : i32
      %add3A_192 = arith.addi %multiple_of3A, %mul3A_191 : i32
      %multiple_of3A_193 = tpu.assume_multiple %add3A_192, 8 : i32
      %dma_start3A_194 = arith.constant 0 : i32
      %dma_start3A_195 = tpu.memref_slice %arg12[%multiple_of3A_193, %dma_start3A_194] : memref<16384x128xf32, #tpu.memory_space<hbm>> -> memref<32x128xf32, #tpu.memory_space<hbm>>
      %dma_start3A_196 = arith.constant 0 : i32
      %dma_start3A_197 = tpu.memref_slice %arg12[%multiple_of3A_193, %dma_start3A_196] : memref<16384x128xf32, #tpu.memory_space<hbm>> -> memref<32x128xf32, #tpu.memory_space<hbm>>
      tpu.enqueue_dma source(%arg22 : memref<32x128xf32, #tpu.memory_space<vmem>>) target(%dma_start3A_197 : memref<32x128xf32, #tpu.memory_space<hbm>>) target_semaphore(%arg33 : memref<!tpu.dma_semaphore, #tpu.memory_space<semaphore_mem>>)
      %lt3A_198 = arith.constant 7 : i32
      %lt3A_199 = arith.cmpi slt, %scan3A_129, %lt3A_198 : i32
      %convert_element_type3A_200 = arith.extui %lt3A_199 : i1 to i32
      %cond3A_201 = arith.constant 0 : i32
      %cond3A_202 = arith.cmpi ne, %convert_element_type3A_200, %cond3A_201 : i32
      scf.if %cond3A_202 {
        %add3A_204 = arith.constant 2 : i32
        %add3A_205 = arith.addi %add3A_168, %add3A_204 : i32
        %mul3A_206 = arith.constant 32 : i32
        %mul3A_207 = arith.muli %add3A_205, %mul3A_206 : i32
        %add3A_208 = arith.addi %multiple_of3A, %mul3A_207 : i32
        %multiple_of3A_209 = tpu.assume_multiple %add3A_208, 8 : i32
        %dma_start3A_210 = arith.constant 0 : i32
        %dma_start3A_211 = tpu.memref_slice %arg3[%multiple_of3A_209, %dma_start3A_210] : memref<16384x128xf32, #tpu.memory_space<hbm>> -> memref<32x128xf32, #tpu.memory_space<hbm>>
        %dma_start3A_212 = arith.constant 0 : i32
        %dma_start3A_213 = tpu.memref_slice %arg3[%multiple_of3A_209, %dma_start3A_212] : memref<16384x128xf32, #tpu.memory_space<hbm>> -> memref<32x128xf32, #tpu.memory_space<hbm>>
        tpu.enqueue_dma source(%dma_start3A_213 : memref<32x128xf32, #tpu.memory_space<hbm>>) target(%arg20 : memref<32x128xf32, #tpu.memory_space<vmem>>) target_semaphore(%arg32 : memref<!tpu.dma_semaphore, #tpu.memory_space<semaphore_mem>>)
        %mul3A_214 = arith.constant 32 : i32
        %mul3A_215 = arith.muli %add3A_205, %mul3A_214 : i32
        %dma_start3A_216 = tpu.memref_slice %arg15[%mul3A_215] : memref<512xi32, #tpu.memory_space<vmem>> -> memref<32xi32, #tpu.memory_space<vmem>>
        %dma_start3A_217 = arith.constant 0 : i32
        %dma_start3A_218 = arith.constant 0 : i32
        %dma_start3A_219 = tpu.memref_slice %arg7[%dma_start3A_217, %dma_start3A_218] : memref<2000x128xf32, #tpu.memory_space<hbm>> -> memref<2000x128xf32, #tpu.memory_space<hbm>>
        tpu.enqueue_indirect_dma source(%dma_start3A_219 : memref<2000x128xf32, #tpu.memory_space<hbm>>) target(%arg21 : memref<32x128xf32, #tpu.memory_space<vmem>>) offsets(%dma_start3A_216 : memref<32xi32, #tpu.memory_space<vmem>>) semaphore(%arg32 : memref<!tpu.dma_semaphore, #tpu.memory_space<semaphore_mem>>)
      } else {
      }
      %scan3A_203 = arith.constant 0 : i32
      scf.yield %scan3A_203 : i32
    }
    %scan3A_78 = arith.constant 8 : i32
    %dma_wait3A_79 = arith.constant 0 : i32
    %dma_wait3A_80 = tpu.memref_slice %arg12[%multiple_of3A, %dma_wait3A_79] : memref<16384x128xf32, #tpu.memory_space<hbm>> -> memref<32x128xf32, #tpu.memory_space<hbm>>
    %dma_wait3A_81 = arith.constant 0 : i32
    %dma_wait3A_82 = tpu.memref_slice %arg12[%multiple_of3A, %dma_wait3A_81] : memref<16384x128xf32, #tpu.memory_space<hbm>> -> memref<32x128xf32, #tpu.memory_space<hbm>>
    tpu.wait_dma2 semaphore(%arg31 : memref<!tpu.dma_semaphore, #tpu.memory_space<semaphore_mem>>) src(%arg19 : memref<32x128xf32, #tpu.memory_space<vmem>>) dst(%dma_wait3A_82 : memref<32x128xf32, #tpu.memory_space<hbm>>)
    %dma_wait3A_83 = arith.constant 0 : i32
    %dma_wait3A_84 = tpu.memref_slice %arg12[%multiple_of3A, %dma_wait3A_83] : memref<16384x128xf32, #tpu.memory_space<hbm>> -> memref<32x128xf32, #tpu.memory_space<hbm>>
    %dma_wait3A_85 = arith.constant 0 : i32
    %dma_wait3A_86 = tpu.memref_slice %arg12[%multiple_of3A, %dma_wait3A_85] : memref<16384x128xf32, #tpu.memory_space<hbm>> -> memref<32x128xf32, #tpu.memory_space<hbm>>
    tpu.wait_dma2 semaphore(%arg33 : memref<!tpu.dma_semaphore, #tpu.memory_space<semaphore_mem>>) src(%arg22 : memref<32x128xf32, #tpu.memory_space<vmem>>) dst(%dma_wait3A_86 : memref<32x128xf32, #tpu.memory_space<hbm>>)
    %mul3A_87 = arith.constant 4 : i32
    %mul3A_88 = arith.muli %multiple_of3A, %mul3A_87 : i32
    %multiple_of3A_89 = tpu.assume_multiple %mul3A_88, 8 : i32
    "tpu.region"() ({
      %run_scoped3A = tpu.sem_alloc : memref<!tpu.dma_semaphore, #tpu.memory_space<semaphore_mem>>
      %dma_start3A_129 = tpu.memref_slice %arg5[%multiple_of3A_89] : memref<65536xf32, #tpu.memory_space<hbm>> -> memref<2048xf32, #tpu.memory_space<hbm>>
      %dma_start3A_130 = tpu.memref_slice %arg5[%multiple_of3A_89] : memref<65536xf32, #tpu.memory_space<hbm>> -> memref<2048xf32, #tpu.memory_space<hbm>>
      tpu.enqueue_dma source(%dma_start3A_130 : memref<2048xf32, #tpu.memory_space<hbm>>) target(%arg29 : memref<2048xf32, #tpu.memory_space<vmem>>) target_semaphore(%run_scoped3A : memref<!tpu.dma_semaphore, #tpu.memory_space<semaphore_mem>>)
      %dma_wait3A_131 = tpu.memref_slice %arg5[%multiple_of3A_89] : memref<65536xf32, #tpu.memory_space<hbm>> -> memref<2048xf32, #tpu.memory_space<hbm>>
      %dma_wait3A_132 = tpu.memref_slice %arg5[%multiple_of3A_89] : memref<65536xf32, #tpu.memory_space<hbm>> -> memref<2048xf32, #tpu.memory_space<hbm>>
      tpu.wait_dma2 semaphore(%run_scoped3A : memref<!tpu.dma_semaphore, #tpu.memory_space<semaphore_mem>>) src(%dma_wait3A_132 : memref<2048xf32, #tpu.memory_space<hbm>>) dst(%arg29 : memref<2048xf32, #tpu.memory_space<vmem>>)
      tpu.yield
    }) : () -> ()
    %add3A_90 = arith.constant 0 : i32
    %add3A_91 = arith.addi %multiple_of3A, %add3A_90 : i32
    %multiple_of3A_92 = tpu.assume_multiple %add3A_91, 8 : i32
    %dma_start3A_93 = arith.constant 0 : i32
    %dma_start3A_94 = tpu.memref_slice %arg4[%multiple_of3A_92, %dma_start3A_93] : memref<16384x1000xf32, #tpu.memory_space<hbm>> -> memref<16x1000xf32, #tpu.memory_space<hbm>>
    %dma_start3A_95 = arith.constant 0 : i32
    %dma_start3A_96 = tpu.memref_slice %arg4[%multiple_of3A_92, %dma_start3A_95] : memref<16384x1000xf32, #tpu.memory_space<hbm>> -> memref<16x1000xf32, #tpu.memory_space<hbm>>
    tpu.enqueue_dma source(%dma_start3A_96 : memref<16x1000xf32, #tpu.memory_space<hbm>>) target(%arg23 : memref<16x1000xf32, #tpu.memory_space<vmem>>) target_semaphore(%arg34 : memref<!tpu.dma_semaphore, #tpu.memory_space<semaphore_mem>>)
    %dma_start3A_97 = arith.constant 0 : i32
    %dma_start3A_98 = tpu.memref_slice %arg15[%dma_start3A_97] : memref<512xi32, #tpu.memory_space<vmem>> -> memref<16xi32, #tpu.memory_space<vmem>>
    %dma_start3A_99 = arith.constant 0 : i32
    %dma_start3A_100 = arith.constant 0 : i32
    %dma_start3A_101 = tpu.memref_slice %arg8[%dma_start3A_99, %dma_start3A_100] : memref<2000x1024xf32, #tpu.memory_space<hbm>> -> memref<2000x1024xf32, #tpu.memory_space<hbm>>
    tpu.enqueue_indirect_dma source(%dma_start3A_101 : memref<2000x1024xf32, #tpu.memory_space<hbm>>) target(%arg24 : memref<16x1024xf32, #tpu.memory_space<vmem>>) offsets(%dma_start3A_98 : memref<16xi32, #tpu.memory_space<vmem>>) semaphore(%arg34 : memref<!tpu.dma_semaphore, #tpu.memory_space<semaphore_mem>>)
    %add3A_102 = arith.constant 16 : i32
    %add3A_103 = arith.addi %multiple_of3A, %add3A_102 : i32
    %multiple_of3A_104 = tpu.assume_multiple %add3A_103, 8 : i32
    %dma_start3A_105 = arith.constant 0 : i32
    %dma_start3A_106 = tpu.memref_slice %arg4[%multiple_of3A_104, %dma_start3A_105] : memref<16384x1000xf32, #tpu.memory_space<hbm>> -> memref<16x1000xf32, #tpu.memory_space<hbm>>
    %dma_start3A_107 = arith.constant 0 : i32
    %dma_start3A_108 = tpu.memref_slice %arg4[%multiple_of3A_104, %dma_start3A_107] : memref<16384x1000xf32, #tpu.memory_space<hbm>> -> memref<16x1000xf32, #tpu.memory_space<hbm>>
    tpu.enqueue_dma source(%dma_start3A_108 : memref<16x1000xf32, #tpu.memory_space<hbm>>) target(%arg26 : memref<16x1000xf32, #tpu.memory_space<vmem>>) target_semaphore(%arg36 : memref<!tpu.dma_semaphore, #tpu.memory_space<semaphore_mem>>)
    %dma_start3A_109 = arith.constant 16 : i32
    %dma_start3A_110 = tpu.memref_slice %arg15[%dma_start3A_109] : memref<512xi32, #tpu.memory_space<vmem>> -> memref<16xi32, #tpu.memory_space<vmem>>
    %dma_start3A_111 = arith.constant 0 : i32
    %dma_start3A_112 = arith.constant 0 : i32
    %dma_start3A_113 = tpu.memref_slice %arg8[%dma_start3A_111, %dma_start3A_112] : memref<2000x1024xf32, #tpu.memory_space<hbm>> -> memref<2000x1024xf32, #tpu.memory_space<hbm>>
    tpu.enqueue_indirect_dma source(%dma_start3A_113 : memref<2000x1024xf32, #tpu.memory_space<hbm>>) target(%arg27 : memref<16x1024xf32, #tpu.memory_space<vmem>>) offsets(%dma_start3A_110 : memref<16xi32, #tpu.memory_space<vmem>>) semaphore(%arg36 : memref<!tpu.dma_semaphore, #tpu.memory_space<semaphore_mem>>)
    %scan3A_114 = arith.constant 0 : i32
    %scan3A_115 = arith.constant 0 : i32
    %scan3A_116 = arith.constant 16 : i32
    %scan3A_117 = arith.addi %scan3A_115, %scan3A_116 : i32
    %scan3A_118 = arith.constant 1 : i32
    %scan3A_119 = scf.for %scan3A_129 = %scan3A_115 to %scan3A_117 step %scan3A_118 iter_args(%scan3A_130 = %scan3A_114) -> (i32)  : i32 {
      %mul3A_131 = arith.constant 2 : i32
      %mul3A_132 = arith.muli %mul3A_131, %scan3A_129 : i32
      %add3A_133 = arith.constant 0 : i32
      %add3A_134 = arith.addi %mul3A_132, %add3A_133 : i32
      %dma_wait3A_135 = arith.constant 0 : i32
      %dma_wait3A_136 = tpu.memref_slice %arg4[%multiple_of3A, %dma_wait3A_135] : memref<16384x1000xf32, #tpu.memory_space<hbm>> -> memref<16x1000xf32, #tpu.memory_space<hbm>>
      %dma_wait3A_137 = arith.constant 0 : i32
      %dma_wait3A_138 = tpu.memref_slice %arg4[%multiple_of3A, %dma_wait3A_137] : memref<16384x1000xf32, #tpu.memory_space<hbm>> -> memref<16x1000xf32, #tpu.memory_space<hbm>>
      tpu.wait_dma2 semaphore(%arg34 : memref<!tpu.dma_semaphore, #tpu.memory_space<semaphore_mem>>) src(%dma_wait3A_138 : memref<16x1000xf32, #tpu.memory_space<hbm>>) dst(%arg23 : memref<16x1000xf32, #tpu.memory_space<vmem>>)
      %dma_wait3A_139 = arith.constant 0 : i32
      %dma_wait3A_140 = tpu.memref_slice %arg15[%dma_wait3A_139] : memref<512xi32, #tpu.memory_space<vmem>> -> memref<16xi32, #tpu.memory_space<vmem>>
      %dma_wait3A_141 = arith.constant 0 : i32
      %dma_wait3A_142 = arith.constant 0 : i32
      %dma_wait3A_143 = tpu.memref_slice %arg8[%dma_wait3A_141, %dma_wait3A_142] : memref<2000x1024xf32, #tpu.memory_space<hbm>> -> memref<2000x1024xf32, #tpu.memory_space<hbm>>
      tpu.wait_indirect_dma semaphore(%arg34 : memref<!tpu.dma_semaphore, #tpu.memory_space<semaphore_mem>>) src(%dma_wait3A_143 : memref<2000x1024xf32, #tpu.memory_space<hbm>>) dst(%arg24 : memref<16x1024xf32, #tpu.memory_space<vmem>>)
      %ge3A = arith.constant 1 : i32
      %ge3A_144 = arith.cmpi sge, %scan3A_129, %ge3A : i32
      %convert_element_type3A = arith.extui %ge3A_144 : i1 to i32
      %cond3A = arith.constant 0 : i32
      %cond3A_145 = arith.cmpi ne, %convert_element_type3A, %cond3A : i32
      scf.if %cond3A_145 {
        %dma_wait3A_218 = arith.constant 0 : i32
        %dma_wait3A_219 = tpu.memref_slice %arg13[%multiple_of3A, %dma_wait3A_218] : memref<16384x1000xf32, #tpu.memory_space<hbm>> -> memref<16x1000xf32, #tpu.memory_space<hbm>>
        %dma_wait3A_220 = arith.constant 0 : i32
        %dma_wait3A_221 = tpu.memref_slice %arg13[%multiple_of3A, %dma_wait3A_220] : memref<16384x1000xf32, #tpu.memory_space<hbm>> -> memref<16x1000xf32, #tpu.memory_space<hbm>>
        tpu.wait_dma2 semaphore(%arg35 : memref<!tpu.dma_semaphore, #tpu.memory_space<semaphore_mem>>) src(%arg25 : memref<16x1000xf32, #tpu.memory_space<vmem>>) dst(%dma_wait3A_221 : memref<16x1000xf32, #tpu.memory_space<hbm>>)
      } else {
      }
      %scan3A_146 = arith.constant 0 : i32
      %scan3A_147 = arith.constant 0 : i32
      %scan3A_148 = arith.constant 16 : i32
      %scan3A_149 = arith.addi %scan3A_147, %scan3A_148 : i32
      %scan3A_150 = arith.constant 1 : i32
      %scan3A_151 = scf.for %scan3A_218 = %scan3A_147 to %scan3A_149 step %scan3A_150 iter_args(%scan3A_219 = %scan3A_146) -> (i32)  : i32 {
        %get3A_220 = arith.index_cast %scan3A_218 : i32 to index
        %get3A_221 = arith.constant 0 : index
        %get3A_222 = tpu.vector_load %arg23[%get3A_220, %get3A_221] {strides = array<i32>} : memref<16x1000xf32, #tpu.memory_space<vmem>>, vector<1x16xf32>,
        %get3A_223 = vector.shape_cast %get3A_222 : vector<1x16xf32> to vector<16xf32>
        %get3A_224 = arith.index_cast %scan3A_218 : i32 to index
        %get3A_225 = arith.constant 0 : index
        %get3A_226 = tpu.vector_load %arg24[%get3A_224, %get3A_225] {strides = array<i32>} : memref<16x1024xf32, #tpu.memory_space<vmem>>, vector<1x16xf32>,
        %get3A_227 = vector.shape_cast %get3A_226 : vector<1x16xf32> to vector<16xf32>
        %mul3A_228 = arith.mulf %get3A_223, %get3A_4 : vector<16xf32>
        %mul3A_229 = arith.mulf %get3A_227, %sub3A_6 : vector<16xf32>
        %add3A_230 = arith.addf %mul3A_228, %mul3A_229 : vector<16xf32>
        %swap3A = arith.index_cast %scan3A_218 : i32 to index
        %swap3A_231 = arith.constant 0 : index
        %swap3A_232 = tpu.vector_load %arg25[%swap3A, %swap3A_231] {strides = array<i32>} : memref<16x1000xf32, #tpu.memory_space<vmem>>, vector<1x16xf32>,
        %swap3A_233 = vector.shape_cast %swap3A_232 : vector<1x16xf32> to vector<16xf32>
        %swap3A_234 = vector.shape_cast %add3A_230 : vector<16xf32> to vector<1x16xf32>
        tpu.vector_store %arg25[%swap3A, %swap3A_231], %swap3A_234 {strides = array<i32>} : memref<16x1000xf32, #tpu.memory_space<vmem>>, vector<1x16xf32>,
        %get3A_235 = arith.index_cast %scan3A_218 : i32 to index
        %get3A_236 = arith.constant 16 : index
        %get3A_237 = tpu.vector_load %arg23[%get3A_235, %get3A_236] {strides = array<i32>} : memref<16x1000xf32, #tpu.memory_space<vmem>>, vector<1x16xf32>,
        %get3A_238 = vector.shape_cast %get3A_237 : vector<1x16xf32> to vector<16xf32>
        %get3A_239 = arith.index_cast %scan3A_218 : i32 to index
        %get3A_240 = arith.constant 16 : index
        %get3A_241 = tpu.vector_load %arg24[%get3A_239, %get3A_240] {strides = array<i32>} : memref<16x1024xf32, #tpu.memory_space<vmem>>, vector<1x16xf32>,
        %get3A_242 = vector.shape_cast %get3A_241 : vector<1x16xf32> to vector<16xf32>
        %mul3A_243 = arith.mulf %get3A_238, %get3A_4 : vector<16xf32>
        %mul3A_244 = arith.mulf %get3A_242, %sub3A_6 : vector<16xf32>
        %add3A_245 = arith.addf %mul3A_243, %mul3A_244 : vector<16xf32>
        %swap3A_246 = arith.index_cast %scan3A_218 : i32 to index
        %swap3A_247 = arith.constant 16 : index
        %swap3A_248 = tpu.vector_load %arg25[%swap3A_246, %swap3A_247] {strides = array<i32>} : memref<16x1000xf32, #tpu.memory_space<vmem>>, vector<1x16xf32>,
        %swap3A_249 = vector.shape_cast %swap3A_248 : vector<1x16xf32> to vector<16xf32>
        %swap3A_250 = vector.shape_cast %add3A_245 : vector<16xf32> to vector<1x16xf32>
        tpu.vector_store %arg25[%swap3A_246, %swap3A_247], %swap3A_250 {strides = array<i32>} : memref<16x1000xf32, #tpu.memory_space<vmem>>, vector<1x16xf32>,
        %get3A_251 = arith.index_cast %scan3A_218 : i32 to index
        %get3A_252 = arith.constant 32 : index
        %get3A_253 = tpu.vector_load %arg23[%get3A_251, %get3A_252] {strides = array<i32>} : memref<16x1000xf32, #tpu.memory_space<vmem>>, vector<1x16xf32>,
        %get3A_254 = vector.shape_cast %get3A_253 : vector<1x16xf32> to vector<16xf32>
        %get3A_255 = arith.index_cast %scan3A_218 : i32 to index
        %get3A_256 = arith.constant 32 : index
        %get3A_257 = tpu.vector_load %arg24[%get3A_255, %get3A_256] {strides = array<i32>} : memref<16x1024xf32, #tpu.memory_space<vmem>>, vector<1x16xf32>,
        %get3A_258 = vector.shape_cast %get3A_257 : vector<1x16xf32> to vector<16xf32>
        %mul3A_259 = arith.mulf %get3A_254, %get3A_4 : vector<16xf32>
        %mul3A_260 = arith.mulf %get3A_258, %sub3A_6 : vector<16xf32>
        %add3A_261 = arith.addf %mul3A_259, %mul3A_260 : vector<16xf32>
        %swap3A_262 = arith.index_cast %scan3A_218 : i32 to index
        %swap3A_263 = arith.constant 32 : index
        %swap3A_264 = tpu.vector_load %arg25[%swap3A_262, %swap3A_263] {strides = array<i32>} : memref<16x1000xf32, #tpu.memory_space<vmem>>, vector<1x16xf32>,
        %swap3A_265 = vector.shape_cast %swap3A_264 : vector<1x16xf32> to vector<16xf32>
        %swap3A_266 = vector.shape_cast %add3A_261 : vector<16xf32> to vector<1x16xf32>
        tpu.vector_store %arg25[%swap3A_262, %swap3A_263], %swap3A_266 {strides = array<i32>} : memref<16x1000xf32, #tpu.memory_space<vmem>>, vector<1x16xf32>,
        %get3A_267 = arith.index_cast %scan3A_218 : i32 to index
        %get3A_268 = arith.constant 48 : index
        %get3A_269 = tpu.vector_load %arg23[%get3A_267, %get3A_268] {strides = array<i32>} : memref<16x1000xf32, #tpu.memory_space<vmem>>, vector<1x16xf32>,
        %get3A_270 = vector.shape_cast %get3A_269 : vector<1x16xf32> to vector<16xf32>
        %get3A_271 = arith.index_cast %scan3A_218 : i32 to index
        %get3A_272 = arith.constant 48 : index
        %get3A_273 = tpu.vector_load %arg24[%get3A_271, %get3A_272] {strides = array<i32>} : memref<16x1024xf32, #tpu.memory_space<vmem>>, vector<1x16xf32>,
        %get3A_274 = vector.shape_cast %get3A_273 : vector<1x16xf32> to vector<16xf32>
        %mul3A_275 = arith.mulf %get3A_270, %get3A_4 : vector<16xf32>
        %mul3A_276 = arith.mulf %get3A_274, %sub3A_6 : vector<16xf32>
        %add3A_277 = arith.addf %mul3A_275, %mul3A_276 : vector<16xf32>
        %swap3A_278 = arith.index_cast %scan3A_218 : i32 to index
        %swap3A_279 = arith.constant 48 : index
        %swap3A_280 = tpu.vector_load %arg25[%swap3A_278, %swap3A_279] {strides = array<i32>} : memref<16x1000xf32, #tpu.memory_space<vmem>>, vector<1x16xf32>,
        %swap3A_281 = vector.shape_cast %swap3A_280 : vector<1x16xf32> to vector<16xf32>
        %swap3A_282 = vector.shape_cast %add3A_277 : vector<16xf32> to vector<1x16xf32>
        tpu.vector_store %arg25[%swap3A_278, %swap3A_279], %swap3A_282 {strides = array<i32>} : memref<16x1000xf32, #tpu.memory_space<vmem>>, vector<1x16xf32>,
        %get3A_283 = arith.index_cast %scan3A_218 : i32 to index
        %get3A_284 = arith.constant 64 : index
        %get3A_285 = tpu.vector_load %arg23[%get3A_283, %get3A_284] {strides = array<i32>} : memref<16x1000xf32, #tpu.memory_space<vmem>>, vector<1x16xf32>,
        %get3A_286 = vector.shape_cast %get3A_285 : vector<1x16xf32> to vector<16xf32>
        %get3A_287 = arith.index_cast %scan3A_218 : i32 to index
        %get3A_288 = arith.constant 64 : index
        %get3A_289 = tpu.vector_load %arg24[%get3A_287, %get3A_288] {strides = array<i32>} : memref<16x1024xf32, #tpu.memory_space<vmem>>, vector<1x16xf32>,
        %get3A_290 = vector.shape_cast %get3A_289 : vector<1x16xf32> to vector<16xf32>
        %mul3A_291 = arith.mulf %get3A_286, %get3A_4 : vector<16xf32>
        %mul3A_292 = arith.mulf %get3A_290, %sub3A_6 : vector<16xf32>
        %add3A_293 = arith.addf %mul3A_291, %mul3A_292 : vector<16xf32>
        %swap3A_294 = arith.index_cast %scan3A_218 : i32 to index
        %swap3A_295 = arith.constant 64 : index
        %swap3A_296 = tpu.vector_load %arg25[%swap3A_294, %swap3A_295] {strides = array<i32>} : memref<16x1000xf32, #tpu.memory_space<vmem>>, vector<1x16xf32>,
        %swap3A_297 = vector.shape_cast %swap3A_296 : vector<1x16xf32> to vector<16xf32>
        %swap3A_298 = vector.shape_cast %add3A_293 : vector<16xf32> to vector<1x16xf32>
        tpu.vector_store %arg25[%swap3A_294, %swap3A_295], %swap3A_298 {strides = array<i32>} : memref<16x1000xf32, #tpu.memory_space<vmem>>, vector<1x16xf32>,
        %get3A_299 = arith.index_cast %scan3A_218 : i32 to index
        %get3A_300 = arith.constant 80 : index
        %get3A_301 = tpu.vector_load %arg23[%get3A_299, %get3A_300] {strides = array<i32>} : memref<16x1000xf32, #tpu.memory_space<vmem>>, vector<1x16xf32>,
        %get3A_302 = vector.shape_cast %get3A_301 : vector<1x16xf32> to vector<16xf32>
        %get3A_303 = arith.index_cast %scan3A_218 : i32 to index
        %get3A_304 = arith.constant 80 : index
        %get3A_305 = tpu.vector_load %arg24[%get3A_303, %get3A_304] {strides = array<i32>} : memref<16x1024xf32, #tpu.memory_space<vmem>>, vector<1x16xf32>,
        %get3A_306 = vector.shape_cast %get3A_305 : vector<1x16xf32> to vector<16xf32>
        %mul3A_307 = arith.mulf %get3A_302, %get3A_4 : vector<16xf32>
        %mul3A_308 = arith.mulf %get3A_306, %sub3A_6 : vector<16xf32>
        %add3A_309 = arith.addf %mul3A_307, %mul3A_308 : vector<16xf32>
        %swap3A_310 = arith.index_cast %scan3A_218 : i32 to index
        %swap3A_311 = arith.constant 80 : index
        %swap3A_312 = tpu.vector_load %arg25[%swap3A_310, %swap3A_311] {strides = array<i32>} : memref<16x1000xf32, #tpu.memory_space<vmem>>, vector<1x16xf32>,
        %swap3A_313 = vector.shape_cast %swap3A_312 : vector<1x16xf32> to vector<16xf32>
        %swap3A_314 = vector.shape_cast %add3A_309 : vector<16xf32> to vector<1x16xf32>
        tpu.vector_store %arg25[%swap3A_310, %swap3A_311], %swap3A_314 {strides = array<i32>} : memref<16x1000xf32, #tpu.memory_space<vmem>>, vector<1x16xf32>,
        %get3A_315 = arith.index_cast %scan3A_218 : i32 to index
        %get3A_316 = arith.constant 96 : index
        %get3A_317 = tpu.vector_load %arg23[%get3A_315, %get3A_316] {strides = array<i32>} : memref<16x1000xf32, #tpu.memory_space<vmem>>, vector<1x16xf32>,
        %get3A_318 = vector.shape_cast %get3A_317 : vector<1x16xf32> to vector<16xf32>
        %get3A_319 = arith.index_cast %scan3A_218 : i32 to index
        %get3A_320 = arith.constant 96 : index
        %get3A_321 = tpu.vector_load %arg24[%get3A_319, %get3A_320] {strides = array<i32>} : memref<16x1024xf32, #tpu.memory_space<vmem>>, vector<1x16xf32>,
        %get3A_322 = vector.shape_cast %get3A_321 : vector<1x16xf32> to vector<16xf32>
        %mul3A_323 = arith.mulf %get3A_318, %get3A_4 : vector<16xf32>
        %mul3A_324 = arith.mulf %get3A_322, %sub3A_6 : vector<16xf32>
        %add3A_325 = arith.addf %mul3A_323, %mul3A_324 : vector<16xf32>
        %swap3A_326 = arith.index_cast %scan3A_218 : i32 to index
        %swap3A_327 = arith.constant 96 : index
        %swap3A_328 = tpu.vector_load %arg25[%swap3A_326, %swap3A_327] {strides = array<i32>} : memref<16x1000xf32, #tpu.memory_space<vmem>>, vector<1x16xf32>,
        %swap3A_329 = vector.shape_cast %swap3A_328 : vector<1x16xf32> to vector<16xf32>
        %swap3A_330 = vector.shape_cast %add3A_325 : vector<16xf32> to vector<1x16xf32>
        tpu.vector_store %arg25[%swap3A_326, %swap3A_327], %swap3A_330 {strides = array<i32>} : memref<16x1000xf32, #tpu.memory_space<vmem>>, vector<1x16xf32>,
        %get3A_331 = arith.index_cast %scan3A_218 : i32 to index
        %get3A_332 = arith.constant 112 : index
        %get3A_333 = tpu.vector_load %arg23[%get3A_331, %get3A_332] {strides = array<i32>} : memref<16x1000xf32, #tpu.memory_space<vmem>>, vector<1x16xf32>,
        %get3A_334 = vector.shape_cast %get3A_333 : vector<1x16xf32> to vector<16xf32>
        %get3A_335 = arith.index_cast %scan3A_218 : i32 to index
        %get3A_336 = arith.constant 112 : index
        %get3A_337 = tpu.vector_load %arg24[%get3A_335, %get3A_336] {strides = array<i32>} : memref<16x1024xf32, #tpu.memory_space<vmem>>, vector<1x16xf32>,
        %get3A_338 = vector.shape_cast %get3A_337 : vector<1x16xf32> to vector<16xf32>
        %mul3A_339 = arith.mulf %get3A_334, %get3A_4 : vector<16xf32>
        %mul3A_340 = arith.mulf %get3A_338, %sub3A_6 : vector<16xf32>
        %add3A_341 = arith.addf %mul3A_339, %mul3A_340 : vector<16xf32>
        %swap3A_342 = arith.index_cast %scan3A_218 : i32 to index
        %swap3A_343 = arith.constant 112 : index
        %swap3A_344 = tpu.vector_load %arg25[%swap3A_342, %swap3A_343] {strides = array<i32>} : memref<16x1000xf32, #tpu.memory_space<vmem>>, vector<1x16xf32>,
        %swap3A_345 = vector.shape_cast %swap3A_344 : vector<1x16xf32> to vector<16xf32>
        %swap3A_346 = vector.shape_cast %add3A_341 : vector<16xf32> to vector<1x16xf32>
        tpu.vector_store %arg25[%swap3A_342, %swap3A_343], %swap3A_346 {strides = array<i32>} : memref<16x1000xf32, #tpu.memory_space<vmem>>, vector<1x16xf32>,
        %get3A_347 = arith.index_cast %scan3A_218 : i32 to index
        %get3A_348 = arith.constant 128 : index
        %get3A_349 = tpu.vector_load %arg23[%get3A_347, %get3A_348] {strides = array<i32>} : memref<16x1000xf32, #tpu.memory_space<vmem>>, vector<1x16xf32>,
        %get3A_350 = vector.shape_cast %get3A_349 : vector<1x16xf32> to vector<16xf32>
        %get3A_351 = arith.index_cast %scan3A_218 : i32 to index
        %get3A_352 = arith.constant 128 : index
        %get3A_353 = tpu.vector_load %arg24[%get3A_351, %get3A_352] {strides = array<i32>} : memref<16x1024xf32, #tpu.memory_space<vmem>>, vector<1x16xf32>,
        %get3A_354 = vector.shape_cast %get3A_353 : vector<1x16xf32> to vector<16xf32>
        %mul3A_355 = arith.mulf %get3A_350, %get3A_4 : vector<16xf32>
        %mul3A_356 = arith.mulf %get3A_354, %sub3A_6 : vector<16xf32>
        %add3A_357 = arith.addf %mul3A_355, %mul3A_356 : vector<16xf32>
        %swap3A_358 = arith.index_cast %scan3A_218 : i32 to index
        %swap3A_359 = arith.constant 128 : index
        %swap3A_360 = tpu.vector_load %arg25[%swap3A_358, %swap3A_359] {strides = array<i32>} : memref<16x1000xf32, #tpu.memory_space<vmem>>, vector<1x16xf32>,
        %swap3A_361 = vector.shape_cast %swap3A_360 : vector<1x16xf32> to vector<16xf32>
        %swap3A_362 = vector.shape_cast %add3A_357 : vector<16xf32> to vector<1x16xf32>
        tpu.vector_store %arg25[%swap3A_358, %swap3A_359], %swap3A_362 {strides = array<i32>} : memref<16x1000xf32, #tpu.memory_space<vmem>>, vector<1x16xf32>,
        %get3A_363 = arith.index_cast %scan3A_218 : i32 to index
        %get3A_364 = arith.constant 144 : index
        %get3A_365 = tpu.vector_load %arg23[%get3A_363, %get3A_364] {strides = array<i32>} : memref<16x1000xf32, #tpu.memory_space<vmem>>, vector<1x16xf32>,
        %get3A_366 = vector.shape_cast %get3A_365 : vector<1x16xf32> to vector<16xf32>
        %get3A_367 = arith.index_cast %scan3A_218 : i32 to index
        %get3A_368 = arith.constant 144 : index
        %get3A_369 = tpu.vector_load %arg24[%get3A_367, %get3A_368] {strides = array<i32>} : memref<16x1024xf32, #tpu.memory_space<vmem>>, vector<1x16xf32>,
        %get3A_370 = vector.shape_cast %get3A_369 : vector<1x16xf32> to vector<16xf32>
        %mul3A_371 = arith.mulf %get3A_366, %get3A_4 : vector<16xf32>
        %mul3A_372 = arith.mulf %get3A_370, %sub3A_6 : vector<16xf32>
        %add3A_373 = arith.addf %mul3A_371, %mul3A_372 : vector<16xf32>
        %swap3A_374 = arith.index_cast %scan3A_218 : i32 to index
        %swap3A_375 = arith.constant 144 : index
        %swap3A_376 = tpu.vector_load %arg25[%swap3A_374, %swap3A_375] {strides = array<i32>} : memref<16x1000xf32, #tpu.memory_space<vmem>>, vector<1x16xf32>,
        %swap3A_377 = vector.shape_cast %swap3A_376 : vector<1x16xf32> to vector<16xf32>
        %swap3A_378 = vector.shape_cast %add3A_373 : vector<16xf32> to vector<1x16xf32>
        tpu.vector_store %arg25[%swap3A_374, %swap3A_375], %swap3A_378 {strides = array<i32>} : memref<16x1000xf32, #tpu.memory_space<vmem>>, vector<1x16xf32>,
        %get3A_379 = arith.index_cast %scan3A_218 : i32 to index
        %get3A_380 = arith.constant 160 : index
        %get3A_381 = tpu.vector_load %arg23[%get3A_379, %get3A_380] {strides = array<i32>} : memref<16x1000xf32, #tpu.memory_space<vmem>>, vector<1x16xf32>,
        %get3A_382 = vector.shape_cast %get3A_381 : vector<1x16xf32> to vector<16xf32>
        %get3A_383 = arith.index_cast %scan3A_218 : i32 to index
        %get3A_384 = arith.constant 160 : index
        %get3A_385 = tpu.vector_load %arg24[%get3A_383, %get3A_384] {strides = array<i32>} : memref<16x1024xf32, #tpu.memory_space<vmem>>, vector<1x16xf32>,
        %get3A_386 = vector.shape_cast %get3A_385 : vector<1x16xf32> to vector<16xf32>
        %mul3A_387 = arith.mulf %get3A_382, %get3A_4 : vector<16xf32>
        %mul3A_388 = arith.mulf %get3A_386, %sub3A_6 : vector<16xf32>
        %add3A_389 = arith.addf %mul3A_387, %mul3A_388 : vector<16xf32>
        %swap3A_390 = arith.index_cast %scan3A_218 : i32 to index
        %swap3A_391 = arith.constant 160 : index
        %swap3A_392 = tpu.vector_load %arg25[%swap3A_390, %swap3A_391] {strides = array<i32>} : memref<16x1000xf32, #tpu.memory_space<vmem>>, vector<1x16xf32>,
        %swap3A_393 = vector.shape_cast %swap3A_392 : vector<1x16xf32> to vector<16xf32>
        %swap3A_394 = vector.shape_cast %add3A_389 : vector<16xf32> to vector<1x16xf32>
        tpu.vector_store %arg25[%swap3A_390, %swap3A_391], %swap3A_394 {strides = array<i32>} : memref<16x1000xf32, #tpu.memory_space<vmem>>, vector<1x16xf32>,
        %get3A_395 = arith.index_cast %scan3A_218 : i32 to index
        %get3A_396 = arith.constant 176 : index
        %get3A_397 = tpu.vector_load %arg23[%get3A_395, %get3A_396] {strides = array<i32>} : memref<16x1000xf32, #tpu.memory_space<vmem>>, vector<1x16xf32>,
        %get3A_398 = vector.shape_cast %get3A_397 : vector<1x16xf32> to vector<16xf32>
        %get3A_399 = arith.index_cast %scan3A_218 : i32 to index
        %get3A_400 = arith.constant 176 : index
        %get3A_401 = tpu.vector_load %arg24[%get3A_399, %get3A_400] {strides = array<i32>} : memref<16x1024xf32, #tpu.memory_space<vmem>>, vector<1x16xf32>,
        %get3A_402 = vector.shape_cast %get3A_401 : vector<1x16xf32> to vector<16xf32>
        %mul3A_403 = arith.mulf %get3A_398, %get3A_4 : vector<16xf32>
        %mul3A_404 = arith.mulf %get3A_402, %sub3A_6 : vector<16xf32>
        %add3A_405 = arith.addf %mul3A_403, %mul3A_404 : vector<16xf32>
        %swap3A_406 = arith.index_cast %scan3A_218 : i32 to index
        %swap3A_407 = arith.constant 176 : index
        %swap3A_408 = tpu.vector_load %arg25[%swap3A_406, %swap3A_407] {strides = array<i32>} : memref<16x1000xf32, #tpu.memory_space<vmem>>, vector<1x16xf32>,
        %swap3A_409 = vector.shape_cast %swap3A_408 : vector<1x16xf32> to vector<16xf32>
        %swap3A_410 = vector.shape_cast %add3A_405 : vector<16xf32> to vector<1x16xf32>
        tpu.vector_store %arg25[%swap3A_406, %swap3A_407], %swap3A_410 {strides = array<i32>} : memref<16x1000xf32, #tpu.memory_space<vmem>>, vector<1x16xf32>,
        %get3A_411 = arith.index_cast %scan3A_218 : i32 to index
        %get3A_412 = arith.constant 192 : index
        %get3A_413 = tpu.vector_load %arg23[%get3A_411, %get3A_412] {strides = array<i32>} : memref<16x1000xf32, #tpu.memory_space<vmem>>, vector<1x16xf32>,
        %get3A_414 = vector.shape_cast %get3A_413 : vector<1x16xf32> to vector<16xf32>
        %get3A_415 = arith.index_cast %scan3A_218 : i32 to index
        %get3A_416 = arith.constant 192 : index
        %get3A_417 = tpu.vector_load %arg24[%get3A_415, %get3A_416] {strides = array<i32>} : memref<16x1024xf32, #tpu.memory_space<vmem>>, vector<1x16xf32>,
        %get3A_418 = vector.shape_cast %get3A_417 : vector<1x16xf32> to vector<16xf32>
        %mul3A_419 = arith.mulf %get3A_414, %get3A_4 : vector<16xf32>
        %mul3A_420 = arith.mulf %get3A_418, %sub3A_6 : vector<16xf32>
        %add3A_421 = arith.addf %mul3A_419, %mul3A_420 : vector<16xf32>
        %swap3A_422 = arith.index_cast %scan3A_218 : i32 to index
        %swap3A_423 = arith.constant 192 : index
        %swap3A_424 = tpu.vector_load %arg25[%swap3A_422, %swap3A_423] {strides = array<i32>} : memref<16x1000xf32, #tpu.memory_space<vmem>>, vector<1x16xf32>,
        %swap3A_425 = vector.shape_cast %swap3A_424 : vector<1x16xf32> to vector<16xf32>
        %swap3A_426 = vector.shape_cast %add3A_421 : vector<16xf32> to vector<1x16xf32>
        tpu.vector_store %arg25[%swap3A_422, %swap3A_423], %swap3A_426 {strides = array<i32>} : memref<16x1000xf32, #tpu.memory_space<vmem>>, vector<1x16xf32>,
        %get3A_427 = arith.index_cast %scan3A_218 : i32 to index
        %get3A_428 = arith.constant 208 : index
        %get3A_429 = tpu.vector_load %arg23[%get3A_427, %get3A_428] {strides = array<i32>} : memref<16x1000xf32, #tpu.memory_space<vmem>>, vector<1x16xf32>,
        %get3A_430 = vector.shape_cast %get3A_429 : vector<1x16xf32> to vector<16xf32>
        %get3A_431 = arith.index_cast %scan3A_218 : i32 to index
        %get3A_432 = arith.constant 208 : index
        %get3A_433 = tpu.vector_load %arg24[%get3A_431, %get3A_432] {strides = array<i32>} : memref<16x1024xf32, #tpu.memory_space<vmem>>, vector<1x16xf32>,
        %get3A_434 = vector.shape_cast %get3A_433 : vector<1x16xf32> to vector<16xf32>
        %mul3A_435 = arith.mulf %get3A_430, %get3A_4 : vector<16xf32>
        %mul3A_436 = arith.mulf %get3A_434, %sub3A_6 : vector<16xf32>
        %add3A_437 = arith.addf %mul3A_435, %mul3A_436 : vector<16xf32>
        %swap3A_438 = arith.index_cast %scan3A_218 : i32 to index
        %swap3A_439 = arith.constant 208 : index
        %swap3A_440 = tpu.vector_load %arg25[%swap3A_438, %swap3A_439] {strides = array<i32>} : memref<16x1000xf32, #tpu.memory_space<vmem>>, vector<1x16xf32>,
        %swap3A_441 = vector.shape_cast %swap3A_440 : vector<1x16xf32> to vector<16xf32>
        %swap3A_442 = vector.shape_cast %add3A_437 : vector<16xf32> to vector<1x16xf32>
        tpu.vector_store %arg25[%swap3A_438, %swap3A_439], %swap3A_442 {strides = array<i32>} : memref<16x1000xf32, #tpu.memory_space<vmem>>, vector<1x16xf32>,
        %get3A_443 = arith.index_cast %scan3A_218 : i32 to index
        %get3A_444 = arith.constant 224 : index
        %get3A_445 = tpu.vector_load %arg23[%get3A_443, %get3A_444] {strides = array<i32>} : memref<16x1000xf32, #tpu.memory_space<vmem>>, vector<1x16xf32>,
        %get3A_446 = vector.shape_cast %get3A_445 : vector<1x16xf32> to vector<16xf32>
        %get3A_447 = arith.index_cast %scan3A_218 : i32 to index
        %get3A_448 = arith.constant 224 : index
        %get3A_449 = tpu.vector_load %arg24[%get3A_447, %get3A_448] {strides = array<i32>} : memref<16x1024xf32, #tpu.memory_space<vmem>>, vector<1x16xf32>,
        %get3A_450 = vector.shape_cast %get3A_449 : vector<1x16xf32> to vector<16xf32>
        %mul3A_451 = arith.mulf %get3A_446, %get3A_4 : vector<16xf32>
        %mul3A_452 = arith.mulf %get3A_450, %sub3A_6 : vector<16xf32>
        %add3A_453 = arith.addf %mul3A_451, %mul3A_452 : vector<16xf32>
        %swap3A_454 = arith.index_cast %scan3A_218 : i32 to index
        %swap3A_455 = arith.constant 224 : index
        %swap3A_456 = tpu.vector_load %arg25[%swap3A_454, %swap3A_455] {strides = array<i32>} : memref<16x1000xf32, #tpu.memory_space<vmem>>, vector<1x16xf32>,
        %swap3A_457 = vector.shape_cast %swap3A_456 : vector<1x16xf32> to vector<16xf32>
        %swap3A_458 = vector.shape_cast %add3A_453 : vector<16xf32> to vector<1x16xf32>
        tpu.vector_store %arg25[%swap3A_454, %swap3A_455], %swap3A_458 {strides = array<i32>} : memref<16x1000xf32, #tpu.memory_space<vmem>>, vector<1x16xf32>,
        %get3A_459 = arith.index_cast %scan3A_218 : i32 to index
        %get3A_460 = arith.constant 240 : index
        %get3A_461 = tpu.vector_load %arg23[%get3A_459, %get3A_460] {strides = array<i32>} : memref<16x1000xf32, #tpu.memory_space<vmem>>, vector<1x16xf32>,
        %get3A_462 = vector.shape_cast %get3A_461 : vector<1x16xf32> to vector<16xf32>
        %get3A_463 = arith.index_cast %scan3A_218 : i32 to index
        %get3A_464 = arith.constant 240 : index
        %get3A_465 = tpu.vector_load %arg24[%get3A_463, %get3A_464] {strides = array<i32>} : memref<16x1024xf32, #tpu.memory_space<vmem>>, vector<1x16xf32>,
        %get3A_466 = vector.shape_cast %get3A_465 : vector<1x16xf32> to vector<16xf32>
        %mul3A_467 = arith.mulf %get3A_462, %get3A_4 : vector<16xf32>
        %mul3A_468 = arith.mulf %get3A_466, %sub3A_6 : vector<16xf32>
        %add3A_469 = arith.addf %mul3A_467, %mul3A_468 : vector<16xf32>
        %swap3A_470 = arith.index_cast %scan3A_218 : i32 to index
        %swap3A_471 = arith.constant 240 : index
        %swap3A_472 = tpu.vector_load %arg25[%swap3A_470, %swap3A_471] {strides = array<i32>} : memref<16x1000xf32, #tpu.memory_space<vmem>>, vector<1x16xf32>,
        %swap3A_473 = vector.shape_cast %swap3A_472 : vector<1x16xf32> to vector<16xf32>
        %swap3A_474 = vector.shape_cast %add3A_469 : vector<16xf32> to vector<1x16xf32>
        tpu.vector_store %arg25[%swap3A_470, %swap3A_471], %swap3A_474 {strides = array<i32>} : memref<16x1000xf32, #tpu.memory_space<vmem>>, vector<1x16xf32>,
        %get3A_475 = arith.index_cast %scan3A_218 : i32 to index
        %get3A_476 = arith.constant 256 : index
        %get3A_477 = tpu.vector_load %arg23[%get3A_475, %get3A_476] {strides = array<i32>} : memref<16x1000xf32, #tpu.memory_space<vmem>>, vector<1x16xf32>,
        %get3A_478 = vector.shape_cast %get3A_477 : vector<1x16xf32> to vector<16xf32>
        %get3A_479 = arith.index_cast %scan3A_218 : i32 to index
        %get3A_480 = arith.constant 256 : index
        %get3A_481 = tpu.vector_load %arg24[%get3A_479, %get3A_480] {strides = array<i32>} : memref<16x1024xf32, #tpu.memory_space<vmem>>, vector<1x16xf32>,
        %get3A_482 = vector.shape_cast %get3A_481 : vector<1x16xf32> to vector<16xf32>
        %mul3A_483 = arith.mulf %get3A_478, %get3A_4 : vector<16xf32>
        %mul3A_484 = arith.mulf %get3A_482, %sub3A_6 : vector<16xf32>
        %add3A_485 = arith.addf %mul3A_483, %mul3A_484 : vector<16xf32>
        %swap3A_486 = arith.index_cast %scan3A_218 : i32 to index
        %swap3A_487 = arith.constant 256 : index
        %swap3A_488 = tpu.vector_load %arg25[%swap3A_486, %swap3A_487] {strides = array<i32>} : memref<16x1000xf32, #tpu.memory_space<vmem>>, vector<1x16xf32>,
        %swap3A_489 = vector.shape_cast %swap3A_488 : vector<1x16xf32> to vector<16xf32>
        %swap3A_490 = vector.shape_cast %add3A_485 : vector<16xf32> to vector<1x16xf32>
        tpu.vector_store %arg25[%swap3A_486, %swap3A_487], %swap3A_490 {strides = array<i32>} : memref<16x1000xf32, #tpu.memory_space<vmem>>, vector<1x16xf32>,
        %get3A_491 = arith.index_cast %scan3A_218 : i32 to index
        %get3A_492 = arith.constant 272 : index
        %get3A_493 = tpu.vector_load %arg23[%get3A_491, %get3A_492] {strides = array<i32>} : memref<16x1000xf32, #tpu.memory_space<vmem>>, vector<1x16xf32>,
        %get3A_494 = vector.shape_cast %get3A_493 : vector<1x16xf32> to vector<16xf32>
        %get3A_495 = arith.index_cast %scan3A_218 : i32 to index
        %get3A_496 = arith.constant 272 : index
        %get3A_497 = tpu.vector_load %arg24[%get3A_495, %get3A_496] {strides = array<i32>} : memref<16x1024xf32, #tpu.memory_space<vmem>>, vector<1x16xf32>,
        %get3A_498 = vector.shape_cast %get3A_497 : vector<1x16xf32> to vector<16xf32>
        %mul3A_499 = arith.mulf %get3A_494, %get3A_4 : vector<16xf32>
        %mul3A_500 = arith.mulf %get3A_498, %sub3A_6 : vector<16xf32>
        %add3A_501 = arith.addf %mul3A_499, %mul3A_500 : vector<16xf32>
        %swap3A_502 = arith.index_cast %scan3A_218 : i32 to index
        %swap3A_503 = arith.constant 272 : index
        %swap3A_504 = tpu.vector_load %arg25[%swap3A_502, %swap3A_503] {strides = array<i32>} : memref<16x1000xf32, #tpu.memory_space<vmem>>, vector<1x16xf32>,
        %swap3A_505 = vector.shape_cast %swap3A_504 : vector<1x16xf32> to vector<16xf32>
        %swap3A_506 = vector.shape_cast %add3A_501 : vector<16xf32> to vector<1x16xf32>
        tpu.vector_store %arg25[%swap3A_502, %swap3A_503], %swap3A_506 {strides = array<i32>} : memref<16x1000xf32, #tpu.memory_space<vmem>>, vector<1x16xf32>,
        %get3A_507 = arith.index_cast %scan3A_218 : i32 to index
        %get3A_508 = arith.constant 288 : index
        %get3A_509 = tpu.vector_load %arg23[%get3A_507, %get3A_508] {strides = array<i32>} : memref<16x1000xf32, #tpu.memory_space<vmem>>, vector<1x16xf32>,
        %get3A_510 = vector.shape_cast %get3A_509 : vector<1x16xf32> to vector<16xf32>
        %get3A_511 = arith.index_cast %scan3A_218 : i32 to index
        %get3A_512 = arith.constant 288 : index
        %get3A_513 = tpu.vector_load %arg24[%get3A_511, %get3A_512] {strides = array<i32>} : memref<16x1024xf32, #tpu.memory_space<vmem>>, vector<1x16xf32>,
        %get3A_514 = vector.shape_cast %get3A_513 : vector<1x16xf32> to vector<16xf32>
        %mul3A_515 = arith.mulf %get3A_510, %get3A_4 : vector<16xf32>
        %mul3A_516 = arith.mulf %get3A_514, %sub3A_6 : vector<16xf32>
        %add3A_517 = arith.addf %mul3A_515, %mul3A_516 : vector<16xf32>
        %swap3A_518 = arith.index_cast %scan3A_218 : i32 to index
        %swap3A_519 = arith.constant 288 : index
        %swap3A_520 = tpu.vector_load %arg25[%swap3A_518, %swap3A_519] {strides = array<i32>} : memref<16x1000xf32, #tpu.memory_space<vmem>>, vector<1x16xf32>,
        %swap3A_521 = vector.shape_cast %swap3A_520 : vector<1x16xf32> to vector<16xf32>
        %swap3A_522 = vector.shape_cast %add3A_517 : vector<16xf32> to vector<1x16xf32>
        tpu.vector_store %arg25[%swap3A_518, %swap3A_519], %swap3A_522 {strides = array<i32>} : memref<16x1000xf32, #tpu.memory_space<vmem>>, vector<1x16xf32>,
        %get3A_523 = arith.index_cast %scan3A_218 : i32 to index
        %get3A_524 = arith.constant 304 : index
        %get3A_525 = tpu.vector_load %arg23[%get3A_523, %get3A_524] {strides = array<i32>} : memref<16x1000xf32, #tpu.memory_space<vmem>>, vector<1x16xf32>,
        %get3A_526 = vector.shape_cast %get3A_525 : vector<1x16xf32> to vector<16xf32>
        %get3A_527 = arith.index_cast %scan3A_218 : i32 to index
        %get3A_528 = arith.constant 304 : index
        %get3A_529 = tpu.vector_load %arg24[%get3A_527, %get3A_528] {strides = array<i32>} : memref<16x1024xf32, #tpu.memory_space<vmem>>, vector<1x16xf32>,
        %get3A_530 = vector.shape_cast %get3A_529 : vector<1x16xf32> to vector<16xf32>
        %mul3A_531 = arith.mulf %get3A_526, %get3A_4 : vector<16xf32>
        %mul3A_532 = arith.mulf %get3A_530, %sub3A_6 : vector<16xf32>
        %add3A_533 = arith.addf %mul3A_531, %mul3A_532 : vector<16xf32>
        %swap3A_534 = arith.index_cast %scan3A_218 : i32 to index
        %swap3A_535 = arith.constant 304 : index
        %swap3A_536 = tpu.vector_load %arg25[%swap3A_534, %swap3A_535] {strides = array<i32>} : memref<16x1000xf32, #tpu.memory_space<vmem>>, vector<1x16xf32>,
        %swap3A_537 = vector.shape_cast %swap3A_536 : vector<1x16xf32> to vector<16xf32>
        %swap3A_538 = vector.shape_cast %add3A_533 : vector<16xf32> to vector<1x16xf32>
        tpu.vector_store %arg25[%swap3A_534, %swap3A_535], %swap3A_538 {strides = array<i32>} : memref<16x1000xf32, #tpu.memory_space<vmem>>, vector<1x16xf32>,
        %get3A_539 = arith.index_cast %scan3A_218 : i32 to index
        %get3A_540 = arith.constant 320 : index
        %get3A_541 = tpu.vector_load %arg23[%get3A_539, %get3A_540] {strides = array<i32>} : memref<16x1000xf32, #tpu.memory_space<vmem>>, vector<1x16xf32>,
        %get3A_542 = vector.shape_cast %get3A_541 : vector<1x16xf32> to vector<16xf32>
        %get3A_543 = arith.index_cast %scan3A_218 : i32 to index
        %get3A_544 = arith.constant 320 : index
        %get3A_545 = tpu.vector_load %arg24[%get3A_543, %get3A_544] {strides = array<i32>} : memref<16x1024xf32, #tpu.memory_space<vmem>>, vector<1x16xf32>,
        %get3A_546 = vector.shape_cast %get3A_545 : vector<1x16xf32> to vector<16xf32>
        %mul3A_547 = arith.mulf %get3A_542, %get3A_4 : vector<16xf32>
        %mul3A_548 = arith.mulf %get3A_546, %sub3A_6 : vector<16xf32>
        %add3A_549 = arith.addf %mul3A_547, %mul3A_548 : vector<16xf32>
        %swap3A_550 = arith.index_cast %scan3A_218 : i32 to index
        %swap3A_551 = arith.constant 320 : index
        %swap3A_552 = tpu.vector_load %arg25[%swap3A_550, %swap3A_551] {strides = array<i32>} : memref<16x1000xf32, #tpu.memory_space<vmem>>, vector<1x16xf32>,
        %swap3A_553 = vector.shape_cast %swap3A_552 : vector<1x16xf32> to vector<16xf32>
        %swap3A_554 = vector.shape_cast %add3A_549 : vector<16xf32> to vector<1x16xf32>
        tpu.vector_store %arg25[%swap3A_550, %swap3A_551], %swap3A_554 {strides = array<i32>} : memref<16x1000xf32, #tpu.memory_space<vmem>>, vector<1x16xf32>,
        %get3A_555 = arith.index_cast %scan3A_218 : i32 to index
        %get3A_556 = arith.constant 336 : index
        %get3A_557 = tpu.vector_load %arg23[%get3A_555, %get3A_556] {strides = array<i32>} : memref<16x1000xf32, #tpu.memory_space<vmem>>, vector<1x16xf32>,
        %get3A_558 = vector.shape_cast %get3A_557 : vector<1x16xf32> to vector<16xf32>
        %get3A_559 = arith.index_cast %scan3A_218 : i32 to index
        %get3A_560 = arith.constant 336 : index
        %get3A_561 = tpu.vector_load %arg24[%get3A_559, %get3A_560] {strides = array<i32>} : memref<16x1024xf32, #tpu.memory_space<vmem>>, vector<1x16xf32>,
        %get3A_562 = vector.shape_cast %get3A_561 : vector<1x16xf32> to vector<16xf32>
        %mul3A_563 = arith.mulf %get3A_558, %get3A_4 : vector<16xf32>
        %mul3A_564 = arith.mulf %get3A_562, %sub3A_6 : vector<16xf32>
        %add3A_565 = arith.addf %mul3A_563, %mul3A_564 : vector<16xf32>
        %swap3A_566 = arith.index_cast %scan3A_218 : i32 to index
        %swap3A_567 = arith.constant 336 : index
        %swap3A_568 = tpu.vector_load %arg25[%swap3A_566, %swap3A_567] {strides = array<i32>} : memref<16x1000xf32, #tpu.memory_space<vmem>>, vector<1x16xf32>,
        %swap3A_569 = vector.shape_cast %swap3A_568 : vector<1x16xf32> to vector<16xf32>
        %swap3A_570 = vector.shape_cast %add3A_565 : vector<16xf32> to vector<1x16xf32>
        tpu.vector_store %arg25[%swap3A_566, %swap3A_567], %swap3A_570 {strides = array<i32>} : memref<16x1000xf32, #tpu.memory_space<vmem>>, vector<1x16xf32>,
        %get3A_571 = arith.index_cast %scan3A_218 : i32 to index
        %get3A_572 = arith.constant 352 : index
        %get3A_573 = tpu.vector_load %arg23[%get3A_571, %get3A_572] {strides = array<i32>} : memref<16x1000xf32, #tpu.memory_space<vmem>>, vector<1x16xf32>,
        %get3A_574 = vector.shape_cast %get3A_573 : vector<1x16xf32> to vector<16xf32>
        %get3A_575 = arith.index_cast %scan3A_218 : i32 to index
        %get3A_576 = arith.constant 352 : index
        %get3A_577 = tpu.vector_load %arg24[%get3A_575, %get3A_576] {strides = array<i32>} : memref<16x1024xf32, #tpu.memory_space<vmem>>, vector<1x16xf32>,
        %get3A_578 = vector.shape_cast %get3A_577 : vector<1x16xf32> to vector<16xf32>
        %mul3A_579 = arith.mulf %get3A_574, %get3A_4 : vector<16xf32>
        %mul3A_580 = arith.mulf %get3A_578, %sub3A_6 : vector<16xf32>
        %add3A_581 = arith.addf %mul3A_579, %mul3A_580 : vector<16xf32>
        %swap3A_582 = arith.index_cast %scan3A_218 : i32 to index
        %swap3A_583 = arith.constant 352 : index
        %swap3A_584 = tpu.vector_load %arg25[%swap3A_582, %swap3A_583] {strides = array<i32>} : memref<16x1000xf32, #tpu.memory_space<vmem>>, vector<1x16xf32>,
        %swap3A_585 = vector.shape_cast %swap3A_584 : vector<1x16xf32> to vector<16xf32>
        %swap3A_586 = vector.shape_cast %add3A_581 : vector<16xf32> to vector<1x16xf32>
        tpu.vector_store %arg25[%swap3A_582, %swap3A_583], %swap3A_586 {strides = array<i32>} : memref<16x1000xf32, #tpu.memory_space<vmem>>, vector<1x16xf32>,
        %get3A_587 = arith.index_cast %scan3A_218 : i32 to index
        %get3A_588 = arith.constant 368 : index
        %get3A_589 = tpu.vector_load %arg23[%get3A_587, %get3A_588] {strides = array<i32>} : memref<16x1000xf32, #tpu.memory_space<vmem>>, vector<1x16xf32>,
        %get3A_590 = vector.shape_cast %get3A_589 : vector<1x16xf32> to vector<16xf32>
        %get3A_591 = arith.index_cast %scan3A_218 : i32 to index
        %get3A_592 = arith.constant 368 : index
        %get3A_593 = tpu.vector_load %arg24[%get3A_591, %get3A_592] {strides = array<i32>} : memref<16x1024xf32, #tpu.memory_space<vmem>>, vector<1x16xf32>,
        %get3A_594 = vector.shape_cast %get3A_593 : vector<1x16xf32> to vector<16xf32>
        %mul3A_595 = arith.mulf %get3A_590, %get3A_4 : vector<16xf32>
        %mul3A_596 = arith.mulf %get3A_594, %sub3A_6 : vector<16xf32>
        %add3A_597 = arith.addf %mul3A_595, %mul3A_596 : vector<16xf32>
        %swap3A_598 = arith.index_cast %scan3A_218 : i32 to index
        %swap3A_599 = arith.constant 368 : index
        %swap3A_600 = tpu.vector_load %arg25[%swap3A_598, %swap3A_599] {strides = array<i32>} : memref<16x1000xf32, #tpu.memory_space<vmem>>, vector<1x16xf32>,
        %swap3A_601 = vector.shape_cast %swap3A_600 : vector<1x16xf32> to vector<16xf32>
        %swap3A_602 = vector.shape_cast %add3A_597 : vector<16xf32> to vector<1x16xf32>
        tpu.vector_store %arg25[%swap3A_598, %swap3A_599], %swap3A_602 {strides = array<i32>} : memref<16x1000xf32, #tpu.memory_space<vmem>>, vector<1x16xf32>,
        %get3A_603 = arith.index_cast %scan3A_218 : i32 to index
        %get3A_604 = arith.constant 384 : index
        %get3A_605 = tpu.vector_load %arg23[%get3A_603, %get3A_604] {strides = array<i32>} : memref<16x1000xf32, #tpu.memory_space<vmem>>, vector<1x16xf32>,
        %get3A_606 = vector.shape_cast %get3A_605 : vector<1x16xf32> to vector<16xf32>
        %get3A_607 = arith.index_cast %scan3A_218 : i32 to index
        %get3A_608 = arith.constant 384 : index
        %get3A_609 = tpu.vector_load %arg24[%get3A_607, %get3A_608] {strides = array<i32>} : memref<16x1024xf32, #tpu.memory_space<vmem>>, vector<1x16xf32>,
        %get3A_610 = vector.shape_cast %get3A_609 : vector<1x16xf32> to vector<16xf32>
        %mul3A_611 = arith.mulf %get3A_606, %get3A_4 : vector<16xf32>
        %mul3A_612 = arith.mulf %get3A_610, %sub3A_6 : vector<16xf32>
        %add3A_613 = arith.addf %mul3A_611, %mul3A_612 : vector<16xf32>
        %swap3A_614 = arith.index_cast %scan3A_218 : i32 to index
        %swap3A_615 = arith.constant 384 : index
        %swap3A_616 = tpu.vector_load %arg25[%swap3A_614, %swap3A_615] {strides = array<i32>} : memref<16x1000xf32, #tpu.memory_space<vmem>>, vector<1x16xf32>,
        %swap3A_617 = vector.shape_cast %swap3A_616 : vector<1x16xf32> to vector<16xf32>
        %swap3A_618 = vector.shape_cast %add3A_613 : vector<16xf32> to vector<1x16xf32>
        tpu.vector_store %arg25[%swap3A_614, %swap3A_615], %swap3A_618 {strides = array<i32>} : memref<16x1000xf32, #tpu.memory_space<vmem>>, vector<1x16xf32>,
        %get3A_619 = arith.index_cast %scan3A_218 : i32 to index
        %get3A_620 = arith.constant 400 : index
        %get3A_621 = tpu.vector_load %arg23[%get3A_619, %get3A_620] {strides = array<i32>} : memref<16x1000xf32, #tpu.memory_space<vmem>>, vector<1x16xf32>,
        %get3A_622 = vector.shape_cast %get3A_621 : vector<1x16xf32> to vector<16xf32>
        %get3A_623 = arith.index_cast %scan3A_218 : i32 to index
        %get3A_624 = arith.constant 400 : index
        %get3A_625 = tpu.vector_load %arg24[%get3A_623, %get3A_624] {strides = array<i32>} : memref<16x1024xf32, #tpu.memory_space<vmem>>, vector<1x16xf32>,
        %get3A_626 = vector.shape_cast %get3A_625 : vector<1x16xf32> to vector<16xf32>
        %mul3A_627 = arith.mulf %get3A_622, %get3A_4 : vector<16xf32>
        %mul3A_628 = arith.mulf %get3A_626, %sub3A_6 : vector<16xf32>
        %add3A_629 = arith.addf %mul3A_627, %mul3A_628 : vector<16xf32>
        %swap3A_630 = arith.index_cast %scan3A_218 : i32 to index
        %swap3A_631 = arith.constant 400 : index
        %swap3A_632 = tpu.vector_load %arg25[%swap3A_630, %swap3A_631] {strides = array<i32>} : memref<16x1000xf32, #tpu.memory_space<vmem>>, vector<1x16xf32>,
        %swap3A_633 = vector.shape_cast %swap3A_632 : vector<1x16xf32> to vector<16xf32>
        %swap3A_634 = vector.shape_cast %add3A_629 : vector<16xf32> to vector<1x16xf32>
        tpu.vector_store %arg25[%swap3A_630, %swap3A_631], %swap3A_634 {strides = array<i32>} : memref<16x1000xf32, #tpu.memory_space<vmem>>, vector<1x16xf32>,
        %get3A_635 = arith.index_cast %scan3A_218 : i32 to index
        %get3A_636 = arith.constant 416 : index
        %get3A_637 = tpu.vector_load %arg23[%get3A_635, %get3A_636] {strides = array<i32>} : memref<16x1000xf32, #tpu.memory_space<vmem>>, vector<1x16xf32>,
        %get3A_638 = vector.shape_cast %get3A_637 : vector<1x16xf32> to vector<16xf32>
        %get3A_639 = arith.index_cast %scan3A_218 : i32 to index
        %get3A_640 = arith.constant 416 : index
        %get3A_641 = tpu.vector_load %arg24[%get3A_639, %get3A_640] {strides = array<i32>} : memref<16x1024xf32, #tpu.memory_space<vmem>>, vector<1x16xf32>,
        %get3A_642 = vector.shape_cast %get3A_641 : vector<1x16xf32> to vector<16xf32>
        %mul3A_643 = arith.mulf %get3A_638, %get3A_4 : vector<16xf32>
        %mul3A_644 = arith.mulf %get3A_642, %sub3A_6 : vector<16xf32>
        %add3A_645 = arith.addf %mul3A_643, %mul3A_644 : vector<16xf32>
        %swap3A_646 = arith.index_cast %scan3A_218 : i32 to index
        %swap3A_647 = arith.constant 416 : index
        %swap3A_648 = tpu.vector_load %arg25[%swap3A_646, %swap3A_647] {strides = array<i32>} : memref<16x1000xf32, #tpu.memory_space<vmem>>, vector<1x16xf32>,
        %swap3A_649 = vector.shape_cast %swap3A_648 : vector<1x16xf32> to vector<16xf32>
        %swap3A_650 = vector.shape_cast %add3A_645 : vector<16xf32> to vector<1x16xf32>
        tpu.vector_store %arg25[%swap3A_646, %swap3A_647], %swap3A_650 {strides = array<i32>} : memref<16x1000xf32, #tpu.memory_space<vmem>>, vector<1x16xf32>,
        %get3A_651 = arith.index_cast %scan3A_218 : i32 to index
        %get3A_652 = arith.constant 432 : index
        %get3A_653 = tpu.vector_load %arg23[%get3A_651, %get3A_652] {strides = array<i32>} : memref<16x1000xf32, #tpu.memory_space<vmem>>, vector<1x16xf32>,
        %get3A_654 = vector.shape_cast %get3A_653 : vector<1x16xf32> to vector<16xf32>
        %get3A_655 = arith.index_cast %scan3A_218 : i32 to index
        %get3A_656 = arith.constant 432 : index
        %get3A_657 = tpu.vector_load %arg24[%get3A_655, %get3A_656] {strides = array<i32>} : memref<16x1024xf32, #tpu.memory_space<vmem>>, vector<1x16xf32>,
        %get3A_658 = vector.shape_cast %get3A_657 : vector<1x16xf32> to vector<16xf32>
        %mul3A_659 = arith.mulf %get3A_654, %get3A_4 : vector<16xf32>
        %mul3A_660 = arith.mulf %get3A_658, %sub3A_6 : vector<16xf32>
        %add3A_661 = arith.addf %mul3A_659, %mul3A_660 : vector<16xf32>
        %swap3A_662 = arith.index_cast %scan3A_218 : i32 to index
        %swap3A_663 = arith.constant 432 : index
        %swap3A_664 = tpu.vector_load %arg25[%swap3A_662, %swap3A_663] {strides = array<i32>} : memref<16x1000xf32, #tpu.memory_space<vmem>>, vector<1x16xf32>,
        %swap3A_665 = vector.shape_cast %swap3A_664 : vector<1x16xf32> to vector<16xf32>
        %swap3A_666 = vector.shape_cast %add3A_661 : vector<16xf32> to vector<1x16xf32>
        tpu.vector_store %arg25[%swap3A_662, %swap3A_663], %swap3A_666 {strides = array<i32>} : memref<16x1000xf32, #tpu.memory_space<vmem>>, vector<1x16xf32>,
        %get3A_667 = arith.index_cast %scan3A_218 : i32 to index
        %get3A_668 = arith.constant 448 : index
        %get3A_669 = tpu.vector_load %arg23[%get3A_667, %get3A_668] {strides = array<i32>} : memref<16x1000xf32, #tpu.memory_space<vmem>>, vector<1x16xf32>,
        %get3A_670 = vector.shape_cast %get3A_669 : vector<1x16xf32> to vector<16xf32>
        %get3A_671 = arith.index_cast %scan3A_218 : i32 to index
        %get3A_672 = arith.constant 448 : index
        %get3A_673 = tpu.vector_load %arg24[%get3A_671, %get3A_672] {strides = array<i32>} : memref<16x1024xf32, #tpu.memory_space<vmem>>, vector<1x16xf32>,
        %get3A_674 = vector.shape_cast %get3A_673 : vector<1x16xf32> to vector<16xf32>
        %mul3A_675 = arith.mulf %get3A_670, %get3A_4 : vector<16xf32>
        %mul3A_676 = arith.mulf %get3A_674, %sub3A_6 : vector<16xf32>
        %add3A_677 = arith.addf %mul3A_675, %mul3A_676 : vector<16xf32>
        %swap3A_678 = arith.index_cast %scan3A_218 : i32 to index
        %swap3A_679 = arith.constant 448 : index
        %swap3A_680 = tpu.vector_load %arg25[%swap3A_678, %swap3A_679] {strides = array<i32>} : memref<16x1000xf32, #tpu.memory_space<vmem>>, vector<1x16xf32>,
        %swap3A_681 = vector.shape_cast %swap3A_680 : vector<1x16xf32> to vector<16xf32>
        %swap3A_682 = vector.shape_cast %add3A_677 : vector<16xf32> to vector<1x16xf32>
        tpu.vector_store %arg25[%swap3A_678, %swap3A_679], %swap3A_682 {strides = array<i32>} : memref<16x1000xf32, #tpu.memory_space<vmem>>, vector<1x16xf32>,
        %get3A_683 = arith.index_cast %scan3A_218 : i32 to index
        %get3A_684 = arith.constant 464 : index
        %get3A_685 = tpu.vector_load %arg23[%get3A_683, %get3A_684] {strides = array<i32>} : memref<16x1000xf32, #tpu.memory_space<vmem>>, vector<1x16xf32>,
        %get3A_686 = vector.shape_cast %get3A_685 : vector<1x16xf32> to vector<16xf32>
        %get3A_687 = arith.index_cast %scan3A_218 : i32 to index
        %get3A_688 = arith.constant 464 : index
        %get3A_689 = tpu.vector_load %arg24[%get3A_687, %get3A_688] {strides = array<i32>} : memref<16x1024xf32, #tpu.memory_space<vmem>>, vector<1x16xf32>,
        %get3A_690 = vector.shape_cast %get3A_689 : vector<1x16xf32> to vector<16xf32>
        %mul3A_691 = arith.mulf %get3A_686, %get3A_4 : vector<16xf32>
        %mul3A_692 = arith.mulf %get3A_690, %sub3A_6 : vector<16xf32>
        %add3A_693 = arith.addf %mul3A_691, %mul3A_692 : vector<16xf32>
        %swap3A_694 = arith.index_cast %scan3A_218 : i32 to index
        %swap3A_695 = arith.constant 464 : index
        %swap3A_696 = tpu.vector_load %arg25[%swap3A_694, %swap3A_695] {strides = array<i32>} : memref<16x1000xf32, #tpu.memory_space<vmem>>, vector<1x16xf32>,
        %swap3A_697 = vector.shape_cast %swap3A_696 : vector<1x16xf32> to vector<16xf32>
        %swap3A_698 = vector.shape_cast %add3A_693 : vector<16xf32> to vector<1x16xf32>
        tpu.vector_store %arg25[%swap3A_694, %swap3A_695], %swap3A_698 {strides = array<i32>} : memref<16x1000xf32, #tpu.memory_space<vmem>>, vector<1x16xf32>,
        %get3A_699 = arith.index_cast %scan3A_218 : i32 to index
        %get3A_700 = arith.constant 480 : index
        %get3A_701 = tpu.vector_load %arg23[%get3A_699, %get3A_700] {strides = array<i32>} : memref<16x1000xf32, #tpu.memory_space<vmem>>, vector<1x16xf32>,
        %get3A_702 = vector.shape_cast %get3A_701 : vector<1x16xf32> to vector<16xf32>
        %get3A_703 = arith.index_cast %scan3A_218 : i32 to index
        %get3A_704 = arith.constant 480 : index
        %get3A_705 = tpu.vector_load %arg24[%get3A_703, %get3A_704] {strides = array<i32>} : memref<16x1024xf32, #tpu.memory_space<vmem>>, vector<1x16xf32>,
        %get3A_706 = vector.shape_cast %get3A_705 : vector<1x16xf32> to vector<16xf32>
        %mul3A_707 = arith.mulf %get3A_702, %get3A_4 : vector<16xf32>
        %mul3A_708 = arith.mulf %get3A_706, %sub3A_6 : vector<16xf32>
        %add3A_709 = arith.addf %mul3A_707, %mul3A_708 : vector<16xf32>
        %swap3A_710 = arith.index_cast %scan3A_218 : i32 to index
        %swap3A_711 = arith.constant 480 : index
        %swap3A_712 = tpu.vector_load %arg25[%swap3A_710, %swap3A_711] {strides = array<i32>} : memref<16x1000xf32, #tpu.memory_space<vmem>>, vector<1x16xf32>,
        %swap3A_713 = vector.shape_cast %swap3A_712 : vector<1x16xf32> to vector<16xf32>
        %swap3A_714 = vector.shape_cast %add3A_709 : vector<16xf32> to vector<1x16xf32>
        tpu.vector_store %arg25[%swap3A_710, %swap3A_711], %swap3A_714 {strides = array<i32>} : memref<16x1000xf32, #tpu.memory_space<vmem>>, vector<1x16xf32>,
        %get3A_715 = arith.index_cast %scan3A_218 : i32 to index
        %get3A_716 = arith.constant 496 : index
        %get3A_717 = tpu.vector_load %arg23[%get3A_715, %get3A_716] {strides = array<i32>} : memref<16x1000xf32, #tpu.memory_space<vmem>>, vector<1x16xf32>,
        %get3A_718 = vector.shape_cast %get3A_717 : vector<1x16xf32> to vector<16xf32>
        %get3A_719 = arith.index_cast %scan3A_218 : i32 to index
        %get3A_720 = arith.constant 496 : index
        %get3A_721 = tpu.vector_load %arg24[%get3A_719, %get3A_720] {strides = array<i32>} : memref<16x1024xf32, #tpu.memory_space<vmem>>, vector<1x16xf32>,
        %get3A_722 = vector.shape_cast %get3A_721 : vector<1x16xf32> to vector<16xf32>
        %mul3A_723 = arith.mulf %get3A_718, %get3A_4 : vector<16xf32>
        %mul3A_724 = arith.mulf %get3A_722, %sub3A_6 : vector<16xf32>
        %add3A_725 = arith.addf %mul3A_723, %mul3A_724 : vector<16xf32>
        %swap3A_726 = arith.index_cast %scan3A_218 : i32 to index
        %swap3A_727 = arith.constant 496 : index
        %swap3A_728 = tpu.vector_load %arg25[%swap3A_726, %swap3A_727] {strides = array<i32>} : memref<16x1000xf32, #tpu.memory_space<vmem>>, vector<1x16xf32>,
        %swap3A_729 = vector.shape_cast %swap3A_728 : vector<1x16xf32> to vector<16xf32>
        %swap3A_730 = vector.shape_cast %add3A_725 : vector<16xf32> to vector<1x16xf32>
        tpu.vector_store %arg25[%swap3A_726, %swap3A_727], %swap3A_730 {strides = array<i32>} : memref<16x1000xf32, #tpu.memory_space<vmem>>, vector<1x16xf32>,
        %get3A_731 = arith.index_cast %scan3A_218 : i32 to index
        %get3A_732 = arith.constant 512 : index
        %get3A_733 = tpu.vector_load %arg23[%get3A_731, %get3A_732] {strides = array<i32>} : memref<16x1000xf32, #tpu.memory_space<vmem>>, vector<1x16xf32>,
        %get3A_734 = vector.shape_cast %get3A_733 : vector<1x16xf32> to vector<16xf32>
        %get3A_735 = arith.index_cast %scan3A_218 : i32 to index
        %get3A_736 = arith.constant 512 : index
        %get3A_737 = tpu.vector_load %arg24[%get3A_735, %get3A_736] {strides = array<i32>} : memref<16x1024xf32, #tpu.memory_space<vmem>>, vector<1x16xf32>,
        %get3A_738 = vector.shape_cast %get3A_737 : vector<1x16xf32> to vector<16xf32>
        %mul3A_739 = arith.mulf %get3A_734, %get3A_4 : vector<16xf32>
        %mul3A_740 = arith.mulf %get3A_738, %sub3A_6 : vector<16xf32>
        %add3A_741 = arith.addf %mul3A_739, %mul3A_740 : vector<16xf32>
        %swap3A_742 = arith.index_cast %scan3A_218 : i32 to index
        %swap3A_743 = arith.constant 512 : index
        %swap3A_744 = tpu.vector_load %arg25[%swap3A_742, %swap3A_743] {strides = array<i32>} : memref<16x1000xf32, #tpu.memory_space<vmem>>, vector<1x16xf32>,
        %swap3A_745 = vector.shape_cast %swap3A_744 : vector<1x16xf32> to vector<16xf32>
        %swap3A_746 = vector.shape_cast %add3A_741 : vector<16xf32> to vector<1x16xf32>
        tpu.vector_store %arg25[%swap3A_742, %swap3A_743], %swap3A_746 {strides = array<i32>} : memref<16x1000xf32, #tpu.memory_space<vmem>>, vector<1x16xf32>,
        %get3A_747 = arith.index_cast %scan3A_218 : i32 to index
        %get3A_748 = arith.constant 528 : index
        %get3A_749 = tpu.vector_load %arg23[%get3A_747, %get3A_748] {strides = array<i32>} : memref<16x1000xf32, #tpu.memory_space<vmem>>, vector<1x16xf32>,
        %get3A_750 = vector.shape_cast %get3A_749 : vector<1x16xf32> to vector<16xf32>
        %get3A_751 = arith.index_cast %scan3A_218 : i32 to index
        %get3A_752 = arith.constant 528 : index
        %get3A_753 = tpu.vector_load %arg24[%get3A_751, %get3A_752] {strides = array<i32>} : memref<16x1024xf32, #tpu.memory_space<vmem>>, vector<1x16xf32>,
        %get3A_754 = vector.shape_cast %get3A_753 : vector<1x16xf32> to vector<16xf32>
        %mul3A_755 = arith.mulf %get3A_750, %get3A_4 : vector<16xf32>
        %mul3A_756 = arith.mulf %get3A_754, %sub3A_6 : vector<16xf32>
        %add3A_757 = arith.addf %mul3A_755, %mul3A_756 : vector<16xf32>
        %swap3A_758 = arith.index_cast %scan3A_218 : i32 to index
        %swap3A_759 = arith.constant 528 : index
        %swap3A_760 = tpu.vector_load %arg25[%swap3A_758, %swap3A_759] {strides = array<i32>} : memref<16x1000xf32, #tpu.memory_space<vmem>>, vector<1x16xf32>,
        %swap3A_761 = vector.shape_cast %swap3A_760 : vector<1x16xf32> to vector<16xf32>
        %swap3A_762 = vector.shape_cast %add3A_757 : vector<16xf32> to vector<1x16xf32>
        tpu.vector_store %arg25[%swap3A_758, %swap3A_759], %swap3A_762 {strides = array<i32>} : memref<16x1000xf32, #tpu.memory_space<vmem>>, vector<1x16xf32>,
        %get3A_763 = arith.index_cast %scan3A_218 : i32 to index
        %get3A_764 = arith.constant 544 : index
        %get3A_765 = tpu.vector_load %arg23[%get3A_763, %get3A_764] {strides = array<i32>} : memref<16x1000xf32, #tpu.memory_space<vmem>>, vector<1x16xf32>,
        %get3A_766 = vector.shape_cast %get3A_765 : vector<1x16xf32> to vector<16xf32>
        %get3A_767 = arith.index_cast %scan3A_218 : i32 to index
        %get3A_768 = arith.constant 544 : index
        %get3A_769 = tpu.vector_load %arg24[%get3A_767, %get3A_768] {strides = array<i32>} : memref<16x1024xf32, #tpu.memory_space<vmem>>, vector<1x16xf32>,
        %get3A_770 = vector.shape_cast %get3A_769 : vector<1x16xf32> to vector<16xf32>
        %mul3A_771 = arith.mulf %get3A_766, %get3A_4 : vector<16xf32>
        %mul3A_772 = arith.mulf %get3A_770, %sub3A_6 : vector<16xf32>
        %add3A_773 = arith.addf %mul3A_771, %mul3A_772 : vector<16xf32>
        %swap3A_774 = arith.index_cast %scan3A_218 : i32 to index
        %swap3A_775 = arith.constant 544 : index
        %swap3A_776 = tpu.vector_load %arg25[%swap3A_774, %swap3A_775] {strides = array<i32>} : memref<16x1000xf32, #tpu.memory_space<vmem>>, vector<1x16xf32>,
        %swap3A_777 = vector.shape_cast %swap3A_776 : vector<1x16xf32> to vector<16xf32>
        %swap3A_778 = vector.shape_cast %add3A_773 : vector<16xf32> to vector<1x16xf32>
        tpu.vector_store %arg25[%swap3A_774, %swap3A_775], %swap3A_778 {strides = array<i32>} : memref<16x1000xf32, #tpu.memory_space<vmem>>, vector<1x16xf32>,
        %get3A_779 = arith.index_cast %scan3A_218 : i32 to index
        %get3A_780 = arith.constant 560 : index
        %get3A_781 = tpu.vector_load %arg23[%get3A_779, %get3A_780] {strides = array<i32>} : memref<16x1000xf32, #tpu.memory_space<vmem>>, vector<1x16xf32>,
        %get3A_782 = vector.shape_cast %get3A_781 : vector<1x16xf32> to vector<16xf32>
        %get3A_783 = arith.index_cast %scan3A_218 : i32 to index
        %get3A_784 = arith.constant 560 : index
        %get3A_785 = tpu.vector_load %arg24[%get3A_783, %get3A_784] {strides = array<i32>} : memref<16x1024xf32, #tpu.memory_space<vmem>>, vector<1x16xf32>,
        %get3A_786 = vector.shape_cast %get3A_785 : vector<1x16xf32> to vector<16xf32>
        %mul3A_787 = arith.mulf %get3A_782, %get3A_4 : vector<16xf32>
        %mul3A_788 = arith.mulf %get3A_786, %sub3A_6 : vector<16xf32>
        %add3A_789 = arith.addf %mul3A_787, %mul3A_788 : vector<16xf32>
        %swap3A_790 = arith.index_cast %scan3A_218 : i32 to index
        %swap3A_791 = arith.constant 560 : index
        %swap3A_792 = tpu.vector_load %arg25[%swap3A_790, %swap3A_791] {strides = array<i32>} : memref<16x1000xf32, #tpu.memory_space<vmem>>, vector<1x16xf32>,
        %swap3A_793 = vector.shape_cast %swap3A_792 : vector<1x16xf32> to vector<16xf32>
        %swap3A_794 = vector.shape_cast %add3A_789 : vector<16xf32> to vector<1x16xf32>
        tpu.vector_store %arg25[%swap3A_790, %swap3A_791], %swap3A_794 {strides = array<i32>} : memref<16x1000xf32, #tpu.memory_space<vmem>>, vector<1x16xf32>,
        %get3A_795 = arith.index_cast %scan3A_218 : i32 to index
        %get3A_796 = arith.constant 576 : index
        %get3A_797 = tpu.vector_load %arg23[%get3A_795, %get3A_796] {strides = array<i32>} : memref<16x1000xf32, #tpu.memory_space<vmem>>, vector<1x16xf32>,
        %get3A_798 = vector.shape_cast %get3A_797 : vector<1x16xf32> to vector<16xf32>
        %get3A_799 = arith.index_cast %scan3A_218 : i32 to index
        %get3A_800 = arith.constant 576 : index
        %get3A_801 = tpu.vector_load %arg24[%get3A_799, %get3A_800] {strides = array<i32>} : memref<16x1024xf32, #tpu.memory_space<vmem>>, vector<1x16xf32>,
        %get3A_802 = vector.shape_cast %get3A_801 : vector<1x16xf32> to vector<16xf32>
        %mul3A_803 = arith.mulf %get3A_798, %get3A_4 : vector<16xf32>
        %mul3A_804 = arith.mulf %get3A_802, %sub3A_6 : vector<16xf32>
        %add3A_805 = arith.addf %mul3A_803, %mul3A_804 : vector<16xf32>
        %swap3A_806 = arith.index_cast %scan3A_218 : i32 to index
        %swap3A_807 = arith.constant 576 : index
        %swap3A_808 = tpu.vector_load %arg25[%swap3A_806, %swap3A_807] {strides = array<i32>} : memref<16x1000xf32, #tpu.memory_space<vmem>>, vector<1x16xf32>,
        %swap3A_809 = vector.shape_cast %swap3A_808 : vector<1x16xf32> to vector<16xf32>
        %swap3A_810 = vector.shape_cast %add3A_805 : vector<16xf32> to vector<1x16xf32>
        tpu.vector_store %arg25[%swap3A_806, %swap3A_807], %swap3A_810 {strides = array<i32>} : memref<16x1000xf32, #tpu.memory_space<vmem>>, vector<1x16xf32>,
        %get3A_811 = arith.index_cast %scan3A_218 : i32 to index
        %get3A_812 = arith.constant 592 : index
        %get3A_813 = tpu.vector_load %arg23[%get3A_811, %get3A_812] {strides = array<i32>} : memref<16x1000xf32, #tpu.memory_space<vmem>>, vector<1x16xf32>,
        %get3A_814 = vector.shape_cast %get3A_813 : vector<1x16xf32> to vector<16xf32>
        %get3A_815 = arith.index_cast %scan3A_218 : i32 to index
        %get3A_816 = arith.constant 592 : index
        %get3A_817 = tpu.vector_load %arg24[%get3A_815, %get3A_816] {strides = array<i32>} : memref<16x1024xf32, #tpu.memory_space<vmem>>, vector<1x16xf32>,
        %get3A_818 = vector.shape_cast %get3A_817 : vector<1x16xf32> to vector<16xf32>
        %mul3A_819 = arith.mulf %get3A_814, %get3A_4 : vector<16xf32>
        %mul3A_820 = arith.mulf %get3A_818, %sub3A_6 : vector<16xf32>
        %add3A_821 = arith.addf %mul3A_819, %mul3A_820 : vector<16xf32>
        %swap3A_822 = arith.index_cast %scan3A_218 : i32 to index
        %swap3A_823 = arith.constant 592 : index
        %swap3A_824 = tpu.vector_load %arg25[%swap3A_822, %swap3A_823] {strides = array<i32>} : memref<16x1000xf32, #tpu.memory_space<vmem>>, vector<1x16xf32>,
        %swap3A_825 = vector.shape_cast %swap3A_824 : vector<1x16xf32> to vector<16xf32>
        %swap3A_826 = vector.shape_cast %add3A_821 : vector<16xf32> to vector<1x16xf32>
        tpu.vector_store %arg25[%swap3A_822, %swap3A_823], %swap3A_826 {strides = array<i32>} : memref<16x1000xf32, #tpu.memory_space<vmem>>, vector<1x16xf32>,
        %get3A_827 = arith.index_cast %scan3A_218 : i32 to index
        %get3A_828 = arith.constant 608 : index
        %get3A_829 = tpu.vector_load %arg23[%get3A_827, %get3A_828] {strides = array<i32>} : memref<16x1000xf32, #tpu.memory_space<vmem>>, vector<1x16xf32>,
        %get3A_830 = vector.shape_cast %get3A_829 : vector<1x16xf32> to vector<16xf32>
        %get3A_831 = arith.index_cast %scan3A_218 : i32 to index
        %get3A_832 = arith.constant 608 : index
        %get3A_833 = tpu.vector_load %arg24[%get3A_831, %get3A_832] {strides = array<i32>} : memref<16x1024xf32, #tpu.memory_space<vmem>>, vector<1x16xf32>,
        %get3A_834 = vector.shape_cast %get3A_833 : vector<1x16xf32> to vector<16xf32>
        %mul3A_835 = arith.mulf %get3A_830, %get3A_4 : vector<16xf32>
        %mul3A_836 = arith.mulf %get3A_834, %sub3A_6 : vector<16xf32>
        %add3A_837 = arith.addf %mul3A_835, %mul3A_836 : vector<16xf32>
        %swap3A_838 = arith.index_cast %scan3A_218 : i32 to index
        %swap3A_839 = arith.constant 608 : index
        %swap3A_840 = tpu.vector_load %arg25[%swap3A_838, %swap3A_839] {strides = array<i32>} : memref<16x1000xf32, #tpu.memory_space<vmem>>, vector<1x16xf32>,
        %swap3A_841 = vector.shape_cast %swap3A_840 : vector<1x16xf32> to vector<16xf32>
        %swap3A_842 = vector.shape_cast %add3A_837 : vector<16xf32> to vector<1x16xf32>
        tpu.vector_store %arg25[%swap3A_838, %swap3A_839], %swap3A_842 {strides = array<i32>} : memref<16x1000xf32, #tpu.memory_space<vmem>>, vector<1x16xf32>,
        %get3A_843 = arith.index_cast %scan3A_218 : i32 to index
        %get3A_844 = arith.constant 624 : index
        %get3A_845 = tpu.vector_load %arg23[%get3A_843, %get3A_844] {strides = array<i32>} : memref<16x1000xf32, #tpu.memory_space<vmem>>, vector<1x16xf32>,
        %get3A_846 = vector.shape_cast %get3A_845 : vector<1x16xf32> to vector<16xf32>
        %get3A_847 = arith.index_cast %scan3A_218 : i32 to index
        %get3A_848 = arith.constant 624 : index
        %get3A_849 = tpu.vector_load %arg24[%get3A_847, %get3A_848] {strides = array<i32>} : memref<16x1024xf32, #tpu.memory_space<vmem>>, vector<1x16xf32>,
        %get3A_850 = vector.shape_cast %get3A_849 : vector<1x16xf32> to vector<16xf32>
        %mul3A_851 = arith.mulf %get3A_846, %get3A_4 : vector<16xf32>
        %mul3A_852 = arith.mulf %get3A_850, %sub3A_6 : vector<16xf32>
        %add3A_853 = arith.addf %mul3A_851, %mul3A_852 : vector<16xf32>
        %swap3A_854 = arith.index_cast %scan3A_218 : i32 to index
        %swap3A_855 = arith.constant 624 : index
        %swap3A_856 = tpu.vector_load %arg25[%swap3A_854, %swap3A_855] {strides = array<i32>} : memref<16x1000xf32, #tpu.memory_space<vmem>>, vector<1x16xf32>,
        %swap3A_857 = vector.shape_cast %swap3A_856 : vector<1x16xf32> to vector<16xf32>
        %swap3A_858 = vector.shape_cast %add3A_853 : vector<16xf32> to vector<1x16xf32>
        tpu.vector_store %arg25[%swap3A_854, %swap3A_855], %swap3A_858 {strides = array<i32>} : memref<16x1000xf32, #tpu.memory_space<vmem>>, vector<1x16xf32>,
        %get3A_859 = arith.index_cast %scan3A_218 : i32 to index
        %get3A_860 = arith.constant 640 : index
        %get3A_861 = tpu.vector_load %arg23[%get3A_859, %get3A_860] {strides = array<i32>} : memref<16x1000xf32, #tpu.memory_space<vmem>>, vector<1x16xf32>,
        %get3A_862 = vector.shape_cast %get3A_861 : vector<1x16xf32> to vector<16xf32>
        %get3A_863 = arith.index_cast %scan3A_218 : i32 to index
        %get3A_864 = arith.constant 640 : index
        %get3A_865 = tpu.vector_load %arg24[%get3A_863, %get3A_864] {strides = array<i32>} : memref<16x1024xf32, #tpu.memory_space<vmem>>, vector<1x16xf32>,
        %get3A_866 = vector.shape_cast %get3A_865 : vector<1x16xf32> to vector<16xf32>
        %mul3A_867 = arith.mulf %get3A_862, %get3A_4 : vector<16xf32>
        %mul3A_868 = arith.mulf %get3A_866, %sub3A_6 : vector<16xf32>
        %add3A_869 = arith.addf %mul3A_867, %mul3A_868 : vector<16xf32>
        %swap3A_870 = arith.index_cast %scan3A_218 : i32 to index
        %swap3A_871 = arith.constant 640 : index
        %swap3A_872 = tpu.vector_load %arg25[%swap3A_870, %swap3A_871] {strides = array<i32>} : memref<16x1000xf32, #tpu.memory_space<vmem>>, vector<1x16xf32>,
        %swap3A_873 = vector.shape_cast %swap3A_872 : vector<1x16xf32> to vector<16xf32>
        %swap3A_874 = vector.shape_cast %add3A_869 : vector<16xf32> to vector<1x16xf32>
        tpu.vector_store %arg25[%swap3A_870, %swap3A_871], %swap3A_874 {strides = array<i32>} : memref<16x1000xf32, #tpu.memory_space<vmem>>, vector<1x16xf32>,
        %get3A_875 = arith.index_cast %scan3A_218 : i32 to index
        %get3A_876 = arith.constant 656 : index
        %get3A_877 = tpu.vector_load %arg23[%get3A_875, %get3A_876] {strides = array<i32>} : memref<16x1000xf32, #tpu.memory_space<vmem>>, vector<1x16xf32>,
        %get3A_878 = vector.shape_cast %get3A_877 : vector<1x16xf32> to vector<16xf32>
        %get3A_879 = arith.index_cast %scan3A_218 : i32 to index
        %get3A_880 = arith.constant 656 : index
        %get3A_881 = tpu.vector_load %arg24[%get3A_879, %get3A_880] {strides = array<i32>} : memref<16x1024xf32, #tpu.memory_space<vmem>>, vector<1x16xf32>,
        %get3A_882 = vector.shape_cast %get3A_881 : vector<1x16xf32> to vector<16xf32>
        %mul3A_883 = arith.mulf %get3A_878, %get3A_4 : vector<16xf32>
        %mul3A_884 = arith.mulf %get3A_882, %sub3A_6 : vector<16xf32>
        %add3A_885 = arith.addf %mul3A_883, %mul3A_884 : vector<16xf32>
        %swap3A_886 = arith.index_cast %scan3A_218 : i32 to index
        %swap3A_887 = arith.constant 656 : index
        %swap3A_888 = tpu.vector_load %arg25[%swap3A_886, %swap3A_887] {strides = array<i32>} : memref<16x1000xf32, #tpu.memory_space<vmem>>, vector<1x16xf32>,
        %swap3A_889 = vector.shape_cast %swap3A_888 : vector<1x16xf32> to vector<16xf32>
        %swap3A_890 = vector.shape_cast %add3A_885 : vector<16xf32> to vector<1x16xf32>
        tpu.vector_store %arg25[%swap3A_886, %swap3A_887], %swap3A_890 {strides = array<i32>} : memref<16x1000xf32, #tpu.memory_space<vmem>>, vector<1x16xf32>,
        %get3A_891 = arith.index_cast %scan3A_218 : i32 to index
        %get3A_892 = arith.constant 672 : index
        %get3A_893 = tpu.vector_load %arg23[%get3A_891, %get3A_892] {strides = array<i32>} : memref<16x1000xf32, #tpu.memory_space<vmem>>, vector<1x16xf32>,
        %get3A_894 = vector.shape_cast %get3A_893 : vector<1x16xf32> to vector<16xf32>
        %get3A_895 = arith.index_cast %scan3A_218 : i32 to index
        %get3A_896 = arith.constant 672 : index
        %get3A_897 = tpu.vector_load %arg24[%get3A_895, %get3A_896] {strides = array<i32>} : memref<16x1024xf32, #tpu.memory_space<vmem>>, vector<1x16xf32>,
        %get3A_898 = vector.shape_cast %get3A_897 : vector<1x16xf32> to vector<16xf32>
        %mul3A_899 = arith.mulf %get3A_894, %get3A_4 : vector<16xf32>
        %mul3A_900 = arith.mulf %get3A_898, %sub3A_6 : vector<16xf32>
        %add3A_901 = arith.addf %mul3A_899, %mul3A_900 : vector<16xf32>
        %swap3A_902 = arith.index_cast %scan3A_218 : i32 to index
        %swap3A_903 = arith.constant 672 : index
        %swap3A_904 = tpu.vector_load %arg25[%swap3A_902, %swap3A_903] {strides = array<i32>} : memref<16x1000xf32, #tpu.memory_space<vmem>>, vector<1x16xf32>,
        %swap3A_905 = vector.shape_cast %swap3A_904 : vector<1x16xf32> to vector<16xf32>
        %swap3A_906 = vector.shape_cast %add3A_901 : vector<16xf32> to vector<1x16xf32>
        tpu.vector_store %arg25[%swap3A_902, %swap3A_903], %swap3A_906 {strides = array<i32>} : memref<16x1000xf32, #tpu.memory_space<vmem>>, vector<1x16xf32>,
        %get3A_907 = arith.index_cast %scan3A_218 : i32 to index
        %get3A_908 = arith.constant 688 : index
        %get3A_909 = tpu.vector_load %arg23[%get3A_907, %get3A_908] {strides = array<i32>} : memref<16x1000xf32, #tpu.memory_space<vmem>>, vector<1x16xf32>,
        %get3A_910 = vector.shape_cast %get3A_909 : vector<1x16xf32> to vector<16xf32>
        %get3A_911 = arith.index_cast %scan3A_218 : i32 to index
        %get3A_912 = arith.constant 688 : index
        %get3A_913 = tpu.vector_load %arg24[%get3A_911, %get3A_912] {strides = array<i32>} : memref<16x1024xf32, #tpu.memory_space<vmem>>, vector<1x16xf32>,
        %get3A_914 = vector.shape_cast %get3A_913 : vector<1x16xf32> to vector<16xf32>
        %mul3A_915 = arith.mulf %get3A_910, %get3A_4 : vector<16xf32>
        %mul3A_916 = arith.mulf %get3A_914, %sub3A_6 : vector<16xf32>
        %add3A_917 = arith.addf %mul3A_915, %mul3A_916 : vector<16xf32>
        %swap3A_918 = arith.index_cast %scan3A_218 : i32 to index
        %swap3A_919 = arith.constant 688 : index
        %swap3A_920 = tpu.vector_load %arg25[%swap3A_918, %swap3A_919] {strides = array<i32>} : memref<16x1000xf32, #tpu.memory_space<vmem>>, vector<1x16xf32>,
        %swap3A_921 = vector.shape_cast %swap3A_920 : vector<1x16xf32> to vector<16xf32>
        %swap3A_922 = vector.shape_cast %add3A_917 : vector<16xf32> to vector<1x16xf32>
        tpu.vector_store %arg25[%swap3A_918, %swap3A_919], %swap3A_922 {strides = array<i32>} : memref<16x1000xf32, #tpu.memory_space<vmem>>, vector<1x16xf32>,
        %get3A_923 = arith.index_cast %scan3A_218 : i32 to index
        %get3A_924 = arith.constant 704 : index
        %get3A_925 = tpu.vector_load %arg23[%get3A_923, %get3A_924] {strides = array<i32>} : memref<16x1000xf32, #tpu.memory_space<vmem>>, vector<1x16xf32>,
        %get3A_926 = vector.shape_cast %get3A_925 : vector<1x16xf32> to vector<16xf32>
        %get3A_927 = arith.index_cast %scan3A_218 : i32 to index
        %get3A_928 = arith.constant 704 : index
        %get3A_929 = tpu.vector_load %arg24[%get3A_927, %get3A_928] {strides = array<i32>} : memref<16x1024xf32, #tpu.memory_space<vmem>>, vector<1x16xf32>,
        %get3A_930 = vector.shape_cast %get3A_929 : vector<1x16xf32> to vector<16xf32>
        %mul3A_931 = arith.mulf %get3A_926, %get3A_4 : vector<16xf32>
        %mul3A_932 = arith.mulf %get3A_930, %sub3A_6 : vector<16xf32>
        %add3A_933 = arith.addf %mul3A_931, %mul3A_932 : vector<16xf32>
        %swap3A_934 = arith.index_cast %scan3A_218 : i32 to index
        %swap3A_935 = arith.constant 704 : index
        %swap3A_936 = tpu.vector_load %arg25[%swap3A_934, %swap3A_935] {strides = array<i32>} : memref<16x1000xf32, #tpu.memory_space<vmem>>, vector<1x16xf32>,
        %swap3A_937 = vector.shape_cast %swap3A_936 : vector<1x16xf32> to vector<16xf32>
        %swap3A_938 = vector.shape_cast %add3A_933 : vector<16xf32> to vector<1x16xf32>
        tpu.vector_store %arg25[%swap3A_934, %swap3A_935], %swap3A_938 {strides = array<i32>} : memref<16x1000xf32, #tpu.memory_space<vmem>>, vector<1x16xf32>,
        %get3A_939 = arith.index_cast %scan3A_218 : i32 to index
        %get3A_940 = arith.constant 720 : index
        %get3A_941 = tpu.vector_load %arg23[%get3A_939, %get3A_940] {strides = array<i32>} : memref<16x1000xf32, #tpu.memory_space<vmem>>, vector<1x16xf32>,
        %get3A_942 = vector.shape_cast %get3A_941 : vector<1x16xf32> to vector<16xf32>
        %get3A_943 = arith.index_cast %scan3A_218 : i32 to index
        %get3A_944 = arith.constant 720 : index
        %get3A_945 = tpu.vector_load %arg24[%get3A_943, %get3A_944] {strides = array<i32>} : memref<16x1024xf32, #tpu.memory_space<vmem>>, vector<1x16xf32>,
        %get3A_946 = vector.shape_cast %get3A_945 : vector<1x16xf32> to vector<16xf32>
        %mul3A_947 = arith.mulf %get3A_942, %get3A_4 : vector<16xf32>
        %mul3A_948 = arith.mulf %get3A_946, %sub3A_6 : vector<16xf32>
        %add3A_949 = arith.addf %mul3A_947, %mul3A_948 : vector<16xf32>
        %swap3A_950 = arith.index_cast %scan3A_218 : i32 to index
        %swap3A_951 = arith.constant 720 : index
        %swap3A_952 = tpu.vector_load %arg25[%swap3A_950, %swap3A_951] {strides = array<i32>} : memref<16x1000xf32, #tpu.memory_space<vmem>>, vector<1x16xf32>,
        %swap3A_953 = vector.shape_cast %swap3A_952 : vector<1x16xf32> to vector<16xf32>
        %swap3A_954 = vector.shape_cast %add3A_949 : vector<16xf32> to vector<1x16xf32>
        tpu.vector_store %arg25[%swap3A_950, %swap3A_951], %swap3A_954 {strides = array<i32>} : memref<16x1000xf32, #tpu.memory_space<vmem>>, vector<1x16xf32>,
        %get3A_955 = arith.index_cast %scan3A_218 : i32 to index
        %get3A_956 = arith.constant 736 : index
        %get3A_957 = tpu.vector_load %arg23[%get3A_955, %get3A_956] {strides = array<i32>} : memref<16x1000xf32, #tpu.memory_space<vmem>>, vector<1x16xf32>,
        %get3A_958 = vector.shape_cast %get3A_957 : vector<1x16xf32> to vector<16xf32>
        %get3A_959 = arith.index_cast %scan3A_218 : i32 to index
        %get3A_960 = arith.constant 736 : index
        %get3A_961 = tpu.vector_load %arg24[%get3A_959, %get3A_960] {strides = array<i32>} : memref<16x1024xf32, #tpu.memory_space<vmem>>, vector<1x16xf32>,
        %get3A_962 = vector.shape_cast %get3A_961 : vector<1x16xf32> to vector<16xf32>
        %mul3A_963 = arith.mulf %get3A_958, %get3A_4 : vector<16xf32>
        %mul3A_964 = arith.mulf %get3A_962, %sub3A_6 : vector<16xf32>
        %add3A_965 = arith.addf %mul3A_963, %mul3A_964 : vector<16xf32>
        %swap3A_966 = arith.index_cast %scan3A_218 : i32 to index
        %swap3A_967 = arith.constant 736 : index
        %swap3A_968 = tpu.vector_load %arg25[%swap3A_966, %swap3A_967] {strides = array<i32>} : memref<16x1000xf32, #tpu.memory_space<vmem>>, vector<1x16xf32>,
        %swap3A_969 = vector.shape_cast %swap3A_968 : vector<1x16xf32> to vector<16xf32>
        %swap3A_970 = vector.shape_cast %add3A_965 : vector<16xf32> to vector<1x16xf32>
        tpu.vector_store %arg25[%swap3A_966, %swap3A_967], %swap3A_970 {strides = array<i32>} : memref<16x1000xf32, #tpu.memory_space<vmem>>, vector<1x16xf32>,
        %get3A_971 = arith.index_cast %scan3A_218 : i32 to index
        %get3A_972 = arith.constant 752 : index
        %get3A_973 = tpu.vector_load %arg23[%get3A_971, %get3A_972] {strides = array<i32>} : memref<16x1000xf32, #tpu.memory_space<vmem>>, vector<1x16xf32>,
        %get3A_974 = vector.shape_cast %get3A_973 : vector<1x16xf32> to vector<16xf32>
        %get3A_975 = arith.index_cast %scan3A_218 : i32 to index
        %get3A_976 = arith.constant 752 : index
        %get3A_977 = tpu.vector_load %arg24[%get3A_975, %get3A_976] {strides = array<i32>} : memref<16x1024xf32, #tpu.memory_space<vmem>>, vector<1x16xf32>,
        %get3A_978 = vector.shape_cast %get3A_977 : vector<1x16xf32> to vector<16xf32>
        %mul3A_979 = arith.mulf %get3A_974, %get3A_4 : vector<16xf32>
        %mul3A_980 = arith.mulf %get3A_978, %sub3A_6 : vector<16xf32>
        %add3A_981 = arith.addf %mul3A_979, %mul3A_980 : vector<16xf32>
        %swap3A_982 = arith.index_cast %scan3A_218 : i32 to index
        %swap3A_983 = arith.constant 752 : index
        %swap3A_984 = tpu.vector_load %arg25[%swap3A_982, %swap3A_983] {strides = array<i32>} : memref<16x1000xf32, #tpu.memory_space<vmem>>, vector<1x16xf32>,
        %swap3A_985 = vector.shape_cast %swap3A_984 : vector<1x16xf32> to vector<16xf32>
        %swap3A_986 = vector.shape_cast %add3A_981 : vector<16xf32> to vector<1x16xf32>
        tpu.vector_store %arg25[%swap3A_982, %swap3A_983], %swap3A_986 {strides = array<i32>} : memref<16x1000xf32, #tpu.memory_space<vmem>>, vector<1x16xf32>,
        %get3A_987 = arith.index_cast %scan3A_218 : i32 to index
        %get3A_988 = arith.constant 768 : index
        %get3A_989 = tpu.vector_load %arg23[%get3A_987, %get3A_988] {strides = array<i32>} : memref<16x1000xf32, #tpu.memory_space<vmem>>, vector<1x16xf32>,
        %get3A_990 = vector.shape_cast %get3A_989 : vector<1x16xf32> to vector<16xf32>
        %get3A_991 = arith.index_cast %scan3A_218 : i32 to index
        %get3A_992 = arith.constant 768 : index
        %get3A_993 = tpu.vector_load %arg24[%get3A_991, %get3A_992] {strides = array<i32>} : memref<16x1024xf32, #tpu.memory_space<vmem>>, vector<1x16xf32>,
        %get3A_994 = vector.shape_cast %get3A_993 : vector<1x16xf32> to vector<16xf32>
        %mul3A_995 = arith.mulf %get3A_990, %get3A_4 : vector<16xf32>
        %mul3A_996 = arith.mulf %get3A_994, %sub3A_6 : vector<16xf32>
        %add3A_997 = arith.addf %mul3A_995, %mul3A_996 : vector<16xf32>
        %swap3A_998 = arith.index_cast %scan3A_218 : i32 to index
        %swap3A_999 = arith.constant 768 : index
        %swap3A_1000 = tpu.vector_load %arg25[%swap3A_998, %swap3A_999] {strides = array<i32>} : memref<16x1000xf32, #tpu.memory_space<vmem>>, vector<1x16xf32>,
        %swap3A_1001 = vector.shape_cast %swap3A_1000 : vector<1x16xf32> to vector<16xf32>
        %swap3A_1002 = vector.shape_cast %add3A_997 : vector<16xf32> to vector<1x16xf32>
        tpu.vector_store %arg25[%swap3A_998, %swap3A_999], %swap3A_1002 {strides = array<i32>} : memref<16x1000xf32, #tpu.memory_space<vmem>>, vector<1x16xf32>,
        %get3A_1003 = arith.index_cast %scan3A_218 : i32 to index
        %get3A_1004 = arith.constant 784 : index
        %get3A_1005 = tpu.vector_load %arg23[%get3A_1003, %get3A_1004] {strides = array<i32>} : memref<16x1000xf32, #tpu.memory_space<vmem>>, vector<1x16xf32>,
        %get3A_1006 = vector.shape_cast %get3A_1005 : vector<1x16xf32> to vector<16xf32>
        %get3A_1007 = arith.index_cast %scan3A_218 : i32 to index
        %get3A_1008 = arith.constant 784 : index
        %get3A_1009 = tpu.vector_load %arg24[%get3A_1007, %get3A_1008] {strides = array<i32>} : memref<16x1024xf32, #tpu.memory_space<vmem>>, vector<1x16xf32>,
        %get3A_1010 = vector.shape_cast %get3A_1009 : vector<1x16xf32> to vector<16xf32>
        %mul3A_1011 = arith.mulf %get3A_1006, %get3A_4 : vector<16xf32>
        %mul3A_1012 = arith.mulf %get3A_1010, %sub3A_6 : vector<16xf32>
        %add3A_1013 = arith.addf %mul3A_1011, %mul3A_1012 : vector<16xf32>
        %swap3A_1014 = arith.index_cast %scan3A_218 : i32 to index
        %swap3A_1015 = arith.constant 784 : index
        %swap3A_1016 = tpu.vector_load %arg25[%swap3A_1014, %swap3A_1015] {strides = array<i32>} : memref<16x1000xf32, #tpu.memory_space<vmem>>, vector<1x16xf32>,
        %swap3A_1017 = vector.shape_cast %swap3A_1016 : vector<1x16xf32> to vector<16xf32>
        %swap3A_1018 = vector.shape_cast %add3A_1013 : vector<16xf32> to vector<1x16xf32>
        tpu.vector_store %arg25[%swap3A_1014, %swap3A_1015], %swap3A_1018 {strides = array<i32>} : memref<16x1000xf32, #tpu.memory_space<vmem>>, vector<1x16xf32>,
        %get3A_1019 = arith.index_cast %scan3A_218 : i32 to index
        %get3A_1020 = arith.constant 800 : index
        %get3A_1021 = tpu.vector_load %arg23[%get3A_1019, %get3A_1020] {strides = array<i32>} : memref<16x1000xf32, #tpu.memory_space<vmem>>, vector<1x16xf32>,
        %get3A_1022 = vector.shape_cast %get3A_1021 : vector<1x16xf32> to vector<16xf32>
        %get3A_1023 = arith.index_cast %scan3A_218 : i32 to index
        %get3A_1024 = arith.constant 800 : index
        %get3A_1025 = tpu.vector_load %arg24[%get3A_1023, %get3A_1024] {strides = array<i32>} : memref<16x1024xf32, #tpu.memory_space<vmem>>, vector<1x16xf32>,
        %get3A_1026 = vector.shape_cast %get3A_1025 : vector<1x16xf32> to vector<16xf32>
        %mul3A_1027 = arith.mulf %get3A_1022, %get3A_4 : vector<16xf32>
        %mul3A_1028 = arith.mulf %get3A_1026, %sub3A_6 : vector<16xf32>
        %add3A_1029 = arith.addf %mul3A_1027, %mul3A_1028 : vector<16xf32>
        %swap3A_1030 = arith.index_cast %scan3A_218 : i32 to index
        %swap3A_1031 = arith.constant 800 : index
        %swap3A_1032 = tpu.vector_load %arg25[%swap3A_1030, %swap3A_1031] {strides = array<i32>} : memref<16x1000xf32, #tpu.memory_space<vmem>>, vector<1x16xf32>,
        %swap3A_1033 = vector.shape_cast %swap3A_1032 : vector<1x16xf32> to vector<16xf32>
        %swap3A_1034 = vector.shape_cast %add3A_1029 : vector<16xf32> to vector<1x16xf32>
        tpu.vector_store %arg25[%swap3A_1030, %swap3A_1031], %swap3A_1034 {strides = array<i32>} : memref<16x1000xf32, #tpu.memory_space<vmem>>, vector<1x16xf32>,
        %get3A_1035 = arith.index_cast %scan3A_218 : i32 to index
        %get3A_1036 = arith.constant 816 : index
        %get3A_1037 = tpu.vector_load %arg23[%get3A_1035, %get3A_1036] {strides = array<i32>} : memref<16x1000xf32, #tpu.memory_space<vmem>>, vector<1x16xf32>,
        %get3A_1038 = vector.shape_cast %get3A_1037 : vector<1x16xf32> to vector<16xf32>
        %get3A_1039 = arith.index_cast %scan3A_218 : i32 to index
        %get3A_1040 = arith.constant 816 : index
        %get3A_1041 = tpu.vector_load %arg24[%get3A_1039, %get3A_1040] {strides = array<i32>} : memref<16x1024xf32, #tpu.memory_space<vmem>>, vector<1x16xf32>,
        %get3A_1042 = vector.shape_cast %get3A_1041 : vector<1x16xf32> to vector<16xf32>
        %mul3A_1043 = arith.mulf %get3A_1038, %get3A_4 : vector<16xf32>
        %mul3A_1044 = arith.mulf %get3A_1042, %sub3A_6 : vector<16xf32>
        %add3A_1045 = arith.addf %mul3A_1043, %mul3A_1044 : vector<16xf32>
        %swap3A_1046 = arith.index_cast %scan3A_218 : i32 to index
        %swap3A_1047 = arith.constant 816 : index
        %swap3A_1048 = tpu.vector_load %arg25[%swap3A_1046, %swap3A_1047] {strides = array<i32>} : memref<16x1000xf32, #tpu.memory_space<vmem>>, vector<1x16xf32>,
        %swap3A_1049 = vector.shape_cast %swap3A_1048 : vector<1x16xf32> to vector<16xf32>
        %swap3A_1050 = vector.shape_cast %add3A_1045 : vector<16xf32> to vector<1x16xf32>
        tpu.vector_store %arg25[%swap3A_1046, %swap3A_1047], %swap3A_1050 {strides = array<i32>} : memref<16x1000xf32, #tpu.memory_space<vmem>>, vector<1x16xf32>,
        %get3A_1051 = arith.index_cast %scan3A_218 : i32 to index
        %get3A_1052 = arith.constant 832 : index
        %get3A_1053 = tpu.vector_load %arg23[%get3A_1051, %get3A_1052] {strides = array<i32>} : memref<16x1000xf32, #tpu.memory_space<vmem>>, vector<1x16xf32>,
        %get3A_1054 = vector.shape_cast %get3A_1053 : vector<1x16xf32> to vector<16xf32>
        %get3A_1055 = arith.index_cast %scan3A_218 : i32 to index
        %get3A_1056 = arith.constant 832 : index
        %get3A_1057 = tpu.vector_load %arg24[%get3A_1055, %get3A_1056] {strides = array<i32>} : memref<16x1024xf32, #tpu.memory_space<vmem>>, vector<1x16xf32>,
        %get3A_1058 = vector.shape_cast %get3A_1057 : vector<1x16xf32> to vector<16xf32>
        %mul3A_1059 = arith.mulf %get3A_1054, %get3A_4 : vector<16xf32>
        %mul3A_1060 = arith.mulf %get3A_1058, %sub3A_6 : vector<16xf32>
        %add3A_1061 = arith.addf %mul3A_1059, %mul3A_1060 : vector<16xf32>
        %swap3A_1062 = arith.index_cast %scan3A_218 : i32 to index
        %swap3A_1063 = arith.constant 832 : index
        %swap3A_1064 = tpu.vector_load %arg25[%swap3A_1062, %swap3A_1063] {strides = array<i32>} : memref<16x1000xf32, #tpu.memory_space<vmem>>, vector<1x16xf32>,
        %swap3A_1065 = vector.shape_cast %swap3A_1064 : vector<1x16xf32> to vector<16xf32>
        %swap3A_1066 = vector.shape_cast %add3A_1061 : vector<16xf32> to vector<1x16xf32>
        tpu.vector_store %arg25[%swap3A_1062, %swap3A_1063], %swap3A_1066 {strides = array<i32>} : memref<16x1000xf32, #tpu.memory_space<vmem>>, vector<1x16xf32>,
        %get3A_1067 = arith.index_cast %scan3A_218 : i32 to index
        %get3A_1068 = arith.constant 848 : index
        %get3A_1069 = tpu.vector_load %arg23[%get3A_1067, %get3A_1068] {strides = array<i32>} : memref<16x1000xf32, #tpu.memory_space<vmem>>, vector<1x16xf32>,
        %get3A_1070 = vector.shape_cast %get3A_1069 : vector<1x16xf32> to vector<16xf32>
        %get3A_1071 = arith.index_cast %scan3A_218 : i32 to index
        %get3A_1072 = arith.constant 848 : index
        %get3A_1073 = tpu.vector_load %arg24[%get3A_1071, %get3A_1072] {strides = array<i32>} : memref<16x1024xf32, #tpu.memory_space<vmem>>, vector<1x16xf32>,
        %get3A_1074 = vector.shape_cast %get3A_1073 : vector<1x16xf32> to vector<16xf32>
        %mul3A_1075 = arith.mulf %get3A_1070, %get3A_4 : vector<16xf32>
        %mul3A_1076 = arith.mulf %get3A_1074, %sub3A_6 : vector<16xf32>
        %add3A_1077 = arith.addf %mul3A_1075, %mul3A_1076 : vector<16xf32>
        %swap3A_1078 = arith.index_cast %scan3A_218 : i32 to index
        %swap3A_1079 = arith.constant 848 : index
        %swap3A_1080 = tpu.vector_load %arg25[%swap3A_1078, %swap3A_1079] {strides = array<i32>} : memref<16x1000xf32, #tpu.memory_space<vmem>>, vector<1x16xf32>,
        %swap3A_1081 = vector.shape_cast %swap3A_1080 : vector<1x16xf32> to vector<16xf32>
        %swap3A_1082 = vector.shape_cast %add3A_1077 : vector<16xf32> to vector<1x16xf32>
        tpu.vector_store %arg25[%swap3A_1078, %swap3A_1079], %swap3A_1082 {strides = array<i32>} : memref<16x1000xf32, #tpu.memory_space<vmem>>, vector<1x16xf32>,
        %get3A_1083 = arith.index_cast %scan3A_218 : i32 to index
        %get3A_1084 = arith.constant 864 : index
        %get3A_1085 = tpu.vector_load %arg23[%get3A_1083, %get3A_1084] {strides = array<i32>} : memref<16x1000xf32, #tpu.memory_space<vmem>>, vector<1x16xf32>,
        %get3A_1086 = vector.shape_cast %get3A_1085 : vector<1x16xf32> to vector<16xf32>
        %get3A_1087 = arith.index_cast %scan3A_218 : i32 to index
        %get3A_1088 = arith.constant 864 : index
        %get3A_1089 = tpu.vector_load %arg24[%get3A_1087, %get3A_1088] {strides = array<i32>} : memref<16x1024xf32, #tpu.memory_space<vmem>>, vector<1x16xf32>,
        %get3A_1090 = vector.shape_cast %get3A_1089 : vector<1x16xf32> to vector<16xf32>
        %mul3A_1091 = arith.mulf %get3A_1086, %get3A_4 : vector<16xf32>
        %mul3A_1092 = arith.mulf %get3A_1090, %sub3A_6 : vector<16xf32>
        %add3A_1093 = arith.addf %mul3A_1091, %mul3A_1092 : vector<16xf32>
        %swap3A_1094 = arith.index_cast %scan3A_218 : i32 to index
        %swap3A_1095 = arith.constant 864 : index
        %swap3A_1096 = tpu.vector_load %arg25[%swap3A_1094, %swap3A_1095] {strides = array<i32>} : memref<16x1000xf32, #tpu.memory_space<vmem>>, vector<1x16xf32>,
        %swap3A_1097 = vector.shape_cast %swap3A_1096 : vector<1x16xf32> to vector<16xf32>
        %swap3A_1098 = vector.shape_cast %add3A_1093 : vector<16xf32> to vector<1x16xf32>
        tpu.vector_store %arg25[%swap3A_1094, %swap3A_1095], %swap3A_1098 {strides = array<i32>} : memref<16x1000xf32, #tpu.memory_space<vmem>>, vector<1x16xf32>,
        %get3A_1099 = arith.index_cast %scan3A_218 : i32 to index
        %get3A_1100 = arith.constant 880 : index
        %get3A_1101 = tpu.vector_load %arg23[%get3A_1099, %get3A_1100] {strides = array<i32>} : memref<16x1000xf32, #tpu.memory_space<vmem>>, vector<1x16xf32>,
        %get3A_1102 = vector.shape_cast %get3A_1101 : vector<1x16xf32> to vector<16xf32>
        %get3A_1103 = arith.index_cast %scan3A_218 : i32 to index
        %get3A_1104 = arith.constant 880 : index
        %get3A_1105 = tpu.vector_load %arg24[%get3A_1103, %get3A_1104] {strides = array<i32>} : memref<16x1024xf32, #tpu.memory_space<vmem>>, vector<1x16xf32>,
        %get3A_1106 = vector.shape_cast %get3A_1105 : vector<1x16xf32> to vector<16xf32>
        %mul3A_1107 = arith.mulf %get3A_1102, %get3A_4 : vector<16xf32>
        %mul3A_1108 = arith.mulf %get3A_1106, %sub3A_6 : vector<16xf32>
        %add3A_1109 = arith.addf %mul3A_1107, %mul3A_1108 : vector<16xf32>
        %swap3A_1110 = arith.index_cast %scan3A_218 : i32 to index
        %swap3A_1111 = arith.constant 880 : index
        %swap3A_1112 = tpu.vector_load %arg25[%swap3A_1110, %swap3A_1111] {strides = array<i32>} : memref<16x1000xf32, #tpu.memory_space<vmem>>, vector<1x16xf32>,
        %swap3A_1113 = vector.shape_cast %swap3A_1112 : vector<1x16xf32> to vector<16xf32>
        %swap3A_1114 = vector.shape_cast %add3A_1109 : vector<16xf32> to vector<1x16xf32>
        tpu.vector_store %arg25[%swap3A_1110, %swap3A_1111], %swap3A_1114 {strides = array<i32>} : memref<16x1000xf32, #tpu.memory_space<vmem>>, vector<1x16xf32>,
        %get3A_1115 = arith.index_cast %scan3A_218 : i32 to index
        %get3A_1116 = arith.constant 896 : index
        %get3A_1117 = tpu.vector_load %arg23[%get3A_1115, %get3A_1116] {strides = array<i32>} : memref<16x1000xf32, #tpu.memory_space<vmem>>, vector<1x16xf32>,
        %get3A_1118 = vector.shape_cast %get3A_1117 : vector<1x16xf32> to vector<16xf32>
        %get3A_1119 = arith.index_cast %scan3A_218 : i32 to index
        %get3A_1120 = arith.constant 896 : index
        %get3A_1121 = tpu.vector_load %arg24[%get3A_1119, %get3A_1120] {strides = array<i32>} : memref<16x1024xf32, #tpu.memory_space<vmem>>, vector<1x16xf32>,
        %get3A_1122 = vector.shape_cast %get3A_1121 : vector<1x16xf32> to vector<16xf32>
        %mul3A_1123 = arith.mulf %get3A_1118, %get3A_4 : vector<16xf32>
        %mul3A_1124 = arith.mulf %get3A_1122, %sub3A_6 : vector<16xf32>
        %add3A_1125 = arith.addf %mul3A_1123, %mul3A_1124 : vector<16xf32>
        %swap3A_1126 = arith.index_cast %scan3A_218 : i32 to index
        %swap3A_1127 = arith.constant 896 : index
        %swap3A_1128 = tpu.vector_load %arg25[%swap3A_1126, %swap3A_1127] {strides = array<i32>} : memref<16x1000xf32, #tpu.memory_space<vmem>>, vector<1x16xf32>,
        %swap3A_1129 = vector.shape_cast %swap3A_1128 : vector<1x16xf32> to vector<16xf32>
        %swap3A_1130 = vector.shape_cast %add3A_1125 : vector<16xf32> to vector<1x16xf32>
        tpu.vector_store %arg25[%swap3A_1126, %swap3A_1127], %swap3A_1130 {strides = array<i32>} : memref<16x1000xf32, #tpu.memory_space<vmem>>, vector<1x16xf32>,
        %get3A_1131 = arith.index_cast %scan3A_218 : i32 to index
        %get3A_1132 = arith.constant 912 : index
        %get3A_1133 = tpu.vector_load %arg23[%get3A_1131, %get3A_1132] {strides = array<i32>} : memref<16x1000xf32, #tpu.memory_space<vmem>>, vector<1x16xf32>,
        %get3A_1134 = vector.shape_cast %get3A_1133 : vector<1x16xf32> to vector<16xf32>
        %get3A_1135 = arith.index_cast %scan3A_218 : i32 to index
        %get3A_1136 = arith.constant 912 : index
        %get3A_1137 = tpu.vector_load %arg24[%get3A_1135, %get3A_1136] {strides = array<i32>} : memref<16x1024xf32, #tpu.memory_space<vmem>>, vector<1x16xf32>,
        %get3A_1138 = vector.shape_cast %get3A_1137 : vector<1x16xf32> to vector<16xf32>
        %mul3A_1139 = arith.mulf %get3A_1134, %get3A_4 : vector<16xf32>
        %mul3A_1140 = arith.mulf %get3A_1138, %sub3A_6 : vector<16xf32>
        %add3A_1141 = arith.addf %mul3A_1139, %mul3A_1140 : vector<16xf32>
        %swap3A_1142 = arith.index_cast %scan3A_218 : i32 to index
        %swap3A_1143 = arith.constant 912 : index
        %swap3A_1144 = tpu.vector_load %arg25[%swap3A_1142, %swap3A_1143] {strides = array<i32>} : memref<16x1000xf32, #tpu.memory_space<vmem>>, vector<1x16xf32>,
        %swap3A_1145 = vector.shape_cast %swap3A_1144 : vector<1x16xf32> to vector<16xf32>
        %swap3A_1146 = vector.shape_cast %add3A_1141 : vector<16xf32> to vector<1x16xf32>
        tpu.vector_store %arg25[%swap3A_1142, %swap3A_1143], %swap3A_1146 {strides = array<i32>} : memref<16x1000xf32, #tpu.memory_space<vmem>>, vector<1x16xf32>,
        %get3A_1147 = arith.index_cast %scan3A_218 : i32 to index
        %get3A_1148 = arith.constant 928 : index
        %get3A_1149 = tpu.vector_load %arg23[%get3A_1147, %get3A_1148] {strides = array<i32>} : memref<16x1000xf32, #tpu.memory_space<vmem>>, vector<1x16xf32>,
        %get3A_1150 = vector.shape_cast %get3A_1149 : vector<1x16xf32> to vector<16xf32>
        %get3A_1151 = arith.index_cast %scan3A_218 : i32 to index
        %get3A_1152 = arith.constant 928 : index
        %get3A_1153 = tpu.vector_load %arg24[%get3A_1151, %get3A_1152] {strides = array<i32>} : memref<16x1024xf32, #tpu.memory_space<vmem>>, vector<1x16xf32>,
        %get3A_1154 = vector.shape_cast %get3A_1153 : vector<1x16xf32> to vector<16xf32>
        %mul3A_1155 = arith.mulf %get3A_1150, %get3A_4 : vector<16xf32>
        %mul3A_1156 = arith.mulf %get3A_1154, %sub3A_6 : vector<16xf32>
        %add3A_1157 = arith.addf %mul3A_1155, %mul3A_1156 : vector<16xf32>
        %swap3A_1158 = arith.index_cast %scan3A_218 : i32 to index
        %swap3A_1159 = arith.constant 928 : index
        %swap3A_1160 = tpu.vector_load %arg25[%swap3A_1158, %swap3A_1159] {strides = array<i32>} : memref<16x1000xf32, #tpu.memory_space<vmem>>, vector<1x16xf32>,
        %swap3A_1161 = vector.shape_cast %swap3A_1160 : vector<1x16xf32> to vector<16xf32>
        %swap3A_1162 = vector.shape_cast %add3A_1157 : vector<16xf32> to vector<1x16xf32>
        tpu.vector_store %arg25[%swap3A_1158, %swap3A_1159], %swap3A_1162 {strides = array<i32>} : memref<16x1000xf32, #tpu.memory_space<vmem>>, vector<1x16xf32>,
        %get3A_1163 = arith.index_cast %scan3A_218 : i32 to index
        %get3A_1164 = arith.constant 944 : index
        %get3A_1165 = tpu.vector_load %arg23[%get3A_1163, %get3A_1164] {strides = array<i32>} : memref<16x1000xf32, #tpu.memory_space<vmem>>, vector<1x16xf32>,
        %get3A_1166 = vector.shape_cast %get3A_1165 : vector<1x16xf32> to vector<16xf32>
        %get3A_1167 = arith.index_cast %scan3A_218 : i32 to index
        %get3A_1168 = arith.constant 944 : index
        %get3A_1169 = tpu.vector_load %arg24[%get3A_1167, %get3A_1168] {strides = array<i32>} : memref<16x1024xf32, #tpu.memory_space<vmem>>, vector<1x16xf32>,
        %get3A_1170 = vector.shape_cast %get3A_1169 : vector<1x16xf32> to vector<16xf32>
        %mul3A_1171 = arith.mulf %get3A_1166, %get3A_4 : vector<16xf32>
        %mul3A_1172 = arith.mulf %get3A_1170, %sub3A_6 : vector<16xf32>
        %add3A_1173 = arith.addf %mul3A_1171, %mul3A_1172 : vector<16xf32>
        %swap3A_1174 = arith.index_cast %scan3A_218 : i32 to index
        %swap3A_1175 = arith.constant 944 : index
        %swap3A_1176 = tpu.vector_load %arg25[%swap3A_1174, %swap3A_1175] {strides = array<i32>} : memref<16x1000xf32, #tpu.memory_space<vmem>>, vector<1x16xf32>,
        %swap3A_1177 = vector.shape_cast %swap3A_1176 : vector<1x16xf32> to vector<16xf32>
        %swap3A_1178 = vector.shape_cast %add3A_1173 : vector<16xf32> to vector<1x16xf32>
        tpu.vector_store %arg25[%swap3A_1174, %swap3A_1175], %swap3A_1178 {strides = array<i32>} : memref<16x1000xf32, #tpu.memory_space<vmem>>, vector<1x16xf32>,
        %get3A_1179 = arith.index_cast %scan3A_218 : i32 to index
        %get3A_1180 = arith.constant 960 : index
        %get3A_1181 = tpu.vector_load %arg23[%get3A_1179, %get3A_1180] {strides = array<i32>} : memref<16x1000xf32, #tpu.memory_space<vmem>>, vector<1x16xf32>,
        %get3A_1182 = vector.shape_cast %get3A_1181 : vector<1x16xf32> to vector<16xf32>
        %get3A_1183 = arith.index_cast %scan3A_218 : i32 to index
        %get3A_1184 = arith.constant 960 : index
        %get3A_1185 = tpu.vector_load %arg24[%get3A_1183, %get3A_1184] {strides = array<i32>} : memref<16x1024xf32, #tpu.memory_space<vmem>>, vector<1x16xf32>,
        %get3A_1186 = vector.shape_cast %get3A_1185 : vector<1x16xf32> to vector<16xf32>
        %mul3A_1187 = arith.mulf %get3A_1182, %get3A_4 : vector<16xf32>
        %mul3A_1188 = arith.mulf %get3A_1186, %sub3A_6 : vector<16xf32>
        %add3A_1189 = arith.addf %mul3A_1187, %mul3A_1188 : vector<16xf32>
        %swap3A_1190 = arith.index_cast %scan3A_218 : i32 to index
        %swap3A_1191 = arith.constant 960 : index
        %swap3A_1192 = tpu.vector_load %arg25[%swap3A_1190, %swap3A_1191] {strides = array<i32>} : memref<16x1000xf32, #tpu.memory_space<vmem>>, vector<1x16xf32>,
        %swap3A_1193 = vector.shape_cast %swap3A_1192 : vector<1x16xf32> to vector<16xf32>
        %swap3A_1194 = vector.shape_cast %add3A_1189 : vector<16xf32> to vector<1x16xf32>
        tpu.vector_store %arg25[%swap3A_1190, %swap3A_1191], %swap3A_1194 {strides = array<i32>} : memref<16x1000xf32, #tpu.memory_space<vmem>>, vector<1x16xf32>,
        %get3A_1195 = arith.index_cast %scan3A_218 : i32 to index
        %get3A_1196 = arith.constant 976 : index
        %get3A_1197 = tpu.vector_load %arg23[%get3A_1195, %get3A_1196] {strides = array<i32>} : memref<16x1000xf32, #tpu.memory_space<vmem>>, vector<1x16xf32>,
        %get3A_1198 = vector.shape_cast %get3A_1197 : vector<1x16xf32> to vector<16xf32>
        %get3A_1199 = arith.index_cast %scan3A_218 : i32 to index
        %get3A_1200 = arith.constant 976 : index
        %get3A_1201 = tpu.vector_load %arg24[%get3A_1199, %get3A_1200] {strides = array<i32>} : memref<16x1024xf32, #tpu.memory_space<vmem>>, vector<1x16xf32>,
        %get3A_1202 = vector.shape_cast %get3A_1201 : vector<1x16xf32> to vector<16xf32>
        %mul3A_1203 = arith.mulf %get3A_1198, %get3A_4 : vector<16xf32>
        %mul3A_1204 = arith.mulf %get3A_1202, %sub3A_6 : vector<16xf32>
        %add3A_1205 = arith.addf %mul3A_1203, %mul3A_1204 : vector<16xf32>
        %swap3A_1206 = arith.index_cast %scan3A_218 : i32 to index
        %swap3A_1207 = arith.constant 976 : index
        %swap3A_1208 = tpu.vector_load %arg25[%swap3A_1206, %swap3A_1207] {strides = array<i32>} : memref<16x1000xf32, #tpu.memory_space<vmem>>, vector<1x16xf32>,
        %swap3A_1209 = vector.shape_cast %swap3A_1208 : vector<1x16xf32> to vector<16xf32>
        %swap3A_1210 = vector.shape_cast %add3A_1205 : vector<16xf32> to vector<1x16xf32>
        tpu.vector_store %arg25[%swap3A_1206, %swap3A_1207], %swap3A_1210 {strides = array<i32>} : memref<16x1000xf32, #tpu.memory_space<vmem>>, vector<1x16xf32>,
        %get3A_1211 = arith.index_cast %scan3A_218 : i32 to index
        %get3A_1212 = arith.constant 984 : index
        %get3A_1213 = tpu.vector_load %arg23[%get3A_1211, %get3A_1212] {strides = array<i32>} : memref<16x1000xf32, #tpu.memory_space<vmem>>, vector<1x16xf32>,
        %get3A_1214 = vector.shape_cast %get3A_1213 : vector<1x16xf32> to vector<16xf32>
        %get3A_1215 = arith.index_cast %scan3A_218 : i32 to index
        %get3A_1216 = arith.constant 984 : index
        %get3A_1217 = tpu.vector_load %arg24[%get3A_1215, %get3A_1216] {strides = array<i32>} : memref<16x1024xf32, #tpu.memory_space<vmem>>, vector<1x16xf32>,
        %get3A_1218 = vector.shape_cast %get3A_1217 : vector<1x16xf32> to vector<16xf32>
        %mul3A_1219 = arith.mulf %get3A_1214, %get3A_4 : vector<16xf32>
        %mul3A_1220 = arith.mulf %get3A_1218, %sub3A_6 : vector<16xf32>
        %add3A_1221 = arith.addf %mul3A_1219, %mul3A_1220 : vector<16xf32>
        %swap3A_1222 = arith.index_cast %scan3A_218 : i32 to index
        %swap3A_1223 = arith.constant 984 : index
        %swap3A_1224 = tpu.vector_load %arg25[%swap3A_1222, %swap3A_1223] {strides = array<i32>} : memref<16x1000xf32, #tpu.memory_space<vmem>>, vector<1x16xf32>,
        %swap3A_1225 = vector.shape_cast %swap3A_1224 : vector<1x16xf32> to vector<16xf32>
        %swap3A_1226 = vector.shape_cast %add3A_1221 : vector<16xf32> to vector<1x16xf32>
        tpu.vector_store %arg25[%swap3A_1222, %swap3A_1223], %swap3A_1226 {strides = array<i32>} : memref<16x1000xf32, #tpu.memory_space<vmem>>, vector<1x16xf32>,
        %scan3A_1227 = arith.constant 0 : i32
        scf.yield %scan3A_1227 : i32
      }
      %scan3A_152 = arith.constant 16 : i32
      %scan3A_153 = arith.constant 0 : i32
      %scan3A_154 = arith.constant 0 : i32
      %scan3A_155 = arith.constant 4 : i32
      %scan3A_156 = arith.addi %scan3A_154, %scan3A_155 : i32
      %scan3A_157 = arith.constant 1 : i32
      %scan3A_158 = scf.for %scan3A_218 = %scan3A_154 to %scan3A_156 step %scan3A_157 iter_args(%scan3A_219 = %scan3A_153) -> (i32)  : i32 {
        %broadcast_in_dim3A_220 = arith.constant 0.000000e+00 : f32
        %broadcast_in_dim3A_221 = vector.broadcast %broadcast_in_dim3A_220 : f32 to vector<16xf32>
        %mul3A_222 = arith.constant 4 : i32
        %mul3A_223 = arith.muli %scan3A_218, %mul3A_222 : i32
        %add3A_224 = arith.constant 0 : i32
        %add3A_225 = arith.addi %mul3A_223, %add3A_224 : i32
        %get3A_226 = arith.index_cast %add3A_225 : i32 to index
        %get3A_227 = arith.constant 1000 : index
        %get3A_228 = tpu.vector_load %arg24[%get3A_226, %get3A_227] {strides = array<i32>} : memref<16x1024xf32, #tpu.memory_space<vmem>>, vector<1x16xf32>,
        %get3A_229 = vector.shape_cast %get3A_228 : vector<1x16xf32> to vector<16xf32>
        %mul3A_230 = arith.constant 4 : i32
        %mul3A_231 = arith.muli %scan3A_218, %mul3A_230 : i32
        %add3A_232 = arith.constant 1 : i32
        %add3A_233 = arith.addi %mul3A_231, %add3A_232 : i32
        %get3A_234 = arith.index_cast %add3A_233 : i32 to index
        %get3A_235 = arith.constant 1000 : index
        %get3A_236 = tpu.vector_load %arg24[%get3A_234, %get3A_235] {strides = array<i32>} : memref<16x1024xf32, #tpu.memory_space<vmem>>, vector<1x16xf32>,
        %get3A_237 = vector.shape_cast %get3A_236 : vector<1x16xf32> to vector<16xf32>
        %eq3A = arith.constant 1 : i32
        %eq3A_238 = vector.broadcast %eq3A : i32 to vector<16xi32>
        %eq3A_239 = arith.cmpi eq, %shift_right_arithmetic3A_9, %eq3A_238 : vector<16xi32>
        %select_n3A = arith.select %eq3A_239, %get3A_237, %get3A_229 : vector<16xi1>, vector<16xf32>
        %mul3A_240 = arith.constant 4 : i32
        %mul3A_241 = arith.muli %scan3A_218, %mul3A_240 : i32
        %add3A_242 = arith.constant 2 : i32
        %add3A_243 = arith.addi %mul3A_241, %add3A_242 : i32
        %get3A_244 = arith.index_cast %add3A_243 : i32 to index
        %get3A_245 = arith.constant 1000 : index
        %get3A_246 = tpu.vector_load %arg24[%get3A_244, %get3A_245] {strides = array<i32>} : memref<16x1024xf32, #tpu.memory_space<vmem>>, vector<1x16xf32>,
        %get3A_247 = vector.shape_cast %get3A_246 : vector<1x16xf32> to vector<16xf32>
        %eq3A_248 = arith.constant 2 : i32
        %eq3A_249 = vector.broadcast %eq3A_248 : i32 to vector<16xi32>
        %eq3A_250 = arith.cmpi eq, %shift_right_arithmetic3A_9, %eq3A_249 : vector<16xi32>
        %select_n3A_251 = arith.select %eq3A_250, %get3A_247, %select_n3A : vector<16xi1>, vector<16xf32>
        %mul3A_252 = arith.constant 4 : i32
        %mul3A_253 = arith.muli %scan3A_218, %mul3A_252 : i32
        %add3A_254 = arith.constant 3 : i32
        %add3A_255 = arith.addi %mul3A_253, %add3A_254 : i32
        %get3A_256 = arith.index_cast %add3A_255 : i32 to index
        %get3A_257 = arith.constant 1000 : index
        %get3A_258 = tpu.vector_load %arg24[%get3A_256, %get3A_257] {strides = array<i32>} : memref<16x1024xf32, #tpu.memory_space<vmem>>, vector<1x16xf32>,
        %get3A_259 = vector.shape_cast %get3A_258 : vector<1x16xf32> to vector<16xf32>
        %eq3A_260 = arith.constant 3 : i32
        %eq3A_261 = vector.broadcast %eq3A_260 : i32 to vector<16xi32>
        %eq3A_262 = arith.cmpi eq, %shift_right_arithmetic3A_9, %eq3A_261 : vector<16xi32>
        %select_n3A_263 = arith.select %eq3A_262, %get3A_259, %select_n3A_251 : vector<16xi1>, vector<16xf32>
        %mul3A_264 = arith.constant 16 : i32
        %mul3A_265 = arith.muli %add3A_134, %mul3A_264 : i32
        %mul3A_266 = arith.constant 4 : i32
        %mul3A_267 = arith.muli %mul3A_265, %mul3A_266 : i32
        %mul3A_268 = arith.constant 16 : i32
        %mul3A_269 = arith.muli %scan3A_218, %mul3A_268 : i32
        %add3A_270 = arith.addi %mul3A_267, %mul3A_269 : i32
        %get3A_271 = arith.index_cast %add3A_270 : i32 to index
        %get3A_272 = tpu.vector_load %arg29[%get3A_271] {strides = array<i32>} : memref<2048xf32, #tpu.memory_space<vmem>>, vector<16xf32>,
        %get3A_273 = vector.shape_cast %get3A_272 : vector<16xf32> to vector<16xf32>
        %eq3A_274 = arith.constant 1.000000e+03 : f32
        %eq3A_275 = vector.broadcast %eq3A_274 : f32 to vector<16xf32>
        %eq3A_276 = arith.cmpf oeq, %select_n3A_263, %eq3A_275 : vector<16xf32>
        %eq3A_277 = arith.constant 1.000000e+03 : f32
        %eq3A_278 = vector.broadcast %eq3A_277 : f32 to vector<16xf32>
        %eq3A_279 = arith.cmpf oeq, %get3A_273, %eq3A_278 : vector<16xf32>
        %mul3A_280 = arith.mulf %get3A_273, %get3A_4 : vector<16xf32>
        %mul3A_281 = arith.mulf %select_n3A_263, %sub3A_6 : vector<16xf32>
        %add3A_282 = arith.addf %mul3A_280, %mul3A_281 : vector<16xf32>
        %select_n3A_283 = arith.select %eq3A_276, %broadcast_in_dim3A_7, %select_n3A_263 : vector<16xi1>, vector<16xf32>
        %select_n3A_284 = arith.select %eq3A_276, %get3A_273, %add3A_282 : vector<16xi1>, vector<16xf32>
        %select_n3A_285 = arith.select %eq3A_279, %select_n3A_283, %select_n3A_284 : vector<16xi1>, vector<16xf32>
        %mul3A_286 = arith.constant 16 : i32
        %mul3A_287 = arith.muli %add3A_134, %mul3A_286 : i32
        %mul3A_288 = arith.constant 4 : i32
        %mul3A_289 = arith.muli %mul3A_287, %mul3A_288 : i32
        %mul3A_290 = arith.constant 16 : i32
        %mul3A_291 = arith.muli %scan3A_218, %mul3A_290 : i32
        %add3A_292 = arith.addi %mul3A_289, %mul3A_291 : i32
        %swap3A = arith.index_cast %add3A_292 : i32 to index
        %swap3A_293 = tpu.vector_load %arg29[%swap3A] {strides = array<i32>} : memref<2048xf32, #tpu.memory_space<vmem>>, vector<16xf32>,
        %swap3A_294 = vector.shape_cast %swap3A_293 : vector<16xf32> to vector<16xf32>
        %swap3A_295 = vector.shape_cast %select_n3A_285 : vector<16xf32> to vector<16xf32>
        tpu.vector_store %arg29[%swap3A], %swap3A_295 {strides = array<i32>} : memref<2048xf32, #tpu.memory_space<vmem>>, vector<16xf32>,
        %scan3A_296 = arith.constant 0 : i32
        scf.yield %scan3A_296 : i32
      }
      %scan3A_159 = arith.constant 4 : i32
      %mul3A_160 = arith.constant 16 : i32
      %mul3A_161 = arith.muli %add3A_134, %mul3A_160 : i32
      %add3A_162 = arith.addi %multiple_of3A, %mul3A_161 : i32
      %multiple_of3A_163 = tpu.assume_multiple %add3A_162, 8 : i32
      %dma_start3A_164 = arith.constant 0 : i32
      %dma_start3A_165 = tpu.memref_slice %arg13[%multiple_of3A_163, %dma_start3A_164] : memref<16384x1000xf32, #tpu.memory_space<hbm>> -> memref<16x1000xf32, #tpu.memory_space<hbm>>
      %dma_start3A_166 = arith.constant 0 : i32
      %dma_start3A_167 = tpu.memref_slice %arg13[%multiple_of3A_163, %dma_start3A_166] : memref<16384x1000xf32, #tpu.memory_space<hbm>> -> memref<16x1000xf32, #tpu.memory_space<hbm>>
      tpu.enqueue_dma source(%arg25 : memref<16x1000xf32, #tpu.memory_space<vmem>>) target(%dma_start3A_167 : memref<16x1000xf32, #tpu.memory_space<hbm>>) target_semaphore(%arg35 : memref<!tpu.dma_semaphore, #tpu.memory_space<semaphore_mem>>)
      %lt3A = arith.constant 15 : i32
      %lt3A_168 = arith.cmpi slt, %scan3A_129, %lt3A : i32
      %convert_element_type3A_169 = arith.extui %lt3A_168 : i1 to i32
      %cond3A_170 = arith.constant 0 : i32
      %cond3A_171 = arith.cmpi ne, %convert_element_type3A_169, %cond3A_170 : i32
      scf.if %cond3A_171 {
        %add3A_218 = arith.constant 2 : i32
        %add3A_219 = arith.addi %add3A_134, %add3A_218 : i32
        %mul3A_220 = arith.constant 16 : i32
        %mul3A_221 = arith.muli %add3A_219, %mul3A_220 : i32
        %add3A_222 = arith.addi %multiple_of3A, %mul3A_221 : i32
        %multiple_of3A_223 = tpu.assume_multiple %add3A_222, 8 : i32
        %dma_start3A_224 = arith.constant 0 : i32
        %dma_start3A_225 = tpu.memref_slice %arg4[%multiple_of3A_223, %dma_start3A_224] : memref<16384x1000xf32, #tpu.memory_space<hbm>> -> memref<16x1000xf32, #tpu.memory_space<hbm>>
        %dma_start3A_226 = arith.constant 0 : i32
        %dma_start3A_227 = tpu.memref_slice %arg4[%multiple_of3A_223, %dma_start3A_226] : memref<16384x1000xf32, #tpu.memory_space<hbm>> -> memref<16x1000xf32, #tpu.memory_space<hbm>>
        tpu.enqueue_dma source(%dma_start3A_227 : memref<16x1000xf32, #tpu.memory_space<hbm>>) target(%arg23 : memref<16x1000xf32, #tpu.memory_space<vmem>>) target_semaphore(%arg34 : memref<!tpu.dma_semaphore, #tpu.memory_space<semaphore_mem>>)
        %mul3A_228 = arith.constant 16 : i32
        %mul3A_229 = arith.muli %add3A_219, %mul3A_228 : i32
        %dma_start3A_230 = tpu.memref_slice %arg15[%mul3A_229] : memref<512xi32, #tpu.memory_space<vmem>> -> memref<16xi32, #tpu.memory_space<vmem>>
        %dma_start3A_231 = arith.constant 0 : i32
        %dma_start3A_232 = arith.constant 0 : i32
        %dma_start3A_233 = tpu.memref_slice %arg8[%dma_start3A_231, %dma_start3A_232] : memref<2000x1024xf32, #tpu.memory_space<hbm>> -> memref<2000x1024xf32, #tpu.memory_space<hbm>>
        tpu.enqueue_indirect_dma source(%dma_start3A_233 : memref<2000x1024xf32, #tpu.memory_space<hbm>>) target(%arg24 : memref<16x1024xf32, #tpu.memory_space<vmem>>) offsets(%dma_start3A_230 : memref<16xi32, #tpu.memory_space<vmem>>) semaphore(%arg34 : memref<!tpu.dma_semaphore, #tpu.memory_space<semaphore_mem>>)
      } else {
      }
      %mul3A_172 = arith.constant 2 : i32
      %mul3A_173 = arith.muli %mul3A_172, %scan3A_129 : i32
      %add3A_174 = arith.constant 1 : i32
      %add3A_175 = arith.addi %mul3A_173, %add3A_174 : i32
      %dma_wait3A_176 = arith.constant 0 : i32
      %dma_wait3A_177 = tpu.memref_slice %arg4[%multiple_of3A, %dma_wait3A_176] : memref<16384x1000xf32, #tpu.memory_space<hbm>> -> memref<16x1000xf32, #tpu.memory_space<hbm>>
      %dma_wait3A_178 = arith.constant 0 : i32
      %dma_wait3A_179 = tpu.memref_slice %arg4[%multiple_of3A, %dma_wait3A_178] : memref<16384x1000xf32, #tpu.memory_space<hbm>> -> memref<16x1000xf32, #tpu.memory_space<hbm>>
      tpu.wait_dma2 semaphore(%arg36 : memref<!tpu.dma_semaphore, #tpu.memory_space<semaphore_mem>>) src(%dma_wait3A_179 : memref<16x1000xf32, #tpu.memory_space<hbm>>) dst(%arg26 : memref<16x1000xf32, #tpu.memory_space<vmem>>)
      %dma_wait3A_180 = arith.constant 0 : i32
      %dma_wait3A_181 = tpu.memref_slice %arg15[%dma_wait3A_180] : memref<512xi32, #tpu.memory_space<vmem>> -> memref<16xi32, #tpu.memory_space<vmem>>
      %dma_wait3A_182 = arith.constant 0 : i32
      %dma_wait3A_183 = arith.constant 0 : i32
      %dma_wait3A_184 = tpu.memref_slice %arg8[%dma_wait3A_182, %dma_wait3A_183] : memref<2000x1024xf32, #tpu.memory_space<hbm>> -> memref<2000x1024xf32, #tpu.memory_space<hbm>>
      tpu.wait_indirect_dma semaphore(%arg36 : memref<!tpu.dma_semaphore, #tpu.memory_space<semaphore_mem>>) src(%dma_wait3A_184 : memref<2000x1024xf32, #tpu.memory_space<hbm>>) dst(%arg27 : memref<16x1024xf32, #tpu.memory_space<vmem>>)
      %ge3A_185 = arith.constant 1 : i32
      %ge3A_186 = arith.cmpi sge, %scan3A_129, %ge3A_185 : i32
      %convert_element_type3A_187 = arith.extui %ge3A_186 : i1 to i32
      %cond3A_188 = arith.constant 0 : i32
      %cond3A_189 = arith.cmpi ne, %convert_element_type3A_187, %cond3A_188 : i32
      scf.if %cond3A_189 {
        %dma_wait3A_218 = arith.constant 0 : i32
        %dma_wait3A_219 = tpu.memref_slice %arg13[%multiple_of3A, %dma_wait3A_218] : memref<16384x1000xf32, #tpu.memory_space<hbm>> -> memref<16x1000xf32, #tpu.memory_space<hbm>>
        %dma_wait3A_220 = arith.constant 0 : i32
        %dma_wait3A_221 = tpu.memref_slice %arg13[%multiple_of3A, %dma_wait3A_220] : memref<16384x1000xf32, #tpu.memory_space<hbm>> -> memref<16x1000xf32, #tpu.memory_space<hbm>>
        tpu.wait_dma2 semaphore(%arg37 : memref<!tpu.dma_semaphore, #tpu.memory_space<semaphore_mem>>) src(%arg28 : memref<16x1000xf32, #tpu.memory_space<vmem>>) dst(%dma_wait3A_221 : memref<16x1000xf32, #tpu.memory_space<hbm>>)
      } else {
      }
      %scan3A_190 = arith.constant 0 : i32
      %scan3A_191 = arith.constant 0 : i32
      %scan3A_192 = arith.constant 16 : i32
      %scan3A_193 = arith.addi %scan3A_191, %scan3A_192 : i32
      %scan3A_194 = arith.constant 1 : i32
      %scan3A_195 = scf.for %scan3A_218 = %scan3A_191 to %scan3A_193 step %scan3A_194 iter_args(%scan3A_219 = %scan3A_190) -> (i32)  : i32 {
        %get3A_220 = arith.index_cast %scan3A_218 : i32 to index
        %get3A_221 = arith.constant 0 : index
        %get3A_222 = tpu.vector_load %arg26[%get3A_220, %get3A_221] {strides = array<i32>} : memref<16x1000xf32, #tpu.memory_space<vmem>>, vector<1x16xf32>,
        %get3A_223 = vector.shape_cast %get3A_222 : vector<1x16xf32> to vector<16xf32>
        %get3A_224 = arith.index_cast %scan3A_218 : i32 to index
        %get3A_225 = arith.constant 0 : index
        %get3A_226 = tpu.vector_load %arg27[%get3A_224, %get3A_225] {strides = array<i32>} : memref<16x1024xf32, #tpu.memory_space<vmem>>, vector<1x16xf32>,
        %get3A_227 = vector.shape_cast %get3A_226 : vector<1x16xf32> to vector<16xf32>
        %mul3A_228 = arith.mulf %get3A_223, %get3A_4 : vector<16xf32>
        %mul3A_229 = arith.mulf %get3A_227, %sub3A_6 : vector<16xf32>
        %add3A_230 = arith.addf %mul3A_228, %mul3A_229 : vector<16xf32>
        %swap3A = arith.index_cast %scan3A_218 : i32 to index
        %swap3A_231 = arith.constant 0 : index
        %swap3A_232 = tpu.vector_load %arg28[%swap3A, %swap3A_231] {strides = array<i32>} : memref<16x1000xf32, #tpu.memory_space<vmem>>, vector<1x16xf32>,
        %swap3A_233 = vector.shape_cast %swap3A_232 : vector<1x16xf32> to vector<16xf32>
        %swap3A_234 = vector.shape_cast %add3A_230 : vector<16xf32> to vector<1x16xf32>
        tpu.vector_store %arg28[%swap3A, %swap3A_231], %swap3A_234 {strides = array<i32>} : memref<16x1000xf32, #tpu.memory_space<vmem>>, vector<1x16xf32>,
        %get3A_235 = arith.index_cast %scan3A_218 : i32 to index
        %get3A_236 = arith.constant 16 : index
        %get3A_237 = tpu.vector_load %arg26[%get3A_235, %get3A_236] {strides = array<i32>} : memref<16x1000xf32, #tpu.memory_space<vmem>>, vector<1x16xf32>,
        %get3A_238 = vector.shape_cast %get3A_237 : vector<1x16xf32> to vector<16xf32>
        %get3A_239 = arith.index_cast %scan3A_218 : i32 to index
        %get3A_240 = arith.constant 16 : index
        %get3A_241 = tpu.vector_load %arg27[%get3A_239, %get3A_240] {strides = array<i32>} : memref<16x1024xf32, #tpu.memory_space<vmem>>, vector<1x16xf32>,
        %get3A_242 = vector.shape_cast %get3A_241 : vector<1x16xf32> to vector<16xf32>
        %mul3A_243 = arith.mulf %get3A_238, %get3A_4 : vector<16xf32>
        %mul3A_244 = arith.mulf %get3A_242, %sub3A_6 : vector<16xf32>
        %add3A_245 = arith.addf %mul3A_243, %mul3A_244 : vector<16xf32>
        %swap3A_246 = arith.index_cast %scan3A_218 : i32 to index
        %swap3A_247 = arith.constant 16 : index
        %swap3A_248 = tpu.vector_load %arg28[%swap3A_246, %swap3A_247] {strides = array<i32>} : memref<16x1000xf32, #tpu.memory_space<vmem>>, vector<1x16xf32>,
        %swap3A_249 = vector.shape_cast %swap3A_248 : vector<1x16xf32> to vector<16xf32>
        %swap3A_250 = vector.shape_cast %add3A_245 : vector<16xf32> to vector<1x16xf32>
        tpu.vector_store %arg28[%swap3A_246, %swap3A_247], %swap3A_250 {strides = array<i32>} : memref<16x1000xf32, #tpu.memory_space<vmem>>, vector<1x16xf32>,
        %get3A_251 = arith.index_cast %scan3A_218 : i32 to index
        %get3A_252 = arith.constant 32 : index
        %get3A_253 = tpu.vector_load %arg26[%get3A_251, %get3A_252] {strides = array<i32>} : memref<16x1000xf32, #tpu.memory_space<vmem>>, vector<1x16xf32>,
        %get3A_254 = vector.shape_cast %get3A_253 : vector<1x16xf32> to vector<16xf32>
        %get3A_255 = arith.index_cast %scan3A_218 : i32 to index
        %get3A_256 = arith.constant 32 : index
        %get3A_257 = tpu.vector_load %arg27[%get3A_255, %get3A_256] {strides = array<i32>} : memref<16x1024xf32, #tpu.memory_space<vmem>>, vector<1x16xf32>,
        %get3A_258 = vector.shape_cast %get3A_257 : vector<1x16xf32> to vector<16xf32>
        %mul3A_259 = arith.mulf %get3A_254, %get3A_4 : vector<16xf32>
        %mul3A_260 = arith.mulf %get3A_258, %sub3A_6 : vector<16xf32>
        %add3A_261 = arith.addf %mul3A_259, %mul3A_260 : vector<16xf32>
        %swap3A_262 = arith.index_cast %scan3A_218 : i32 to index
        %swap3A_263 = arith.constant 32 : index
        %swap3A_264 = tpu.vector_load %arg28[%swap3A_262, %swap3A_263] {strides = array<i32>} : memref<16x1000xf32, #tpu.memory_space<vmem>>, vector<1x16xf32>,
        %swap3A_265 = vector.shape_cast %swap3A_264 : vector<1x16xf32> to vector<16xf32>
        %swap3A_266 = vector.shape_cast %add3A_261 : vector<16xf32> to vector<1x16xf32>
        tpu.vector_store %arg28[%swap3A_262, %swap3A_263], %swap3A_266 {strides = array<i32>} : memref<16x1000xf32, #tpu.memory_space<vmem>>, vector<1x16xf32>,
        %get3A_267 = arith.index_cast %scan3A_218 : i32 to index
        %get3A_268 = arith.constant 48 : index
        %get3A_269 = tpu.vector_load %arg26[%get3A_267, %get3A_268] {strides = array<i32>} : memref<16x1000xf32, #tpu.memory_space<vmem>>, vector<1x16xf32>,
        %get3A_270 = vector.shape_cast %get3A_269 : vector<1x16xf32> to vector<16xf32>
        %get3A_271 = arith.index_cast %scan3A_218 : i32 to index
        %get3A_272 = arith.constant 48 : index
        %get3A_273 = tpu.vector_load %arg27[%get3A_271, %get3A_272] {strides = array<i32>} : memref<16x1024xf32, #tpu.memory_space<vmem>>, vector<1x16xf32>,
        %get3A_274 = vector.shape_cast %get3A_273 : vector<1x16xf32> to vector<16xf32>
        %mul3A_275 = arith.mulf %get3A_270, %get3A_4 : vector<16xf32>
        %mul3A_276 = arith.mulf %get3A_274, %sub3A_6 : vector<16xf32>
        %add3A_277 = arith.addf %mul3A_275, %mul3A_276 : vector<16xf32>
        %swap3A_278 = arith.index_cast %scan3A_218 : i32 to index
        %swap3A_279 = arith.constant 48 : index
        %swap3A_280 = tpu.vector_load %arg28[%swap3A_278, %swap3A_279] {strides = array<i32>} : memref<16x1000xf32, #tpu.memory_space<vmem>>, vector<1x16xf32>,
        %swap3A_281 = vector.shape_cast %swap3A_280 : vector<1x16xf32> to vector<16xf32>
        %swap3A_282 = vector.shape_cast %add3A_277 : vector<16xf32> to vector<1x16xf32>
        tpu.vector_store %arg28[%swap3A_278, %swap3A_279], %swap3A_282 {strides = array<i32>} : memref<16x1000xf32, #tpu.memory_space<vmem>>, vector<1x16xf32>,
        %get3A_283 = arith.index_cast %scan3A_218 : i32 to index
        %get3A_284 = arith.constant 64 : index
        %get3A_285 = tpu.vector_load %arg26[%get3A_283, %get3A_284] {strides = array<i32>} : memref<16x1000xf32, #tpu.memory_space<vmem>>, vector<1x16xf32>,
        %get3A_286 = vector.shape_cast %get3A_285 : vector<1x16xf32> to vector<16xf32>
        %get3A_287 = arith.index_cast %scan3A_218 : i32 to index
        %get3A_288 = arith.constant 64 : index
        %get3A_289 = tpu.vector_load %arg27[%get3A_287, %get3A_288] {strides = array<i32>} : memref<16x1024xf32, #tpu.memory_space<vmem>>, vector<1x16xf32>,
        %get3A_290 = vector.shape_cast %get3A_289 : vector<1x16xf32> to vector<16xf32>
        %mul3A_291 = arith.mulf %get3A_286, %get3A_4 : vector<16xf32>
        %mul3A_292 = arith.mulf %get3A_290, %sub3A_6 : vector<16xf32>
        %add3A_293 = arith.addf %mul3A_291, %mul3A_292 : vector<16xf32>
        %swap3A_294 = arith.index_cast %scan3A_218 : i32 to index
        %swap3A_295 = arith.constant 64 : index
        %swap3A_296 = tpu.vector_load %arg28[%swap3A_294, %swap3A_295] {strides = array<i32>} : memref<16x1000xf32, #tpu.memory_space<vmem>>, vector<1x16xf32>,
        %swap3A_297 = vector.shape_cast %swap3A_296 : vector<1x16xf32> to vector<16xf32>
        %swap3A_298 = vector.shape_cast %add3A_293 : vector<16xf32> to vector<1x16xf32>
        tpu.vector_store %arg28[%swap3A_294, %swap3A_295], %swap3A_298 {strides = array<i32>} : memref<16x1000xf32, #tpu.memory_space<vmem>>, vector<1x16xf32>,
        %get3A_299 = arith.index_cast %scan3A_218 : i32 to index
        %get3A_300 = arith.constant 80 : index
        %get3A_301 = tpu.vector_load %arg26[%get3A_299, %get3A_300] {strides = array<i32>} : memref<16x1000xf32, #tpu.memory_space<vmem>>, vector<1x16xf32>,
        %get3A_302 = vector.shape_cast %get3A_301 : vector<1x16xf32> to vector<16xf32>
        %get3A_303 = arith.index_cast %scan3A_218 : i32 to index
        %get3A_304 = arith.constant 80 : index
        %get3A_305 = tpu.vector_load %arg27[%get3A_303, %get3A_304] {strides = array<i32>} : memref<16x1024xf32, #tpu.memory_space<vmem>>, vector<1x16xf32>,
        %get3A_306 = vector.shape_cast %get3A_305 : vector<1x16xf32> to vector<16xf32>
        %mul3A_307 = arith.mulf %get3A_302, %get3A_4 : vector<16xf32>
        %mul3A_308 = arith.mulf %get3A_306, %sub3A_6 : vector<16xf32>
        %add3A_309 = arith.addf %mul3A_307, %mul3A_308 : vector<16xf32>
        %swap3A_310 = arith.index_cast %scan3A_218 : i32 to index
        %swap3A_311 = arith.constant 80 : index
        %swap3A_312 = tpu.vector_load %arg28[%swap3A_310, %swap3A_311] {strides = array<i32>} : memref<16x1000xf32, #tpu.memory_space<vmem>>, vector<1x16xf32>,
        %swap3A_313 = vector.shape_cast %swap3A_312 : vector<1x16xf32> to vector<16xf32>
        %swap3A_314 = vector.shape_cast %add3A_309 : vector<16xf32> to vector<1x16xf32>
        tpu.vector_store %arg28[%swap3A_310, %swap3A_311], %swap3A_314 {strides = array<i32>} : memref<16x1000xf32, #tpu.memory_space<vmem>>, vector<1x16xf32>,
        %get3A_315 = arith.index_cast %scan3A_218 : i32 to index
        %get3A_316 = arith.constant 96 : index
        %get3A_317 = tpu.vector_load %arg26[%get3A_315, %get3A_316] {strides = array<i32>} : memref<16x1000xf32, #tpu.memory_space<vmem>>, vector<1x16xf32>,
        %get3A_318 = vector.shape_cast %get3A_317 : vector<1x16xf32> to vector<16xf32>
        %get3A_319 = arith.index_cast %scan3A_218 : i32 to index
        %get3A_320 = arith.constant 96 : index
        %get3A_321 = tpu.vector_load %arg27[%get3A_319, %get3A_320] {strides = array<i32>} : memref<16x1024xf32, #tpu.memory_space<vmem>>, vector<1x16xf32>,
        %get3A_322 = vector.shape_cast %get3A_321 : vector<1x16xf32> to vector<16xf32>
        %mul3A_323 = arith.mulf %get3A_318, %get3A_4 : vector<16xf32>
        %mul3A_324 = arith.mulf %get3A_322, %sub3A_6 : vector<16xf32>
        %add3A_325 = arith.addf %mul3A_323, %mul3A_324 : vector<16xf32>
        %swap3A_326 = arith.index_cast %scan3A_218 : i32 to index
        %swap3A_327 = arith.constant 96 : index
        %swap3A_328 = tpu.vector_load %arg28[%swap3A_326, %swap3A_327] {strides = array<i32>} : memref<16x1000xf32, #tpu.memory_space<vmem>>, vector<1x16xf32>,
        %swap3A_329 = vector.shape_cast %swap3A_328 : vector<1x16xf32> to vector<16xf32>
        %swap3A_330 = vector.shape_cast %add3A_325 : vector<16xf32> to vector<1x16xf32>
        tpu.vector_store %arg28[%swap3A_326, %swap3A_327], %swap3A_330 {strides = array<i32>} : memref<16x1000xf32, #tpu.memory_space<vmem>>, vector<1x16xf32>,
        %get3A_331 = arith.index_cast %scan3A_218 : i32 to index
        %get3A_332 = arith.constant 112 : index
        %get3A_333 = tpu.vector_load %arg26[%get3A_331, %get3A_332] {strides = array<i32>} : memref<16x1000xf32, #tpu.memory_space<vmem>>, vector<1x16xf32>,
        %get3A_334 = vector.shape_cast %get3A_333 : vector<1x16xf32> to vector<16xf32>
        %get3A_335 = arith.index_cast %scan3A_218 : i32 to index
        %get3A_336 = arith.constant 112 : index
        %get3A_337 = tpu.vector_load %arg27[%get3A_335, %get3A_336] {strides = array<i32>} : memref<16x1024xf32, #tpu.memory_space<vmem>>, vector<1x16xf32>,
        %get3A_338 = vector.shape_cast %get3A_337 : vector<1x16xf32> to vector<16xf32>
        %mul3A_339 = arith.mulf %get3A_334, %get3A_4 : vector<16xf32>
        %mul3A_340 = arith.mulf %get3A_338, %sub3A_6 : vector<16xf32>
        %add3A_341 = arith.addf %mul3A_339, %mul3A_340 : vector<16xf32>
        %swap3A_342 = arith.index_cast %scan3A_218 : i32 to index
        %swap3A_343 = arith.constant 112 : index
        %swap3A_344 = tpu.vector_load %arg28[%swap3A_342, %swap3A_343] {strides = array<i32>} : memref<16x1000xf32, #tpu.memory_space<vmem>>, vector<1x16xf32>,
        %swap3A_345 = vector.shape_cast %swap3A_344 : vector<1x16xf32> to vector<16xf32>
        %swap3A_346 = vector.shape_cast %add3A_341 : vector<16xf32> to vector<1x16xf32>
        tpu.vector_store %arg28[%swap3A_342, %swap3A_343], %swap3A_346 {strides = array<i32>} : memref<16x1000xf32, #tpu.memory_space<vmem>>, vector<1x16xf32>,
        %get3A_347 = arith.index_cast %scan3A_218 : i32 to index
        %get3A_348 = arith.constant 128 : index
        %get3A_349 = tpu.vector_load %arg26[%get3A_347, %get3A_348] {strides = array<i32>} : memref<16x1000xf32, #tpu.memory_space<vmem>>, vector<1x16xf32>,
        %get3A_350 = vector.shape_cast %get3A_349 : vector<1x16xf32> to vector<16xf32>
        %get3A_351 = arith.index_cast %scan3A_218 : i32 to index
        %get3A_352 = arith.constant 128 : index
        %get3A_353 = tpu.vector_load %arg27[%get3A_351, %get3A_352] {strides = array<i32>} : memref<16x1024xf32, #tpu.memory_space<vmem>>, vector<1x16xf32>,
        %get3A_354 = vector.shape_cast %get3A_353 : vector<1x16xf32> to vector<16xf32>
        %mul3A_355 = arith.mulf %get3A_350, %get3A_4 : vector<16xf32>
        %mul3A_356 = arith.mulf %get3A_354, %sub3A_6 : vector<16xf32>
        %add3A_357 = arith.addf %mul3A_355, %mul3A_356 : vector<16xf32>
        %swap3A_358 = arith.index_cast %scan3A_218 : i32 to index
        %swap3A_359 = arith.constant 128 : index
        %swap3A_360 = tpu.vector_load %arg28[%swap3A_358, %swap3A_359] {strides = array<i32>} : memref<16x1000xf32, #tpu.memory_space<vmem>>, vector<1x16xf32>,
        %swap3A_361 = vector.shape_cast %swap3A_360 : vector<1x16xf32> to vector<16xf32>
        %swap3A_362 = vector.shape_cast %add3A_357 : vector<16xf32> to vector<1x16xf32>
        tpu.vector_store %arg28[%swap3A_358, %swap3A_359], %swap3A_362 {strides = array<i32>} : memref<16x1000xf32, #tpu.memory_space<vmem>>, vector<1x16xf32>,
        %get3A_363 = arith.index_cast %scan3A_218 : i32 to index
        %get3A_364 = arith.constant 144 : index
        %get3A_365 = tpu.vector_load %arg26[%get3A_363, %get3A_364] {strides = array<i32>} : memref<16x1000xf32, #tpu.memory_space<vmem>>, vector<1x16xf32>,
        %get3A_366 = vector.shape_cast %get3A_365 : vector<1x16xf32> to vector<16xf32>
        %get3A_367 = arith.index_cast %scan3A_218 : i32 to index
        %get3A_368 = arith.constant 144 : index
        %get3A_369 = tpu.vector_load %arg27[%get3A_367, %get3A_368] {strides = array<i32>} : memref<16x1024xf32, #tpu.memory_space<vmem>>, vector<1x16xf32>,
        %get3A_370 = vector.shape_cast %get3A_369 : vector<1x16xf32> to vector<16xf32>
        %mul3A_371 = arith.mulf %get3A_366, %get3A_4 : vector<16xf32>
        %mul3A_372 = arith.mulf %get3A_370, %sub3A_6 : vector<16xf32>
        %add3A_373 = arith.addf %mul3A_371, %mul3A_372 : vector<16xf32>
        %swap3A_374 = arith.index_cast %scan3A_218 : i32 to index
        %swap3A_375 = arith.constant 144 : index
        %swap3A_376 = tpu.vector_load %arg28[%swap3A_374, %swap3A_375] {strides = array<i32>} : memref<16x1000xf32, #tpu.memory_space<vmem>>, vector<1x16xf32>,
        %swap3A_377 = vector.shape_cast %swap3A_376 : vector<1x16xf32> to vector<16xf32>
        %swap3A_378 = vector.shape_cast %add3A_373 : vector<16xf32> to vector<1x16xf32>
        tpu.vector_store %arg28[%swap3A_374, %swap3A_375], %swap3A_378 {strides = array<i32>} : memref<16x1000xf32, #tpu.memory_space<vmem>>, vector<1x16xf32>,
        %get3A_379 = arith.index_cast %scan3A_218 : i32 to index
        %get3A_380 = arith.constant 160 : index
        %get3A_381 = tpu.vector_load %arg26[%get3A_379, %get3A_380] {strides = array<i32>} : memref<16x1000xf32, #tpu.memory_space<vmem>>, vector<1x16xf32>,
        %get3A_382 = vector.shape_cast %get3A_381 : vector<1x16xf32> to vector<16xf32>
        %get3A_383 = arith.index_cast %scan3A_218 : i32 to index
        %get3A_384 = arith.constant 160 : index
        %get3A_385 = tpu.vector_load %arg27[%get3A_383, %get3A_384] {strides = array<i32>} : memref<16x1024xf32, #tpu.memory_space<vmem>>, vector<1x16xf32>,
        %get3A_386 = vector.shape_cast %get3A_385 : vector<1x16xf32> to vector<16xf32>
        %mul3A_387 = arith.mulf %get3A_382, %get3A_4 : vector<16xf32>
        %mul3A_388 = arith.mulf %get3A_386, %sub3A_6 : vector<16xf32>
        %add3A_389 = arith.addf %mul3A_387, %mul3A_388 : vector<16xf32>
        %swap3A_390 = arith.index_cast %scan3A_218 : i32 to index
        %swap3A_391 = arith.constant 160 : index
        %swap3A_392 = tpu.vector_load %arg28[%swap3A_390, %swap3A_391] {strides = array<i32>} : memref<16x1000xf32, #tpu.memory_space<vmem>>, vector<1x16xf32>,
        %swap3A_393 = vector.shape_cast %swap3A_392 : vector<1x16xf32> to vector<16xf32>
        %swap3A_394 = vector.shape_cast %add3A_389 : vector<16xf32> to vector<1x16xf32>
        tpu.vector_store %arg28[%swap3A_390, %swap3A_391], %swap3A_394 {strides = array<i32>} : memref<16x1000xf32, #tpu.memory_space<vmem>>, vector<1x16xf32>,
        %get3A_395 = arith.index_cast %scan3A_218 : i32 to index
        %get3A_396 = arith.constant 176 : index
        %get3A_397 = tpu.vector_load %arg26[%get3A_395, %get3A_396] {strides = array<i32>} : memref<16x1000xf32, #tpu.memory_space<vmem>>, vector<1x16xf32>,
        %get3A_398 = vector.shape_cast %get3A_397 : vector<1x16xf32> to vector<16xf32>
        %get3A_399 = arith.index_cast %scan3A_218 : i32 to index
        %get3A_400 = arith.constant 176 : index
        %get3A_401 = tpu.vector_load %arg27[%get3A_399, %get3A_400] {strides = array<i32>} : memref<16x1024xf32, #tpu.memory_space<vmem>>, vector<1x16xf32>,
        %get3A_402 = vector.shape_cast %get3A_401 : vector<1x16xf32> to vector<16xf32>
        %mul3A_403 = arith.mulf %get3A_398, %get3A_4 : vector<16xf32>
        %mul3A_404 = arith.mulf %get3A_402, %sub3A_6 : vector<16xf32>
        %add3A_405 = arith.addf %mul3A_403, %mul3A_404 : vector<16xf32>
        %swap3A_406 = arith.index_cast %scan3A_218 : i32 to index
        %swap3A_407 = arith.constant 176 : index
        %swap3A_408 = tpu.vector_load %arg28[%swap3A_406, %swap3A_407] {strides = array<i32>} : memref<16x1000xf32, #tpu.memory_space<vmem>>, vector<1x16xf32>,
        %swap3A_409 = vector.shape_cast %swap3A_408 : vector<1x16xf32> to vector<16xf32>
        %swap3A_410 = vector.shape_cast %add3A_405 : vector<16xf32> to vector<1x16xf32>
        tpu.vector_store %arg28[%swap3A_406, %swap3A_407], %swap3A_410 {strides = array<i32>} : memref<16x1000xf32, #tpu.memory_space<vmem>>, vector<1x16xf32>,
        %get3A_411 = arith.index_cast %scan3A_218 : i32 to index
        %get3A_412 = arith.constant 192 : index
        %get3A_413 = tpu.vector_load %arg26[%get3A_411, %get3A_412] {strides = array<i32>} : memref<16x1000xf32, #tpu.memory_space<vmem>>, vector<1x16xf32>,
        %get3A_414 = vector.shape_cast %get3A_413 : vector<1x16xf32> to vector<16xf32>
        %get3A_415 = arith.index_cast %scan3A_218 : i32 to index
        %get3A_416 = arith.constant 192 : index
        %get3A_417 = tpu.vector_load %arg27[%get3A_415, %get3A_416] {strides = array<i32>} : memref<16x1024xf32, #tpu.memory_space<vmem>>, vector<1x16xf32>,
        %get3A_418 = vector.shape_cast %get3A_417 : vector<1x16xf32> to vector<16xf32>
        %mul3A_419 = arith.mulf %get3A_414, %get3A_4 : vector<16xf32>
        %mul3A_420 = arith.mulf %get3A_418, %sub3A_6 : vector<16xf32>
        %add3A_421 = arith.addf %mul3A_419, %mul3A_420 : vector<16xf32>
        %swap3A_422 = arith.index_cast %scan3A_218 : i32 to index
        %swap3A_423 = arith.constant 192 : index
        %swap3A_424 = tpu.vector_load %arg28[%swap3A_422, %swap3A_423] {strides = array<i32>} : memref<16x1000xf32, #tpu.memory_space<vmem>>, vector<1x16xf32>,
        %swap3A_425 = vector.shape_cast %swap3A_424 : vector<1x16xf32> to vector<16xf32>
        %swap3A_426 = vector.shape_cast %add3A_421 : vector<16xf32> to vector<1x16xf32>
        tpu.vector_store %arg28[%swap3A_422, %swap3A_423], %swap3A_426 {strides = array<i32>} : memref<16x1000xf32, #tpu.memory_space<vmem>>, vector<1x16xf32>,
        %get3A_427 = arith.index_cast %scan3A_218 : i32 to index
        %get3A_428 = arith.constant 208 : index
        %get3A_429 = tpu.vector_load %arg26[%get3A_427, %get3A_428] {strides = array<i32>} : memref<16x1000xf32, #tpu.memory_space<vmem>>, vector<1x16xf32>,
        %get3A_430 = vector.shape_cast %get3A_429 : vector<1x16xf32> to vector<16xf32>
        %get3A_431 = arith.index_cast %scan3A_218 : i32 to index
        %get3A_432 = arith.constant 208 : index
        %get3A_433 = tpu.vector_load %arg27[%get3A_431, %get3A_432] {strides = array<i32>} : memref<16x1024xf32, #tpu.memory_space<vmem>>, vector<1x16xf32>,
        %get3A_434 = vector.shape_cast %get3A_433 : vector<1x16xf32> to vector<16xf32>
        %mul3A_435 = arith.mulf %get3A_430, %get3A_4 : vector<16xf32>
        %mul3A_436 = arith.mulf %get3A_434, %sub3A_6 : vector<16xf32>
        %add3A_437 = arith.addf %mul3A_435, %mul3A_436 : vector<16xf32>
        %swap3A_438 = arith.index_cast %scan3A_218 : i32 to index
        %swap3A_439 = arith.constant 208 : index
        %swap3A_440 = tpu.vector_load %arg28[%swap3A_438, %swap3A_439] {strides = array<i32>} : memref<16x1000xf32, #tpu.memory_space<vmem>>, vector<1x16xf32>,
        %swap3A_441 = vector.shape_cast %swap3A_440 : vector<1x16xf32> to vector<16xf32>
        %swap3A_442 = vector.shape_cast %add3A_437 : vector<16xf32> to vector<1x16xf32>
        tpu.vector_store %arg28[%swap3A_438, %swap3A_439], %swap3A_442 {strides = array<i32>} : memref<16x1000xf32, #tpu.memory_space<vmem>>, vector<1x16xf32>,
        %get3A_443 = arith.index_cast %scan3A_218 : i32 to index
        %get3A_444 = arith.constant 224 : index
        %get3A_445 = tpu.vector_load %arg26[%get3A_443, %get3A_444] {strides = array<i32>} : memref<16x1000xf32, #tpu.memory_space<vmem>>, vector<1x16xf32>,
        %get3A_446 = vector.shape_cast %get3A_445 : vector<1x16xf32> to vector<16xf32>
        %get3A_447 = arith.index_cast %scan3A_218 : i32 to index
        %get3A_448 = arith.constant 224 : index
        %get3A_449 = tpu.vector_load %arg27[%get3A_447, %get3A_448] {strides = array<i32>} : memref<16x1024xf32, #tpu.memory_space<vmem>>, vector<1x16xf32>,
        %get3A_450 = vector.shape_cast %get3A_449 : vector<1x16xf32> to vector<16xf32>
        %mul3A_451 = arith.mulf %get3A_446, %get3A_4 : vector<16xf32>
        %mul3A_452 = arith.mulf %get3A_450, %sub3A_6 : vector<16xf32>
        %add3A_453 = arith.addf %mul3A_451, %mul3A_452 : vector<16xf32>
        %swap3A_454 = arith.index_cast %scan3A_218 : i32 to index
        %swap3A_455 = arith.constant 224 : index
        %swap3A_456 = tpu.vector_load %arg28[%swap3A_454, %swap3A_455] {strides = array<i32>} : memref<16x1000xf32, #tpu.memory_space<vmem>>, vector<1x16xf32>,
        %swap3A_457 = vector.shape_cast %swap3A_456 : vector<1x16xf32> to vector<16xf32>
        %swap3A_458 = vector.shape_cast %add3A_453 : vector<16xf32> to vector<1x16xf32>
        tpu.vector_store %arg28[%swap3A_454, %swap3A_455], %swap3A_458 {strides = array<i32>} : memref<16x1000xf32, #tpu.memory_space<vmem>>, vector<1x16xf32>,
        %get3A_459 = arith.index_cast %scan3A_218 : i32 to index
        %get3A_460 = arith.constant 240 : index
        %get3A_461 = tpu.vector_load %arg26[%get3A_459, %get3A_460] {strides = array<i32>} : memref<16x1000xf32, #tpu.memory_space<vmem>>, vector<1x16xf32>,
        %get3A_462 = vector.shape_cast %get3A_461 : vector<1x16xf32> to vector<16xf32>
        %get3A_463 = arith.index_cast %scan3A_218 : i32 to index
        %get3A_464 = arith.constant 240 : index
        %get3A_465 = tpu.vector_load %arg27[%get3A_463, %get3A_464] {strides = array<i32>} : memref<16x1024xf32, #tpu.memory_space<vmem>>, vector<1x16xf32>,
        %get3A_466 = vector.shape_cast %get3A_465 : vector<1x16xf32> to vector<16xf32>
        %mul3A_467 = arith.mulf %get3A_462, %get3A_4 : vector<16xf32>
        %mul3A_468 = arith.mulf %get3A_466, %sub3A_6 : vector<16xf32>
        %add3A_469 = arith.addf %mul3A_467, %mul3A_468 : vector<16xf32>
        %swap3A_470 = arith.index_cast %scan3A_218 : i32 to index
        %swap3A_471 = arith.constant 240 : index
        %swap3A_472 = tpu.vector_load %arg28[%swap3A_470, %swap3A_471] {strides = array<i32>} : memref<16x1000xf32, #tpu.memory_space<vmem>>, vector<1x16xf32>,
        %swap3A_473 = vector.shape_cast %swap3A_472 : vector<1x16xf32> to vector<16xf32>
        %swap3A_474 = vector.shape_cast %add3A_469 : vector<16xf32> to vector<1x16xf32>
        tpu.vector_store %arg28[%swap3A_470, %swap3A_471], %swap3A_474 {strides = array<i32>} : memref<16x1000xf32, #tpu.memory_space<vmem>>, vector<1x16xf32>,
        %get3A_475 = arith.index_cast %scan3A_218 : i32 to index
        %get3A_476 = arith.constant 256 : index
        %get3A_477 = tpu.vector_load %arg26[%get3A_475, %get3A_476] {strides = array<i32>} : memref<16x1000xf32, #tpu.memory_space<vmem>>, vector<1x16xf32>,
        %get3A_478 = vector.shape_cast %get3A_477 : vector<1x16xf32> to vector<16xf32>
        %get3A_479 = arith.index_cast %scan3A_218 : i32 to index
        %get3A_480 = arith.constant 256 : index
        %get3A_481 = tpu.vector_load %arg27[%get3A_479, %get3A_480] {strides = array<i32>} : memref<16x1024xf32, #tpu.memory_space<vmem>>, vector<1x16xf32>,
        %get3A_482 = vector.shape_cast %get3A_481 : vector<1x16xf32> to vector<16xf32>
        %mul3A_483 = arith.mulf %get3A_478, %get3A_4 : vector<16xf32>
        %mul3A_484 = arith.mulf %get3A_482, %sub3A_6 : vector<16xf32>
        %add3A_485 = arith.addf %mul3A_483, %mul3A_484 : vector<16xf32>
        %swap3A_486 = arith.index_cast %scan3A_218 : i32 to index
        %swap3A_487 = arith.constant 256 : index
        %swap3A_488 = tpu.vector_load %arg28[%swap3A_486, %swap3A_487] {strides = array<i32>} : memref<16x1000xf32, #tpu.memory_space<vmem>>, vector<1x16xf32>,
        %swap3A_489 = vector.shape_cast %swap3A_488 : vector<1x16xf32> to vector<16xf32>
        %swap3A_490 = vector.shape_cast %add3A_485 : vector<16xf32> to vector<1x16xf32>
        tpu.vector_store %arg28[%swap3A_486, %swap3A_487], %swap3A_490 {strides = array<i32>} : memref<16x1000xf32, #tpu.memory_space<vmem>>, vector<1x16xf32>,
        %get3A_491 = arith.index_cast %scan3A_218 : i32 to index
        %get3A_492 = arith.constant 272 : index
        %get3A_493 = tpu.vector_load %arg26[%get3A_491, %get3A_492] {strides = array<i32>} : memref<16x1000xf32, #tpu.memory_space<vmem>>, vector<1x16xf32>,
        %get3A_494 = vector.shape_cast %get3A_493 : vector<1x16xf32> to vector<16xf32>
        %get3A_495 = arith.index_cast %scan3A_218 : i32 to index
        %get3A_496 = arith.constant 272 : index
        %get3A_497 = tpu.vector_load %arg27[%get3A_495, %get3A_496] {strides = array<i32>} : memref<16x1024xf32, #tpu.memory_space<vmem>>, vector<1x16xf32>,
        %get3A_498 = vector.shape_cast %get3A_497 : vector<1x16xf32> to vector<16xf32>
        %mul3A_499 = arith.mulf %get3A_494, %get3A_4 : vector<16xf32>
        %mul3A_500 = arith.mulf %get3A_498, %sub3A_6 : vector<16xf32>
        %add3A_501 = arith.addf %mul3A_499, %mul3A_500 : vector<16xf32>
        %swap3A_502 = arith.index_cast %scan3A_218 : i32 to index
        %swap3A_503 = arith.constant 272 : index
        %swap3A_504 = tpu.vector_load %arg28[%swap3A_502, %swap3A_503] {strides = array<i32>} : memref<16x1000xf32, #tpu.memory_space<vmem>>, vector<1x16xf32>,
        %swap3A_505 = vector.shape_cast %swap3A_504 : vector<1x16xf32> to vector<16xf32>
        %swap3A_506 = vector.shape_cast %add3A_501 : vector<16xf32> to vector<1x16xf32>
        tpu.vector_store %arg28[%swap3A_502, %swap3A_503], %swap3A_506 {strides = array<i32>} : memref<16x1000xf32, #tpu.memory_space<vmem>>, vector<1x16xf32>,
        %get3A_507 = arith.index_cast %scan3A_218 : i32 to index
        %get3A_508 = arith.constant 288 : index
        %get3A_509 = tpu.vector_load %arg26[%get3A_507, %get3A_508] {strides = array<i32>} : memref<16x1000xf32, #tpu.memory_space<vmem>>, vector<1x16xf32>,
        %get3A_510 = vector.shape_cast %get3A_509 : vector<1x16xf32> to vector<16xf32>
        %get3A_511 = arith.index_cast %scan3A_218 : i32 to index
        %get3A_512 = arith.constant 288 : index
        %get3A_513 = tpu.vector_load %arg27[%get3A_511, %get3A_512] {strides = array<i32>} : memref<16x1024xf32, #tpu.memory_space<vmem>>, vector<1x16xf32>,
        %get3A_514 = vector.shape_cast %get3A_513 : vector<1x16xf32> to vector<16xf32>
        %mul3A_515 = arith.mulf %get3A_510, %get3A_4 : vector<16xf32>
        %mul3A_516 = arith.mulf %get3A_514, %sub3A_6 : vector<16xf32>
        %add3A_517 = arith.addf %mul3A_515, %mul3A_516 : vector<16xf32>
        %swap3A_518 = arith.index_cast %scan3A_218 : i32 to index
        %swap3A_519 = arith.constant 288 : index
        %swap3A_520 = tpu.vector_load %arg28[%swap3A_518, %swap3A_519] {strides = array<i32>} : memref<16x1000xf32, #tpu.memory_space<vmem>>, vector<1x16xf32>,
        %swap3A_521 = vector.shape_cast %swap3A_520 : vector<1x16xf32> to vector<16xf32>
        %swap3A_522 = vector.shape_cast %add3A_517 : vector<16xf32> to vector<1x16xf32>
        tpu.vector_store %arg28[%swap3A_518, %swap3A_519], %swap3A_522 {strides = array<i32>} : memref<16x1000xf32, #tpu.memory_space<vmem>>, vector<1x16xf32>,
        %get3A_523 = arith.index_cast %scan3A_218 : i32 to index
        %get3A_524 = arith.constant 304 : index
        %get3A_525 = tpu.vector_load %arg26[%get3A_523, %get3A_524] {strides = array<i32>} : memref<16x1000xf32, #tpu.memory_space<vmem>>, vector<1x16xf32>,
        %get3A_526 = vector.shape_cast %get3A_525 : vector<1x16xf32> to vector<16xf32>
        %get3A_527 = arith.index_cast %scan3A_218 : i32 to index
        %get3A_528 = arith.constant 304 : index
        %get3A_529 = tpu.vector_load %arg27[%get3A_527, %get3A_528] {strides = array<i32>} : memref<16x1024xf32, #tpu.memory_space<vmem>>, vector<1x16xf32>,
        %get3A_530 = vector.shape_cast %get3A_529 : vector<1x16xf32> to vector<16xf32>
        %mul3A_531 = arith.mulf %get3A_526, %get3A_4 : vector<16xf32>
        %mul3A_532 = arith.mulf %get3A_530, %sub3A_6 : vector<16xf32>
        %add3A_533 = arith.addf %mul3A_531, %mul3A_532 : vector<16xf32>
        %swap3A_534 = arith.index_cast %scan3A_218 : i32 to index
        %swap3A_535 = arith.constant 304 : index
        %swap3A_536 = tpu.vector_load %arg28[%swap3A_534, %swap3A_535] {strides = array<i32>} : memref<16x1000xf32, #tpu.memory_space<vmem>>, vector<1x16xf32>,
        %swap3A_537 = vector.shape_cast %swap3A_536 : vector<1x16xf32> to vector<16xf32>
        %swap3A_538 = vector.shape_cast %add3A_533 : vector<16xf32> to vector<1x16xf32>
        tpu.vector_store %arg28[%swap3A_534, %swap3A_535], %swap3A_538 {strides = array<i32>} : memref<16x1000xf32, #tpu.memory_space<vmem>>, vector<1x16xf32>,
        %get3A_539 = arith.index_cast %scan3A_218 : i32 to index
        %get3A_540 = arith.constant 320 : index
        %get3A_541 = tpu.vector_load %arg26[%get3A_539, %get3A_540] {strides = array<i32>} : memref<16x1000xf32, #tpu.memory_space<vmem>>, vector<1x16xf32>,
        %get3A_542 = vector.shape_cast %get3A_541 : vector<1x16xf32> to vector<16xf32>
        %get3A_543 = arith.index_cast %scan3A_218 : i32 to index
        %get3A_544 = arith.constant 320 : index
        %get3A_545 = tpu.vector_load %arg27[%get3A_543, %get3A_544] {strides = array<i32>} : memref<16x1024xf32, #tpu.memory_space<vmem>>, vector<1x16xf32>,
        %get3A_546 = vector.shape_cast %get3A_545 : vector<1x16xf32> to vector<16xf32>
        %mul3A_547 = arith.mulf %get3A_542, %get3A_4 : vector<16xf32>
        %mul3A_548 = arith.mulf %get3A_546, %sub3A_6 : vector<16xf32>
        %add3A_549 = arith.addf %mul3A_547, %mul3A_548 : vector<16xf32>
        %swap3A_550 = arith.index_cast %scan3A_218 : i32 to index
        %swap3A_551 = arith.constant 320 : index
        %swap3A_552 = tpu.vector_load %arg28[%swap3A_550, %swap3A_551] {strides = array<i32>} : memref<16x1000xf32, #tpu.memory_space<vmem>>, vector<1x16xf32>,
        %swap3A_553 = vector.shape_cast %swap3A_552 : vector<1x16xf32> to vector<16xf32>
        %swap3A_554 = vector.shape_cast %add3A_549 : vector<16xf32> to vector<1x16xf32>
        tpu.vector_store %arg28[%swap3A_550, %swap3A_551], %swap3A_554 {strides = array<i32>} : memref<16x1000xf32, #tpu.memory_space<vmem>>, vector<1x16xf32>,
        %get3A_555 = arith.index_cast %scan3A_218 : i32 to index
        %get3A_556 = arith.constant 336 : index
        %get3A_557 = tpu.vector_load %arg26[%get3A_555, %get3A_556] {strides = array<i32>} : memref<16x1000xf32, #tpu.memory_space<vmem>>, vector<1x16xf32>,
        %get3A_558 = vector.shape_cast %get3A_557 : vector<1x16xf32> to vector<16xf32>
        %get3A_559 = arith.index_cast %scan3A_218 : i32 to index
        %get3A_560 = arith.constant 336 : index
        %get3A_561 = tpu.vector_load %arg27[%get3A_559, %get3A_560] {strides = array<i32>} : memref<16x1024xf32, #tpu.memory_space<vmem>>, vector<1x16xf32>,
        %get3A_562 = vector.shape_cast %get3A_561 : vector<1x16xf32> to vector<16xf32>
        %mul3A_563 = arith.mulf %get3A_558, %get3A_4 : vector<16xf32>
        %mul3A_564 = arith.mulf %get3A_562, %sub3A_6 : vector<16xf32>
        %add3A_565 = arith.addf %mul3A_563, %mul3A_564 : vector<16xf32>
        %swap3A_566 = arith.index_cast %scan3A_218 : i32 to index
        %swap3A_567 = arith.constant 336 : index
        %swap3A_568 = tpu.vector_load %arg28[%swap3A_566, %swap3A_567] {strides = array<i32>} : memref<16x1000xf32, #tpu.memory_space<vmem>>, vector<1x16xf32>,
        %swap3A_569 = vector.shape_cast %swap3A_568 : vector<1x16xf32> to vector<16xf32>
        %swap3A_570 = vector.shape_cast %add3A_565 : vector<16xf32> to vector<1x16xf32>
        tpu.vector_store %arg28[%swap3A_566, %swap3A_567], %swap3A_570 {strides = array<i32>} : memref<16x1000xf32, #tpu.memory_space<vmem>>, vector<1x16xf32>,
        %get3A_571 = arith.index_cast %scan3A_218 : i32 to index
        %get3A_572 = arith.constant 352 : index
        %get3A_573 = tpu.vector_load %arg26[%get3A_571, %get3A_572] {strides = array<i32>} : memref<16x1000xf32, #tpu.memory_space<vmem>>, vector<1x16xf32>,
        %get3A_574 = vector.shape_cast %get3A_573 : vector<1x16xf32> to vector<16xf32>
        %get3A_575 = arith.index_cast %scan3A_218 : i32 to index
        %get3A_576 = arith.constant 352 : index
        %get3A_577 = tpu.vector_load %arg27[%get3A_575, %get3A_576] {strides = array<i32>} : memref<16x1024xf32, #tpu.memory_space<vmem>>, vector<1x16xf32>,
        %get3A_578 = vector.shape_cast %get3A_577 : vector<1x16xf32> to vector<16xf32>
        %mul3A_579 = arith.mulf %get3A_574, %get3A_4 : vector<16xf32>
        %mul3A_580 = arith.mulf %get3A_578, %sub3A_6 : vector<16xf32>
        %add3A_581 = arith.addf %mul3A_579, %mul3A_580 : vector<16xf32>
        %swap3A_582 = arith.index_cast %scan3A_218 : i32 to index
        %swap3A_583 = arith.constant 352 : index
        %swap3A_584 = tpu.vector_load %arg28[%swap3A_582, %swap3A_583] {strides = array<i32>} : memref<16x1000xf32, #tpu.memory_space<vmem>>, vector<1x16xf32>,
        %swap3A_585 = vector.shape_cast %swap3A_584 : vector<1x16xf32> to vector<16xf32>
        %swap3A_586 = vector.shape_cast %add3A_581 : vector<16xf32> to vector<1x16xf32>
        tpu.vector_store %arg28[%swap3A_582, %swap3A_583], %swap3A_586 {strides = array<i32>} : memref<16x1000xf32, #tpu.memory_space<vmem>>, vector<1x16xf32>,
        %get3A_587 = arith.index_cast %scan3A_218 : i32 to index
        %get3A_588 = arith.constant 368 : index
        %get3A_589 = tpu.vector_load %arg26[%get3A_587, %get3A_588] {strides = array<i32>} : memref<16x1000xf32, #tpu.memory_space<vmem>>, vector<1x16xf32>,
        %get3A_590 = vector.shape_cast %get3A_589 : vector<1x16xf32> to vector<16xf32>
        %get3A_591 = arith.index_cast %scan3A_218 : i32 to index
        %get3A_592 = arith.constant 368 : index
        %get3A_593 = tpu.vector_load %arg27[%get3A_591, %get3A_592] {strides = array<i32>} : memref<16x1024xf32, #tpu.memory_space<vmem>>, vector<1x16xf32>,
        %get3A_594 = vector.shape_cast %get3A_593 : vector<1x16xf32> to vector<16xf32>
        %mul3A_595 = arith.mulf %get3A_590, %get3A_4 : vector<16xf32>
        %mul3A_596 = arith.mulf %get3A_594, %sub3A_6 : vector<16xf32>
        %add3A_597 = arith.addf %mul3A_595, %mul3A_596 : vector<16xf32>
        %swap3A_598 = arith.index_cast %scan3A_218 : i32 to index
        %swap3A_599 = arith.constant 368 : index
        %swap3A_600 = tpu.vector_load %arg28[%swap3A_598, %swap3A_599] {strides = array<i32>} : memref<16x1000xf32, #tpu.memory_space<vmem>>, vector<1x16xf32>,
        %swap3A_601 = vector.shape_cast %swap3A_600 : vector<1x16xf32> to vector<16xf32>
        %swap3A_602 = vector.shape_cast %add3A_597 : vector<16xf32> to vector<1x16xf32>
        tpu.vector_store %arg28[%swap3A_598, %swap3A_599], %swap3A_602 {strides = array<i32>} : memref<16x1000xf32, #tpu.memory_space<vmem>>, vector<1x16xf32>,
        %get3A_603 = arith.index_cast %scan3A_218 : i32 to index
        %get3A_604 = arith.constant 384 : index
        %get3A_605 = tpu.vector_load %arg26[%get3A_603, %get3A_604] {strides = array<i32>} : memref<16x1000xf32, #tpu.memory_space<vmem>>, vector<1x16xf32>,
        %get3A_606 = vector.shape_cast %get3A_605 : vector<1x16xf32> to vector<16xf32>
        %get3A_607 = arith.index_cast %scan3A_218 : i32 to index
        %get3A_608 = arith.constant 384 : index
        %get3A_609 = tpu.vector_load %arg27[%get3A_607, %get3A_608] {strides = array<i32>} : memref<16x1024xf32, #tpu.memory_space<vmem>>, vector<1x16xf32>,
        %get3A_610 = vector.shape_cast %get3A_609 : vector<1x16xf32> to vector<16xf32>
        %mul3A_611 = arith.mulf %get3A_606, %get3A_4 : vector<16xf32>
        %mul3A_612 = arith.mulf %get3A_610, %sub3A_6 : vector<16xf32>
        %add3A_613 = arith.addf %mul3A_611, %mul3A_612 : vector<16xf32>
        %swap3A_614 = arith.index_cast %scan3A_218 : i32 to index
        %swap3A_615 = arith.constant 384 : index
        %swap3A_616 = tpu.vector_load %arg28[%swap3A_614, %swap3A_615] {strides = array<i32>} : memref<16x1000xf32, #tpu.memory_space<vmem>>, vector<1x16xf32>,
        %swap3A_617 = vector.shape_cast %swap3A_616 : vector<1x16xf32> to vector<16xf32>
        %swap3A_618 = vector.shape_cast %add3A_613 : vector<16xf32> to vector<1x16xf32>
        tpu.vector_store %arg28[%swap3A_614, %swap3A_615], %swap3A_618 {strides = array<i32>} : memref<16x1000xf32, #tpu.memory_space<vmem>>, vector<1x16xf32>,
        %get3A_619 = arith.index_cast %scan3A_218 : i32 to index
        %get3A_620 = arith.constant 400 : index
        %get3A_621 = tpu.vector_load %arg26[%get3A_619, %get3A_620] {strides = array<i32>} : memref<16x1000xf32, #tpu.memory_space<vmem>>, vector<1x16xf32>,
        %get3A_622 = vector.shape_cast %get3A_621 : vector<1x16xf32> to vector<16xf32>
        %get3A_623 = arith.index_cast %scan3A_218 : i32 to index
        %get3A_624 = arith.constant 400 : index
        %get3A_625 = tpu.vector_load %arg27[%get3A_623, %get3A_624] {strides = array<i32>} : memref<16x1024xf32, #tpu.memory_space<vmem>>, vector<1x16xf32>,
        %get3A_626 = vector.shape_cast %get3A_625 : vector<1x16xf32> to vector<16xf32>
        %mul3A_627 = arith.mulf %get3A_622, %get3A_4 : vector<16xf32>
        %mul3A_628 = arith.mulf %get3A_626, %sub3A_6 : vector<16xf32>
        %add3A_629 = arith.addf %mul3A_627, %mul3A_628 : vector<16xf32>
        %swap3A_630 = arith.index_cast %scan3A_218 : i32 to index
        %swap3A_631 = arith.constant 400 : index
        %swap3A_632 = tpu.vector_load %arg28[%swap3A_630, %swap3A_631] {strides = array<i32>} : memref<16x1000xf32, #tpu.memory_space<vmem>>, vector<1x16xf32>,
        %swap3A_633 = vector.shape_cast %swap3A_632 : vector<1x16xf32> to vector<16xf32>
        %swap3A_634 = vector.shape_cast %add3A_629 : vector<16xf32> to vector<1x16xf32>
        tpu.vector_store %arg28[%swap3A_630, %swap3A_631], %swap3A_634 {strides = array<i32>} : memref<16x1000xf32, #tpu.memory_space<vmem>>, vector<1x16xf32>,
        %get3A_635 = arith.index_cast %scan3A_218 : i32 to index
        %get3A_636 = arith.constant 416 : index
        %get3A_637 = tpu.vector_load %arg26[%get3A_635, %get3A_636] {strides = array<i32>} : memref<16x1000xf32, #tpu.memory_space<vmem>>, vector<1x16xf32>,
        %get3A_638 = vector.shape_cast %get3A_637 : vector<1x16xf32> to vector<16xf32>
        %get3A_639 = arith.index_cast %scan3A_218 : i32 to index
        %get3A_640 = arith.constant 416 : index
        %get3A_641 = tpu.vector_load %arg27[%get3A_639, %get3A_640] {strides = array<i32>} : memref<16x1024xf32, #tpu.memory_space<vmem>>, vector<1x16xf32>,
        %get3A_642 = vector.shape_cast %get3A_641 : vector<1x16xf32> to vector<16xf32>
        %mul3A_643 = arith.mulf %get3A_638, %get3A_4 : vector<16xf32>
        %mul3A_644 = arith.mulf %get3A_642, %sub3A_6 : vector<16xf32>
        %add3A_645 = arith.addf %mul3A_643, %mul3A_644 : vector<16xf32>
        %swap3A_646 = arith.index_cast %scan3A_218 : i32 to index
        %swap3A_647 = arith.constant 416 : index
        %swap3A_648 = tpu.vector_load %arg28[%swap3A_646, %swap3A_647] {strides = array<i32>} : memref<16x1000xf32, #tpu.memory_space<vmem>>, vector<1x16xf32>,
        %swap3A_649 = vector.shape_cast %swap3A_648 : vector<1x16xf32> to vector<16xf32>
        %swap3A_650 = vector.shape_cast %add3A_645 : vector<16xf32> to vector<1x16xf32>
        tpu.vector_store %arg28[%swap3A_646, %swap3A_647], %swap3A_650 {strides = array<i32>} : memref<16x1000xf32, #tpu.memory_space<vmem>>, vector<1x16xf32>,
        %get3A_651 = arith.index_cast %scan3A_218 : i32 to index
        %get3A_652 = arith.constant 432 : index
        %get3A_653 = tpu.vector_load %arg26[%get3A_651, %get3A_652] {strides = array<i32>} : memref<16x1000xf32, #tpu.memory_space<vmem>>, vector<1x16xf32>,
        %get3A_654 = vector.shape_cast %get3A_653 : vector<1x16xf32> to vector<16xf32>
        %get3A_655 = arith.index_cast %scan3A_218 : i32 to index
        %get3A_656 = arith.constant 432 : index
        %get3A_657 = tpu.vector_load %arg27[%get3A_655, %get3A_656] {strides = array<i32>} : memref<16x1024xf32, #tpu.memory_space<vmem>>, vector<1x16xf32>,
        %get3A_658 = vector.shape_cast %get3A_657 : vector<1x16xf32> to vector<16xf32>
        %mul3A_659 = arith.mulf %get3A_654, %get3A_4 : vector<16xf32>
        %mul3A_660 = arith.mulf %get3A_658, %sub3A_6 : vector<16xf32>
        %add3A_661 = arith.addf %mul3A_659, %mul3A_660 : vector<16xf32>
        %swap3A_662 = arith.index_cast %scan3A_218 : i32 to index
        %swap3A_663 = arith.constant 432 : index
        %swap3A_664 = tpu.vector_load %arg28[%swap3A_662, %swap3A_663] {strides = array<i32>} : memref<16x1000xf32, #tpu.memory_space<vmem>>, vector<1x16xf32>,
        %swap3A_665 = vector.shape_cast %swap3A_664 : vector<1x16xf32> to vector<16xf32>
        %swap3A_666 = vector.shape_cast %add3A_661 : vector<16xf32> to vector<1x16xf32>
        tpu.vector_store %arg28[%swap3A_662, %swap3A_663], %swap3A_666 {strides = array<i32>} : memref<16x1000xf32, #tpu.memory_space<vmem>>, vector<1x16xf32>,
        %get3A_667 = arith.index_cast %scan3A_218 : i32 to index
        %get3A_668 = arith.constant 448 : index
        %get3A_669 = tpu.vector_load %arg26[%get3A_667, %get3A_668] {strides = array<i32>} : memref<16x1000xf32, #tpu.memory_space<vmem>>, vector<1x16xf32>,
        %get3A_670 = vector.shape_cast %get3A_669 : vector<1x16xf32> to vector<16xf32>
        %get3A_671 = arith.index_cast %scan3A_218 : i32 to index
        %get3A_672 = arith.constant 448 : index
        %get3A_673 = tpu.vector_load %arg27[%get3A_671, %get3A_672] {strides = array<i32>} : memref<16x1024xf32, #tpu.memory_space<vmem>>, vector<1x16xf32>,
        %get3A_674 = vector.shape_cast %get3A_673 : vector<1x16xf32> to vector<16xf32>
        %mul3A_675 = arith.mulf %get3A_670, %get3A_4 : vector<16xf32>
        %mul3A_676 = arith.mulf %get3A_674, %sub3A_6 : vector<16xf32>
        %add3A_677 = arith.addf %mul3A_675, %mul3A_676 : vector<16xf32>
        %swap3A_678 = arith.index_cast %scan3A_218 : i32 to index
        %swap3A_679 = arith.constant 448 : index
        %swap3A_680 = tpu.vector_load %arg28[%swap3A_678, %swap3A_679] {strides = array<i32>} : memref<16x1000xf32, #tpu.memory_space<vmem>>, vector<1x16xf32>,
        %swap3A_681 = vector.shape_cast %swap3A_680 : vector<1x16xf32> to vector<16xf32>
        %swap3A_682 = vector.shape_cast %add3A_677 : vector<16xf32> to vector<1x16xf32>
        tpu.vector_store %arg28[%swap3A_678, %swap3A_679], %swap3A_682 {strides = array<i32>} : memref<16x1000xf32, #tpu.memory_space<vmem>>, vector<1x16xf32>,
        %get3A_683 = arith.index_cast %scan3A_218 : i32 to index
        %get3A_684 = arith.constant 464 : index
        %get3A_685 = tpu.vector_load %arg26[%get3A_683, %get3A_684] {strides = array<i32>} : memref<16x1000xf32, #tpu.memory_space<vmem>>, vector<1x16xf32>,
        %get3A_686 = vector.shape_cast %get3A_685 : vector<1x16xf32> to vector<16xf32>
        %get3A_687 = arith.index_cast %scan3A_218 : i32 to index
        %get3A_688 = arith.constant 464 : index
        %get3A_689 = tpu.vector_load %arg27[%get3A_687, %get3A_688] {strides = array<i32>} : memref<16x1024xf32, #tpu.memory_space<vmem>>, vector<1x16xf32>,
        %get3A_690 = vector.shape_cast %get3A_689 : vector<1x16xf32> to vector<16xf32>
        %mul3A_691 = arith.mulf %get3A_686, %get3A_4 : vector<16xf32>
        %mul3A_692 = arith.mulf %get3A_690, %sub3A_6 : vector<16xf32>
        %add3A_693 = arith.addf %mul3A_691, %mul3A_692 : vector<16xf32>
        %swap3A_694 = arith.index_cast %scan3A_218 : i32 to index
        %swap3A_695 = arith.constant 464 : index
        %swap3A_696 = tpu.vector_load %arg28[%swap3A_694, %swap3A_695] {strides = array<i32>} : memref<16x1000xf32, #tpu.memory_space<vmem>>, vector<1x16xf32>,
        %swap3A_697 = vector.shape_cast %swap3A_696 : vector<1x16xf32> to vector<16xf32>
        %swap3A_698 = vector.shape_cast %add3A_693 : vector<16xf32> to vector<1x16xf32>
        tpu.vector_store %arg28[%swap3A_694, %swap3A_695], %swap3A_698 {strides = array<i32>} : memref<16x1000xf32, #tpu.memory_space<vmem>>, vector<1x16xf32>,
        %get3A_699 = arith.index_cast %scan3A_218 : i32 to index
        %get3A_700 = arith.constant 480 : index
        %get3A_701 = tpu.vector_load %arg26[%get3A_699, %get3A_700] {strides = array<i32>} : memref<16x1000xf32, #tpu.memory_space<vmem>>, vector<1x16xf32>,
        %get3A_702 = vector.shape_cast %get3A_701 : vector<1x16xf32> to vector<16xf32>
        %get3A_703 = arith.index_cast %scan3A_218 : i32 to index
        %get3A_704 = arith.constant 480 : index
        %get3A_705 = tpu.vector_load %arg27[%get3A_703, %get3A_704] {strides = array<i32>} : memref<16x1024xf32, #tpu.memory_space<vmem>>, vector<1x16xf32>,
        %get3A_706 = vector.shape_cast %get3A_705 : vector<1x16xf32> to vector<16xf32>
        %mul3A_707 = arith.mulf %get3A_702, %get3A_4 : vector<16xf32>
        %mul3A_708 = arith.mulf %get3A_706, %sub3A_6 : vector<16xf32>
        %add3A_709 = arith.addf %mul3A_707, %mul3A_708 : vector<16xf32>
        %swap3A_710 = arith.index_cast %scan3A_218 : i32 to index
        %swap3A_711 = arith.constant 480 : index
        %swap3A_712 = tpu.vector_load %arg28[%swap3A_710, %swap3A_711] {strides = array<i32>} : memref<16x1000xf32, #tpu.memory_space<vmem>>, vector<1x16xf32>,
        %swap3A_713 = vector.shape_cast %swap3A_712 : vector<1x16xf32> to vector<16xf32>
        %swap3A_714 = vector.shape_cast %add3A_709 : vector<16xf32> to vector<1x16xf32>
        tpu.vector_store %arg28[%swap3A_710, %swap3A_711], %swap3A_714 {strides = array<i32>} : memref<16x1000xf32, #tpu.memory_space<vmem>>, vector<1x16xf32>,
        %get3A_715 = arith.index_cast %scan3A_218 : i32 to index
        %get3A_716 = arith.constant 496 : index
        %get3A_717 = tpu.vector_load %arg26[%get3A_715, %get3A_716] {strides = array<i32>} : memref<16x1000xf32, #tpu.memory_space<vmem>>, vector<1x16xf32>,
        %get3A_718 = vector.shape_cast %get3A_717 : vector<1x16xf32> to vector<16xf32>
        %get3A_719 = arith.index_cast %scan3A_218 : i32 to index
        %get3A_720 = arith.constant 496 : index
        %get3A_721 = tpu.vector_load %arg27[%get3A_719, %get3A_720] {strides = array<i32>} : memref<16x1024xf32, #tpu.memory_space<vmem>>, vector<1x16xf32>,
        %get3A_722 = vector.shape_cast %get3A_721 : vector<1x16xf32> to vector<16xf32>
        %mul3A_723 = arith.mulf %get3A_718, %get3A_4 : vector<16xf32>
        %mul3A_724 = arith.mulf %get3A_722, %sub3A_6 : vector<16xf32>
        %add3A_725 = arith.addf %mul3A_723, %mul3A_724 : vector<16xf32>
        %swap3A_726 = arith.index_cast %scan3A_218 : i32 to index
        %swap3A_727 = arith.constant 496 : index
        %swap3A_728 = tpu.vector_load %arg28[%swap3A_726, %swap3A_727] {strides = array<i32>} : memref<16x1000xf32, #tpu.memory_space<vmem>>, vector<1x16xf32>,
        %swap3A_729 = vector.shape_cast %swap3A_728 : vector<1x16xf32> to vector<16xf32>
        %swap3A_730 = vector.shape_cast %add3A_725 : vector<16xf32> to vector<1x16xf32>
        tpu.vector_store %arg28[%swap3A_726, %swap3A_727], %swap3A_730 {strides = array<i32>} : memref<16x1000xf32, #tpu.memory_space<vmem>>, vector<1x16xf32>,
        %get3A_731 = arith.index_cast %scan3A_218 : i32 to index
        %get3A_732 = arith.constant 512 : index
        %get3A_733 = tpu.vector_load %arg26[%get3A_731, %get3A_732] {strides = array<i32>} : memref<16x1000xf32, #tpu.memory_space<vmem>>, vector<1x16xf32>,
        %get3A_734 = vector.shape_cast %get3A_733 : vector<1x16xf32> to vector<16xf32>
        %get3A_735 = arith.index_cast %scan3A_218 : i32 to index
        %get3A_736 = arith.constant 512 : index
        %get3A_737 = tpu.vector_load %arg27[%get3A_735, %get3A_736] {strides = array<i32>} : memref<16x1024xf32, #tpu.memory_space<vmem>>, vector<1x16xf32>,
        %get3A_738 = vector.shape_cast %get3A_737 : vector<1x16xf32> to vector<16xf32>
        %mul3A_739 = arith.mulf %get3A_734, %get3A_4 : vector<16xf32>
        %mul3A_740 = arith.mulf %get3A_738, %sub3A_6 : vector<16xf32>
        %add3A_741 = arith.addf %mul3A_739, %mul3A_740 : vector<16xf32>
        %swap3A_742 = arith.index_cast %scan3A_218 : i32 to index
        %swap3A_743 = arith.constant 512 : index
        %swap3A_744 = tpu.vector_load %arg28[%swap3A_742, %swap3A_743] {strides = array<i32>} : memref<16x1000xf32, #tpu.memory_space<vmem>>, vector<1x16xf32>,
        %swap3A_745 = vector.shape_cast %swap3A_744 : vector<1x16xf32> to vector<16xf32>
        %swap3A_746 = vector.shape_cast %add3A_741 : vector<16xf32> to vector<1x16xf32>
        tpu.vector_store %arg28[%swap3A_742, %swap3A_743], %swap3A_746 {strides = array<i32>} : memref<16x1000xf32, #tpu.memory_space<vmem>>, vector<1x16xf32>,
        %get3A_747 = arith.index_cast %scan3A_218 : i32 to index
        %get3A_748 = arith.constant 528 : index
        %get3A_749 = tpu.vector_load %arg26[%get3A_747, %get3A_748] {strides = array<i32>} : memref<16x1000xf32, #tpu.memory_space<vmem>>, vector<1x16xf32>,
        %get3A_750 = vector.shape_cast %get3A_749 : vector<1x16xf32> to vector<16xf32>
        %get3A_751 = arith.index_cast %scan3A_218 : i32 to index
        %get3A_752 = arith.constant 528 : index
        %get3A_753 = tpu.vector_load %arg27[%get3A_751, %get3A_752] {strides = array<i32>} : memref<16x1024xf32, #tpu.memory_space<vmem>>, vector<1x16xf32>,
        %get3A_754 = vector.shape_cast %get3A_753 : vector<1x16xf32> to vector<16xf32>
        %mul3A_755 = arith.mulf %get3A_750, %get3A_4 : vector<16xf32>
        %mul3A_756 = arith.mulf %get3A_754, %sub3A_6 : vector<16xf32>
        %add3A_757 = arith.addf %mul3A_755, %mul3A_756 : vector<16xf32>
        %swap3A_758 = arith.index_cast %scan3A_218 : i32 to index
        %swap3A_759 = arith.constant 528 : index
        %swap3A_760 = tpu.vector_load %arg28[%swap3A_758, %swap3A_759] {strides = array<i32>} : memref<16x1000xf32, #tpu.memory_space<vmem>>, vector<1x16xf32>,
        %swap3A_761 = vector.shape_cast %swap3A_760 : vector<1x16xf32> to vector<16xf32>
        %swap3A_762 = vector.shape_cast %add3A_757 : vector<16xf32> to vector<1x16xf32>
        tpu.vector_store %arg28[%swap3A_758, %swap3A_759], %swap3A_762 {strides = array<i32>} : memref<16x1000xf32, #tpu.memory_space<vmem>>, vector<1x16xf32>,
        %get3A_763 = arith.index_cast %scan3A_218 : i32 to index
        %get3A_764 = arith.constant 544 : index
        %get3A_765 = tpu.vector_load %arg26[%get3A_763, %get3A_764] {strides = array<i32>} : memref<16x1000xf32, #tpu.memory_space<vmem>>, vector<1x16xf32>,
        %get3A_766 = vector.shape_cast %get3A_765 : vector<1x16xf32> to vector<16xf32>
        %get3A_767 = arith.index_cast %scan3A_218 : i32 to index
        %get3A_768 = arith.constant 544 : index
        %get3A_769 = tpu.vector_load %arg27[%get3A_767, %get3A_768] {strides = array<i32>} : memref<16x1024xf32, #tpu.memory_space<vmem>>, vector<1x16xf32>,
        %get3A_770 = vector.shape_cast %get3A_769 : vector<1x16xf32> to vector<16xf32>
        %mul3A_771 = arith.mulf %get3A_766, %get3A_4 : vector<16xf32>
        %mul3A_772 = arith.mulf %get3A_770, %sub3A_6 : vector<16xf32>
        %add3A_773 = arith.addf %mul3A_771, %mul3A_772 : vector<16xf32>
        %swap3A_774 = arith.index_cast %scan3A_218 : i32 to index
        %swap3A_775 = arith.constant 544 : index
        %swap3A_776 = tpu.vector_load %arg28[%swap3A_774, %swap3A_775] {strides = array<i32>} : memref<16x1000xf32, #tpu.memory_space<vmem>>, vector<1x16xf32>,
        %swap3A_777 = vector.shape_cast %swap3A_776 : vector<1x16xf32> to vector<16xf32>
        %swap3A_778 = vector.shape_cast %add3A_773 : vector<16xf32> to vector<1x16xf32>
        tpu.vector_store %arg28[%swap3A_774, %swap3A_775], %swap3A_778 {strides = array<i32>} : memref<16x1000xf32, #tpu.memory_space<vmem>>, vector<1x16xf32>,
        %get3A_779 = arith.index_cast %scan3A_218 : i32 to index
        %get3A_780 = arith.constant 560 : index
        %get3A_781 = tpu.vector_load %arg26[%get3A_779, %get3A_780] {strides = array<i32>} : memref<16x1000xf32, #tpu.memory_space<vmem>>, vector<1x16xf32>,
        %get3A_782 = vector.shape_cast %get3A_781 : vector<1x16xf32> to vector<16xf32>
        %get3A_783 = arith.index_cast %scan3A_218 : i32 to index
        %get3A_784 = arith.constant 560 : index
        %get3A_785 = tpu.vector_load %arg27[%get3A_783, %get3A_784] {strides = array<i32>} : memref<16x1024xf32, #tpu.memory_space<vmem>>, vector<1x16xf32>,
        %get3A_786 = vector.shape_cast %get3A_785 : vector<1x16xf32> to vector<16xf32>
        %mul3A_787 = arith.mulf %get3A_782, %get3A_4 : vector<16xf32>
        %mul3A_788 = arith.mulf %get3A_786, %sub3A_6 : vector<16xf32>
        %add3A_789 = arith.addf %mul3A_787, %mul3A_788 : vector<16xf32>
        %swap3A_790 = arith.index_cast %scan3A_218 : i32 to index
        %swap3A_791 = arith.constant 560 : index
        %swap3A_792 = tpu.vector_load %arg28[%swap3A_790, %swap3A_791] {strides = array<i32>} : memref<16x1000xf32, #tpu.memory_space<vmem>>, vector<1x16xf32>,
        %swap3A_793 = vector.shape_cast %swap3A_792 : vector<1x16xf32> to vector<16xf32>
        %swap3A_794 = vector.shape_cast %add3A_789 : vector<16xf32> to vector<1x16xf32>
        tpu.vector_store %arg28[%swap3A_790, %swap3A_791], %swap3A_794 {strides = array<i32>} : memref<16x1000xf32, #tpu.memory_space<vmem>>, vector<1x16xf32>,
        %get3A_795 = arith.index_cast %scan3A_218 : i32 to index
        %get3A_796 = arith.constant 576 : index
        %get3A_797 = tpu.vector_load %arg26[%get3A_795, %get3A_796] {strides = array<i32>} : memref<16x1000xf32, #tpu.memory_space<vmem>>, vector<1x16xf32>,
        %get3A_798 = vector.shape_cast %get3A_797 : vector<1x16xf32> to vector<16xf32>
        %get3A_799 = arith.index_cast %scan3A_218 : i32 to index
        %get3A_800 = arith.constant 576 : index
        %get3A_801 = tpu.vector_load %arg27[%get3A_799, %get3A_800] {strides = array<i32>} : memref<16x1024xf32, #tpu.memory_space<vmem>>, vector<1x16xf32>,
        %get3A_802 = vector.shape_cast %get3A_801 : vector<1x16xf32> to vector<16xf32>
        %mul3A_803 = arith.mulf %get3A_798, %get3A_4 : vector<16xf32>
        %mul3A_804 = arith.mulf %get3A_802, %sub3A_6 : vector<16xf32>
        %add3A_805 = arith.addf %mul3A_803, %mul3A_804 : vector<16xf32>
        %swap3A_806 = arith.index_cast %scan3A_218 : i32 to index
        %swap3A_807 = arith.constant 576 : index
        %swap3A_808 = tpu.vector_load %arg28[%swap3A_806, %swap3A_807] {strides = array<i32>} : memref<16x1000xf32, #tpu.memory_space<vmem>>, vector<1x16xf32>,
        %swap3A_809 = vector.shape_cast %swap3A_808 : vector<1x16xf32> to vector<16xf32>
        %swap3A_810 = vector.shape_cast %add3A_805 : vector<16xf32> to vector<1x16xf32>
        tpu.vector_store %arg28[%swap3A_806, %swap3A_807], %swap3A_810 {strides = array<i32>} : memref<16x1000xf32, #tpu.memory_space<vmem>>, vector<1x16xf32>,
        %get3A_811 = arith.index_cast %scan3A_218 : i32 to index
        %get3A_812 = arith.constant 592 : index
        %get3A_813 = tpu.vector_load %arg26[%get3A_811, %get3A_812] {strides = array<i32>} : memref<16x1000xf32, #tpu.memory_space<vmem>>, vector<1x16xf32>,
        %get3A_814 = vector.shape_cast %get3A_813 : vector<1x16xf32> to vector<16xf32>
        %get3A_815 = arith.index_cast %scan3A_218 : i32 to index
        %get3A_816 = arith.constant 592 : index
        %get3A_817 = tpu.vector_load %arg27[%get3A_815, %get3A_816] {strides = array<i32>} : memref<16x1024xf32, #tpu.memory_space<vmem>>, vector<1x16xf32>,
        %get3A_818 = vector.shape_cast %get3A_817 : vector<1x16xf32> to vector<16xf32>
        %mul3A_819 = arith.mulf %get3A_814, %get3A_4 : vector<16xf32>
        %mul3A_820 = arith.mulf %get3A_818, %sub3A_6 : vector<16xf32>
        %add3A_821 = arith.addf %mul3A_819, %mul3A_820 : vector<16xf32>
        %swap3A_822 = arith.index_cast %scan3A_218 : i32 to index
        %swap3A_823 = arith.constant 592 : index
        %swap3A_824 = tpu.vector_load %arg28[%swap3A_822, %swap3A_823] {strides = array<i32>} : memref<16x1000xf32, #tpu.memory_space<vmem>>, vector<1x16xf32>,
        %swap3A_825 = vector.shape_cast %swap3A_824 : vector<1x16xf32> to vector<16xf32>
        %swap3A_826 = vector.shape_cast %add3A_821 : vector<16xf32> to vector<1x16xf32>
        tpu.vector_store %arg28[%swap3A_822, %swap3A_823], %swap3A_826 {strides = array<i32>} : memref<16x1000xf32, #tpu.memory_space<vmem>>, vector<1x16xf32>,
        %get3A_827 = arith.index_cast %scan3A_218 : i32 to index
        %get3A_828 = arith.constant 608 : index
        %get3A_829 = tpu.vector_load %arg26[%get3A_827, %get3A_828] {strides = array<i32>} : memref<16x1000xf32, #tpu.memory_space<vmem>>, vector<1x16xf32>,
        %get3A_830 = vector.shape_cast %get3A_829 : vector<1x16xf32> to vector<16xf32>
        %get3A_831 = arith.index_cast %scan3A_218 : i32 to index
        %get3A_832 = arith.constant 608 : index
        %get3A_833 = tpu.vector_load %arg27[%get3A_831, %get3A_832] {strides = array<i32>} : memref<16x1024xf32, #tpu.memory_space<vmem>>, vector<1x16xf32>,
        %get3A_834 = vector.shape_cast %get3A_833 : vector<1x16xf32> to vector<16xf32>
        %mul3A_835 = arith.mulf %get3A_830, %get3A_4 : vector<16xf32>
        %mul3A_836 = arith.mulf %get3A_834, %sub3A_6 : vector<16xf32>
        %add3A_837 = arith.addf %mul3A_835, %mul3A_836 : vector<16xf32>
        %swap3A_838 = arith.index_cast %scan3A_218 : i32 to index
        %swap3A_839 = arith.constant 608 : index
        %swap3A_840 = tpu.vector_load %arg28[%swap3A_838, %swap3A_839] {strides = array<i32>} : memref<16x1000xf32, #tpu.memory_space<vmem>>, vector<1x16xf32>,
        %swap3A_841 = vector.shape_cast %swap3A_840 : vector<1x16xf32> to vector<16xf32>
        %swap3A_842 = vector.shape_cast %add3A_837 : vector<16xf32> to vector<1x16xf32>
        tpu.vector_store %arg28[%swap3A_838, %swap3A_839], %swap3A_842 {strides = array<i32>} : memref<16x1000xf32, #tpu.memory_space<vmem>>, vector<1x16xf32>,
        %get3A_843 = arith.index_cast %scan3A_218 : i32 to index
        %get3A_844 = arith.constant 624 : index
        %get3A_845 = tpu.vector_load %arg26[%get3A_843, %get3A_844] {strides = array<i32>} : memref<16x1000xf32, #tpu.memory_space<vmem>>, vector<1x16xf32>,
        %get3A_846 = vector.shape_cast %get3A_845 : vector<1x16xf32> to vector<16xf32>
        %get3A_847 = arith.index_cast %scan3A_218 : i32 to index
        %get3A_848 = arith.constant 624 : index
        %get3A_849 = tpu.vector_load %arg27[%get3A_847, %get3A_848] {strides = array<i32>} : memref<16x1024xf32, #tpu.memory_space<vmem>>, vector<1x16xf32>,
        %get3A_850 = vector.shape_cast %get3A_849 : vector<1x16xf32> to vector<16xf32>
        %mul3A_851 = arith.mulf %get3A_846, %get3A_4 : vector<16xf32>
        %mul3A_852 = arith.mulf %get3A_850, %sub3A_6 : vector<16xf32>
        %add3A_853 = arith.addf %mul3A_851, %mul3A_852 : vector<16xf32>
        %swap3A_854 = arith.index_cast %scan3A_218 : i32 to index
        %swap3A_855 = arith.constant 624 : index
        %swap3A_856 = tpu.vector_load %arg28[%swap3A_854, %swap3A_855] {strides = array<i32>} : memref<16x1000xf32, #tpu.memory_space<vmem>>, vector<1x16xf32>,
        %swap3A_857 = vector.shape_cast %swap3A_856 : vector<1x16xf32> to vector<16xf32>
        %swap3A_858 = vector.shape_cast %add3A_853 : vector<16xf32> to vector<1x16xf32>
        tpu.vector_store %arg28[%swap3A_854, %swap3A_855], %swap3A_858 {strides = array<i32>} : memref<16x1000xf32, #tpu.memory_space<vmem>>, vector<1x16xf32>,
        %get3A_859 = arith.index_cast %scan3A_218 : i32 to index
        %get3A_860 = arith.constant 640 : index
        %get3A_861 = tpu.vector_load %arg26[%get3A_859, %get3A_860] {strides = array<i32>} : memref<16x1000xf32, #tpu.memory_space<vmem>>, vector<1x16xf32>,
        %get3A_862 = vector.shape_cast %get3A_861 : vector<1x16xf32> to vector<16xf32>
        %get3A_863 = arith.index_cast %scan3A_218 : i32 to index
        %get3A_864 = arith.constant 640 : index
        %get3A_865 = tpu.vector_load %arg27[%get3A_863, %get3A_864] {strides = array<i32>} : memref<16x1024xf32, #tpu.memory_space<vmem>>, vector<1x16xf32>,
        %get3A_866 = vector.shape_cast %get3A_865 : vector<1x16xf32> to vector<16xf32>
        %mul3A_867 = arith.mulf %get3A_862, %get3A_4 : vector<16xf32>
        %mul3A_868 = arith.mulf %get3A_866, %sub3A_6 : vector<16xf32>
        %add3A_869 = arith.addf %mul3A_867, %mul3A_868 : vector<16xf32>
        %swap3A_870 = arith.index_cast %scan3A_218 : i32 to index
        %swap3A_871 = arith.constant 640 : index
        %swap3A_872 = tpu.vector_load %arg28[%swap3A_870, %swap3A_871] {strides = array<i32>} : memref<16x1000xf32, #tpu.memory_space<vmem>>, vector<1x16xf32>,
        %swap3A_873 = vector.shape_cast %swap3A_872 : vector<1x16xf32> to vector<16xf32>
        %swap3A_874 = vector.shape_cast %add3A_869 : vector<16xf32> to vector<1x16xf32>
        tpu.vector_store %arg28[%swap3A_870, %swap3A_871], %swap3A_874 {strides = array<i32>} : memref<16x1000xf32, #tpu.memory_space<vmem>>, vector<1x16xf32>,
        %get3A_875 = arith.index_cast %scan3A_218 : i32 to index
        %get3A_876 = arith.constant 656 : index
        %get3A_877 = tpu.vector_load %arg26[%get3A_875, %get3A_876] {strides = array<i32>} : memref<16x1000xf32, #tpu.memory_space<vmem>>, vector<1x16xf32>,
        %get3A_878 = vector.shape_cast %get3A_877 : vector<1x16xf32> to vector<16xf32>
        %get3A_879 = arith.index_cast %scan3A_218 : i32 to index
        %get3A_880 = arith.constant 656 : index
        %get3A_881 = tpu.vector_load %arg27[%get3A_879, %get3A_880] {strides = array<i32>} : memref<16x1024xf32, #tpu.memory_space<vmem>>, vector<1x16xf32>,
        %get3A_882 = vector.shape_cast %get3A_881 : vector<1x16xf32> to vector<16xf32>
        %mul3A_883 = arith.mulf %get3A_878, %get3A_4 : vector<16xf32>
        %mul3A_884 = arith.mulf %get3A_882, %sub3A_6 : vector<16xf32>
        %add3A_885 = arith.addf %mul3A_883, %mul3A_884 : vector<16xf32>
        %swap3A_886 = arith.index_cast %scan3A_218 : i32 to index
        %swap3A_887 = arith.constant 656 : index
        %swap3A_888 = tpu.vector_load %arg28[%swap3A_886, %swap3A_887] {strides = array<i32>} : memref<16x1000xf32, #tpu.memory_space<vmem>>, vector<1x16xf32>,
        %swap3A_889 = vector.shape_cast %swap3A_888 : vector<1x16xf32> to vector<16xf32>
        %swap3A_890 = vector.shape_cast %add3A_885 : vector<16xf32> to vector<1x16xf32>
        tpu.vector_store %arg28[%swap3A_886, %swap3A_887], %swap3A_890 {strides = array<i32>} : memref<16x1000xf32, #tpu.memory_space<vmem>>, vector<1x16xf32>,
        %get3A_891 = arith.index_cast %scan3A_218 : i32 to index
        %get3A_892 = arith.constant 672 : index
        %get3A_893 = tpu.vector_load %arg26[%get3A_891, %get3A_892] {strides = array<i32>} : memref<16x1000xf32, #tpu.memory_space<vmem>>, vector<1x16xf32>,
        %get3A_894 = vector.shape_cast %get3A_893 : vector<1x16xf32> to vector<16xf32>
        %get3A_895 = arith.index_cast %scan3A_218 : i32 to index
        %get3A_896 = arith.constant 672 : index
        %get3A_897 = tpu.vector_load %arg27[%get3A_895, %get3A_896] {strides = array<i32>} : memref<16x1024xf32, #tpu.memory_space<vmem>>, vector<1x16xf32>,
        %get3A_898 = vector.shape_cast %get3A_897 : vector<1x16xf32> to vector<16xf32>
        %mul3A_899 = arith.mulf %get3A_894, %get3A_4 : vector<16xf32>
        %mul3A_900 = arith.mulf %get3A_898, %sub3A_6 : vector<16xf32>
        %add3A_901 = arith.addf %mul3A_899, %mul3A_900 : vector<16xf32>
        %swap3A_902 = arith.index_cast %scan3A_218 : i32 to index
        %swap3A_903 = arith.constant 672 : index
        %swap3A_904 = tpu.vector_load %arg28[%swap3A_902, %swap3A_903] {strides = array<i32>} : memref<16x1000xf32, #tpu.memory_space<vmem>>, vector<1x16xf32>,
        %swap3A_905 = vector.shape_cast %swap3A_904 : vector<1x16xf32> to vector<16xf32>
        %swap3A_906 = vector.shape_cast %add3A_901 : vector<16xf32> to vector<1x16xf32>
        tpu.vector_store %arg28[%swap3A_902, %swap3A_903], %swap3A_906 {strides = array<i32>} : memref<16x1000xf32, #tpu.memory_space<vmem>>, vector<1x16xf32>,
        %get3A_907 = arith.index_cast %scan3A_218 : i32 to index
        %get3A_908 = arith.constant 688 : index
        %get3A_909 = tpu.vector_load %arg26[%get3A_907, %get3A_908] {strides = array<i32>} : memref<16x1000xf32, #tpu.memory_space<vmem>>, vector<1x16xf32>,
        %get3A_910 = vector.shape_cast %get3A_909 : vector<1x16xf32> to vector<16xf32>
        %get3A_911 = arith.index_cast %scan3A_218 : i32 to index
        %get3A_912 = arith.constant 688 : index
        %get3A_913 = tpu.vector_load %arg27[%get3A_911, %get3A_912] {strides = array<i32>} : memref<16x1024xf32, #tpu.memory_space<vmem>>, vector<1x16xf32>,
        %get3A_914 = vector.shape_cast %get3A_913 : vector<1x16xf32> to vector<16xf32>
        %mul3A_915 = arith.mulf %get3A_910, %get3A_4 : vector<16xf32>
        %mul3A_916 = arith.mulf %get3A_914, %sub3A_6 : vector<16xf32>
        %add3A_917 = arith.addf %mul3A_915, %mul3A_916 : vector<16xf32>
        %swap3A_918 = arith.index_cast %scan3A_218 : i32 to index
        %swap3A_919 = arith.constant 688 : index
        %swap3A_920 = tpu.vector_load %arg28[%swap3A_918, %swap3A_919] {strides = array<i32>} : memref<16x1000xf32, #tpu.memory_space<vmem>>, vector<1x16xf32>,
        %swap3A_921 = vector.shape_cast %swap3A_920 : vector<1x16xf32> to vector<16xf32>
        %swap3A_922 = vector.shape_cast %add3A_917 : vector<16xf32> to vector<1x16xf32>
        tpu.vector_store %arg28[%swap3A_918, %swap3A_919], %swap3A_922 {strides = array<i32>} : memref<16x1000xf32, #tpu.memory_space<vmem>>, vector<1x16xf32>,
        %get3A_923 = arith.index_cast %scan3A_218 : i32 to index
        %get3A_924 = arith.constant 704 : index
        %get3A_925 = tpu.vector_load %arg26[%get3A_923, %get3A_924] {strides = array<i32>} : memref<16x1000xf32, #tpu.memory_space<vmem>>, vector<1x16xf32>,
        %get3A_926 = vector.shape_cast %get3A_925 : vector<1x16xf32> to vector<16xf32>
        %get3A_927 = arith.index_cast %scan3A_218 : i32 to index
        %get3A_928 = arith.constant 704 : index
        %get3A_929 = tpu.vector_load %arg27[%get3A_927, %get3A_928] {strides = array<i32>} : memref<16x1024xf32, #tpu.memory_space<vmem>>, vector<1x16xf32>,
        %get3A_930 = vector.shape_cast %get3A_929 : vector<1x16xf32> to vector<16xf32>
        %mul3A_931 = arith.mulf %get3A_926, %get3A_4 : vector<16xf32>
        %mul3A_932 = arith.mulf %get3A_930, %sub3A_6 : vector<16xf32>
        %add3A_933 = arith.addf %mul3A_931, %mul3A_932 : vector<16xf32>
        %swap3A_934 = arith.index_cast %scan3A_218 : i32 to index
        %swap3A_935 = arith.constant 704 : index
        %swap3A_936 = tpu.vector_load %arg28[%swap3A_934, %swap3A_935] {strides = array<i32>} : memref<16x1000xf32, #tpu.memory_space<vmem>>, vector<1x16xf32>,
        %swap3A_937 = vector.shape_cast %swap3A_936 : vector<1x16xf32> to vector<16xf32>
        %swap3A_938 = vector.shape_cast %add3A_933 : vector<16xf32> to vector<1x16xf32>
        tpu.vector_store %arg28[%swap3A_934, %swap3A_935], %swap3A_938 {strides = array<i32>} : memref<16x1000xf32, #tpu.memory_space<vmem>>, vector<1x16xf32>,
        %get3A_939 = arith.index_cast %scan3A_218 : i32 to index
        %get3A_940 = arith.constant 720 : index
        %get3A_941 = tpu.vector_load %arg26[%get3A_939, %get3A_940] {strides = array<i32>} : memref<16x1000xf32, #tpu.memory_space<vmem>>, vector<1x16xf32>,
        %get3A_942 = vector.shape_cast %get3A_941 : vector<1x16xf32> to vector<16xf32>
        %get3A_943 = arith.index_cast %scan3A_218 : i32 to index
        %get3A_944 = arith.constant 720 : index
        %get3A_945 = tpu.vector_load %arg27[%get3A_943, %get3A_944] {strides = array<i32>} : memref<16x1024xf32, #tpu.memory_space<vmem>>, vector<1x16xf32>,
        %get3A_946 = vector.shape_cast %get3A_945 : vector<1x16xf32> to vector<16xf32>
        %mul3A_947 = arith.mulf %get3A_942, %get3A_4 : vector<16xf32>
        %mul3A_948 = arith.mulf %get3A_946, %sub3A_6 : vector<16xf32>
        %add3A_949 = arith.addf %mul3A_947, %mul3A_948 : vector<16xf32>
        %swap3A_950 = arith.index_cast %scan3A_218 : i32 to index
        %swap3A_951 = arith.constant 720 : index
        %swap3A_952 = tpu.vector_load %arg28[%swap3A_950, %swap3A_951] {strides = array<i32>} : memref<16x1000xf32, #tpu.memory_space<vmem>>, vector<1x16xf32>,
        %swap3A_953 = vector.shape_cast %swap3A_952 : vector<1x16xf32> to vector<16xf32>
        %swap3A_954 = vector.shape_cast %add3A_949 : vector<16xf32> to vector<1x16xf32>
        tpu.vector_store %arg28[%swap3A_950, %swap3A_951], %swap3A_954 {strides = array<i32>} : memref<16x1000xf32, #tpu.memory_space<vmem>>, vector<1x16xf32>,
        %get3A_955 = arith.index_cast %scan3A_218 : i32 to index
        %get3A_956 = arith.constant 736 : index
        %get3A_957 = tpu.vector_load %arg26[%get3A_955, %get3A_956] {strides = array<i32>} : memref<16x1000xf32, #tpu.memory_space<vmem>>, vector<1x16xf32>,
        %get3A_958 = vector.shape_cast %get3A_957 : vector<1x16xf32> to vector<16xf32>
        %get3A_959 = arith.index_cast %scan3A_218 : i32 to index
        %get3A_960 = arith.constant 736 : index
        %get3A_961 = tpu.vector_load %arg27[%get3A_959, %get3A_960] {strides = array<i32>} : memref<16x1024xf32, #tpu.memory_space<vmem>>, vector<1x16xf32>,
        %get3A_962 = vector.shape_cast %get3A_961 : vector<1x16xf32> to vector<16xf32>
        %mul3A_963 = arith.mulf %get3A_958, %get3A_4 : vector<16xf32>
        %mul3A_964 = arith.mulf %get3A_962, %sub3A_6 : vector<16xf32>
        %add3A_965 = arith.addf %mul3A_963, %mul3A_964 : vector<16xf32>
        %swap3A_966 = arith.index_cast %scan3A_218 : i32 to index
        %swap3A_967 = arith.constant 736 : index
        %swap3A_968 = tpu.vector_load %arg28[%swap3A_966, %swap3A_967] {strides = array<i32>} : memref<16x1000xf32, #tpu.memory_space<vmem>>, vector<1x16xf32>,
        %swap3A_969 = vector.shape_cast %swap3A_968 : vector<1x16xf32> to vector<16xf32>
        %swap3A_970 = vector.shape_cast %add3A_965 : vector<16xf32> to vector<1x16xf32>
        tpu.vector_store %arg28[%swap3A_966, %swap3A_967], %swap3A_970 {strides = array<i32>} : memref<16x1000xf32, #tpu.memory_space<vmem>>, vector<1x16xf32>,
        %get3A_971 = arith.index_cast %scan3A_218 : i32 to index
        %get3A_972 = arith.constant 752 : index
        %get3A_973 = tpu.vector_load %arg26[%get3A_971, %get3A_972] {strides = array<i32>} : memref<16x1000xf32, #tpu.memory_space<vmem>>, vector<1x16xf32>,
        %get3A_974 = vector.shape_cast %get3A_973 : vector<1x16xf32> to vector<16xf32>
        %get3A_975 = arith.index_cast %scan3A_218 : i32 to index
        %get3A_976 = arith.constant 752 : index
        %get3A_977 = tpu.vector_load %arg27[%get3A_975, %get3A_976] {strides = array<i32>} : memref<16x1024xf32, #tpu.memory_space<vmem>>, vector<1x16xf32>,
        %get3A_978 = vector.shape_cast %get3A_977 : vector<1x16xf32> to vector<16xf32>
        %mul3A_979 = arith.mulf %get3A_974, %get3A_4 : vector<16xf32>
        %mul3A_980 = arith.mulf %get3A_978, %sub3A_6 : vector<16xf32>
        %add3A_981 = arith.addf %mul3A_979, %mul3A_980 : vector<16xf32>
        %swap3A_982 = arith.index_cast %scan3A_218 : i32 to index
        %swap3A_983 = arith.constant 752 : index
        %swap3A_984 = tpu.vector_load %arg28[%swap3A_982, %swap3A_983] {strides = array<i32>} : memref<16x1000xf32, #tpu.memory_space<vmem>>, vector<1x16xf32>,
        %swap3A_985 = vector.shape_cast %swap3A_984 : vector<1x16xf32> to vector<16xf32>
        %swap3A_986 = vector.shape_cast %add3A_981 : vector<16xf32> to vector<1x16xf32>
        tpu.vector_store %arg28[%swap3A_982, %swap3A_983], %swap3A_986 {strides = array<i32>} : memref<16x1000xf32, #tpu.memory_space<vmem>>, vector<1x16xf32>,
        %get3A_987 = arith.index_cast %scan3A_218 : i32 to index
        %get3A_988 = arith.constant 768 : index
        %get3A_989 = tpu.vector_load %arg26[%get3A_987, %get3A_988] {strides = array<i32>} : memref<16x1000xf32, #tpu.memory_space<vmem>>, vector<1x16xf32>,
        %get3A_990 = vector.shape_cast %get3A_989 : vector<1x16xf32> to vector<16xf32>
        %get3A_991 = arith.index_cast %scan3A_218 : i32 to index
        %get3A_992 = arith.constant 768 : index
        %get3A_993 = tpu.vector_load %arg27[%get3A_991, %get3A_992] {strides = array<i32>} : memref<16x1024xf32, #tpu.memory_space<vmem>>, vector<1x16xf32>,
        %get3A_994 = vector.shape_cast %get3A_993 : vector<1x16xf32> to vector<16xf32>
        %mul3A_995 = arith.mulf %get3A_990, %get3A_4 : vector<16xf32>
        %mul3A_996 = arith.mulf %get3A_994, %sub3A_6 : vector<16xf32>
        %add3A_997 = arith.addf %mul3A_995, %mul3A_996 : vector<16xf32>
        %swap3A_998 = arith.index_cast %scan3A_218 : i32 to index
        %swap3A_999 = arith.constant 768 : index
        %swap3A_1000 = tpu.vector_load %arg28[%swap3A_998, %swap3A_999] {strides = array<i32>} : memref<16x1000xf32, #tpu.memory_space<vmem>>, vector<1x16xf32>,
        %swap3A_1001 = vector.shape_cast %swap3A_1000 : vector<1x16xf32> to vector<16xf32>
        %swap3A_1002 = vector.shape_cast %add3A_997 : vector<16xf32> to vector<1x16xf32>
        tpu.vector_store %arg28[%swap3A_998, %swap3A_999], %swap3A_1002 {strides = array<i32>} : memref<16x1000xf32, #tpu.memory_space<vmem>>, vector<1x16xf32>,
        %get3A_1003 = arith.index_cast %scan3A_218 : i32 to index
        %get3A_1004 = arith.constant 784 : index
        %get3A_1005 = tpu.vector_load %arg26[%get3A_1003, %get3A_1004] {strides = array<i32>} : memref<16x1000xf32, #tpu.memory_space<vmem>>, vector<1x16xf32>,
        %get3A_1006 = vector.shape_cast %get3A_1005 : vector<1x16xf32> to vector<16xf32>
        %get3A_1007 = arith.index_cast %scan3A_218 : i32 to index
        %get3A_1008 = arith.constant 784 : index
        %get3A_1009 = tpu.vector_load %arg27[%get3A_1007, %get3A_1008] {strides = array<i32>} : memref<16x1024xf32, #tpu.memory_space<vmem>>, vector<1x16xf32>,
        %get3A_1010 = vector.shape_cast %get3A_1009 : vector<1x16xf32> to vector<16xf32>
        %mul3A_1011 = arith.mulf %get3A_1006, %get3A_4 : vector<16xf32>
        %mul3A_1012 = arith.mulf %get3A_1010, %sub3A_6 : vector<16xf32>
        %add3A_1013 = arith.addf %mul3A_1011, %mul3A_1012 : vector<16xf32>
        %swap3A_1014 = arith.index_cast %scan3A_218 : i32 to index
        %swap3A_1015 = arith.constant 784 : index
        %swap3A_1016 = tpu.vector_load %arg28[%swap3A_1014, %swap3A_1015] {strides = array<i32>} : memref<16x1000xf32, #tpu.memory_space<vmem>>, vector<1x16xf32>,
        %swap3A_1017 = vector.shape_cast %swap3A_1016 : vector<1x16xf32> to vector<16xf32>
        %swap3A_1018 = vector.shape_cast %add3A_1013 : vector<16xf32> to vector<1x16xf32>
        tpu.vector_store %arg28[%swap3A_1014, %swap3A_1015], %swap3A_1018 {strides = array<i32>} : memref<16x1000xf32, #tpu.memory_space<vmem>>, vector<1x16xf32>,
        %get3A_1019 = arith.index_cast %scan3A_218 : i32 to index
        %get3A_1020 = arith.constant 800 : index
        %get3A_1021 = tpu.vector_load %arg26[%get3A_1019, %get3A_1020] {strides = array<i32>} : memref<16x1000xf32, #tpu.memory_space<vmem>>, vector<1x16xf32>,
        %get3A_1022 = vector.shape_cast %get3A_1021 : vector<1x16xf32> to vector<16xf32>
        %get3A_1023 = arith.index_cast %scan3A_218 : i32 to index
        %get3A_1024 = arith.constant 800 : index
        %get3A_1025 = tpu.vector_load %arg27[%get3A_1023, %get3A_1024] {strides = array<i32>} : memref<16x1024xf32, #tpu.memory_space<vmem>>, vector<1x16xf32>,
        %get3A_1026 = vector.shape_cast %get3A_1025 : vector<1x16xf32> to vector<16xf32>
        %mul3A_1027 = arith.mulf %get3A_1022, %get3A_4 : vector<16xf32>
        %mul3A_1028 = arith.mulf %get3A_1026, %sub3A_6 : vector<16xf32>
        %add3A_1029 = arith.addf %mul3A_1027, %mul3A_1028 : vector<16xf32>
        %swap3A_1030 = arith.index_cast %scan3A_218 : i32 to index
        %swap3A_1031 = arith.constant 800 : index
        %swap3A_1032 = tpu.vector_load %arg28[%swap3A_1030, %swap3A_1031] {strides = array<i32>} : memref<16x1000xf32, #tpu.memory_space<vmem>>, vector<1x16xf32>,
        %swap3A_1033 = vector.shape_cast %swap3A_1032 : vector<1x16xf32> to vector<16xf32>
        %swap3A_1034 = vector.shape_cast %add3A_1029 : vector<16xf32> to vector<1x16xf32>
        tpu.vector_store %arg28[%swap3A_1030, %swap3A_1031], %swap3A_1034 {strides = array<i32>} : memref<16x1000xf32, #tpu.memory_space<vmem>>, vector<1x16xf32>,
        %get3A_1035 = arith.index_cast %scan3A_218 : i32 to index
        %get3A_1036 = arith.constant 816 : index
        %get3A_1037 = tpu.vector_load %arg26[%get3A_1035, %get3A_1036] {strides = array<i32>} : memref<16x1000xf32, #tpu.memory_space<vmem>>, vector<1x16xf32>,
        %get3A_1038 = vector.shape_cast %get3A_1037 : vector<1x16xf32> to vector<16xf32>
        %get3A_1039 = arith.index_cast %scan3A_218 : i32 to index
        %get3A_1040 = arith.constant 816 : index
        %get3A_1041 = tpu.vector_load %arg27[%get3A_1039, %get3A_1040] {strides = array<i32>} : memref<16x1024xf32, #tpu.memory_space<vmem>>, vector<1x16xf32>,
        %get3A_1042 = vector.shape_cast %get3A_1041 : vector<1x16xf32> to vector<16xf32>
        %mul3A_1043 = arith.mulf %get3A_1038, %get3A_4 : vector<16xf32>
        %mul3A_1044 = arith.mulf %get3A_1042, %sub3A_6 : vector<16xf32>
        %add3A_1045 = arith.addf %mul3A_1043, %mul3A_1044 : vector<16xf32>
        %swap3A_1046 = arith.index_cast %scan3A_218 : i32 to index
        %swap3A_1047 = arith.constant 816 : index
        %swap3A_1048 = tpu.vector_load %arg28[%swap3A_1046, %swap3A_1047] {strides = array<i32>} : memref<16x1000xf32, #tpu.memory_space<vmem>>, vector<1x16xf32>,
        %swap3A_1049 = vector.shape_cast %swap3A_1048 : vector<1x16xf32> to vector<16xf32>
        %swap3A_1050 = vector.shape_cast %add3A_1045 : vector<16xf32> to vector<1x16xf32>
        tpu.vector_store %arg28[%swap3A_1046, %swap3A_1047], %swap3A_1050 {strides = array<i32>} : memref<16x1000xf32, #tpu.memory_space<vmem>>, vector<1x16xf32>,
        %get3A_1051 = arith.index_cast %scan3A_218 : i32 to index
        %get3A_1052 = arith.constant 832 : index
        %get3A_1053 = tpu.vector_load %arg26[%get3A_1051, %get3A_1052] {strides = array<i32>} : memref<16x1000xf32, #tpu.memory_space<vmem>>, vector<1x16xf32>,
        %get3A_1054 = vector.shape_cast %get3A_1053 : vector<1x16xf32> to vector<16xf32>
        %get3A_1055 = arith.index_cast %scan3A_218 : i32 to index
        %get3A_1056 = arith.constant 832 : index
        %get3A_1057 = tpu.vector_load %arg27[%get3A_1055, %get3A_1056] {strides = array<i32>} : memref<16x1024xf32, #tpu.memory_space<vmem>>, vector<1x16xf32>,
        %get3A_1058 = vector.shape_cast %get3A_1057 : vector<1x16xf32> to vector<16xf32>
        %mul3A_1059 = arith.mulf %get3A_1054, %get3A_4 : vector<16xf32>
        %mul3A_1060 = arith.mulf %get3A_1058, %sub3A_6 : vector<16xf32>
        %add3A_1061 = arith.addf %mul3A_1059, %mul3A_1060 : vector<16xf32>
        %swap3A_1062 = arith.index_cast %scan3A_218 : i32 to index
        %swap3A_1063 = arith.constant 832 : index
        %swap3A_1064 = tpu.vector_load %arg28[%swap3A_1062, %swap3A_1063] {strides = array<i32>} : memref<16x1000xf32, #tpu.memory_space<vmem>>, vector<1x16xf32>,
        %swap3A_1065 = vector.shape_cast %swap3A_1064 : vector<1x16xf32> to vector<16xf32>
        %swap3A_1066 = vector.shape_cast %add3A_1061 : vector<16xf32> to vector<1x16xf32>
        tpu.vector_store %arg28[%swap3A_1062, %swap3A_1063], %swap3A_1066 {strides = array<i32>} : memref<16x1000xf32, #tpu.memory_space<vmem>>, vector<1x16xf32>,
        %get3A_1067 = arith.index_cast %scan3A_218 : i32 to index
        %get3A_1068 = arith.constant 848 : index
        %get3A_1069 = tpu.vector_load %arg26[%get3A_1067, %get3A_1068] {strides = array<i32>} : memref<16x1000xf32, #tpu.memory_space<vmem>>, vector<1x16xf32>,
        %get3A_1070 = vector.shape_cast %get3A_1069 : vector<1x16xf32> to vector<16xf32>
        %get3A_1071 = arith.index_cast %scan3A_218 : i32 to index
        %get3A_1072 = arith.constant 848 : index
        %get3A_1073 = tpu.vector_load %arg27[%get3A_1071, %get3A_1072] {strides = array<i32>} : memref<16x1024xf32, #tpu.memory_space<vmem>>, vector<1x16xf32>,
        %get3A_1074 = vector.shape_cast %get3A_1073 : vector<1x16xf32> to vector<16xf32>
        %mul3A_1075 = arith.mulf %get3A_1070, %get3A_4 : vector<16xf32>
        %mul3A_1076 = arith.mulf %get3A_1074, %sub3A_6 : vector<16xf32>
        %add3A_1077 = arith.addf %mul3A_1075, %mul3A_1076 : vector<16xf32>
        %swap3A_1078 = arith.index_cast %scan3A_218 : i32 to index
        %swap3A_1079 = arith.constant 848 : index
        %swap3A_1080 = tpu.vector_load %arg28[%swap3A_1078, %swap3A_1079] {strides = array<i32>} : memref<16x1000xf32, #tpu.memory_space<vmem>>, vector<1x16xf32>,
        %swap3A_1081 = vector.shape_cast %swap3A_1080 : vector<1x16xf32> to vector<16xf32>
        %swap3A_1082 = vector.shape_cast %add3A_1077 : vector<16xf32> to vector<1x16xf32>
        tpu.vector_store %arg28[%swap3A_1078, %swap3A_1079], %swap3A_1082 {strides = array<i32>} : memref<16x1000xf32, #tpu.memory_space<vmem>>, vector<1x16xf32>,
        %get3A_1083 = arith.index_cast %scan3A_218 : i32 to index
        %get3A_1084 = arith.constant 864 : index
        %get3A_1085 = tpu.vector_load %arg26[%get3A_1083, %get3A_1084] {strides = array<i32>} : memref<16x1000xf32, #tpu.memory_space<vmem>>, vector<1x16xf32>,
        %get3A_1086 = vector.shape_cast %get3A_1085 : vector<1x16xf32> to vector<16xf32>
        %get3A_1087 = arith.index_cast %scan3A_218 : i32 to index
        %get3A_1088 = arith.constant 864 : index
        %get3A_1089 = tpu.vector_load %arg27[%get3A_1087, %get3A_1088] {strides = array<i32>} : memref<16x1024xf32, #tpu.memory_space<vmem>>, vector<1x16xf32>,
        %get3A_1090 = vector.shape_cast %get3A_1089 : vector<1x16xf32> to vector<16xf32>
        %mul3A_1091 = arith.mulf %get3A_1086, %get3A_4 : vector<16xf32>
        %mul3A_1092 = arith.mulf %get3A_1090, %sub3A_6 : vector<16xf32>
        %add3A_1093 = arith.addf %mul3A_1091, %mul3A_1092 : vector<16xf32>
        %swap3A_1094 = arith.index_cast %scan3A_218 : i32 to index
        %swap3A_1095 = arith.constant 864 : index
        %swap3A_1096 = tpu.vector_load %arg28[%swap3A_1094, %swap3A_1095] {strides = array<i32>} : memref<16x1000xf32, #tpu.memory_space<vmem>>, vector<1x16xf32>,
        %swap3A_1097 = vector.shape_cast %swap3A_1096 : vector<1x16xf32> to vector<16xf32>
        %swap3A_1098 = vector.shape_cast %add3A_1093 : vector<16xf32> to vector<1x16xf32>
        tpu.vector_store %arg28[%swap3A_1094, %swap3A_1095], %swap3A_1098 {strides = array<i32>} : memref<16x1000xf32, #tpu.memory_space<vmem>>, vector<1x16xf32>,
        %get3A_1099 = arith.index_cast %scan3A_218 : i32 to index
        %get3A_1100 = arith.constant 880 : index
        %get3A_1101 = tpu.vector_load %arg26[%get3A_1099, %get3A_1100] {strides = array<i32>} : memref<16x1000xf32, #tpu.memory_space<vmem>>, vector<1x16xf32>,
        %get3A_1102 = vector.shape_cast %get3A_1101 : vector<1x16xf32> to vector<16xf32>
        %get3A_1103 = arith.index_cast %scan3A_218 : i32 to index
        %get3A_1104 = arith.constant 880 : index
        %get3A_1105 = tpu.vector_load %arg27[%get3A_1103, %get3A_1104] {strides = array<i32>} : memref<16x1024xf32, #tpu.memory_space<vmem>>, vector<1x16xf32>,
        %get3A_1106 = vector.shape_cast %get3A_1105 : vector<1x16xf32> to vector<16xf32>
        %mul3A_1107 = arith.mulf %get3A_1102, %get3A_4 : vector<16xf32>
        %mul3A_1108 = arith.mulf %get3A_1106, %sub3A_6 : vector<16xf32>
        %add3A_1109 = arith.addf %mul3A_1107, %mul3A_1108 : vector<16xf32>
        %swap3A_1110 = arith.index_cast %scan3A_218 : i32 to index
        %swap3A_1111 = arith.constant 880 : index
        %swap3A_1112 = tpu.vector_load %arg28[%swap3A_1110, %swap3A_1111] {strides = array<i32>} : memref<16x1000xf32, #tpu.memory_space<vmem>>, vector<1x16xf32>,
        %swap3A_1113 = vector.shape_cast %swap3A_1112 : vector<1x16xf32> to vector<16xf32>
        %swap3A_1114 = vector.shape_cast %add3A_1109 : vector<16xf32> to vector<1x16xf32>
        tpu.vector_store %arg28[%swap3A_1110, %swap3A_1111], %swap3A_1114 {strides = array<i32>} : memref<16x1000xf32, #tpu.memory_space<vmem>>, vector<1x16xf32>,
        %get3A_1115 = arith.index_cast %scan3A_218 : i32 to index
        %get3A_1116 = arith.constant 896 : index
        %get3A_1117 = tpu.vector_load %arg26[%get3A_1115, %get3A_1116] {strides = array<i32>} : memref<16x1000xf32, #tpu.memory_space<vmem>>, vector<1x16xf32>,
        %get3A_1118 = vector.shape_cast %get3A_1117 : vector<1x16xf32> to vector<16xf32>
        %get3A_1119 = arith.index_cast %scan3A_218 : i32 to index
        %get3A_1120 = arith.constant 896 : index
        %get3A_1121 = tpu.vector_load %arg27[%get3A_1119, %get3A_1120] {strides = array<i32>} : memref<16x1024xf32, #tpu.memory_space<vmem>>, vector<1x16xf32>,
        %get3A_1122 = vector.shape_cast %get3A_1121 : vector<1x16xf32> to vector<16xf32>
        %mul3A_1123 = arith.mulf %get3A_1118, %get3A_4 : vector<16xf32>
        %mul3A_1124 = arith.mulf %get3A_1122, %sub3A_6 : vector<16xf32>
        %add3A_1125 = arith.addf %mul3A_1123, %mul3A_1124 : vector<16xf32>
        %swap3A_1126 = arith.index_cast %scan3A_218 : i32 to index
        %swap3A_1127 = arith.constant 896 : index
        %swap3A_1128 = tpu.vector_load %arg28[%swap3A_1126, %swap3A_1127] {strides = array<i32>} : memref<16x1000xf32, #tpu.memory_space<vmem>>, vector<1x16xf32>,
        %swap3A_1129 = vector.shape_cast %swap3A_1128 : vector<1x16xf32> to vector<16xf32>
        %swap3A_1130 = vector.shape_cast %add3A_1125 : vector<16xf32> to vector<1x16xf32>
        tpu.vector_store %arg28[%swap3A_1126, %swap3A_1127], %swap3A_1130 {strides = array<i32>} : memref<16x1000xf32, #tpu.memory_space<vmem>>, vector<1x16xf32>,
        %get3A_1131 = arith.index_cast %scan3A_218 : i32 to index
        %get3A_1132 = arith.constant 912 : index
        %get3A_1133 = tpu.vector_load %arg26[%get3A_1131, %get3A_1132] {strides = array<i32>} : memref<16x1000xf32, #tpu.memory_space<vmem>>, vector<1x16xf32>,
        %get3A_1134 = vector.shape_cast %get3A_1133 : vector<1x16xf32> to vector<16xf32>
        %get3A_1135 = arith.index_cast %scan3A_218 : i32 to index
        %get3A_1136 = arith.constant 912 : index
        %get3A_1137 = tpu.vector_load %arg27[%get3A_1135, %get3A_1136] {strides = array<i32>} : memref<16x1024xf32, #tpu.memory_space<vmem>>, vector<1x16xf32>,
        %get3A_1138 = vector.shape_cast %get3A_1137 : vector<1x16xf32> to vector<16xf32>
        %mul3A_1139 = arith.mulf %get3A_1134, %get3A_4 : vector<16xf32>
        %mul3A_1140 = arith.mulf %get3A_1138, %sub3A_6 : vector<16xf32>
        %add3A_1141 = arith.addf %mul3A_1139, %mul3A_1140 : vector<16xf32>
        %swap3A_1142 = arith.index_cast %scan3A_218 : i32 to index
        %swap3A_1143 = arith.constant 912 : index
        %swap3A_1144 = tpu.vector_load %arg28[%swap3A_1142, %swap3A_1143] {strides = array<i32>} : memref<16x1000xf32, #tpu.memory_space<vmem>>, vector<1x16xf32>,
        %swap3A_1145 = vector.shape_cast %swap3A_1144 : vector<1x16xf32> to vector<16xf32>
        %swap3A_1146 = vector.shape_cast %add3A_1141 : vector<16xf32> to vector<1x16xf32>
        tpu.vector_store %arg28[%swap3A_1142, %swap3A_1143], %swap3A_1146 {strides = array<i32>} : memref<16x1000xf32, #tpu.memory_space<vmem>>, vector<1x16xf32>,
        %get3A_1147 = arith.index_cast %scan3A_218 : i32 to index
        %get3A_1148 = arith.constant 928 : index
        %get3A_1149 = tpu.vector_load %arg26[%get3A_1147, %get3A_1148] {strides = array<i32>} : memref<16x1000xf32, #tpu.memory_space<vmem>>, vector<1x16xf32>,
        %get3A_1150 = vector.shape_cast %get3A_1149 : vector<1x16xf32> to vector<16xf32>
        %get3A_1151 = arith.index_cast %scan3A_218 : i32 to index
        %get3A_1152 = arith.constant 928 : index
        %get3A_1153 = tpu.vector_load %arg27[%get3A_1151, %get3A_1152] {strides = array<i32>} : memref<16x1024xf32, #tpu.memory_space<vmem>>, vector<1x16xf32>,
        %get3A_1154 = vector.shape_cast %get3A_1153 : vector<1x16xf32> to vector<16xf32>
        %mul3A_1155 = arith.mulf %get3A_1150, %get3A_4 : vector<16xf32>
        %mul3A_1156 = arith.mulf %get3A_1154, %sub3A_6 : vector<16xf32>
        %add3A_1157 = arith.addf %mul3A_1155, %mul3A_1156 : vector<16xf32>
        %swap3A_1158 = arith.index_cast %scan3A_218 : i32 to index
        %swap3A_1159 = arith.constant 928 : index
        %swap3A_1160 = tpu.vector_load %arg28[%swap3A_1158, %swap3A_1159] {strides = array<i32>} : memref<16x1000xf32, #tpu.memory_space<vmem>>, vector<1x16xf32>,
        %swap3A_1161 = vector.shape_cast %swap3A_1160 : vector<1x16xf32> to vector<16xf32>
        %swap3A_1162 = vector.shape_cast %add3A_1157 : vector<16xf32> to vector<1x16xf32>
        tpu.vector_store %arg28[%swap3A_1158, %swap3A_1159], %swap3A_1162 {strides = array<i32>} : memref<16x1000xf32, #tpu.memory_space<vmem>>, vector<1x16xf32>,
        %get3A_1163 = arith.index_cast %scan3A_218 : i32 to index
        %get3A_1164 = arith.constant 944 : index
        %get3A_1165 = tpu.vector_load %arg26[%get3A_1163, %get3A_1164] {strides = array<i32>} : memref<16x1000xf32, #tpu.memory_space<vmem>>, vector<1x16xf32>,
        %get3A_1166 = vector.shape_cast %get3A_1165 : vector<1x16xf32> to vector<16xf32>
        %get3A_1167 = arith.index_cast %scan3A_218 : i32 to index
        %get3A_1168 = arith.constant 944 : index
        %get3A_1169 = tpu.vector_load %arg27[%get3A_1167, %get3A_1168] {strides = array<i32>} : memref<16x1024xf32, #tpu.memory_space<vmem>>, vector<1x16xf32>,
        %get3A_1170 = vector.shape_cast %get3A_1169 : vector<1x16xf32> to vector<16xf32>
        %mul3A_1171 = arith.mulf %get3A_1166, %get3A_4 : vector<16xf32>
        %mul3A_1172 = arith.mulf %get3A_1170, %sub3A_6 : vector<16xf32>
        %add3A_1173 = arith.addf %mul3A_1171, %mul3A_1172 : vector<16xf32>
        %swap3A_1174 = arith.index_cast %scan3A_218 : i32 to index
        %swap3A_1175 = arith.constant 944 : index
        %swap3A_1176 = tpu.vector_load %arg28[%swap3A_1174, %swap3A_1175] {strides = array<i32>} : memref<16x1000xf32, #tpu.memory_space<vmem>>, vector<1x16xf32>,
        %swap3A_1177 = vector.shape_cast %swap3A_1176 : vector<1x16xf32> to vector<16xf32>
        %swap3A_1178 = vector.shape_cast %add3A_1173 : vector<16xf32> to vector<1x16xf32>
        tpu.vector_store %arg28[%swap3A_1174, %swap3A_1175], %swap3A_1178 {strides = array<i32>} : memref<16x1000xf32, #tpu.memory_space<vmem>>, vector<1x16xf32>,
        %get3A_1179 = arith.index_cast %scan3A_218 : i32 to index
        %get3A_1180 = arith.constant 960 : index
        %get3A_1181 = tpu.vector_load %arg26[%get3A_1179, %get3A_1180] {strides = array<i32>} : memref<16x1000xf32, #tpu.memory_space<vmem>>, vector<1x16xf32>,
        %get3A_1182 = vector.shape_cast %get3A_1181 : vector<1x16xf32> to vector<16xf32>
        %get3A_1183 = arith.index_cast %scan3A_218 : i32 to index
        %get3A_1184 = arith.constant 960 : index
        %get3A_1185 = tpu.vector_load %arg27[%get3A_1183, %get3A_1184] {strides = array<i32>} : memref<16x1024xf32, #tpu.memory_space<vmem>>, vector<1x16xf32>,
        %get3A_1186 = vector.shape_cast %get3A_1185 : vector<1x16xf32> to vector<16xf32>
        %mul3A_1187 = arith.mulf %get3A_1182, %get3A_4 : vector<16xf32>
        %mul3A_1188 = arith.mulf %get3A_1186, %sub3A_6 : vector<16xf32>
        %add3A_1189 = arith.addf %mul3A_1187, %mul3A_1188 : vector<16xf32>
        %swap3A_1190 = arith.index_cast %scan3A_218 : i32 to index
        %swap3A_1191 = arith.constant 960 : index
        %swap3A_1192 = tpu.vector_load %arg28[%swap3A_1190, %swap3A_1191] {strides = array<i32>} : memref<16x1000xf32, #tpu.memory_space<vmem>>, vector<1x16xf32>,
        %swap3A_1193 = vector.shape_cast %swap3A_1192 : vector<1x16xf32> to vector<16xf32>
        %swap3A_1194 = vector.shape_cast %add3A_1189 : vector<16xf32> to vector<1x16xf32>
        tpu.vector_store %arg28[%swap3A_1190, %swap3A_1191], %swap3A_1194 {strides = array<i32>} : memref<16x1000xf32, #tpu.memory_space<vmem>>, vector<1x16xf32>,
        %get3A_1195 = arith.index_cast %scan3A_218 : i32 to index
        %get3A_1196 = arith.constant 976 : index
        %get3A_1197 = tpu.vector_load %arg26[%get3A_1195, %get3A_1196] {strides = array<i32>} : memref<16x1000xf32, #tpu.memory_space<vmem>>, vector<1x16xf32>,
        %get3A_1198 = vector.shape_cast %get3A_1197 : vector<1x16xf32> to vector<16xf32>
        %get3A_1199 = arith.index_cast %scan3A_218 : i32 to index
        %get3A_1200 = arith.constant 976 : index
        %get3A_1201 = tpu.vector_load %arg27[%get3A_1199, %get3A_1200] {strides = array<i32>} : memref<16x1024xf32, #tpu.memory_space<vmem>>, vector<1x16xf32>,
        %get3A_1202 = vector.shape_cast %get3A_1201 : vector<1x16xf32> to vector<16xf32>
        %mul3A_1203 = arith.mulf %get3A_1198, %get3A_4 : vector<16xf32>
        %mul3A_1204 = arith.mulf %get3A_1202, %sub3A_6 : vector<16xf32>
        %add3A_1205 = arith.addf %mul3A_1203, %mul3A_1204 : vector<16xf32>
        %swap3A_1206 = arith.index_cast %scan3A_218 : i32 to index
        %swap3A_1207 = arith.constant 976 : index
        %swap3A_1208 = tpu.vector_load %arg28[%swap3A_1206, %swap3A_1207] {strides = array<i32>} : memref<16x1000xf32, #tpu.memory_space<vmem>>, vector<1x16xf32>,
        %swap3A_1209 = vector.shape_cast %swap3A_1208 : vector<1x16xf32> to vector<16xf32>
        %swap3A_1210 = vector.shape_cast %add3A_1205 : vector<16xf32> to vector<1x16xf32>
        tpu.vector_store %arg28[%swap3A_1206, %swap3A_1207], %swap3A_1210 {strides = array<i32>} : memref<16x1000xf32, #tpu.memory_space<vmem>>, vector<1x16xf32>,
        %get3A_1211 = arith.index_cast %scan3A_218 : i32 to index
        %get3A_1212 = arith.constant 984 : index
        %get3A_1213 = tpu.vector_load %arg26[%get3A_1211, %get3A_1212] {strides = array<i32>} : memref<16x1000xf32, #tpu.memory_space<vmem>>, vector<1x16xf32>,
        %get3A_1214 = vector.shape_cast %get3A_1213 : vector<1x16xf32> to vector<16xf32>
        %get3A_1215 = arith.index_cast %scan3A_218 : i32 to index
        %get3A_1216 = arith.constant 984 : index
        %get3A_1217 = tpu.vector_load %arg27[%get3A_1215, %get3A_1216] {strides = array<i32>} : memref<16x1024xf32, #tpu.memory_space<vmem>>, vector<1x16xf32>,
        %get3A_1218 = vector.shape_cast %get3A_1217 : vector<1x16xf32> to vector<16xf32>
        %mul3A_1219 = arith.mulf %get3A_1214, %get3A_4 : vector<16xf32>
        %mul3A_1220 = arith.mulf %get3A_1218, %sub3A_6 : vector<16xf32>
        %add3A_1221 = arith.addf %mul3A_1219, %mul3A_1220 : vector<16xf32>
        %swap3A_1222 = arith.index_cast %scan3A_218 : i32 to index
        %swap3A_1223 = arith.constant 984 : index
        %swap3A_1224 = tpu.vector_load %arg28[%swap3A_1222, %swap3A_1223] {strides = array<i32>} : memref<16x1000xf32, #tpu.memory_space<vmem>>, vector<1x16xf32>,
        %swap3A_1225 = vector.shape_cast %swap3A_1224 : vector<1x16xf32> to vector<16xf32>
        %swap3A_1226 = vector.shape_cast %add3A_1221 : vector<16xf32> to vector<1x16xf32>
        tpu.vector_store %arg28[%swap3A_1222, %swap3A_1223], %swap3A_1226 {strides = array<i32>} : memref<16x1000xf32, #tpu.memory_space<vmem>>, vector<1x16xf32>,
        %scan3A_1227 = arith.constant 0 : i32
        scf.yield %scan3A_1227 : i32
      }
      %scan3A_196 = arith.constant 16 : i32
      %scan3A_197 = arith.constant 0 : i32
      %scan3A_198 = arith.constant 0 : i32
      %scan3A_199 = arith.constant 4 : i32
      %scan3A_200 = arith.addi %scan3A_198, %scan3A_199 : i32
      %scan3A_201 = arith.constant 1 : i32
      %scan3A_202 = scf.for %scan3A_218 = %scan3A_198 to %scan3A_200 step %scan3A_201 iter_args(%scan3A_219 = %scan3A_197) -> (i32)  : i32 {
        %broadcast_in_dim3A_220 = arith.constant 0.000000e+00 : f32
        %broadcast_in_dim3A_221 = vector.broadcast %broadcast_in_dim3A_220 : f32 to vector<16xf32>
        %mul3A_222 = arith.constant 4 : i32
        %mul3A_223 = arith.muli %scan3A_218, %mul3A_222 : i32
        %add3A_224 = arith.constant 0 : i32
        %add3A_225 = arith.addi %mul3A_223, %add3A_224 : i32
        %get3A_226 = arith.index_cast %add3A_225 : i32 to index
        %get3A_227 = arith.constant 1000 : index
        %get3A_228 = tpu.vector_load %arg27[%get3A_226, %get3A_227] {strides = array<i32>} : memref<16x1024xf32, #tpu.memory_space<vmem>>, vector<1x16xf32>,
        %get3A_229 = vector.shape_cast %get3A_228 : vector<1x16xf32> to vector<16xf32>
        %mul3A_230 = arith.constant 4 : i32
        %mul3A_231 = arith.muli %scan3A_218, %mul3A_230 : i32
        %add3A_232 = arith.constant 1 : i32
        %add3A_233 = arith.addi %mul3A_231, %add3A_232 : i32
        %get3A_234 = arith.index_cast %add3A_233 : i32 to index
        %get3A_235 = arith.constant 1000 : index
        %get3A_236 = tpu.vector_load %arg27[%get3A_234, %get3A_235] {strides = array<i32>} : memref<16x1024xf32, #tpu.memory_space<vmem>>, vector<1x16xf32>,
        %get3A_237 = vector.shape_cast %get3A_236 : vector<1x16xf32> to vector<16xf32>
        %eq3A = arith.constant 1 : i32
        %eq3A_238 = vector.broadcast %eq3A : i32 to vector<16xi32>
        %eq3A_239 = arith.cmpi eq, %shift_right_arithmetic3A_9, %eq3A_238 : vector<16xi32>
        %select_n3A = arith.select %eq3A_239, %get3A_237, %get3A_229 : vector<16xi1>, vector<16xf32>
        %mul3A_240 = arith.constant 4 : i32
        %mul3A_241 = arith.muli %scan3A_218, %mul3A_240 : i32
        %add3A_242 = arith.constant 2 : i32
        %add3A_243 = arith.addi %mul3A_241, %add3A_242 : i32
        %get3A_244 = arith.index_cast %add3A_243 : i32 to index
        %get3A_245 = arith.constant 1000 : index
        %get3A_246 = tpu.vector_load %arg27[%get3A_244, %get3A_245] {strides = array<i32>} : memref<16x1024xf32, #tpu.memory_space<vmem>>, vector<1x16xf32>,
        %get3A_247 = vector.shape_cast %get3A_246 : vector<1x16xf32> to vector<16xf32>
        %eq3A_248 = arith.constant 2 : i32
        %eq3A_249 = vector.broadcast %eq3A_248 : i32 to vector<16xi32>
        %eq3A_250 = arith.cmpi eq, %shift_right_arithmetic3A_9, %eq3A_249 : vector<16xi32>
        %select_n3A_251 = arith.select %eq3A_250, %get3A_247, %select_n3A : vector<16xi1>, vector<16xf32>
        %mul3A_252 = arith.constant 4 : i32
        %mul3A_253 = arith.muli %scan3A_218, %mul3A_252 : i32
        %add3A_254 = arith.constant 3 : i32
        %add3A_255 = arith.addi %mul3A_253, %add3A_254 : i32
        %get3A_256 = arith.index_cast %add3A_255 : i32 to index
        %get3A_257 = arith.constant 1000 : index
        %get3A_258 = tpu.vector_load %arg27[%get3A_256, %get3A_257] {strides = array<i32>} : memref<16x1024xf32, #tpu.memory_space<vmem>>, vector<1x16xf32>,
        %get3A_259 = vector.shape_cast %get3A_258 : vector<1x16xf32> to vector<16xf32>
        %eq3A_260 = arith.constant 3 : i32
        %eq3A_261 = vector.broadcast %eq3A_260 : i32 to vector<16xi32>
        %eq3A_262 = arith.cmpi eq, %shift_right_arithmetic3A_9, %eq3A_261 : vector<16xi32>
        %select_n3A_263 = arith.select %eq3A_262, %get3A_259, %select_n3A_251 : vector<16xi1>, vector<16xf32>
        %mul3A_264 = arith.constant 16 : i32
        %mul3A_265 = arith.muli %add3A_175, %mul3A_264 : i32
        %mul3A_266 = arith.constant 4 : i32
        %mul3A_267 = arith.muli %mul3A_265, %mul3A_266 : i32
        %mul3A_268 = arith.constant 16 : i32
        %mul3A_269 = arith.muli %scan3A_218, %mul3A_268 : i32
        %add3A_270 = arith.addi %mul3A_267, %mul3A_269 : i32
        %get3A_271 = arith.index_cast %add3A_270 : i32 to index
        %get3A_272 = tpu.vector_load %arg29[%get3A_271] {strides = array<i32>} : memref<2048xf32, #tpu.memory_space<vmem>>, vector<16xf32>,
        %get3A_273 = vector.shape_cast %get3A_272 : vector<16xf32> to vector<16xf32>
        %eq3A_274 = arith.constant 1.000000e+03 : f32
        %eq3A_275 = vector.broadcast %eq3A_274 : f32 to vector<16xf32>
        %eq3A_276 = arith.cmpf oeq, %select_n3A_263, %eq3A_275 : vector<16xf32>
        %eq3A_277 = arith.constant 1.000000e+03 : f32
        %eq3A_278 = vector.broadcast %eq3A_277 : f32 to vector<16xf32>
        %eq3A_279 = arith.cmpf oeq, %get3A_273, %eq3A_278 : vector<16xf32>
        %mul3A_280 = arith.mulf %get3A_273, %get3A_4 : vector<16xf32>
        %mul3A_281 = arith.mulf %select_n3A_263, %sub3A_6 : vector<16xf32>
        %add3A_282 = arith.addf %mul3A_280, %mul3A_281 : vector<16xf32>
        %select_n3A_283 = arith.select %eq3A_276, %broadcast_in_dim3A_7, %select_n3A_263 : vector<16xi1>, vector<16xf32>
        %select_n3A_284 = arith.select %eq3A_276, %get3A_273, %add3A_282 : vector<16xi1>, vector<16xf32>
        %select_n3A_285 = arith.select %eq3A_279, %select_n3A_283, %select_n3A_284 : vector<16xi1>, vector<16xf32>
        %mul3A_286 = arith.constant 16 : i32
        %mul3A_287 = arith.muli %add3A_175, %mul3A_286 : i32
        %mul3A_288 = arith.constant 4 : i32
        %mul3A_289 = arith.muli %mul3A_287, %mul3A_288 : i32
        %mul3A_290 = arith.constant 16 : i32
        %mul3A_291 = arith.muli %scan3A_218, %mul3A_290 : i32
        %add3A_292 = arith.addi %mul3A_289, %mul3A_291 : i32
        %swap3A = arith.index_cast %add3A_292 : i32 to index
        %swap3A_293 = tpu.vector_load %arg29[%swap3A] {strides = array<i32>} : memref<2048xf32, #tpu.memory_space<vmem>>, vector<16xf32>,
        %swap3A_294 = vector.shape_cast %swap3A_293 : vector<16xf32> to vector<16xf32>
        %swap3A_295 = vector.shape_cast %select_n3A_285 : vector<16xf32> to vector<16xf32>
        tpu.vector_store %arg29[%swap3A], %swap3A_295 {strides = array<i32>} : memref<2048xf32, #tpu.memory_space<vmem>>, vector<16xf32>,
        %scan3A_296 = arith.constant 0 : i32
        scf.yield %scan3A_296 : i32
      }
      %scan3A_203 = arith.constant 4 : i32
      %mul3A_204 = arith.constant 16 : i32
      %mul3A_205 = arith.muli %add3A_175, %mul3A_204 : i32
      %add3A_206 = arith.addi %multiple_of3A, %mul3A_205 : i32
      %multiple_of3A_207 = tpu.assume_multiple %add3A_206, 8 : i32
      %dma_start3A_208 = arith.constant 0 : i32
      %dma_start3A_209 = tpu.memref_slice %arg13[%multiple_of3A_207, %dma_start3A_208] : memref<16384x1000xf32, #tpu.memory_space<hbm>> -> memref<16x1000xf32, #tpu.memory_space<hbm>>
      %dma_start3A_210 = arith.constant 0 : i32
      %dma_start3A_211 = tpu.memref_slice %arg13[%multiple_of3A_207, %dma_start3A_210] : memref<16384x1000xf32, #tpu.memory_space<hbm>> -> memref<16x1000xf32, #tpu.memory_space<hbm>>
      tpu.enqueue_dma source(%arg28 : memref<16x1000xf32, #tpu.memory_space<vmem>>) target(%dma_start3A_211 : memref<16x1000xf32, #tpu.memory_space<hbm>>) target_semaphore(%arg37 : memref<!tpu.dma_semaphore, #tpu.memory_space<semaphore_mem>>)
      %lt3A_212 = arith.constant 15 : i32
      %lt3A_213 = arith.cmpi slt, %scan3A_129, %lt3A_212 : i32
      %convert_element_type3A_214 = arith.extui %lt3A_213 : i1 to i32
      %cond3A_215 = arith.constant 0 : i32
      %cond3A_216 = arith.cmpi ne, %convert_element_type3A_214, %cond3A_215 : i32
      scf.if %cond3A_216 {
        %add3A_218 = arith.constant 2 : i32
        %add3A_219 = arith.addi %add3A_175, %add3A_218 : i32
        %mul3A_220 = arith.constant 16 : i32
        %mul3A_221 = arith.muli %add3A_219, %mul3A_220 : i32
        %add3A_222 = arith.addi %multiple_of3A, %mul3A_221 : i32
        %multiple_of3A_223 = tpu.assume_multiple %add3A_222, 8 : i32
        %dma_start3A_224 = arith.constant 0 : i32
        %dma_start3A_225 = tpu.memref_slice %arg4[%multiple_of3A_223, %dma_start3A_224] : memref<16384x1000xf32, #tpu.memory_space<hbm>> -> memref<16x1000xf32, #tpu.memory_space<hbm>>
        %dma_start3A_226 = arith.constant 0 : i32
        %dma_start3A_227 = tpu.memref_slice %arg4[%multiple_of3A_223, %dma_start3A_226] : memref<16384x1000xf32, #tpu.memory_space<hbm>> -> memref<16x1000xf32, #tpu.memory_space<hbm>>
        tpu.enqueue_dma source(%dma_start3A_227 : memref<16x1000xf32, #tpu.memory_space<hbm>>) target(%arg26 : memref<16x1000xf32, #tpu.memory_space<vmem>>) target_semaphore(%arg36 : memref<!tpu.dma_semaphore, #tpu.memory_space<semaphore_mem>>)
        %mul3A_228 = arith.constant 16 : i32
        %mul3A_229 = arith.muli %add3A_219, %mul3A_228 : i32
        %dma_start3A_230 = tpu.memref_slice %arg15[%mul3A_229] : memref<512xi32, #tpu.memory_space<vmem>> -> memref<16xi32, #tpu.memory_space<vmem>>
        %dma_start3A_231 = arith.constant 0 : i32
        %dma_start3A_232 = arith.constant 0 : i32
        %dma_start3A_233 = tpu.memref_slice %arg8[%dma_start3A_231, %dma_start3A_232] : memref<2000x1024xf32, #tpu.memory_space<hbm>> -> memref<2000x1024xf32, #tpu.memory_space<hbm>>
        tpu.enqueue_indirect_dma source(%dma_start3A_233 : memref<2000x1024xf32, #tpu.memory_space<hbm>>) target(%arg27 : memref<16x1024xf32, #tpu.memory_space<vmem>>) offsets(%dma_start3A_230 : memref<16xi32, #tpu.memory_space<vmem>>) semaphore(%arg36 : memref<!tpu.dma_semaphore, #tpu.memory_space<semaphore_mem>>)
      } else {
      }
      %scan3A_217 = arith.constant 0 : i32
      scf.yield %scan3A_217 : i32
    }
    %scan3A_120 = arith.constant 16 : i32
    %dma_wait3A_121 = arith.constant 0 : i32
    %dma_wait3A_122 = tpu.memref_slice %arg13[%multiple_of3A, %dma_wait3A_121] : memref<16384x1000xf32, #tpu.memory_space<hbm>> -> memref<16x1000xf32, #tpu.memory_space<hbm>>
    %dma_wait3A_123 = arith.constant 0 : i32
    %dma_wait3A_124 = tpu.memref_slice %arg13[%multiple_of3A, %dma_wait3A_123] : memref<16384x1000xf32, #tpu.memory_space<hbm>> -> memref<16x1000xf32, #tpu.memory_space<hbm>>
    tpu.wait_dma2 semaphore(%arg35 : memref<!tpu.dma_semaphore, #tpu.memory_space<semaphore_mem>>) src(%arg25 : memref<16x1000xf32, #tpu.memory_space<vmem>>) dst(%dma_wait3A_124 : memref<16x1000xf32, #tpu.memory_space<hbm>>)
    %dma_wait3A_125 = arith.constant 0 : i32
    %dma_wait3A_126 = tpu.memref_slice %arg13[%multiple_of3A, %dma_wait3A_125] : memref<16384x1000xf32, #tpu.memory_space<hbm>> -> memref<16x1000xf32, #tpu.memory_space<hbm>>
    %dma_wait3A_127 = arith.constant 0 : i32
    %dma_wait3A_128 = tpu.memref_slice %arg13[%multiple_of3A, %dma_wait3A_127] : memref<16384x1000xf32, #tpu.memory_space<hbm>> -> memref<16x1000xf32, #tpu.memory_space<hbm>>
    tpu.wait_dma2 semaphore(%arg37 : memref<!tpu.dma_semaphore, #tpu.memory_space<semaphore_mem>>) src(%arg28 : memref<16x1000xf32, #tpu.memory_space<vmem>>) dst(%dma_wait3A_128 : memref<16x1000xf32, #tpu.memory_space<hbm>>)
    "tpu.region"() ({
      %run_scoped3A = tpu.sem_alloc : memref<!tpu.dma_semaphore, #tpu.memory_space<semaphore_mem>>
      %dma_start3A_129 = tpu.memref_slice %arg14[%multiple_of3A_89] : memref<65536xf32, #tpu.memory_space<hbm>> -> memref<2048xf32, #tpu.memory_space<hbm>>
      %dma_start3A_130 = tpu.memref_slice %arg14[%multiple_of3A_89] : memref<65536xf32, #tpu.memory_space<hbm>> -> memref<2048xf32, #tpu.memory_space<hbm>>
      tpu.enqueue_dma source(%arg29 : memref<2048xf32, #tpu.memory_space<vmem>>) target(%dma_start3A_130 : memref<2048xf32, #tpu.memory_space<hbm>>) target_semaphore(%run_scoped3A : memref<!tpu.dma_semaphore, #tpu.memory_space<semaphore_mem>>)
      %dma_wait3A_131 = tpu.memref_slice %arg14[%multiple_of3A_89] : memref<65536xf32, #tpu.memory_space<hbm>> -> memref<2048xf32, #tpu.memory_space<hbm>>
      %dma_wait3A_132 = tpu.memref_slice %arg14[%multiple_of3A_89] : memref<65536xf32, #tpu.memory_space<hbm>> -> memref<2048xf32, #tpu.memory_space<hbm>>
      tpu.wait_dma2 semaphore(%run_scoped3A : memref<!tpu.dma_semaphore, #tpu.memory_space<semaphore_mem>>) src(%arg29 : memref<2048xf32, #tpu.memory_space<vmem>>) dst(%dma_wait3A_132 : memref<2048xf32, #tpu.memory_space<hbm>>)
      tpu.yield
    }) : () -> ()
    return
  }
}

module attributes {stable_mosaic.version = 14 : i64} {
  func.func @_tab_body(%arg0: i32, %arg1: i32, %arg2: memref<200x2x1000xf32, #tpu.memory_space<vmem>>, %arg3: memref<200x2x4xf32, #tpu.memory_space<vmem>>, %arg4: memref<200x2x128xf32, #tpu.memory_space<vmem>>, %arg5: memref<200x2x128xf32, #tpu.memory_space<vmem>>, %arg6: memref<200x1024xf32, #tpu.memory_space<vmem>>, %arg7: memref<200x128xf32, #tpu.memory_space<vmem>>, %arg8: memref<200x128xf32, #tpu.memory_space<vmem>>) attributes {dimension_semantics = [#tpu.dimension_semantics<arbitrary>, #tpu.dimension_semantics<arbitrary>], iteration_bounds = array<i64: 5, 2>, scalar_prefetch = 0 : i64, scratch_operands = 0 : i64, tpu.core_type = #tpu.core_type<tc>, window_params = [{transform_indices = @transform_0, window_bounds = array<i64: 200, 2, 1000>}, {transform_indices = @transform_1, window_bounds = array<i64: 200, 2, 4>}, {transform_indices = @transform_2, window_bounds = array<i64: 200, 2, 128>}, {transform_indices = @transform_3, window_bounds = array<i64: 200, 2, 128>}, {transform_indices = @transform_4, window_bounds = array<i64: 200, 1024>}, {transform_indices = @transform_5, window_bounds = array<i64: 200, 128>}, {transform_indices = @transform_6, window_bounds = array<i64: 200, 128>}]} {
    %get3A = arith.constant 0 : index
    %get3A_0 = arith.index_cast %arg1 : i32 to index
    %get3A_1 = arith.constant 0 : index
    %get3A_2 = vector.load %arg2[%get3A, %get3A_0, %get3A_1] : memref<200x2x1000xf32, #tpu.memory_space<vmem>>, vector<200x1x1000xf32>
    %get3A_3 = vector.shape_cast %get3A_2 : vector<200x1x1000xf32> to vector<200x1000xf32>
    %swap3A = arith.constant 0 : index
    %swap3A_4 = arith.constant 0 : index
    %swap3A_5 = vector.load %arg6[%swap3A, %swap3A_4] : memref<200x1024xf32, #tpu.memory_space<vmem>>, vector<200x1000xf32>
    tpu.vector_store %arg6[%swap3A, %swap3A_4], %get3A_3 {strides = array<i32>} : memref<200x1024xf32, #tpu.memory_space<vmem>>, vector<200x1000xf32>,
    %get3A_6 = arith.constant 0 : index
    %get3A_7 = arith.index_cast %arg1 : i32 to index
    %get3A_8 = arith.constant 0 : index
    %get3A_9 = vector.load %arg3[%get3A_6, %get3A_7, %get3A_8] : memref<200x2x4xf32, #tpu.memory_space<vmem>>, vector<200x1x4xf32>
    %get3A_10 = vector.shape_cast %get3A_9 : vector<200x1x4xf32> to vector<200x4xf32>
    %swap3A_11 = arith.constant 0 : index
    %swap3A_12 = arith.constant 1000 : index
    %swap3A_13 = vector.load %arg6[%swap3A_11, %swap3A_12] : memref<200x1024xf32, #tpu.memory_space<vmem>>, vector<200x4xf32>
    tpu.vector_store %arg6[%swap3A_11, %swap3A_12], %get3A_10 {strides = array<i32>} : memref<200x1024xf32, #tpu.memory_space<vmem>>, vector<200x4xf32>,
    %get3A_14 = arith.constant 0 : index
    %get3A_15 = arith.index_cast %arg1 : i32 to index
    %get3A_16 = arith.constant 0 : index
    %get3A_17 = vector.load %arg3[%get3A_14, %get3A_15, %get3A_16] : memref<200x2x4xf32, #tpu.memory_space<vmem>>, vector<200x1x4xf32>
    %get3A_18 = vector.shape_cast %get3A_17 : vector<200x1x4xf32> to vector<200x4xf32>
    %swap3A_19 = arith.constant 0 : index
    %swap3A_20 = arith.constant 1004 : index
    %swap3A_21 = vector.load %arg6[%swap3A_19, %swap3A_20] : memref<200x1024xf32, #tpu.memory_space<vmem>>, vector<200x4xf32>
    tpu.vector_store %arg6[%swap3A_19, %swap3A_20], %get3A_18 {strides = array<i32>} : memref<200x1024xf32, #tpu.memory_space<vmem>>, vector<200x4xf32>,
    %get3A_22 = arith.constant 0 : index
    %get3A_23 = arith.index_cast %arg1 : i32 to index
    %get3A_24 = arith.constant 0 : index
    %get3A_25 = vector.load %arg3[%get3A_22, %get3A_23, %get3A_24] : memref<200x2x4xf32, #tpu.memory_space<vmem>>, vector<200x1x4xf32>
    %get3A_26 = vector.shape_cast %get3A_25 : vector<200x1x4xf32> to vector<200x4xf32>
    %swap3A_27 = arith.constant 0 : index
    %swap3A_28 = arith.constant 1008 : index
    %swap3A_29 = vector.load %arg6[%swap3A_27, %swap3A_28] : memref<200x1024xf32, #tpu.memory_space<vmem>>, vector<200x4xf32>
    tpu.vector_store %arg6[%swap3A_27, %swap3A_28], %get3A_26 {strides = array<i32>} : memref<200x1024xf32, #tpu.memory_space<vmem>>, vector<200x4xf32>,
    %get3A_30 = arith.constant 0 : index
    %get3A_31 = arith.index_cast %arg1 : i32 to index
    %get3A_32 = arith.constant 0 : index
    %get3A_33 = vector.load %arg3[%get3A_30, %get3A_31, %get3A_32] : memref<200x2x4xf32, #tpu.memory_space<vmem>>, vector<200x1x4xf32>
    %get3A_34 = vector.shape_cast %get3A_33 : vector<200x1x4xf32> to vector<200x4xf32>
    %swap3A_35 = arith.constant 0 : index
    %swap3A_36 = arith.constant 1012 : index
    %swap3A_37 = vector.load %arg6[%swap3A_35, %swap3A_36] : memref<200x1024xf32, #tpu.memory_space<vmem>>, vector<200x4xf32>
    tpu.vector_store %arg6[%swap3A_35, %swap3A_36], %get3A_34 {strides = array<i32>} : memref<200x1024xf32, #tpu.memory_space<vmem>>, vector<200x4xf32>,
    %broadcast_in_dim3A = arith.constant 0.000000e+00 : f32
    %broadcast_in_dim3A_38 = vector.broadcast %broadcast_in_dim3A : f32 to vector<200x8xf32>
    %swap3A_39 = arith.constant 0 : index
    %swap3A_40 = arith.constant 1016 : index
    %swap3A_41 = vector.load %arg6[%swap3A_39, %swap3A_40] : memref<200x1024xf32, #tpu.memory_space<vmem>>, vector<200x8xf32>
    tpu.vector_store %arg6[%swap3A_39, %swap3A_40], %broadcast_in_dim3A_38 {strides = array<i32>} : memref<200x1024xf32, #tpu.memory_space<vmem>>, vector<200x8xf32>,
    %get3A_42 = arith.constant 0 : index
    %get3A_43 = arith.index_cast %arg1 : i32 to index
    %get3A_44 = arith.constant 0 : index
    %get3A_45 = vector.load %arg4[%get3A_42, %get3A_43, %get3A_44] : memref<200x2x128xf32, #tpu.memory_space<vmem>>, vector<200x1x128xf32>
    %get3A_46 = vector.shape_cast %get3A_45 : vector<200x1x128xf32> to vector<200x128xf32>
    %swap3A_47 = arith.constant 0 : index
    %swap3A_48 = arith.constant 0 : index
    %swap3A_49 = vector.load %arg7[%swap3A_47, %swap3A_48] : memref<200x128xf32, #tpu.memory_space<vmem>>, vector<200x128xf32>
    tpu.vector_store %arg7[%swap3A_47, %swap3A_48], %get3A_46 {strides = array<i32>} : memref<200x128xf32, #tpu.memory_space<vmem>>, vector<200x128xf32>,
    %get3A_50 = arith.constant 0 : index
    %get3A_51 = arith.index_cast %arg1 : i32 to index
    %get3A_52 = arith.constant 0 : index
    %get3A_53 = vector.load %arg5[%get3A_50, %get3A_51, %get3A_52] : memref<200x2x128xf32, #tpu.memory_space<vmem>>, vector<200x1x128xf32>
    %get3A_54 = vector.shape_cast %get3A_53 : vector<200x1x128xf32> to vector<200x128xf32>
    %swap3A_55 = arith.constant 0 : index
    %swap3A_56 = arith.constant 0 : index
    %swap3A_57 = vector.load %arg8[%swap3A_55, %swap3A_56] : memref<200x128xf32, #tpu.memory_space<vmem>>, vector<200x128xf32>
    tpu.vector_store %arg8[%swap3A_55, %swap3A_56], %get3A_54 {strides = array<i32>} : memref<200x128xf32, #tpu.memory_space<vmem>>, vector<200x128xf32>,
    return
  }
  func.func @transform_0(%arg0: i32, %arg1: i32) -> (i32, i32, i32) {
    %c0_i32 = arith.constant 0 : i32
    %c0_i32_0 = arith.constant 0 : i32
    %c0_i32_1 = arith.constant 0 : i32
    return %arg0, %c0_i32, %c0_i32_0 : i32, i32, i32
  }
  func.func @transform_1(%arg0: i32, %arg1: i32) -> (i32, i32, i32) {
    %c0_i32 = arith.constant 0 : i32
    %c0_i32_0 = arith.constant 0 : i32
    %c0_i32_1 = arith.constant 0 : i32
    return %arg0, %c0_i32, %c0_i32_0 : i32, i32, i32
  }
  func.func @transform_2(%arg0: i32, %arg1: i32) -> (i32, i32, i32) {
    %c0_i32 = arith.constant 0 : i32
    %c0_i32_0 = arith.constant 0 : i32
    %c0_i32_1 = arith.constant 0 : i32
    return %arg0, %c0_i32, %c0_i32_0 : i32, i32, i32
  }
  func.func @transform_3(%arg0: i32, %arg1: i32) -> (i32, i32, i32) {
    %c0_i32 = arith.constant 0 : i32
    %c0_i32_0 = arith.constant 0 : i32
    %c0_i32_1 = arith.constant 0 : i32
    return %arg0, %c0_i32, %c0_i32_0 : i32, i32, i32
  }
  func.func @transform_4(%arg0: i32, %arg1: i32) -> (i32, i32) {
    %mul3A = arith.constant 5 : i32
    %mul3A_0 = arith.muli %arg1, %mul3A : i32
    %add3A = arith.addi %mul3A_0, %arg0 : i32
    %c0_i32 = arith.constant 0 : i32
    %c0_i32_1 = arith.constant 0 : i32
    return %add3A, %c0_i32 : i32, i32
  }
  func.func @transform_5(%arg0: i32, %arg1: i32) -> (i32, i32) {
    %mul3A = arith.constant 5 : i32
    %mul3A_0 = arith.muli %arg1, %mul3A : i32
    %add3A = arith.addi %mul3A_0, %arg0 : i32
    %c0_i32 = arith.constant 0 : i32
    %c0_i32_1 = arith.constant 0 : i32
    return %add3A, %c0_i32 : i32, i32
  }
  func.func @transform_6(%arg0: i32, %arg1: i32) -> (i32, i32) {
    %mul3A = arith.constant 5 : i32
    %mul3A_0 = arith.muli %arg1, %mul3A : i32
    %add3A = arith.addi %mul3A_0, %arg0 : i32
    %c0_i32 = arith.constant 0 : i32
    %c0_i32_1 = arith.constant 0 : i32
    return %add3A, %c0_i32 : i32, i32
  }
}

</mosaic_0001>

<sc_bundles>
// kernel: kernel.4.cloned.1.call-start
scs
__scs_entry_jumppad:
0x0: {  	(pc) =	sbr.rel $0x88, $3  }
0x1: {  	(tag) =	ssettag $0x0;
	lr =	simm.s32 $0x1  }
0x2: {  	[smem:$0x3F99] =	sst lr;
	_ =	strace $0xD0000000  }
0x3: {  	_ = 	snop  }
0x4: {  	_ = 	snop  }
0x5: {  	_ = 	snop  }
0x6: {  	_ = 	snop  }
0x7: {  	_ = 	snop  }
__scs_overlays_trampoline_lowered:
0x8: {  	[smem:$0x3FA8] =	sst s0  }
0x9: {  	[smem:$0x3FA9] =	sst s1  }
0xa: {  	[smem:$0x3FAA] =	sst s2  }
0xb: {  	[smem:$0x3FAB] =	sst s3  }
0xc: {  	[smem:$0x3FAC] =	sst s4  }
0xd: {  	[smem:$0x3FAD] =	sst s5  }
0xe: {  	[smem:$0x3FAE] =	sst s6  }
0xf: {  	[smem:$0x3FAF] =	sst s7  }
0x10: {  	[smem:$0x3FB0] =	sst s8  }
0x11: {  	[smem:$0x3FB1] =	sst s9;
	s0 =	simm.s32 @!p0 $0x0  }
0x12: {  	s1 =	sld [smem:$0x3F97];
	s0 =	simm.s32 @p0 $0x1  }
0x13: {  	[smem:$0x3FB2] =	sst s0;
	s0 =	simm.s32 @!p1 $0x0  }
0x14: {  	s2 =	sld [smem:$0x3F96];
	s0 =	simm.s32 @p1 $0x1  }
0x15: {  	[smem:$0x3FB3] =	sst s0;
	s0 =	simm.s32 @!p2 $0x0  }
0x16: {  	s3 =	sld [smem:$0x3FDB];
	s0 =	simm.s32 @p2 $0x1  }
0x17: {  	s4 =	simm.s32 $0x1BF5;
	[smem:$0x3FB5] =	sst s0  }
0x18: {  	s0 =	sld [smem:$0x3F98];
	_ =	swait.ge [sflag:s4], $0x0  }
0x19: {  	s7 =	sld [smem:$0x3F99]  }
0x1a: {  	s8 =	sadd.s32 $0xFFFFE003, lr  }
0x1b: {  	s9 =	sadd.s32 $0xFFFFFEF7, lr;
	s5 =	simm.s32 $0xFFFFFFFF;
	p2 =	slt.u32 s8, $0xFFFFF086  }
0x1c: {  	p1 =	slt.u32 s9, $0xF7A;
	s5 =	simm.s32 @!p2 $0x0  }
0x1d: {  	s5 =	simm.s32 @p1 $0x1;
	p0 =	seq.s32 s7, s2  }
0x1e: {  	s7 =	smul.u32 @!p0 $0xF7A, s2;
	p2 =	seq.s32 @!p0 s5, $0x0  }
0x1f: {  	s9 =	smul.u32 $0xF7A, s1;
	s8 =	simm.s32 @!p0 $0x1BF5;
	p2 =	por !p2, p0  }
0x20: {  	[sflag:s8] =	ssyncset.s32 @!p0 $0xFFFFF086;
	s6 =	sadd.s32 @!p0 s3, s7;
	s7 =	simm.s32 @!p0 $0x108  }
0x21: {  	s3 =	sadd.s32 s3, s9;
	s6 =	sadd.s32 @!p0 $0x88, s6;
	s7 =	simm.s32 @p2 $0x1082  }
0x22: {  	[simem:s7], [sflag:s8] =	dma.local @!p0 [hbm:s6], $0xF7A  }
0x23: {  	s9 =	sor.u32 $0xD0000000, s2;
	s6 =	simm.s32 $0x108;
	_ =	swait.ge @!p0 [sflag:s8], $0x0  }
0x24: {  	s3 =	sadd.s32 $0x88, s3;
	s6 =	simm.s32 @!p1 $0x1082;
	[sflag:s4] =	ssyncset.s32 $0xFFFFF086  }
0x25: {  	[simem:s6], [sflag:s4] =	dma.local [hbm:s3], $0xF7A  }
0x26: {  	[smem:$0x3F99] =	sst s1;
	(tag) =	ssettag s2;
	_ =	strace s9  }
0x27: {  	s1 =	sld [smem:$0x3FA9]  }
0x28: {  	s2 =	sld [smem:$0x3FAA]  }
0x29: {  	s4 =	sld [smem:$0x3FAC]  }
0x2a: {  	p0 =	seq.s32 s5, $0x0;
	s5 =	sld [smem:$0x3FAD]  }
0x2b: {  	s6 =	sld [smem:$0x3FAE]  }
0x2c: {  	s7 =	sld [smem:$0x3FAF]  }
0x2d: {  	s3 =	simm.s32 $0x108;
	s8 =	sld [smem:$0x3FB0]  }
0x2e: {  	s3 =	simm.s32 @!p0 $0x1082;
	s9 =	sld [smem:$0x3FB1]  }
0x2f: {  	lr =	sadd.s32 s0, s3;
	s0 =	sld [smem:$0x3FA8]  }
0x30: {  	s3 =	sld [smem:$0x3FAB]  }
0x31: {  	[smem:$0x3FB4] =	sst s10  }
0x32: {  	s10 =	sld [smem:$0x3FB2];
	_ =	sdelay $0x3  }
0x33: {  	p0 =	seq.s32 s10, $0x1;
	s10 =	sld [smem:$0x3FB4];
	_ =	sdelay $0x3  }
0x34: {  	[smem:$0x3FB4] =	sst s10  }
0x35: {  	s10 =	sld [smem:$0x3FB3];
	_ =	sdelay $0x3  }
0x36: {  	p1 =	seq.s32 s10, $0x1;
	s10 =	sld [smem:$0x3FB4];
	_ =	sdelay $0x3  }
0x37: {  	[smem:$0x3FB4] =	sst s10  }
0x38: {  	s10 =	sld [smem:$0x3FB5]  }
0x39: {  	_ = 	snop;
	(pc) =	sbr.ind lr, $3  }
0x3a: {  	_ = 	snop  }
0x3b: {  	_ = 	snop  }
0x3c: {  	p2 =	seq.s32 s10, $0x1;
	s10 =	sld [smem:$0x3FB4]  }
0x3d: {  	_ =	shalt  }
0x3e: {  	_ =	shalt  }
0x3f: {  	_ =	shalt  }
0x40: {  	_ =	shalt  }
0x41: {  	_ =	shalt  }
0x42: {  	_ =	shalt  }
0x43: {  	_ =	shalt  }
0x44: {  	_ =	shalt  }
0x45: {  	_ =	shalt  }
0x46: {  	_ =	shalt  }
0x47: {  	_ =	shalt  }
0x48: {  	_ =	shalt  }
0x49: {  	_ =	shalt  }
0x4a: {  	_ =	shalt  }
0x4b: {  	_ =	shalt  }
0x4c: {  	_ =	shalt  }
0x4d: {  	_ =	shalt  }
0x4e: {  	_ =	shalt  }
0x4f: {  	_ =	shalt  }
0x50: {  	_ =	shalt  }
0x51: {  	_ =	shalt  }
0x52: {  	_ =	shalt  }
0x53: {  	_ =	shalt  }
0x54: {  	_ =	shalt  }
0x55: {  	_ =	shalt  }
0x56: {  	_ =	shalt  }
0x57: {  	_ =	shalt  }
0x58: {  	_ =	shalt  }
0x59: {  	_ =	shalt  }
0x5a: {  	_ =	shalt  }
0x5b: {  	_ =	shalt  }
0x5c: {  	_ =	shalt  }
0x5d: {  	_ =	shalt  }
0x5e: {  	_ =	shalt  }
0x5f: {  	_ =	shalt  }
0x60: {  	_ =	shalt  }
0x61: {  	_ =	shalt  }
0x62: {  	_ =	shalt  }
0x63: {  	_ =	shalt  }
0x64: {  	_ =	shalt  }
0x65: {  	_ =	shalt  }
0x66: {  	_ =	shalt  }
0x67: {  	_ =	shalt  }
0x68: {  	_ =	shalt  }
0x69: {  	_ =	shalt  }
0x6a: {  	_ =	shalt  }
0x6b: {  	_ =	shalt  }
0x6c: {  	_ =	shalt  }
0x6d: {  	_ =	shalt  }
0x6e: {  	_ =	shalt  }
0x6f: {  	_ =	shalt  }
0x70: {  	_ =	shalt  }
0x71: {  	_ =	shalt  }
0x72: {  	_ =	shalt  }
0x73: {  	_ =	shalt  }
0x74: {  	_ =	shalt  }
0x75: {  	_ =	shalt  }
0x76: {  	_ =	shalt  }
0x77: {  	_ =	shalt  }
0x78: {  	_ =	shalt  }
0x79: {  	_ =	shalt  }
0x7a: {  	_ =	shalt  }
0x7b: {  	_ =	shalt  }
0x7c: {  	_ =	shalt  }
0x7d: {  	_ =	shalt  }
0x7e: {  	_ =	shalt  }
0x7f: {  	_ =	shalt  }
0x80: {  	_ =	shalt  }
0x81: {  	_ =	shalt  }
0x82: {  	_ =	shalt  }
0x83: {  	_ =	shalt  }
0x84: {  	_ =	shalt  }
0x85: {  	_ =	shalt  }
0x86: {  	_ =	shalt  }
0x87: {  	_ =	shalt  }
.Lfunc_end0:
.L_simem_size_0:
called_computation_lowered:
.L_overlay_start_0:
0x88: {  	s2 =	sld [smem:$0x3FD9]  }
0x89: {  	s3 =	sld [smem:$0x3FFE];
	_ =	sdelay $0x1  }
0x8a: {  	s1 =	srdreg.scid  }
0x8b: {  	s0 =	sand.u32 $0x1, s1  }
0x8c: {  	s14 =	sshll.u32 s0, $0xA;
	s2 =	sadd.s32 s3, s2  }
0x8d: {  	s2 =	sadd.s32 s2, s14  }
0x8e: {  	[smem:$0x3FC0] =	sst s2  }
0x8f: {  	_ = 	snop  }
0x90: {  	s2 =	sld [smem:$0x3FD0];
	_ =	sdelay $0x1  }
0x91: {  	s15 =	sld [smem:$0x3FC9]  }
0x92: {  	s5 =	simm.s32 $0xA;
	s6 =	simm.s32 $0x10;
	s4 =	sld [smem:$0x3FC7]  }
0x93: {  	[smem:s6], [sflag:s5] =	dma.local [hbm:s2], $0x1  }
0x94: {  	_ =	swait.eq [sflag:s5], $0x1  }
0x95: {  	s16 =	sld [smem:$0x10]  }
0x96: {  	s17 =	sld [smem:$0x11];
	[sflag:s5] =	ssyncset.done $0x0  }
0x97: {  	s7 =	sld [smem:$0x12];
	[sflag:s5] =	ssyncadd.s32 $0xFFFFFFFF  }
0x98: {  	s18 =	sld [smem:$0x13];
	(tm) =	ssettm $0x1  }
0x99: {  	s8 =	sld [smem:$0x3FFB];
	_ =	sdelay $0x3  }
0x9a: {  	_ =	strace s8  }
0x9b: {  	s8 =	sld [smem:$0x3FFC];
	_ =	sdelay $0x3  }
0x9c: {  	_ =	strace s8  }
0x9d: {  	s8 =	sld [smem:$0x3FFD];
	_ =	sdelay $0x3  }
0x9e: {  	_ =	strace s8  }
0x9f: {  	_ =	strace $0x8FFFFFFF  }
0xa0: {  	s19 =	sld [smem:$0x3FDB];
	_ =	sdelay $0x1  }
0xa1: {  	s9 =	simm.s32 $_scs_section_size  }
0xa2: {  	s10 =	simm.s32 $_size__tile_overlayer_lowered;
	s11 =	simm.s32 $_tile_overlayer_lowered  }
0xa3: {  	s22 =	simm.s32 $0x1BFF;
	s21 =	sshll.u32 s11, $0x1;
	s8 =	sadd.s32 s9, s19  }
0xa4: {  	s12 =	simm.s32 $0x0;
	s20 =	sshll.u32 s10, $0x1;
	s10 =	sadd.s32 s21, s8  }
0xa5: {  	[timem:s12], [sflag:s22] =	dma.local [hbm:s10], s20  }
0xa6: {  	_ =	swait.ge [sflag:s22], s20  }
0xa7: {  	s9 =	ssub.s32 $0x0, s20;
	[sflag:s22] =	ssyncset.done $0x0  }
0xa8: {  	[sflag:s22] =	ssyncadd.s32 s9;
	_ =	sdelay $0x1  }
0xa9: {  	s23 =	simm.s32 $0x1B8B  }
0xaa: {  	_ =	swait.ge [sflag:s23], $0x1  }
0xab: {  	[sflag:s23] =	ssyncset.done $0x0  }
0xac: {  	s25 =	simm.s32 $0x1B8E;
	s24 =	sld [smem:$0x3FFE];
	[sflag:s23] =	ssyncadd.s32 $0xFFFFFFFF  }
0xad: {  	s26 =	simm.s32 $execute0_lowered;
	[smem:$0x3FD2] =	sst s25  }
0xae: {  	s10 =	sshll.u32 s26, $0x1;
	_ =	strace $0x80000046;
	[dreg:$0x1] =	wrdreg $0xFFFFFFFF  }
0xaf: {  	s28 =	simm.s32 $_size_execute0_lowered;
	s8 =	sadd.s32 s8, s10;
	[dreg:$0x0] =	wrdreg $0x0  }
0xb0: {  	s10 =	sshll.u32 s28, $0x1;
	[dreg:$0x2] =	wrdreg s8  }
0xb1: {  	[dreg:$0x3] =	wrdreg s10  }
0xb2: {  	[dreg:$0x4] =	wrdreg $0xC0  }
0xb3: {  	_ =	task [dreg:s12], $0x5FFFF  }
0xb4: {  	[dreg:$0x1] =	wrdreg $0xFFFFFFFF  }
0xb5: {  	[dreg:$0x0] =	wrdreg $0x60  }
0xb6: {  	[dreg:$0x2] =	wrdreg s15  }
0xb7: {  	[dreg:$0x3] =	wrdreg s4  }
0xb8: {  	[dreg:$0x4] =	wrdreg s24  }
0xb9: {  	[dreg:$0x5] =	wrdreg s18  }
0xba: {  	[dreg:$0x6] =	wrdreg s7  }
0xbb: {  	[dreg:$0x7] =	wrdreg s16  }
0xbc: {  	[dreg:$0x8] =	wrdreg s17  }
0xbd: {  	[dreg:$0x9] =	wrdreg $0x9  }
0xbe: {  	_ =	task.clear_ibuf [dreg:s12], $0xAFFFF;
	_ =	strace $0x90000046  }
0xbf: {  	s29 =	simm.s32 $0x9;
	_ =	strace $0x80000048  }
0xc0: {  	_ =	swait.ge [sflag:s29], $0x1  }
0xc1: {  	[sflag:s29] =	ssyncadd.s32 $0xFFFFFFFF  }
0xc2: {  	_ =	strace $0x90000048  }
0xc3: {  	_ =	sfence  }
0xc4: {  	s30 =	sld [smem:$0x0];
	_ =	sdelay $0x2  }
0xc5: {  	s31 =	sshll.u32 s1, $0xD;
	s1 =	sshrl.u32 s1, $0x2  }
0xc6: {  	s3 =	sand.u32 $0x4000, s31;
	s1 =	sadd.s32 s1, s30  }
0xc7: {  	s0 =	sor.u32 s3, s0;
	s1 =	sshll.u32 s1, $0x11  }
0xc8: {  	s0 =	sor.u32 s1, s0  }
0xc9: {  	s0 =	sadd.s32 $0x8F2B, s0  }
0xca: {  	[sflag:s0] =	ssyncadd.remote.s32 $0x1  }
0xcb: {  	_ =	sfence.sel $0xFFFF  }
0xcc: {  	[dreg:$0x0] =	wrdreg $0xFFFFFFFF;
	(pc) =	sbr.abs _section_cstart, $3  }
0xcd: {  	[dreg:$0x1] =	wrdreg $0xFFFFFFFF  }
0xce: {  	_ =	task.clear_ibuf [dreg:s12], $0x2FFFF;
	_ =	strace $0x9FFFFFFF  }
0xcf: {  	(tm) =	ssettm $0x7FFFFFFF  }
tec
execute0_lowered:
.L_overlay_start_1:
0x0: {  	(tag) =	ssettag $0x1  }
0x1: {  	s2 =	rddreg [dreg:$0x0]  }
0x2: {  	s25 =	rddreg [dreg:$0x1]  }
0x3: {  	s0 =	rddreg [dreg:$0x2]  }
0x4: {  	s1 =	rddreg [dreg:$0x3]  }
0x5: {  	s3 =	rddreg [dreg:$0x4]  }
0x6: {  	s29 =	rddreg [dreg:$0x5]  }
0x7: {  	s30 =	rddreg [dreg:$0x6]  }
0x8: {  	s4 =	srdreg.scid;
	s7 =	simm.s32 $0x0;
	s5 =	stileid.u32  }
0x9: {  	s31 =	simm.s32 $0x4280;
	s4 =	sand.u32 $0x1, s4;
	[smem:$0x7FF] =	sst s7  }
0xa: {  	s5 =	sshll.u32 s5, $0xA;
	s8 =	sadd.s32 $0x6800, s0;
	s10 =	sadd.s32 $0x207000, s0  }
0xb: {  	s11 =	sadd.s32 $0x20EE00, s0;
	s23 =	sadd.s32 $0x6200, s0;
	s22 =	sadd.s32 $0x100, s3  }
0xc: {  	s28 =	sadd.s32 $0x300, s3;
	s6 =	sshll.u32 s4, $0x9;
	_ =	strace $0x80000047  }
0xd: {  	[dreg:$0x8] =	wrdreg s23;
	s4 =	ssub.s32 $0x2, s4;
	s9 =	sor.u32 s6, s5  }
0xe: {  	s14 =	sshrl.u32 s4, $0x1;
	s6 =	simm.s32 $0x5;
	s5 =	sshrl.u32 s9, $0x3  }
0xf: {  	s24 =	sshll.u32 s9, $0x7;
	s13 =	sshrl.u32 s9, $0x1;
	s15 =	sshll.u32 s9, $0x4  }
0x10: {  	s4 =	ssub.s32 s4, s14;
	s14 =	simm.s32 $0x3;
	s5 =	sadd.s32 s5, s0  }
0x11: {  	s12 =	sadd.s32 s24, s0;
	s0 =	sadd.s32 s13, s0;
	s26 =	sor.u32 $0x200, s15  }
0x12: {  	v0 =	vimm.s32 $0xFEDCBA98;
	s17 =	sadd.s32 s2, s15;
	s16 =	sadd.s32 s29, s15;
	s19 =	sadd.s32 s25, s15  }
0x13: {  	v1 =	vimm.s32 $0x76543210;
	v0 =	vunpack.c.l.s4.s8 v0;
	s1 =	sadd.s32 s1, s13;
	s20 =	sadd.s32 s8, s24;
	[dreg:$0xa] =	wrdreg s17  }
0x14: {  	v1 =	vunpack.c.l.s4.s8 v1;
	s21 =	smax.u32 s4, $0x1;
	s4 =	simm.s32 $0x9;
	[dreg:$0xc] =	wrdreg s19  }
0x15: {  	v0 =	vunpack.c.0.s8.s32 v0;
	s13 =	simm.s32 $0x2280;
	s5 =	sadd.s32 $0x206800, s5;
	[dreg:$0xe] =	wrdreg s1  }
0x16: {  	v1 =	vunpack.c.0.s8.s32 v1;
	s18 =	sadd.s32 s2, s26;
	s19 =	sadd.s32 s30, s15;
	[dreg:$0x11] =	wrdreg s21  }
0x17: {  	v3 =	vlaneseq.u32;
	v0 =	vand.u32 $0xF, v0;
	s23 =	sadd.s32 $0x218C00, s12;
	s0 =	sadd.s32 $0x216C00, s0;
	[dreg:$0xf] =	wrdreg s20  }
.Ltmp0:
0x18: {  	v2 =	vshrl.u32 v3, $0x3;
	s24 =	sadd.s32 $0x800, s20;
	v0 =	vcombine.low v0, v1;
	v1 =	vand.u32 $0x7, v3;
	[dreg:$0x9] =	wrdreg s5;
	(pc) =	sbr.rel .LBB2_1-.Ltmp0, $4  }
0x19: {  	s1 =	simm.s32 $0x3280;
	s12 =	simm.s32 $0x1;
	[dreg:$0xb] =	wrdreg s18;
	[tilespmem:$0x1FFD0] =	vst v1;
	v1 =	vmul.u32 $0x8, v2  }
0x1a: {  	s15 =	simm.s32 $0x5280;
	s17 =	simm.s32 $0x0;
	[dreg:$0x10] =	wrdreg s0  }
0x1b: {  	vm0 =	vmmov $0xffff;
	s5 =	sadd.s32 s25, s26;
	s26 =	sadd.s32 $0x200, s3;
	[dreg:$0x12] =	wrdreg s24;
	[tilespmem:$0x1FFE0] =	vst v1;
	v1 =	vor.u32 $0x8, v3  }
0x1c: {  	vm1 =	vmmov $0xff;
	vm2 =	vmmov $0xf;
	vm3 =	vmmov $0xfff;
	s24 =	simm.s32 $0x7;
	[dreg:$0xd] =	wrdreg s5;
	s5 =	simm.s32 $0x20;
	[tilespmem:$0x1FFF0] =	vst v1  }
.LBB2_26:
0x1d: {  	s0 =	simm.s32 $0x6  }
0x1e: {  	_ =	swait.ge [sflag:s0], $0x4000  }
0x1f: {  	[sflag:s0] =	ssyncset.done $0x0  }
0x20: {  	s20 =	simm.s32 $0x8;
	[sflag:s0] =	ssyncadd.s32 $0xFFFFC000  }
0x21: {  	_ =	swait.ge [sflag:s20], $0x4000  }
0x22: {  	s2 =	simm.s32 $0x1E280;
	[sflag:s20] =	ssyncset.done $0x0  }
0x23: {  	s4 =	simm.s32 $0x9;
	s21 =	rddreg [dreg:$0x10];
	[sflag:s20] =	ssyncadd.s32 $0xFFFFC000  }
0x24: {  	[hbm4b:s21+s7] =	stream.linear.scatter [tilespmem:s2], [sflag:$0x9], $0x800, $0x38;
	[tilespmem:$0x1EA80] =	vst v63  }
0x25: {  	_ =	swait.ge [sflag:s4], $0x800  }
0x26: {  	s17 =	rddreg [dreg:$0x13]  }
0x27: {  	s25 =	rddreg [dreg:$0x11];
	s17 =	sadd.s32 $0x1, s17  }
0x28: {  	[sflag:s4] =	ssyncset.done $0x0;
	p0 =	sne.s32 s17, s25  }
.Ltmp1:
0x29: {  	[sflag:s4] =	ssyncadd.s32 $0xFFFFF800;
	(pc) =	sbr.rel @!p0 .LBB2_27-.Ltmp1, $4  }
0x2a: {  	s2 =	rddreg [dreg:$0x0]  }
0x2b: {  	s25 =	rddreg [dreg:$0x1]  }
0x2c: {  	s29 =	rddreg [dreg:$0x5]  }
0x2d: {  	s30 =	rddreg [dreg:$0x6]  }
.LBB2_1:
0x2e: {  	[dreg:$0x13] =	wrdreg s17  }
0x2f: {  	s0 =	rddreg [dreg:$0x9]  }
0x30: {  	[tilespmem:s7], [sflag:$0x9] =	stream.linear.gather [hbm4b:s0+s7], $0x200, $0x38;
	[tilespmem:$0x1EA80] =	vst v63  }
0x31: {  	_ =	swait.ge [sflag:s4], $0x200  }
0x32: {  	[sflag:s4] =	ssyncset.done $0x0  }
0x33: {  	s21 =	simm.s32 $0x200;
	s20 =	rddreg [dreg:$0x8];
	[sflag:s4] =	ssyncadd.s32 $0xFFFFFE00  }
0x34: {  	[tilespmem:s21], [sflag:$0x9] =	stream.linear.gather [hbm4b:s20+s7], $0x80, $0x38;
	[tilespmem:$0x1EA80] =	vst v63  }
0x35: {  	_ =	swait.ge [sflag:s4], $0x80  }
0x36: {  	[sflag:s4] =	ssyncset.done $0x0  }
0x37: {  	[sflag:s4] =	ssyncadd.s32 $0xFFFFFF80  }
0x38: {  	s18 =	simm.s32 $0x280;
	s17 =	rddreg [dreg:$0xa];
	v4 =	vld [tilespmem:$0x200]  }
0x39: {  	[tilespmem:s18], [sflag:$0x1] =	stream.linear.gather [hbm4b:s17+s7], $0x1000, $0x38;
	[tilespmem:$0x1EA80] =	vst v63  }
0x3a: {  	s20 =	simm.s32 $0x1280  }
0x3b: {  	[tilespmem:s20], [sflag:$0x1] =	stream.indirect.gather [hbm4b:s10+s5], $0x80, s7, s5, $0xb8;
	[tilespmem:$0x1EA80] =	vst v63  }
0x3c: {  	s21 =	rddreg [dreg:$0xb]  }
0x3d: {  	[tilespmem:s1], [sflag:$0x3] =	stream.linear.gather [hbm4b:s21+s7], $0x1000, $0x38;
	v5 =	vsub.f32 $1.000000000e+00, v4;
	[tilespmem:$0x1EA80] =	vst v63  }
0x3e: {  	s4 =	simm.s32 $0x0  }
0x3f: {  	v20 =	vperm.xlane v4, v0;
	[tilespmem:s31], [sflag:$0x3] =	stream.indirect.gather [hbm4b:s10+s5], $0x80, s5, s5, $0xb8;
	v21 =	vperm.xlane v5, v0;
	[tilespmem:$0x1EA80] =	vst v63  }
.LBB2_2:
0x40: {  	_ =	swait.ge [sflag:s12], $0x1000  }
0x41: {  	[sflag:s12] =	ssyncset.done $0x0  }
0x42: {  	[sflag:s12] =	ssyncadd.s32 $0xFFFFF000  }
0x43: {  	_ =	swait.ge [sflag:s12], $0x1000  }
0x44: {  	p0 =	seq.s32 s4, $0x0;
	[sflag:s12] =	ssyncset.done $0x0  }
0x45: {  	s0 =	simm.s32 @!p0 $0x2;
	[sflag:s12] =	ssyncadd.s32 $0xFFFFF000  }
0x46: {  	_ =	swait.ge @!p0 [sflag:s0], $0x1000  }
0x47: {  	[sflag:s0] =	ssyncset.done @!p0 $0x0  }
0x48: {  	[sflag:s0] =	ssyncadd.s32 @!p0 $0xFFFFF000;
	s0 =	simm.s32 $0x0  }
0x49: {  	v8 =	vld [tilespmem:s0+$0x2F0]  }
0x4a: {  	v9 =	vld [tilespmem:s0+$0x12F0]  }
0x4b: {  	v10 =	vld [tilespmem:s0+$0x280]  }
0x4c: {  	v11 =	vld [tilespmem:s0+$0x1280]  }
0x4d: {  	v12 =	vld [tilespmem:s0+$0x290]  }
0x4e: {  	v13 =	vld [tilespmem:s0+$0x1290]  }
0x4f: {  	v14 =	vld [tilespmem:s0+$0x2A0]  }
0x50: {  	v15 =	vld [tilespmem:s0+$0x12A0];
	v8 =	vmul.f32 v8, v4;
	v9 =	vmul.f32 v9, v5  }
0x51: {  	v16 =	vld [tilespmem:s0+$0x2B0]  }
0x52: {  	v17 =	vld [tilespmem:s0+$0x12B0];
	v10 =	vmul.f32 v10, v4;
	v11 =	vmul.f32 v11, v5;
	v8 =	vadd.f32 v9, v8  }
0x53: {  	v18 =	vld [tilespmem:s0+$0x2C0]  }
0x54: {  	v19 =	vld [tilespmem:s0+$0x12C0];
	v9 =	vadd.f32 v11, v10;
	v10 =	vmul.f32 v13, v5;
	[tilespmem:s0+$0x22F0] =	vst v8;
	v8 =	vmul.f32 v12, v4  }
0x55: {  	v11 =	vld [tilespmem:s0+$0x2D0];
	v13 =	vmul.f32 v15, v5;
	v12 =	vmul.f32 v14, v4  }
0x56: {  	[tilespmem:s0+$0x2280] =	vst v9;
	v9 =	vld [tilespmem:s0+$0x12D0];
	v8 =	vadd.f32 v10, v8  }
0x57: {  	v14 =	vmul.f32 v16, v4;
	v16 =	vmul.f32 v17, v5;
	v10 =	vld [tilespmem:s0+$0x2E0];
	v15 =	vadd.f32 v13, v12  }
0x58: {  	s18 =	simm.s32 $0x80;
	v12 =	vld [tilespmem:s0+$0x12E0];
	[tilespmem:s0+$0x2290] =	vst v8  }
0x59: {  	s17 =	sshll.u32 s4, $0x6;
	s20 =	simm.s32 $0x400;
	v13 =	vmul.f32 v18, v4;
	v14 =	vadd.f32 v16, v14;
	v8 =	vld [tilespmem:s18+$0x2F0];
	[tilespmem:s0+$0x22A0] =	vst v15;
	v15 =	vmul.f32 v19, v5  }
.LBB2_3:
0x5a: {  	p1 =	sne.s32 s20, $0x3E00;
	v16 =	vld [tilespmem:s18+$0x12F0];
	v11 =	vmul.f32 v11, v4  }
0x5b: {  	v17 =	vld [tilespmem:s18+$0x280];
	[tilespmem:s0+$0x22B0] =	vst v14;
	v13 =	vadd.f32 v15, v13;
	v9 =	vmul.f32 v9, v5  }
0x5c: {  	v14 =	vld [tilespmem:s18+$0x1280];
	v10 =	vmul.f32 v10, v4  }
0x5d: {  	v15 =	vld [tilespmem:s18+$0x290];
	[tilespmem:s0+$0x22C0] =	vst v13;
	v9 =	vadd.f32 v9, v11;
	v11 =	vmul.f32 v12, v5  }
0x5e: {  	v12 =	vld [tilespmem:s18+$0x1290]  }
0x5f: {  	v8 =	vmul.f32 v8, v4;
	v13 =	vld [tilespmem:s18+$0x2A0];
	v16 =	vmul.f32 v16, v5;
	[tilespmem:s0+$0x22D0] =	vst v9;
	v9 =	vadd.f32 v11, v10  }
0x60: {  	v10 =	vmul.f32 v17, v4;
	v11 =	vld [tilespmem:s18+$0x12A0]  }
0x61: {  	v14 =	vmul.f32 v14, v5;
	v17 =	vld [tilespmem:s18+$0x2B0];
	v8 =	vadd.f32 v16, v8;
	[tilespmem:s0+$0x22E0] =	vst v9;
	s0 =	smov.u32 s18  }
0x62: {  	v9 =	vmul.f32 v15, v4;
	v15 =	vld [tilespmem:s0+$0x12B0]  }
0x63: {  	v10 =	vadd.f32 v14, v10;
	v12 =	vmul.f32 v12, v5;
	v14 =	vld [tilespmem:s0+$0x2C0];
	[tilespmem:s0+$0x22F0] =	vst v8  }
0x64: {  	v8 =	vmul.f32 v13, v4;
	v16 =	vld [tilespmem:s0+$0x12C0]  }
.Ltmp2:
0x65: {  	[tilespmem:s0+$0x2280] =	vst v10;
	v10 =	vadd.f32 v12, v9;
	v12 =	vmul.f32 v11, v5;
	v11 =	vld [tilespmem:s0+$0x2D0];
	(pc) =	sbr.rel @p1 .LBB2_3-.Ltmp2, $4  }
0x66: {  	v17 =	vmul.f32 v17, v4;
	v9 =	vld [tilespmem:s0+$0x12D0]  }
0x67: {  	[tilespmem:s0+$0x2290] =	vst v10;
	v18 =	vadd.f32 v12, v8;
	v15 =	vmul.f32 v15, v5;
	v10 =	vld [tilespmem:s0+$0x2E0]  }
0x68: {  	s18 =	sshra.s32 s20, $0x2;
	v13 =	vmul.f32 v14, v4;
	v12 =	vld [tilespmem:s0+$0x12E0]  }
0x69: {  	s20 =	sadd.s32 $0x200, s20;
	v8 =	vld [tilespmem:s18+$0x2F0];
	[tilespmem:s0+$0x22A0] =	vst v18;
	v14 =	vadd.f32 v15, v17;
	v15 =	vmul.f32 v16, v5  }
0x6a: {  	v16 =	vld [tilespmem:s18+$0x12F0]  }
0x6b: {  	v17 =	vld [tilespmem:s18+$0x280];
	v11 =	vmul.f32 v11, v4;
	[tilespmem:s0+$0x22B0] =	vst v14;
	v13 =	vadd.f32 v15, v13;
	v9 =	vmul.f32 v9, v5  }
0x6c: {  	v14 =	vld [tilespmem:s18+$0x1280]  }
0x6d: {  	v15 =	vld [tilespmem:s18+$0x290];
	v10 =	vmul.f32 v10, v4;
	[tilespmem:s0+$0x22C0] =	vst v13;
	v9 =	vadd.f32 v9, v11;
	v12 =	vmul.f32 v12, v5  }
0x6e: {  	v11 =	vld [tilespmem:s18+$0x1290]  }
0x6f: {  	v13 =	vld [tilespmem:s18+$0x2A0];
	[tilespmem:s0+$0x22D0] =	vst v9;
	v9 =	vadd.f32 v12, v10  }
0x70: {  	v8 =	vmul.f32 v8, v4;
	v12 =	vmul.f32 v16, v5;
	v10 =	vld [tilespmem:s18+$0x12A0]  }
0x71: {  	v16 =	vld [tilespmem:s18+$0x2B0];
	[tilespmem:s0+$0x22E0] =	vst v9  }
0x72: {  	v9 =	vmul.f32 v17, v4;
	v14 =	vmul.f32 v14, v5;
	v8 =	vadd.f32 v12, v8;
	v12 =	vld [tilespmem:s18+$0x12B0]  }
0x73: {  	v17 =	vld [tilespmem:s18+$0x2C0]  }
0x74: {  	v9 =	vadd.f32 v14, v9;
	[tilespmem:s18+$0x22F0] =	vst v8;
	v8 =	vmul.f32 v15, v4;
	v11 =	vmul.f32 v11, v5;
	v14 =	vld [tilespmem:s18+$0x12C0]  }
0x75: {  	v15 =	vld [tilespmem:s18+$0x12E0]  }
0x76: {  	[tilespmem:s18+$0x2280] =	vst v9;
	v8 =	vadd.f32 v11, v8;
	v9 =	vld [tilespmem:s18+$0x2D0]  }
0x77: {  	v11 =	vld [tilespmem:s18+$0x12D0]  }
0x78: {  	[tilespmem:s18+$0x2290] =	vst v8;
	v8 =	vld [tilespmem:s18+$0x2E0]  }
0x79: {  	v13 =	vmul.f32 v13, v4;
	v10 =	vmul.f32 v10, v5  }
0x7a: {  	v16 =	vmul.f32 v16, v4;
	v12 =	vmul.f32 v12, v5  }
0x7b: {  	v10 =	vadd.f32 v10, v13;
	v13 =	vmul.f32 v17, v4;
	v14 =	vmul.f32 v14, v5  }
0x7c: {  	v12 =	vadd.f32 v12, v16;
	v9 =	vmul.f32 v9, v4;
	v11 =	vmul.f32 v11, v5  }
0x7d: {  	[tilespmem:s18+$0x22A0] =	vst v10;
	v10 =	vadd.f32 v14, v13;
	v13 =	vmul.f32 v15, v5;
	v8 =	vmul.f32 v8, v4  }
0x7e: {  	[tilespmem:s18+$0x22B0] =	vst v12;
	v9 =	vadd.f32 v11, v9  }
0x7f: {  	[tilespmem:s18+$0x22C0] =	vst v10;
	v8 =	vadd.f32 v13, v8  }
0x80: {  	s21 =	sshll.u32 s4, $0xA;
	[tilespmem:s18+$0x22D0] =	vst v9  }
0x81: {  	p1 =	seq.s32 s4, $0x7;
	s0 =	sadd.s32 s21, s16;
	[tilespmem:s18+$0x22E0] =	vst v8  }
0x82: {  	[hbm4b:s0+s7] =	stream.linear.scatter [tilespmem:s13], [sflag:$0x2], $0x1000, $0x38;
	[tilespmem:$0x1EA80] =	vst v63  }
0x83: {  	s0 =	sadd.s32 @!p1 $0x40, s17  }
0x84: {  	s18 =	sadd.s32 @!p1 s9, s0  }
0x85: {  	s18 =	sshll.u32 @!p1 s18, $0x4  }
0x86: {  	s20 =	simm.s32 @!p1 $0x0;
	s21 =	simm.s32 @!p1 $0x280;
	s18 =	sadd.s32 @!p1 s2, s18  }
0x87: {  	[tilespmem:s21], [sflag:$0x1] =	stream.linear.gather @!p1 [hbm4b:s18+s20], $0x1000, $0x38;
	[tilespmem:$0x1EA80] =	vst v63  }
0x88: {  	s18 =	simm.s32 @!p1 $0x20;
	s20 =	simm.s32 @!p1 $0x1280  }
0x89: {  	[tilespmem:s20], [sflag:$0x1] =	stream.indirect.gather @!p1 [hbm4b:s10+s18], $0x80, s0, s18, $0xb8;
	[tilespmem:$0x1EA80] =	vst v63  }
0x8a: {  	_ =	swait.ge [sflag:s14], $0x1000  }
0x8b: {  	[sflag:s14] =	ssyncset.done $0x0  }
0x8c: {  	[sflag:s14] =	ssyncadd.s32 $0xFFFFF000  }
0x8d: {  	_ =	swait.ge [sflag:s14], $0x1000  }
0x8e: {  	[sflag:s14] =	ssyncset.done $0x0  }
0x8f: {  	s0 =	simm.s32 @!p0 $0x4;
	[sflag:s14] =	ssyncadd.s32 $0xFFFFF000  }
0x90: {  	_ =	swait.ge @!p0 [sflag:s0], $0x1000  }
0x91: {  	[sflag:s0] =	ssyncset.done @!p0 $0x0  }
0x92: {  	[sflag:s0] =	ssyncadd.s32 @!p0 $0xFFFFF000;
	s0 =	simm.s32 $0x0  }
0x93: {  	v8 =	vld [tilespmem:s0+$0x32F0]  }
0x94: {  	v9 =	vld [tilespmem:s0+$0x42F0]  }
0x95: {  	v10 =	vld [tilespmem:s0+$0x3280]  }
0x96: {  	v11 =	vld [tilespmem:s0+$0x4280]  }
0x97: {  	v12 =	vld [tilespmem:s0+$0x3290]  }
0x98: {  	v13 =	vld [tilespmem:s0+$0x4290]  }
0x99: {  	v14 =	vld [tilespmem:s0+$0x32A0]  }
0x9a: {  	v15 =	vld [tilespmem:s0+$0x42A0];
	v8 =	vmul.f32 v8, v4;
	v9 =	vmul.f32 v9, v5  }
0x9b: {  	v16 =	vld [tilespmem:s0+$0x32B0]  }
0x9c: {  	v17 =	vld [tilespmem:s0+$0x42B0];
	v10 =	vmul.f32 v10, v4;
	v11 =	vmul.f32 v11, v5;
	v8 =	vadd.f32 v9, v8  }
0x9d: {  	v18 =	vld [tilespmem:s0+$0x32C0]  }
0x9e: {  	v19 =	vld [tilespmem:s0+$0x42C0];
	v9 =	vadd.f32 v11, v10;
	v10 =	vmul.f32 v13, v5;
	[tilespmem:s0+$0x52F0] =	vst v8;
	v8 =	vmul.f32 v12, v4  }
0x9f: {  	v11 =	vld [tilespmem:s0+$0x32D0];
	v13 =	vmul.f32 v15, v5;
	v12 =	vmul.f32 v14, v4  }
0xa0: {  	[tilespmem:s0+$0x5280] =	vst v9;
	v9 =	vld [tilespmem:s0+$0x42D0];
	v8 =	vadd.f32 v10, v8  }
0xa1: {  	v14 =	vmul.f32 v16, v4;
	v16 =	vmul.f32 v17, v5;
	v10 =	vld [tilespmem:s0+$0x32E0];
	v15 =	vadd.f32 v13, v12  }
0xa2: {  	s18 =	simm.s32 $0x80;
	v12 =	vld [tilespmem:s0+$0x42E0];
	[tilespmem:s0+$0x5290] =	vst v8  }
0xa3: {  	s20 =	simm.s32 $0x400;
	v13 =	vmul.f32 v18, v4;
	v14 =	vadd.f32 v16, v14;
	v8 =	vld [tilespmem:s18+$0x32F0];
	[tilespmem:s0+$0x52A0] =	vst v15;
	v15 =	vmul.f32 v19, v5  }
.LBB2_5:
0xa4: {  	p0 =	sne.s32 s20, $0x3E00;
	v16 =	vld [tilespmem:s18+$0x42F0];
	v11 =	vmul.f32 v11, v4  }
0xa5: {  	v17 =	vld [tilespmem:s18+$0x3280];
	[tilespmem:s0+$0x52B0] =	vst v14;
	v13 =	vadd.f32 v15, v13;
	v9 =	vmul.f32 v9, v5  }
0xa6: {  	v14 =	vld [tilespmem:s18+$0x4280];
	v10 =	vmul.f32 v10, v4  }
0xa7: {  	v15 =	vld [tilespmem:s18+$0x3290];
	[tilespmem:s0+$0x52C0] =	vst v13;
	v9 =	vadd.f32 v9, v11;
	v11 =	vmul.f32 v12, v5  }
0xa8: {  	v12 =	vld [tilespmem:s18+$0x4290]  }
0xa9: {  	v8 =	vmul.f32 v8, v4;
	v13 =	vld [tilespmem:s18+$0x32A0];
	v16 =	vmul.f32 v16, v5;
	[tilespmem:s0+$0x52D0] =	vst v9;
	v9 =	vadd.f32 v11, v10  }
0xaa: {  	v10 =	vmul.f32 v17, v4;
	v11 =	vld [tilespmem:s18+$0x42A0]  }
0xab: {  	v14 =	vmul.f32 v14, v5;
	v17 =	vld [tilespmem:s18+$0x32B0];
	v8 =	vadd.f32 v16, v8;
	[tilespmem:s0+$0x52E0] =	vst v9;
	s0 =	smov.u32 s18  }
0xac: {  	v9 =	vmul.f32 v15, v4;
	v15 =	vld [tilespmem:s0+$0x42B0]  }
0xad: {  	v10 =	vadd.f32 v14, v10;
	v12 =	vmul.f32 v12, v5;
	v14 =	vld [tilespmem:s0+$0x32C0];
	[tilespmem:s0+$0x52F0] =	vst v8  }
0xae: {  	v8 =	vmul.f32 v13, v4;
	v16 =	vld [tilespmem:s0+$0x42C0]  }
.Ltmp3:
0xaf: {  	[tilespmem:s0+$0x5280] =	vst v10;
	v10 =	vadd.f32 v12, v9;
	v12 =	vmul.f32 v11, v5;
	v11 =	vld [tilespmem:s0+$0x32D0];
	(pc) =	sbr.rel @p0 .LBB2_5-.Ltmp3, $4  }
0xb0: {  	v17 =	vmul.f32 v17, v4;
	v9 =	vld [tilespmem:s0+$0x42D0]  }
0xb1: {  	[tilespmem:s0+$0x5290] =	vst v10;
	v18 =	vadd.f32 v12, v8;
	v15 =	vmul.f32 v15, v5;
	v10 =	vld [tilespmem:s0+$0x32E0]  }
0xb2: {  	s18 =	sshra.s32 s20, $0x2;
	v13 =	vmul.f32 v14, v4;
	v12 =	vld [tilespmem:s0+$0x42E0]  }
0xb3: {  	s20 =	sadd.s32 $0x200, s20;
	v8 =	vld [tilespmem:s18+$0x32F0];
	[tilespmem:s0+$0x52A0] =	vst v18;
	v14 =	vadd.f32 v15, v17;
	v15 =	vmul.f32 v16, v5  }
0xb4: {  	v16 =	vld [tilespmem:s18+$0x42F0]  }
0xb5: {  	v17 =	vld [tilespmem:s18+$0x3280];
	v11 =	vmul.f32 v11, v4;
	[tilespmem:s0+$0x52B0] =	vst v14;
	v13 =	vadd.f32 v15, v13;
	v9 =	vmul.f32 v9, v5  }
0xb6: {  	v14 =	vld [tilespmem:s18+$0x4280]  }
0xb7: {  	v46 =	vld [tilespmem:s18+$0x3290];
	v10 =	vmul.f32 v10, v4;
	[tilespmem:s0+$0x52C0] =	vst v13;
	v9 =	vadd.f32 v9, v11;
	v12 =	vmul.f32 v12, v5  }
0xb8: {  	v47 =	vld [tilespmem:s18+$0x4290]  }
0xb9: {  	v13 =	vld [tilespmem:s18+$0x32A0];
	[tilespmem:s0+$0x52D0] =	vst v9;
	v48 =	vadd.f32 v12, v10  }
0xba: {  	v49 =	vld [tilespmem:s18+$0x42A0]  }
0xbb: {  	v51 =	vld [tilespmem:s18+$0x32B0];
	[tilespmem:s0+$0x52E0] =	vst v48  }
0xbc: {  	v53 =	vld [tilespmem:s18+$0x42B0]  }
0xbd: {  	v54 =	vld [tilespmem:s18+$0x32C0]  }
0xbe: {  	v56 =	vld [tilespmem:s18+$0x42C0]  }
0xbf: {  	v57 =	vld [tilespmem:s18+$0x32D0]  }
0xc0: {  	v8 =	vmul.f32 v8, v4;
	v50 =	vmul.f32 v16, v5;
	v58 =	vld [tilespmem:s18+$0x42D0]  }
0xc1: {  	v52 =	vmul.f32 v17, v4;
	v14 =	vmul.f32 v14, v5;
	v59 =	vld [tilespmem:s18+$0x32E0]  }
0xc2: {  	v8 =	vadd.f32 v50, v8;
	v55 =	vmul.f32 v46, v4;
	v60 =	vld [tilespmem:s18+$0x42E0];
	v11 =	vmul.f32 v47, v5  }
0xc3: {  	v9 =	vadd.f32 v14, v52;
	v13 =	vmul.f32 v13, v4;
	v10 =	vmul.f32 v49, v5  }
0xc4: {  	[tilespmem:s18+$0x52F0] =	vst v8;
	v8 =	vadd.f32 v11, v55;
	v16 =	vmul.f32 v51, v4;
	v12 =	vmul.f32 v53, v5  }
0xc5: {  	[tilespmem:s18+$0x5280] =	vst v9;
	v10 =	vadd.f32 v10, v13;
	v61 =	vmul.f32 v54, v4;
	v14 =	vmul.f32 v56, v5  }
0xc6: {  	[tilespmem:s18+$0x5290] =	vst v8;
	v9 =	vmul.f32 v57, v4;
	v11 =	vmul.f32 v58, v5;
	v12 =	vadd.f32 v12, v16  }
0xc7: {  	v8 =	vmul.f32 v59, v4;
	v63 =	vmul.f32 v60, v5;
	[tilespmem:s18+$0x52A0] =	vst v10;
	v62 =	vadd.f32 v14, v61  }
.Ltmp4:
0xc8: {  	s21 =	sadd.s32 s17, s9;
	v9 =	vadd.f32 v11, v9;
	[tilespmem:s18+$0x52B0] =	vst v12;
	(pc) =	sbr.rel @p1 .LBB2_8-.Ltmp4, $4  }
0xc9: {  	s0 =	sshll.u32 s21, $0x4;
	v8 =	vadd.f32 v63, v8;
	[tilespmem:s18+$0x52C0] =	vst v62  }
0xca: {  	s0 =	sadd.s32 s29, s0;
	[tilespmem:s18+$0x52D0] =	vst v9  }
0xcb: {  	s0 =	sadd.s32 $0x200, s0;
	[tilespmem:s18+$0x52E0] =	vst v8  }
0xcc: {  	[hbm4b:s0+s7] =	stream.linear.scatter [tilespmem:s15], [sflag:$0x4], $0x1000, $0x38;
	[tilespmem:$0x1EA80] =	vst v63  }
0xcd: {  	s0 =	sadd.s32 $0x60, s17  }
0xce: {  	s17 =	sadd.s32 s9, s0  }
.Ltmp5:
0xcf: {  	s17 =	sshll.u32 s17, $0x4;
	(pc) =	sbr.rel .LBB2_2-.Ltmp5, $4  }
0xd0: {  	s17 =	sadd.s32 s2, s17  }
0xd1: {  	[tilespmem:s1], [sflag:$0x3] =	stream.linear.gather [hbm4b:s17+s7], $0x1000, $0x38;
	[tilespmem:$0x1EA80] =	vst v63  }
0xd2: {  	s4 =	sadd.s32 $0x1, s4  }
0xd3: {  	[tilespmem:s31], [sflag:$0x3] =	stream.indirect.gather [hbm4b:s10+s5], $0x80, s0, s5, $0xb8;
	[tilespmem:$0x1EA80] =	vst v63  }
.LBB2_8:
0xd4: {  	s0 =	simm.s32 $0x2  }
0xd5: {  	_ =	swait.ge [sflag:s0], $0x1000  }
0xd6: {  	[sflag:s0] =	ssyncset.done $0x0  }
0xd7: {  	s18 =	simm.s32 $0x4;
	[sflag:s0] =	ssyncadd.s32 $0xFFFFF000  }
0xd8: {  	_ =	swait.ge [sflag:s18], $0x1000  }
0xd9: {  	s4 =	simm.s32 $0x0;
	[sflag:s18] =	ssyncset.done $0x0  }
0xda: {  	s2 =	simm.s32 $0x280;
	s20 =	rddreg [dreg:$0xc];
	[sflag:s18] =	ssyncadd.s32 $0xFFFFF000  }
0xdb: {  	[tilespmem:s2], [sflag:$0x1] =	stream.linear.gather [hbm4b:s20+s4], $0x1000, $0x38;
	[tilespmem:$0x1EA80] =	vst v63  }
0xdc: {  	s21 =	simm.s32 $0x1280  }
0xdd: {  	[tilespmem:s21], [sflag:$0x1] =	stream.indirect.gather [hbm4b:s11+s5], $0x80, s4, s5, $0xb8;
	[tilespmem:$0x1EA80] =	vst v63  }
0xde: {  	s29 =	rddreg [dreg:$0xd]  }
0xdf: {  	[tilespmem:s1], [sflag:$0x3] =	stream.linear.gather [hbm4b:s29+s4], $0x1000, $0x38;
	[tilespmem:$0x1EA80] =	vst v63  }
0xe0: {  	_ = 	snop  }
0xe1: {  	[tilespmem:s31], [sflag:$0x3] =	stream.indirect.gather [hbm4b:s11+s5], $0x80, s5, s5, $0xb8;
	[tilespmem:$0x1EA80] =	vst v63  }
.LBB2_9:
0xe2: {  	_ =	swait.ge [sflag:s12], $0x1000  }
0xe3: {  	[sflag:s12] =	ssyncset.done $0x0  }
0xe4: {  	[sflag:s12] =	ssyncadd.s32 $0xFFFFF000  }
0xe5: {  	_ =	swait.ge [sflag:s12], $0x1000  }
0xe6: {  	p0 =	seq.s32 s4, $0x0;
	[sflag:s12] =	ssyncset.done $0x0  }
0xe7: {  	s0 =	simm.s32 @!p0 $0x2;
	[sflag:s12] =	ssyncadd.s32 $0xFFFFF000  }
0xe8: {  	_ =	swait.ge @!p0 [sflag:s0], $0x1000  }
0xe9: {  	[sflag:s0] =	ssyncset.done @!p0 $0x0  }
0xea: {  	[sflag:s0] =	ssyncadd.s32 @!p0 $0xFFFFF000;
	s0 =	simm.s32 $0x0  }
0xeb: {  	v8 =	vld [tilespmem:s0+$0x2F0]  }
0xec: {  	v9 =	vld [tilespmem:s0+$0x12F0]  }
0xed: {  	v10 =	vld [tilespmem:s0+$0x280]  }
0xee: {  	v11 =	vld [tilespmem:s0+$0x1280]  }
0xef: {  	v12 =	vld [tilespmem:s0+$0x290]  }
0xf0: {  	v13 =	vld [tilespmem:s0+$0x1290]  }
0xf1: {  	v14 =	vld [tilespmem:s0+$0x2A0]  }
0xf2: {  	v15 =	vld [tilespmem:s0+$0x12A0];
	v8 =	vmul.f32 v8, v4;
	v9 =	vmul.f32 v9, v5  }
0xf3: {  	v16 =	vld [tilespmem:s0+$0x2B0]  }
0xf4: {  	v17 =	vld [tilespmem:s0+$0x12B0];
	v10 =	vmul.f32 v10, v4;
	v11 =	vmul.f32 v11, v5;
	v8 =	vadd.f32 v9, v8  }
0xf5: {  	v18 =	vld [tilespmem:s0+$0x2C0]  }
0xf6: {  	v19 =	vld [tilespmem:s0+$0x12C0];
	v9 =	vadd.f32 v11, v10;
	v10 =	vmul.f32 v13, v5;
	[tilespmem:s0+$0x22F0] =	vst v8;
	v8 =	vmul.f32 v12, v4  }
0xf7: {  	v11 =	vld [tilespmem:s0+$0x2D0];
	v13 =	vmul.f32 v15, v5;
	v12 =	vmul.f32 v14, v4  }
0xf8: {  	[tilespmem:s0+$0x2280] =	vst v9;
	v9 =	vld [tilespmem:s0+$0x12D0];
	v8 =	vadd.f32 v10, v8  }
0xf9: {  	v14 =	vmul.f32 v16, v4;
	v16 =	vmul.f32 v17, v5;
	v10 =	vld [tilespmem:s0+$0x2E0];
	v15 =	vadd.f32 v13, v12  }
0xfa: {  	s18 =	simm.s32 $0x80;
	v12 =	vld [tilespmem:s0+$0x12E0];
	[tilespmem:s0+$0x2290] =	vst v8  }
0xfb: {  	s17 =	sshll.u32 s4, $0x6;
	s20 =	simm.s32 $0x400;
	v13 =	vmul.f32 v18, v4;
	v14 =	vadd.f32 v16, v14;
	v8 =	vld [tilespmem:s18+$0x2F0];
	[tilespmem:s0+$0x22A0] =	vst v15;
	v15 =	vmul.f32 v19, v5  }
.LBB2_10:
0xfc: {  	p1 =	sne.s32 s20, $0x3E00;
	v16 =	vld [tilespmem:s18+$0x12F0];
	v11 =	vmul.f32 v11, v4  }
0xfd: {  	v17 =	vld [tilespmem:s18+$0x280];
	[tilespmem:s0+$0x22B0] =	vst v14;
	v13 =	vadd.f32 v15, v13;
	v9 =	vmul.f32 v9, v5  }
0xfe: {  	v14 =	vld [tilespmem:s18+$0x1280];
	v10 =	vmul.f32 v10, v4  }
0xff: {  	v15 =	vld [tilespmem:s18+$0x290];
	[tilespmem:s0+$0x22C0] =	vst v13;
	v9 =	vadd.f32 v9, v11;
	v11 =	vmul.f32 v12, v5  }
0x100: {  	v12 =	vld [tilespmem:s18+$0x1290]  }
0x101: {  	v8 =	vmul.f32 v8, v4;
	v13 =	vld [tilespmem:s18+$0x2A0];
	v16 =	vmul.f32 v16, v5;
	[tilespmem:s0+$0x22D0] =	vst v9;
	v9 =	vadd.f32 v11, v10  }
0x102: {  	v10 =	vmul.f32 v17, v4;
	v11 =	vld [tilespmem:s18+$0x12A0]  }
0x103: {  	v14 =	vmul.f32 v14, v5;
	v17 =	vld [tilespmem:s18+$0x2B0];
	v8 =	vadd.f32 v16, v8;
	[tilespmem:s0+$0x22E0] =	vst v9;
	s0 =	smov.u32 s18  }
0x104: {  	v9 =	vmul.f32 v15, v4;
	v15 =	vld [tilespmem:s0+$0x12B0]  }
0x105: {  	v10 =	vadd.f32 v14, v10;
	v12 =	vmul.f32 v12, v5;
	v14 =	vld [tilespmem:s0+$0x2C0];
	[tilespmem:s0+$0x22F0] =	vst v8  }
0x106: {  	v8 =	vmul.f32 v13, v4;
	v16 =	vld [tilespmem:s0+$0x12C0]  }
.Ltmp6:
0x107: {  	[tilespmem:s0+$0x2280] =	vst v10;
	v10 =	vadd.f32 v12, v9;
	v12 =	vmul.f32 v11, v5;
	v11 =	vld [tilespmem:s0+$0x2D0];
	(pc) =	sbr.rel @p1 .LBB2_10-.Ltmp6, $4  }
0x108: {  	v17 =	vmul.f32 v17, v4;
	v9 =	vld [tilespmem:s0+$0x12D0]  }
0x109: {  	[tilespmem:s0+$0x2290] =	vst v10;
	v18 =	vadd.f32 v12, v8;
	v15 =	vmul.f32 v15, v5;
	v10 =	vld [tilespmem:s0+$0x2E0]  }
0x10a: {  	s18 =	sshra.s32 s20, $0x2;
	v13 =	vmul.f32 v14, v4;
	v12 =	vld [tilespmem:s0+$0x12E0]  }
0x10b: {  	s20 =	sadd.s32 $0x200, s20;
	v8 =	vld [tilespmem:s18+$0x2F0];
	[tilespmem:s0+$0x22A0] =	vst v18;
	v14 =	vadd.f32 v15, v17;
	v15 =	vmul.f32 v16, v5  }
0x10c: {  	v16 =	vld [tilespmem:s18+$0x12F0]  }
0x10d: {  	v17 =	vld [tilespmem:s18+$0x280];
	v11 =	vmul.f32 v11, v4;
	[tilespmem:s0+$0x22B0] =	vst v14;
	v13 =	vadd.f32 v15, v13;
	v9 =	vmul.f32 v9, v5  }
0x10e: {  	v14 =	vld [tilespmem:s18+$0x1280]  }
0x10f: {  	v15 =	vld [tilespmem:s18+$0x290];
	v10 =	vmul.f32 v10, v4;
	[tilespmem:s0+$0x22C0] =	vst v13;
	v9 =	vadd.f32 v9, v11;
	v12 =	vmul.f32 v12, v5  }
0x110: {  	v11 =	vld [tilespmem:s18+$0x1290]  }
0x111: {  	v13 =	vld [tilespmem:s18+$0x2A0];
	[tilespmem:s0+$0x22D0] =	vst v9;
	v9 =	vadd.f32 v12, v10  }
0x112: {  	v8 =	vmul.f32 v8, v4;
	v12 =	vmul.f32 v16, v5;
	v10 =	vld [tilespmem:s18+$0x12A0]  }
0x113: {  	v16 =	vld [tilespmem:s18+$0x2B0];
	[tilespmem:s0+$0x22E0] =	vst v9  }
0x114: {  	v9 =	vmul.f32 v17, v4;
	v14 =	vmul.f32 v14, v5;
	v8 =	vadd.f32 v12, v8;
	v12 =	vld [tilespmem:s18+$0x12B0]  }
0x115: {  	v17 =	vld [tilespmem:s18+$0x2C0]  }
0x116: {  	v9 =	vadd.f32 v14, v9;
	[tilespmem:s18+$0x22F0] =	vst v8;
	v8 =	vmul.f32 v15, v4;
	v11 =	vmul.f32 v11, v5;
	v14 =	vld [tilespmem:s18+$0x12C0]  }
0x117: {  	v15 =	vld [tilespmem:s18+$0x12E0]  }
0x118: {  	[tilespmem:s18+$0x2280] =	vst v9;
	v8 =	vadd.f32 v11, v8;
	v9 =	vld [tilespmem:s18+$0x2D0]  }
0x119: {  	v11 =	vld [tilespmem:s18+$0x12D0]  }
0x11a: {  	[tilespmem:s18+$0x2290] =	vst v8;
	v8 =	vld [tilespmem:s18+$0x2E0]  }
0x11b: {  	v13 =	vmul.f32 v13, v4;
	v10 =	vmul.f32 v10, v5  }
0x11c: {  	v16 =	vmul.f32 v16, v4;
	v12 =	vmul.f32 v12, v5  }
0x11d: {  	v10 =	vadd.f32 v10, v13;
	v13 =	vmul.f32 v17, v4;
	v14 =	vmul.f32 v14, v5  }
0x11e: {  	v12 =	vadd.f32 v12, v16;
	v9 =	vmul.f32 v9, v4;
	v11 =	vmul.f32 v11, v5  }
0x11f: {  	[tilespmem:s18+$0x22A0] =	vst v10;
	v10 =	vadd.f32 v14, v13;
	v13 =	vmul.f32 v15, v5;
	v8 =	vmul.f32 v8, v4  }
0x120: {  	[tilespmem:s18+$0x22B0] =	vst v12;
	v9 =	vadd.f32 v11, v9  }
0x121: {  	[tilespmem:s18+$0x22C0] =	vst v10;
	v8 =	vadd.f32 v13, v8  }
0x122: {  	s29 =	sshll.u32 s4, $0xA;
	[tilespmem:s18+$0x22D0] =	vst v9  }
0x123: {  	p1 =	seq.s32 s4, $0x7;
	s0 =	sadd.s32 s29, s19;
	[tilespmem:s18+$0x22E0] =	vst v8  }
0x124: {  	[hbm4b:s0+s7] =	stream.linear.scatter [tilespmem:s13], [sflag:$0x2], $0x1000, $0x38;
	[tilespmem:$0x1EA80] =	vst v63  }
0x125: {  	s0 =	sadd.s32 @!p1 $0x40, s17  }
0x126: {  	s18 =	sadd.s32 @!p1 s9, s0  }
0x127: {  	s18 =	sshll.u32 @!p1 s18, $0x4  }
0x128: {  	s20 =	simm.s32 @!p1 $0x0;
	s21 =	simm.s32 @!p1 $0x280;
	s18 =	sadd.s32 @!p1 s25, s18  }
0x129: {  	[tilespmem:s21], [sflag:$0x1] =	stream.linear.gather @!p1 [hbm4b:s18+s20], $0x1000, $0x38;
	[tilespmem:$0x1EA80] =	vst v63  }
0x12a: {  	s18 =	simm.s32 @!p1 $0x20;
	s20 =	simm.s32 @!p1 $0x1280  }
0x12b: {  	[tilespmem:s20], [sflag:$0x1] =	stream.indirect.gather @!p1 [hbm4b:s11+s18], $0x80, s0, s18, $0xb8;
	[tilespmem:$0x1EA80] =	vst v63  }
0x12c: {  	_ =	swait.ge [sflag:s14], $0x1000  }
0x12d: {  	[sflag:s14] =	ssyncset.done $0x0  }
0x12e: {  	[sflag:s14] =	ssyncadd.s32 $0xFFFFF000  }
0x12f: {  	_ =	swait.ge [sflag:s14], $0x1000  }
0x130: {  	[sflag:s14] =	ssyncset.done $0x0  }
0x131: {  	s0 =	simm.s32 @!p0 $0x4;
	[sflag:s14] =	ssyncadd.s32 $0xFFFFF000  }
0x132: {  	_ =	swait.ge @!p0 [sflag:s0], $0x1000  }
0x133: {  	[sflag:s0] =	ssyncset.done @!p0 $0x0  }
0x134: {  	[sflag:s0] =	ssyncadd.s32 @!p0 $0xFFFFF000;
	s0 =	simm.s32 $0x0  }
0x135: {  	v8 =	vld [tilespmem:s0+$0x32F0]  }
0x136: {  	v9 =	vld [tilespmem:s0+$0x42F0]  }
0x137: {  	v10 =	vld [tilespmem:s0+$0x3280]  }
0x138: {  	v11 =	vld [tilespmem:s0+$0x4280]  }
0x139: {  	v12 =	vld [tilespmem:s0+$0x3290]  }
0x13a: {  	v13 =	vld [tilespmem:s0+$0x4290]  }
0x13b: {  	v14 =	vld [tilespmem:s0+$0x32A0]  }
0x13c: {  	v15 =	vld [tilespmem:s0+$0x42A0];
	v8 =	vmul.f32 v8, v4;
	v9 =	vmul.f32 v9, v5  }
0x13d: {  	v16 =	vld [tilespmem:s0+$0x32B0]  }
0x13e: {  	v17 =	vld [tilespmem:s0+$0x42B0];
	v10 =	vmul.f32 v10, v4;
	v11 =	vmul.f32 v11, v5;
	v8 =	vadd.f32 v9, v8  }
0x13f: {  	v18 =	vld [tilespmem:s0+$0x32C0]  }
0x140: {  	v19 =	vld [tilespmem:s0+$0x42C0];
	v9 =	vadd.f32 v11, v10;
	v10 =	vmul.f32 v13, v5;
	[tilespmem:s0+$0x52F0] =	vst v8;
	v8 =	vmul.f32 v12, v4  }
0x141: {  	v11 =	vld [tilespmem:s0+$0x32D0];
	v13 =	vmul.f32 v15, v5;
	v12 =	vmul.f32 v14, v4  }
0x142: {  	[tilespmem:s0+$0x5280] =	vst v9;
	v9 =	vld [tilespmem:s0+$0x42D0];
	v8 =	vadd.f32 v10, v8  }
0x143: {  	v14 =	vmul.f32 v16, v4;
	v16 =	vmul.f32 v17, v5;
	v10 =	vld [tilespmem:s0+$0x32E0];
	v15 =	vadd.f32 v13, v12  }
0x144: {  	s18 =	simm.s32 $0x80;
	v12 =	vld [tilespmem:s0+$0x42E0];
	[tilespmem:s0+$0x5290] =	vst v8  }
0x145: {  	s20 =	simm.s32 $0x400;
	v13 =	vmul.f32 v18, v4;
	v14 =	vadd.f32 v16, v14;
	v8 =	vld [tilespmem:s18+$0x32F0];
	[tilespmem:s0+$0x52A0] =	vst v15;
	v15 =	vmul.f32 v19, v5  }
.LBB2_12:
0x146: {  	p0 =	sne.s32 s20, $0x3E00;
	v16 =	vld [tilespmem:s18+$0x42F0];
	v11 =	vmul.f32 v11, v4  }
0x147: {  	v17 =	vld [tilespmem:s18+$0x3280];
	[tilespmem:s0+$0x52B0] =	vst v14;
	v13 =	vadd.f32 v15, v13;
	v9 =	vmul.f32 v9, v5  }
0x148: {  	v14 =	vld [tilespmem:s18+$0x4280];
	v10 =	vmul.f32 v10, v4  }
0x149: {  	v15 =	vld [tilespmem:s18+$0x3290];
	[tilespmem:s0+$0x52C0] =	vst v13;
	v9 =	vadd.f32 v9, v11;
	v11 =	vmul.f32 v12, v5  }
0x14a: {  	v12 =	vld [tilespmem:s18+$0x4290]  }
0x14b: {  	v8 =	vmul.f32 v8, v4;
	v13 =	vld [tilespmem:s18+$0x32A0];
	v16 =	vmul.f32 v16, v5;
	[tilespmem:s0+$0x52D0] =	vst v9;
	v9 =	vadd.f32 v11, v10  }
0x14c: {  	v10 =	vmul.f32 v17, v4;
	v11 =	vld [tilespmem:s18+$0x42A0]  }
0x14d: {  	v14 =	vmul.f32 v14, v5;
	v17 =	vld [tilespmem:s18+$0x32B0];
	v8 =	vadd.f32 v16, v8;
	[tilespmem:s0+$0x52E0] =	vst v9;
	s0 =	smov.u32 s18  }
0x14e: {  	v9 =	vmul.f32 v15, v4;
	v15 =	vld [tilespmem:s0+$0x42B0]  }
0x14f: {  	v10 =	vadd.f32 v14, v10;
	v12 =	vmul.f32 v12, v5;
	v14 =	vld [tilespmem:s0+$0x32C0];
	[tilespmem:s0+$0x52F0] =	vst v8  }
0x150: {  	v8 =	vmul.f32 v13, v4;
	v16 =	vld [tilespmem:s0+$0x42C0]  }
.Ltmp7:
0x151: {  	[tilespmem:s0+$0x5280] =	vst v10;
	v10 =	vadd.f32 v12, v9;
	v12 =	vmul.f32 v11, v5;
	v11 =	vld [tilespmem:s0+$0x32D0];
	(pc) =	sbr.rel @p0 .LBB2_12-.Ltmp7, $4  }
0x152: {  	v17 =	vmul.f32 v17, v4;
	v9 =	vld [tilespmem:s0+$0x42D0]  }
0x153: {  	[tilespmem:s0+$0x5290] =	vst v10;
	v18 =	vadd.f32 v12, v8;
	v15 =	vmul.f32 v15, v5;
	v10 =	vld [tilespmem:s0+$0x32E0]  }
0x154: {  	s18 =	sshra.s32 s20, $0x2;
	v13 =	vmul.f32 v14, v4;
	v12 =	vld [tilespmem:s0+$0x42E0]  }
0x155: {  	s20 =	sadd.s32 $0x200, s20;
	v8 =	vld [tilespmem:s18+$0x32F0];
	[tilespmem:s0+$0x52A0] =	vst v18;
	v14 =	vadd.f32 v15, v17;
	v15 =	vmul.f32 v16, v5  }
0x156: {  	v16 =	vld [tilespmem:s18+$0x42F0]  }
0x157: {  	v17 =	vld [tilespmem:s18+$0x3280];
	v11 =	vmul.f32 v11, v4;
	[tilespmem:s0+$0x52B0] =	vst v14;
	v13 =	vadd.f32 v15, v13;
	v9 =	vmul.f32 v9, v5  }
0x158: {  	v14 =	vld [tilespmem:s18+$0x4280]  }
0x159: {  	v46 =	vld [tilespmem:s18+$0x3290];
	v10 =	vmul.f32 v10, v4;
	[tilespmem:s0+$0x52C0] =	vst v13;
	v9 =	vadd.f32 v9, v11;
	v12 =	vmul.f32 v12, v5  }
0x15a: {  	v47 =	vld [tilespmem:s18+$0x4290]  }
0x15b: {  	v13 =	vld [tilespmem:s18+$0x32A0];
	[tilespmem:s0+$0x52D0] =	vst v9;
	v48 =	vadd.f32 v12, v10  }
0x15c: {  	v49 =	vld [tilespmem:s18+$0x42A0]  }
0x15d: {  	v51 =	vld [tilespmem:s18+$0x32B0];
	[tilespmem:s0+$0x52E0] =	vst v48  }
0x15e: {  	v53 =	vld [tilespmem:s18+$0x42B0]  }
0x15f: {  	v54 =	vld [tilespmem:s18+$0x32C0]  }
0x160: {  	v56 =	vld [tilespmem:s18+$0x42C0]  }
0x161: {  	v57 =	vld [tilespmem:s18+$0x32D0]  }
0x162: {  	v8 =	vmul.f32 v8, v4;
	v50 =	vmul.f32 v16, v5;
	v58 =	vld [tilespmem:s18+$0x42D0]  }
0x163: {  	v52 =	vmul.f32 v17, v4;
	v14 =	vmul.f32 v14, v5;
	v59 =	vld [tilespmem:s18+$0x32E0]  }
0x164: {  	v8 =	vadd.f32 v50, v8;
	v55 =	vmul.f32 v46, v4;
	v60 =	vld [tilespmem:s18+$0x42E0];
	v11 =	vmul.f32 v47, v5  }
0x165: {  	v9 =	vadd.f32 v14, v52;
	v13 =	vmul.f32 v13, v4;
	v10 =	vmul.f32 v49, v5  }
0x166: {  	[tilespmem:s18+$0x52F0] =	vst v8;
	v8 =	vadd.f32 v11, v55;
	v16 =	vmul.f32 v51, v4;
	v12 =	vmul.f32 v53, v5  }
0x167: {  	[tilespmem:s18+$0x5280] =	vst v9;
	v10 =	vadd.f32 v10, v13;
	v61 =	vmul.f32 v54, v4;
	v14 =	vmul.f32 v56, v5  }
0x168: {  	[tilespmem:s18+$0x5290] =	vst v8;
	v9 =	vmul.f32 v57, v4;
	v11 =	vmul.f32 v58, v5;
	v12 =	vadd.f32 v12, v16  }
0x169: {  	v8 =	vmul.f32 v59, v4;
	v63 =	vmul.f32 v60, v5;
	[tilespmem:s18+$0x52A0] =	vst v10;
	v62 =	vadd.f32 v14, v61  }
.Ltmp8:
0x16a: {  	s29 =	sadd.s32 s17, s9;
	v9 =	vadd.f32 v11, v9;
	[tilespmem:s18+$0x52B0] =	vst v12;
	(pc) =	sbr.rel @p1 .LBB2_15-.Ltmp8, $4  }
0x16b: {  	s0 =	sshll.u32 s29, $0x4;
	v8 =	vadd.f32 v63, v8;
	[tilespmem:s18+$0x52C0] =	vst v62  }
0x16c: {  	s0 =	sadd.s32 s30, s0;
	[tilespmem:s18+$0x52D0] =	vst v9  }
0x16d: {  	s0 =	sadd.s32 $0x200, s0;
	[tilespmem:s18+$0x52E0] =	vst v8  }
0x16e: {  	[hbm4b:s0+s7] =	stream.linear.scatter [tilespmem:s15], [sflag:$0x4], $0x1000, $0x38;
	[tilespmem:$0x1EA80] =	vst v63  }
0x16f: {  	s0 =	sadd.s32 $0x60, s17  }
0x170: {  	s17 =	sadd.s32 s9, s0  }
.Ltmp9:
0x171: {  	s17 =	sshll.u32 s17, $0x4;
	(pc) =	sbr.rel .LBB2_9-.Ltmp9, $4  }
0x172: {  	s17 =	sadd.s32 s25, s17  }
0x173: {  	[tilespmem:s1], [sflag:$0x3] =	stream.linear.gather [hbm4b:s17+s7], $0x1000, $0x38;
	[tilespmem:$0x1EA80] =	vst v63  }
0x174: {  	s4 =	sadd.s32 $0x1, s4  }
0x175: {  	[tilespmem:s31], [sflag:$0x3] =	stream.indirect.gather [hbm4b:s11+s5], $0x80, s0, s5, $0xb8;
	[tilespmem:$0x1EA80] =	vst v63  }
.LBB2_15:
0x176: {  	s0 =	simm.s32 $0x2  }
0x177: {  	_ =	swait.ge [sflag:s0], $0x1000  }
0x178: {  	[sflag:s0] =	ssyncset.done $0x0  }
0x179: {  	s30 =	simm.s32 $0x4;
	[sflag:s0] =	ssyncadd.s32 $0xFFFFF000  }
0x17a: {  	_ =	swait.ge [sflag:s30], $0x1000  }
0x17b: {  	s29 =	simm.s32 $0x0;
	s21 =	simm.s32 $0x1E280;
	[sflag:s30] =	ssyncset.done $0x0  }
0x17c: {  	s4 =	simm.s32 $0x9;
	s2 =	rddreg [dreg:$0xe];
	[sflag:s30] =	ssyncadd.s32 $0xFFFFF000  }
0x17d: {  	[tilespmem:s21], [sflag:$0x9] =	stream.linear.gather [hbm4b:s2+s29], $0x800, $0x38;
	[tilespmem:$0x1EA80] =	vst v63  }
0x17e: {  	_ =	swait.ge [sflag:s4], $0x800  }
0x17f: {  	[sflag:s4] =	ssyncset.done $0x0  }
0x180: {  	s2 =	simm.s32 $0x6280;
	s17 =	rddreg [dreg:$0xf];
	[sflag:s4] =	ssyncadd.s32 $0xFFFFF800  }
0x181: {  	[tilespmem:s2], [sflag:$0x5] =	stream.linear.gather [hbm4b:s17+s29], $0x4000, $0x38;
	[tilespmem:$0x1EA80] =	vst v63  }
0x182: {  	v8 =	vld [tilespmem:$0x0];
	_ =	sdelay $0x2  }
0x183: {  	v1 =	vld [tilespmem:$0x1FFD0];
	_ =	sdelay $0x1  }
0x184: {  	v2 =	vld [tilespmem:$0x1FFE0];
	v9 =	vshll.u32 v8, $0x3  }
0x185: {  	v8 =	vand.u32 $0x7, v8;
	v9 =	vand.u32 $0xFFFFFFC0, v9  }
0x186: {  	v8 =	vor.u32 v8, v9  }
0x187: {  	v9 =	vperm.xlane v8, v1;
	_ =	sdelay $0x1  }
0x188: {  	v9 =	vadd.s32 v2, v9  }
0x189: {  	v3 =	vld [tilespmem:$0x1FFF0];
	_ =	sdelay $0x2  }
0x18a: {  	s18 =	simm.s32 $0xA280  }
0x18b: {  	[tilespmem:s18], [sflag:$0x5] =	stream.indirect_vreg.gather [hbm4b:s3+s29], $0x80, v9, vm0, $0xb8;
	[tilespmem:$0x1EA80] =	vst v63  }
0x18c: {  	s20 =	simm.s32 $0xAA80;
	v8 =	vperm.xlane v8, v3  }
0x18d: {  	[tilespmem:s20], [sflag:$0x5] =	stream.indirect_vreg.gather [hbm4b:s22+s29], $0x80, v9, vm0, $0xb8;
	[tilespmem:$0x1EA80] =	vst v63  }
0x18e: {  	s25 =	simm.s32 $0xB280;
	v8 =	vadd.s32 v2, v8  }
0x18f: {  	[tilespmem:s25], [sflag:$0x5] =	stream.indirect_vreg.gather [hbm4b:s26+s29], $0x80, v9, vm0, $0xb8;
	[tilespmem:$0x1EA80] =	vst v63  }
0x190: {  	s30 =	simm.s32 $0xBA80  }
0x191: {  	[tilespmem:s30], [sflag:$0x5] =	stream.indirect_vreg.gather [hbm4b:s28+s29], $0x80, v9, vm0, $0xb8;
	[tilespmem:$0x1EA80] =	vst v63  }
0x192: {  	s2 =	simm.s32 $0xC280  }
0x193: {  	[tilespmem:s2], [sflag:$0x5] =	stream.indirect_vreg.gather [hbm4b:s3+s29], $0x80, v8, vm0, $0xb8;
	[tilespmem:$0x1EA80] =	vst v63  }
0x194: {  	s4 =	simm.s32 $0xCA80  }
0x195: {  	[tilespmem:s4], [sflag:$0x5] =	stream.indirect_vreg.gather [hbm4b:s22+s29], $0x80, v8, vm0, $0xb8;
	[tilespmem:$0x1EA80] =	vst v63  }
0x196: {  	s17 =	simm.s32 $0xD280  }
0x197: {  	[tilespmem:s17], [sflag:$0x5] =	stream.indirect_vreg.gather [hbm4b:s26+s29], $0x80, v8, vm0, $0xb8;
	[tilespmem:$0x1EA80] =	vst v63  }
0x198: {  	s18 =	simm.s32 $0xDA80  }
0x199: {  	[tilespmem:s18], [sflag:$0x5] =	stream.indirect_vreg.gather [hbm4b:s28+s29], $0x80, v8, vm0, $0xb8;
	[tilespmem:$0x1EA80] =	vst v63  }
0x19a: {  	s20 =	rddreg [dreg:$0x12];
	s25 =	simm.s32 $0x12280  }
0x19b: {  	[tilespmem:s25], [sflag:$0x7] =	stream.linear.gather [hbm4b:s20+s29], $0x4000, $0x38;
	[tilespmem:$0x1EA80] =	vst v63  }
0x19c: {  	v8 =	vld [tilespmem:$0x10];
	_ =	sdelay $0x4  }
0x19d: {  	v63 =	vshll.u32 v8, $0x3  }
0x19e: {  	v8 =	vand.u32 $0x7, v8;
	v9 =	vand.u32 $0xFFFFFFC0, v63  }
0x19f: {  	v8 =	vor.u32 v8, v9  }
0x1a0: {  	v9 =	vperm.xlane v8, v1;
	_ =	sdelay $0x1  }
0x1a1: {  	v9 =	vadd.s32 v2, v9;
	_ =	sdelay $0x3  }
0x1a2: {  	s30 =	simm.s32 $0x16280  }
0x1a3: {  	[tilespmem:s30], [sflag:$0x7] =	stream.indirect_vreg.gather [hbm4b:s3+s29], $0x80, v9, vm0, $0xb8;
	[tilespmem:$0x1EA80] =	vst v63  }
0x1a4: {  	s2 =	simm.s32 $0x16A80;
	v8 =	vperm.xlane v8, v3  }
0x1a5: {  	[tilespmem:s2], [sflag:$0x7] =	stream.indirect_vreg.gather [hbm4b:s22+s29], $0x80, v9, vm0, $0xb8;
	[tilespmem:$0x1EA80] =	vst v63  }
0x1a6: {  	s4 =	simm.s32 $0x17280;
	v8 =	vadd.s32 v2, v8  }
0x1a7: {  	[tilespmem:s4], [sflag:$0x7] =	stream.indirect_vreg.gather [hbm4b:s26+s29], $0x80, v9, vm0, $0xb8;
	[tilespmem:$0x1EA80] =	vst v63  }
0x1a8: {  	s17 =	simm.s32 $0x17A80  }
0x1a9: {  	[tilespmem:s17], [sflag:$0x7] =	stream.indirect_vreg.gather [hbm4b:s28+s29], $0x80, v9, vm0, $0xb8;
	[tilespmem:$0x1EA80] =	vst v63  }
0x1aa: {  	s18 =	simm.s32 $0x18280  }
0x1ab: {  	[tilespmem:s18], [sflag:$0x7] =	stream.indirect_vreg.gather [hbm4b:s3+s29], $0x80, v8, vm0, $0xb8;
	[tilespmem:$0x1EA80] =	vst v63  }
0x1ac: {  	s20 =	simm.s32 $0x18A80  }
0x1ad: {  	[tilespmem:s20], [sflag:$0x7] =	stream.indirect_vreg.gather [hbm4b:s22+s29], $0x80, v8, vm0, $0xb8;
	[tilespmem:$0x1EA80] =	vst v63  }
0x1ae: {  	[tilespmem:$0x1FFB0] =	vst v20;
	s25 =	simm.s32 $0x19280  }
0x1af: {  	[tilespmem:s25], [sflag:$0x7] =	stream.indirect_vreg.gather [hbm4b:s26+s29], $0x80, v8, vm0, $0xb8;
	[tilespmem:$0x1EA80] =	vst v63  }
0x1b0: {  	[tilespmem:$0x1FFC0] =	vst v21;
	s30 =	simm.s32 $0x19A80;
	s17 =	simm.s32 $0x1E2C0  }
0x1b1: {  	[tilespmem:s30], [sflag:$0x7] =	stream.indirect_vreg.gather [hbm4b:s28+s29], $0x80, v8, vm0, $0xb8;
	[tilespmem:$0x1EA80] =	vst v63  }
.LBB2_16:
0x1b2: {  	_ =	swait.ge [sflag:s6], $0x4000  }
0x1b3: {  	[sflag:s6] =	ssyncset.done $0x0  }
0x1b4: {  	[sflag:s6] =	ssyncadd.s32 $0xFFFFC000  }
0x1b5: {  	_ =	swait.ge [sflag:s6], $0x4000  }
0x1b6: {  	p0 =	sne.s32 s29, $0x0;
	[sflag:s6] =	ssyncset.done $0x0  }
0x1b7: {  	s0 =	simm.s32 @p0 $0x6;
	[sflag:s6] =	ssyncadd.s32 $0xFFFFC000  }
0x1b8: {  	s18 =	sshll.u32 s29, $0x1;
	_ =	swait.ge @p0 [sflag:s0], $0x4000  }
0x1b9: {  	s30 =	simm.s32 $0xFFFFC000;
	s4 =	simm.s32 $0x0;
	[sflag:s0] =	ssyncset.done @p0 $0x0  }
0x1ba: {  	s20 =	simm.s32 $0x0;
	s25 =	simm.s32 $0x0;
	[sflag:s0] =	ssyncadd.s32 @p0 $0xFFFFC000  }
.LBB2_17:
0x1bb: {  	s0 =	sadd.s32 $0x4000, s30  }
0x1bc: {  	s2 =	sand.u32 $0x380, s25;
	s0 =	sand.u32 $0x2000, s0  }
0x1bd: {  	s0 =	sor.u32 s2, s0  }
0x1be: {  	v9 =	vld [tilespmem:s0+$0x6280]  }
0x1bf: {  	v10 =	vld [tilespmem:s0+$0xA280]  }
0x1c0: {  	v13 =	vld [tilespmem:s0+$0x6290]  }
0x1c1: {  	v14 =	vld [tilespmem:s0+$0xA290]  }
0x1c2: {  	v17 =	vld [tilespmem:s0+$0x62A0]  }
0x1c3: {  	v20 =	vld [tilespmem:s0+$0xA2A0]  }
0x1c4: {  	v23 =	vld [tilespmem:s0+$0x62B0]  }
0x1c5: {  	v24 =	vld [tilespmem:s0+$0xA2B0]  }
0x1c6: {  	v29 =	vld [tilespmem:s0+$0x62C0]  }
0x1c7: {  	v30 =	vld [tilespmem:s0+$0xA2C0]  }
0x1c8: {  	v31 =	vld [tilespmem:s0+$0x62D0]  }
0x1c9: {  	v32 =	vld [tilespmem:s0+$0xA2D0]  }
0x1ca: {  	v33 =	vld [tilespmem:s0+$0x62E0]  }
0x1cb: {  	v34 =	vld [tilespmem:s0+$0xA2E0]  }
0x1cc: {  	v35 =	vld [tilespmem:s0+$0x62F0]  }
0x1cd: {  	v36 =	vld [tilespmem:s0+$0xA2F0]  }
0x1ce: {  	v37 =	vld [tilespmem:s0+$0x6680]  }
0x1cf: {  	v38 =	vld [tilespmem:s0+$0xA680]  }
0x1d0: {  	v39 =	vld [tilespmem:s0+$0x6690]  }
0x1d1: {  	v40 =	vld [tilespmem:s0+$0xA690]  }
0x1d2: {  	v41 =	vld [tilespmem:s0+$0x66A0]  }
0x1d3: {  	v42 =	vld [tilespmem:s0+$0xA6A0]  }
0x1d4: {  	v43 =	vld [tilespmem:s0+$0x66B0]  }
0x1d5: {  	v44 =	vld [tilespmem:s0+$0xA6B0]  }
0x1d6: {  	v45 =	vld [tilespmem:s0+$0x66C0]  }
0x1d7: {  	v46 =	vld [tilespmem:s0+$0xA6C0]  }
0x1d8: {  	v47 =	vld [tilespmem:s0+$0x66D0]  }
0x1d9: {  	v48 =	vld [tilespmem:s0+$0xA6D0]  }
0x1da: {  	v49 =	vld [tilespmem:s0+$0x66E0]  }
0x1db: {  	v50 =	vld [tilespmem:s0+$0xA6E0]  }
0x1dc: {  	v51 =	vld [tilespmem:s0+$0x66F0]  }
0x1dd: {  	v52 =	vld [tilespmem:s0+$0xA6F0]  }
0x1de: {  	v53 =	vld [tilespmem:s0+$0x6A80]  }
0x1df: {  	v54 =	vld [tilespmem:s0+$0xAA80]  }
0x1e0: {  	v55 =	vld [tilespmem:s0+$0x6A90]  }
0x1e1: {  	v56 =	vld [tilespmem:s0+$0xAA90]  }
0x1e2: {  	v57 =	vld [tilespmem:s0+$0x6AA0]  }
0x1e3: {  	v58 =	vld [tilespmem:s0+$0xAAA0]  }
0x1e4: {  	v59 =	vld [tilespmem:s0+$0x6AB0]  }
0x1e5: {  	v60 =	vld [tilespmem:s0+$0xAAB0]  }
0x1e6: {  	v61 =	vld [tilespmem:s0+$0x6AC0]  }
0x1e7: {  	v62 =	vld [tilespmem:s0+$0xAAC0]  }
0x1e8: {  	v63 =	vld [tilespmem:s0+$0x6AD0]  }
0x1e9: {  	v3 =	vld [tilespmem:s0+$0xAAD0]  }
0x1ea: {  	v7 =	vld [tilespmem:s0+$0x6AE0]  }
0x1eb: {  	v6 =	vld [tilespmem:s0+$0xAAE0]  }
0x1ec: {  	v8 =	vld [tilespmem:s0+$0x6AF0]  }
0x1ed: {  	v11 =	vld [tilespmem:s0+$0xAAF0]  }
0x1ee: {  	v1 =	vld [tilespmem:s0+$0x6ED0]  }
0x1ef: {  	v27 =	vld [tilespmem:s0+$0x6E80]  }
0x1f0: {  	v28 =	vld [tilespmem:s0+$0xAE80]  }
0x1f1: {  	v25 =	vld [tilespmem:s0+$0x6E90]  }
0x1f2: {  	v26 =	vld [tilespmem:s0+$0xAE90]  }
0x1f3: {  	[tilespmem:$0x1FF90] =	vst v1;
	v1 =	vld [tilespmem:s0+$0x6EE0]  }
0x1f4: {  	v21 =	vld [tilespmem:s0+$0x6EA0];
	v2 =	vmul.f32 v9, v4;
	v13 =	vmul.f32 v13, v4  }
0x1f5: {  	v22 =	vld [tilespmem:s0+$0xAEA0];
	v14 =	vmul.f32 v14, v5;
	v17 =	vmul.f32 v17, v4  }
0x1f6: {  	v18 =	vld [tilespmem:s0+$0x6EB0];
	v20 =	vmul.f32 v20, v5;
	v23 =	vmul.f32 v23, v4  }
0x1f7: {  	v19 =	vld [tilespmem:s0+$0xAEB0];
	v24 =	vmul.f32 v24, v5;
	v29 =	vmul.f32 v29, v4  }
0x1f8: {  	v15 =	vld [tilespmem:s0+$0x6EC0];
	v30 =	vmul.f32 v30, v5;
	[tilespmem:$0x1FFA0] =	vst v1;
	v1 =	vmul.f32 v10, v5  }
0x1f9: {  	v16 =	vld [tilespmem:s0+$0xAEC0];
	v43 =	vmul.f32 v43, v4;
	v44 =	vmul.f32 v44, v5;
	v13 =	vadd.f32 v14, v13  }
0x1fa: {  	v12 =	vld [tilespmem:s0+$0xAED0];
	v63 =	vmul.f32 v63, v4;
	v3 =	vmul.f32 v3, v5;
	v2 =	vadd.f32 v1, v2  }
0x1fb: {  	v9 =	vld [tilespmem:s0+$0x6EF0];
	[tilespmem:s0+$0xE290] =	vst v13;
	v13 =	vadd.f32 v24, v23;
	v24 =	vmul.f32 v31, v4;
	v31 =	vmul.f32 v32, v5  }
0x1fc: {  	v14 =	vld [tilespmem:s0+$0x7280];
	v32 =	vmul.f32 v36, v5;
	v36 =	vmul.f32 v38, v5;
	[tilespmem:s0+$0xE280] =	vst v2;
	v2 =	vadd.f32 v20, v17  }
0x1fd: {  	v3 =	vadd.f32 v3, v63;
	v63 =	vld [tilespmem:s0+$0xB6E0];
	v38 =	vmul.f32 v39, v4;
	v39 =	vmul.f32 v40, v5  }
0x1fe: {  	v23 =	vld [tilespmem:s0+$0xB290];
	[tilespmem:s0+$0xE2A0] =	vst v2;
	v2 =	vadd.f32 v30, v29;
	v29 =	vmul.f32 v33, v4;
	v30 =	vmul.f32 v34, v5  }
0x1ff: {  	v40 =	vmul.f32 v41, v4;
	v41 =	vmul.f32 v42, v5;
	v10 =	vld [tilespmem:s0+$0xAEE0];
	[tilespmem:s0+$0xE2B0] =	vst v13;
	v42 =	vadd.f32 v39, v38  }
0x200: {  	v13 =	vadd.f32 v31, v24;
	v24 =	vld [tilespmem:s0+$0x72A0];
	[tilespmem:s0+$0xE2C0] =	vst v2;
	v2 =	vadd.f32 v30, v29;
	v30 =	vmul.f32 v37, v4  }
0x201: {  	v31 =	vmul.f32 v35, v4;
	v35 =	vld [tilespmem:s0+$0xB2B0];
	[tilespmem:s0+$0xE690] =	vst v42;
	v42 =	vadd.f32 v44, v43  }
0x202: {  	v38 =	vld [tilespmem:s0+$0x72D0];
	v43 =	vmul.f32 v47, v4;
	v44 =	vmul.f32 v48, v5;
	[tilespmem:s0+$0xE2E0] =	vst v2;
	v2 =	vadd.f32 v36, v30  }
0x203: {  	v39 =	vld [tilespmem:s0+$0xB2D0];
	v48 =	vmul.f32 v51, v4;
	v51 =	vmul.f32 v54, v5  }
0x204: {  	v1 =	vld [tilespmem:s0+$0xAEF0];
	[tilespmem:s0+$0xE680] =	vst v2;
	v2 =	vadd.f32 v41, v40;
	v40 =	vmul.f32 v45, v4;
	v41 =	vmul.f32 v46, v5  }
0x205: {  	v54 =	vmul.f32 v56, v5;
	v56 =	vmul.f32 v58, v5;
	v17 =	vld [tilespmem:s0+$0xB280]  }
0x206: {  	v20 =	vld [tilespmem:s0+$0x7290];
	v45 =	vmul.f32 v49, v4;
	v46 =	vmul.f32 v50, v5;
	[tilespmem:s0+$0xE6A0] =	vst v2;
	v2 =	vadd.f32 v41, v40  }
0x207: {  	v58 =	vmul.f32 v59, v4;
	v59 =	vmul.f32 v60, v5;
	[tilespmem:s0+$0xE6B0] =	vst v42;
	v42 =	vld [tilespmem:s0+$0x72F0]  }
0x208: {  	v47 =	vadd.f32 v44, v43;
	v43 =	vld [tilespmem:s0+$0xB2F0];
	v50 =	vmul.f32 v53, v4;
	[tilespmem:s0+$0xE6C0] =	vst v2;
	v2 =	vadd.f32 v46, v45  }
0x209: {  	v60 =	vmul.f32 v61, v4;
	v61 =	vmul.f32 v62, v5;
	v44 =	vld [tilespmem:s0+$0x7680];
	v62 =	vadd.f32 v59, v58  }
0x20a: {  	v59 =	vld [tilespmem:s0+$0x76D0];
	v53 =	vmul.f32 v55, v4;
	v55 =	vmul.f32 v57, v4;
	[tilespmem:s0+$0xE6E0] =	vst v2;
	v2 =	vadd.f32 v51, v50  }
0x20b: {  	v34 =	vld [tilespmem:s0+$0x72B0];
	[tilespmem:s0+$0xE6D0] =	vst v47  }
0x20c: {  	v33 =	vld [tilespmem:s0+$0xB6F0];
	[tilespmem:s0+$0xEA80] =	vst v2;
	v2 =	vadd.f32 v56, v55  }
0x20d: {  	[tilespmem:s0+$0xEAB0] =	vst v62;
	v47 =	vld [tilespmem:s0+$0x76A0]  }
0x20e: {  	v7 =	vmul.f32 v7, v4;
	v6 =	vmul.f32 v6, v5;
	v62 =	vld [tilespmem:s0+$0x76E0];
	[tilespmem:s0+$0xEAA0] =	vst v2;
	v2 =	vadd.f32 v61, v60  }
0x20f: {  	v29 =	vld [tilespmem:s0+$0xB2A0];
	v37 =	vadd.f32 v32, v31  }
0x210: {  	v32 =	vld [tilespmem:s0+$0x7690];
	[tilespmem:s0+$0xEAC0] =	vst v2;
	v2 =	vadd.f32 v6, v7;
	v6 =	vmul.f32 v27, v4;
	v7 =	vmul.f32 v28, v5  }
0x211: {  	v8 =	vmul.f32 v8, v4;
	[tilespmem:s0+$0xEAD0] =	vst v3;
	v31 =	vld [tilespmem:s0+$0x76F0]  }
0x212: {  	v36 =	vld [tilespmem:s0+$0x72C0];
	[tilespmem:s0+$0xEAE0] =	vst v2;
	v2 =	vadd.f32 v7, v6;
	v6 =	vmul.f32 v21, v4;
	v7 =	vmul.f32 v22, v5  }
0x213: {  	v11 =	vmul.f32 v11, v5;
	[tilespmem:s0+$0xE2F0] =	vst v37;
	v37 =	vld [tilespmem:s0+$0xB2C0];
	v49 =	vmul.f32 v52, v5;
	v57 =	vadd.f32 v54, v53  }
0x214: {  	v40 =	vld [tilespmem:s0+$0x72E0];
	[tilespmem:s0+$0xEE80] =	vst v2;
	v2 =	vadd.f32 v7, v6;
	v6 =	vmul.f32 v15, v4;
	v7 =	vmul.f32 v16, v5  }
0x215: {  	v3 =	vadd.f32 v11, v8;
	v52 =	vadd.f32 v49, v48;
	[tilespmem:s0+$0xEA90] =	vst v57;
	v57 =	vld [tilespmem:$0x1FF90]  }
0x216: {  	v49 =	vmul.f32 v25, v4;
	v50 =	vmul.f32 v26, v5;
	[tilespmem:s0+$0xEEA0] =	vst v2;
	v2 =	vadd.f32 v7, v6;
	v6 =	vld [tilespmem:$0x1FFA0]  }
0x217: {  	v41 =	vld [tilespmem:s0+$0xB2E0]  }
0x218: {  	[tilespmem:s0+$0xEAF0] =	vst v3;
	v48 =	vld [tilespmem:s0+$0xB6A0];
	v53 =	vmul.f32 v18, v4;
	v54 =	vmul.f32 v19, v5;
	v3 =	vadd.f32 v50, v49  }
0x219: {  	[tilespmem:s0+$0xE2D0] =	vst v13;
	v45 =	vld [tilespmem:s0+$0xB680]  }
0x21a: {  	v58 =	vmul.f32 v12, v5;
	v46 =	vld [tilespmem:s0+$0xB690];
	v8 =	vmul.f32 v57, v4;
	[tilespmem:s0+$0xEE90] =	vst v3;
	v3 =	vadd.f32 v54, v53  }
0x21b: {  	[tilespmem:s0+$0xE6F0] =	vst v52;
	v52 =	vld [tilespmem:s0+$0xB6B0];
	v7 =	vmul.f32 v10, v5;
	v6 =	vmul.f32 v6, v4  }
0x21c: {  	v1 =	vmul.f32 v1, v5;
	v51 =	vld [tilespmem:s0+$0x76B0];
	v61 =	vmul.f32 v9, v4;
	[tilespmem:s0+$0xEEB0] =	vst v3;
	v3 =	vadd.f32 v58, v8  }
0x21d: {  	v55 =	vld [tilespmem:s0+$0x76C0];
	[tilespmem:s0+$0xEEC0] =	vst v2;
	v2 =	vadd.f32 v7, v6;
	v6 =	vmul.f32 v14, v4;
	v7 =	vmul.f32 v17, v5  }
0x21e: {  	v56 =	vld [tilespmem:s0+$0xB6C0];
	v1 =	vadd.f32 v1, v61;
	v28 =	vmul.f32 v23, v5;
	[tilespmem:s0+$0xEED0] =	vst v3;
	v3 =	vmul.f32 v20, v4  }
0x21f: {  	v49 =	vld [tilespmem:s0+$0xBAC0];
	[tilespmem:s0+$0xEEE0] =	vst v2;
	v2 =	vadd.f32 v7, v6;
	v6 =	vmul.f32 v24, v4;
	v7 =	vmul.f32 v29, v5  }
0x220: {  	v60 =	vld [tilespmem:s0+$0xB6D0];
	[tilespmem:s0+$0xEEF0] =	vst v1;
	v1 =	vadd.f32 v28, v3;
	v3 =	vmul.f32 v34, v4;
	v34 =	vmul.f32 v35, v5  }
0x221: {  	v54 =	vld [tilespmem:s0+$0x7AE0];
	[tilespmem:s0+$0xF280] =	vst v2;
	v2 =	vadd.f32 v7, v6;
	v6 =	vmul.f32 v36, v4;
	v7 =	vmul.f32 v37, v5  }
0x222: {  	v58 =	vld [tilespmem:s0+$0x7AF0];
	[tilespmem:s0+$0xF290] =	vst v1;
	v1 =	vadd.f32 v34, v3;
	v3 =	vmul.f32 v38, v4;
	v38 =	vmul.f32 v39, v5  }
0x223: {  	v35 =	vld [tilespmem:s0+$0x7A80];
	[tilespmem:s0+$0xF2A0] =	vst v2;
	v2 =	vadd.f32 v7, v6;
	v6 =	vmul.f32 v40, v4;
	v7 =	vmul.f32 v41, v5  }
0x224: {  	v39 =	vld [tilespmem:s0+$0x7A90];
	[tilespmem:s0+$0xF2B0] =	vst v1;
	v1 =	vadd.f32 v38, v3;
	v3 =	vmul.f32 v42, v4;
	v41 =	vmul.f32 v43, v5  }
0x225: {  	v42 =	vld [tilespmem:s0+$0x7AA0];
	[tilespmem:s0+$0xF2C0] =	vst v2;
	v2 =	vadd.f32 v7, v6;
	v6 =	vmul.f32 v44, v4;
	v7 =	vmul.f32 v45, v5  }
0x226: {  	[tilespmem:s0+$0xF2D0] =	vst v1;
	v37 =	vld [tilespmem:s0+$0xBA80];
	v1 =	vadd.f32 v41, v3;
	v3 =	vmul.f32 v32, v4;
	v44 =	vmul.f32 v46, v5  }
0x227: {  	v40 =	vld [tilespmem:s0+$0xBA90];
	[tilespmem:s0+$0xF2E0] =	vst v2;
	v2 =	vadd.f32 v7, v6;
	v6 =	vmul.f32 v47, v4;
	v7 =	vmul.f32 v48, v5  }
0x228: {  	v43 =	vld [tilespmem:s0+$0xBAA0];
	[tilespmem:s0+$0xF2F0] =	vst v1;
	v1 =	vadd.f32 v44, v3;
	v3 =	vmul.f32 v51, v4;
	v47 =	vmul.f32 v52, v5  }
0x229: {  	v45 =	vld [tilespmem:s0+$0x7AB0];
	[tilespmem:s0+$0xF680] =	vst v2;
	v2 =	vadd.f32 v7, v6;
	v6 =	vmul.f32 v55, v4;
	v7 =	vmul.f32 v56, v5  }
0x22a: {  	v50 =	vmul.f32 v60, v5;
	v46 =	vld [tilespmem:s0+$0xBAB0];
	[tilespmem:s0+$0xF690] =	vst v1;
	v1 =	vadd.f32 v47, v3;
	v3 =	vmul.f32 v59, v4  }
0x22b: {  	v48 =	vld [tilespmem:s0+$0x7AC0];
	[tilespmem:s0+$0xF6A0] =	vst v2;
	v2 =	vadd.f32 v7, v6;
	v6 =	vmul.f32 v62, v4;
	v7 =	vmul.f32 v63, v5  }
0x22c: {  	v53 =	vmul.f32 v33, v5;
	v51 =	vld [tilespmem:s0+$0x7AD0];
	[tilespmem:s0+$0xF6B0] =	vst v1;
	v1 =	vadd.f32 v50, v3;
	v3 =	vmul.f32 v31, v4  }
0x22d: {  	v52 =	vld [tilespmem:s0+$0xBAD0];
	[tilespmem:s0+$0xF6C0] =	vst v2;
	v2 =	vadd.f32 v7, v6;
	v6 =	vmul.f32 v35, v4;
	v7 =	vmul.f32 v37, v5  }
0x22e: {  	v57 =	vmul.f32 v40, v5;
	v55 =	vld [tilespmem:s0+$0xBAE0];
	[tilespmem:s0+$0xF6D0] =	vst v1;
	v1 =	vadd.f32 v53, v3;
	v3 =	vmul.f32 v39, v4  }
0x22f: {  	v59 =	vld [tilespmem:s0+$0xBAF0];
	[tilespmem:s0+$0xF6E0] =	vst v2;
	v2 =	vadd.f32 v7, v6;
	v6 =	vmul.f32 v42, v4;
	v7 =	vmul.f32 v43, v5  }
0x230: {  	v60 =	vmul.f32 v46, v5;
	[tilespmem:s0+$0xF6F0] =	vst v1;
	v1 =	vadd.f32 v57, v3;
	v3 =	vmul.f32 v45, v4  }
0x231: {  	[tilespmem:s0+$0xFA80] =	vst v2;
	v2 =	vadd.f32 v7, v6;
	v6 =	vmul.f32 v48, v4;
	v7 =	vmul.f32 v49, v5  }
0x232: {  	v62 =	vmul.f32 v52, v5;
	[tilespmem:s0+$0xFA90] =	vst v1;
	v1 =	vadd.f32 v60, v3;
	v3 =	vmul.f32 v51, v4  }
0x233: {  	[tilespmem:s0+$0xFAA0] =	vst v2;
	v2 =	vadd.f32 v7, v6;
	v6 =	vmul.f32 v54, v4;
	v7 =	vmul.f32 v55, v5  }
0x234: {  	v63 =	vmul.f32 v59, v5;
	[tilespmem:s0+$0xFAB0] =	vst v1;
	v1 =	vadd.f32 v62, v3;
	v3 =	vmul.f32 v58, v4  }
0x235: {  	s2 =	sand.u32 $0x7, s4;
	[tilespmem:s0+$0xFAC0] =	vst v2;
	v2 =	vadd.f32 v7, v6  }
0x236: {  	s2 =	sshll.u32 s2, $0x7;
	[tilespmem:s0+$0xFAD0] =	vst v1;
	v1 =	vadd.f32 v63, v3  }
0x237: {  	s2 =	sadd.s32 s2, s20;
	[tilespmem:s0+$0xFAE0] =	vst v2  }
0x238: {  	[tilespmem:s0+$0xFAF0] =	vst v1;
	s0 =	sor.u32 $0x1C00, s2  }
0x239: {  	v1 =	vld [tilespmem:s0+$0x6280]  }
0x23a: {  	v2 =	vld [tilespmem:s0+$0xA280];
	_ =	sdelay $0x4  }
0x23b: {  	v1 =	vmul.f32 v1, v4;
	v2 =	vmul.f32 v2, v5;
	_ =	sdelay $0x1  }
0x23c: {  	v1 =	vadd.f32 v2, v1;
	_ =	sdelay $0x1  }
0x23d: {  	[tilespmem:s0+$0xE280] =	vst v1;
	s0 =	sor.u32 $0x1C10, s2  }
0x23e: {  	v1 =	vld [tilespmem:s0+$0x6280]  }
0x23f: {  	v2 =	vld [tilespmem:s0+$0xA280];
	_ =	sdelay $0x4  }
0x240: {  	v1 =	vmul.f32 v1, v4;
	v2 =	vmul.f32 v2, v5;
	_ =	sdelay $0x1  }
0x241: {  	v1 =	vadd.f32 v2, v1;
	_ =	sdelay $0x1  }
0x242: {  	[tilespmem:s0+$0xE280] =	vst v1;
	s0 =	sor.u32 $0x1C20, s2  }
0x243: {  	v1 =	vld [tilespmem:s0+$0x6280]  }
0x244: {  	v2 =	vld [tilespmem:s0+$0xA280];
	_ =	sdelay $0x4  }
0x245: {  	v1 =	vmul.f32 v1, v4;
	v2 =	vmul.f32 v2, v5;
	_ =	sdelay $0x1  }
0x246: {  	v1 =	vadd.f32 v2, v1;
	_ =	sdelay $0x1  }
0x247: {  	[tilespmem:s0+$0xE280] =	vst v1;
	s0 =	sor.u32 $0x1C30, s2  }
0x248: {  	v1 =	vld [tilespmem:s0+$0x6280]  }
0x249: {  	v2 =	vld [tilespmem:s0+$0xA280];
	_ =	sdelay $0x4  }
0x24a: {  	v1 =	vmul.f32 v1, v4;
	v2 =	vmul.f32 v2, v5;
	_ =	sdelay $0x1  }
0x24b: {  	v1 =	vadd.f32 v2, v1;
	_ =	sdelay $0x1  }
0x24c: {  	[tilespmem:s0+$0xE280] =	vst v1;
	s0 =	sor.u32 $0x1C40, s2  }
0x24d: {  	v1 =	vld [tilespmem:s0+$0x6280]  }
0x24e: {  	v2 =	vld [tilespmem:s0+$0xA280];
	_ =	sdelay $0x4  }
0x24f: {  	v1 =	vmul.f32 v1, v4;
	v2 =	vmul.f32 v2, v5;
	_ =	sdelay $0x1  }
0x250: {  	v1 =	vadd.f32 v2, v1;
	_ =	sdelay $0x1  }
0x251: {  	[tilespmem:s0+$0xE280] =	vst v1;
	s0 =	sor.u32 $0x1C50, s2  }
0x252: {  	v1 =	vld [tilespmem:s0+$0x6280]  }
0x253: {  	v2 =	vld [tilespmem:s0+$0xA280];
	_ =	sdelay $0x4  }
0x254: {  	v3 =	vmul.f32 v1, v4;
	v6 =	vmul.f32 v2, v5;
	_ =	sdelay $0x1  }
0x255: {  	v3 =	vadd.f32 v6, v3  }
0x256: {  	v61 =	vld [tilespmem:$0x1FFC0]  }
0x257: {  	v56 =	vld [tilespmem:$0x1FFB0];
	s2 =	sor.u32 $0x1C60, s2;
	[tilespmem:s0+$0xE280] =	vst v3  }
0x258: {  	v3 =	vld.msk [tilespmem:s2+$0x6280], $0xff  }
0x259: {  	v6 =	vld.msk [tilespmem:s2+$0xA280], $0xff;
	_ =	sdelay $0x3  }
0x25a: {  	p1 =	sne.s32 s25, $0x780;
	v1 =	vmul.f32 v56, v1;
	v2 =	vmul.f32 v61, v2  }
.Ltmp10:
0x25b: {  	v3 =	vmul.f32 v56, v3;
	v6 =	vmul.f32 v61, v6;
	(pc) =	sbr.rel @p1 .LBB2_17-.Ltmp10, $4  }
0x25c: {  	v1 =	vadd.f32 v2, v1  }
0x25d: {  	v2 =	vadd.f32 v6, v3  }
0x25e: {  	s30 =	sadd.s32 $0x400, s30;
	[tilespmem:s0+$0xE280] =	vst v1  }
0x25f: {  	s25 =	sadd.s32 $0x80, s25;
	s4 =	sadd.s32 $0x1, s4;
	s20 =	sadd.s32 $0x400, s20;
	[tilespmem:s2+$0xE280] =	vst.msk $0xff, v2  }
0x260: {  	p1 =	por $0x0, $0x0;
	s0 =	simm.s32 $0x1  }
0x261: {  	s0 =	simm.s32 @!p1 $0x0  }
0x262: {  	s0 =	sshll.u32 s0, $0x9  }
0x263: {  	s0 =	sadd.s32 $0x0, s0  }
0x264: {  	s2 =	sor.u32 $0x1CE0, s0  }
0x265: {  	s4 =	sor.u32 $0x1C60, s0;
	v1 =	vld [tilespmem:s2+$0xA280]  }
0x266: {  	s30 =	sor.u32 $0x1D70, s0;
	v2 =	vld [tilespmem:s4+$0xA280]  }
0x267: {  	s0 =	sor.u32 $0x1DF0, s0;
	v3 =	vld.msk [tilespmem:s30+$0xA280], $0xff  }
0x268: {  	v6 =	vld.msk [tilespmem:s0+$0xA280], $0xff;
	_ =	sdelay $0x2  }
0x269: {  	v7 =	vld [tilespmem:s21+$0x0];
	v2 =	vperm.xlane v2, v0;
	v1 =	vperm.xlane v1, v0  }
0x26a: {  	v3 =	vperm.xlane v3, v0  }
0x26b: {  	v1 =	vsel vm2, v2, v1;
	v2 =	vperm.xlane v6, v0  }
0x26c: {  	v1 =	vsel vm1, v1, v3  }
0x26d: {  	v8 =	vsel vm3, v1, v2  }
0x26e: {  	v1 =	vmul.f32 v7, v4;
	v2 =	vmul.f32 v8, v5;
	_ =	sdelay $0x1  }
0x26f: {  	p1 =	por !p1, !p1;
	s0 =	simm.s32 $0x1;
	v1 =	vadd.f32 v2, v1  }
0x270: {  	s20 =	simm.s32 $0x1000;
	s0 =	simm.s32 @!p1 $0x0;
	vm5 =	veq.f32 v8, $1.000000000e+03  }
0x271: {  	s4 =	simm.s32 $0x400;
	vm4 =	veq.f32 v7, $1.000000000e+03;
	s25 =	sshll.u32 s0, $0x9;
	s0 =	smov.u32 s21;
	v9 =	vsel vm5, v7, v1  }
.LBB2_19:
0x272: {  	p2 =	sne.s32 s4, $0x600;
	s2 =	sadd.s32 s25, s20;
	v1 =	vsel vm4, v8, v9  }
0x273: {  	s25 =	sor.u32 $0x1CE0, s2;
	[tilespmem:s0+$0x0] =	vst v1  }
0x274: {  	s30 =	sor.u32 $0x1C60, s2;
	v1 =	vld [tilespmem:s25+$0xA280]  }
0x275: {  	s25 =	sor.u32 $0x1D70, s2;
	v2 =	vld [tilespmem:s30+$0xA280]  }
0x276: {  	s2 =	sor.u32 $0x1DF0, s2;
	v3 =	vld.msk [tilespmem:s25+$0xA280], $0xff  }
0x277: {  	v6 =	vld.msk [tilespmem:s2+$0xA280], $0xff;
	_ =	sdelay $0x1  }
0x278: {  	s0 =	sadd.s32 $0x10, s0  }
0x279: {  	v1 =	vperm.xlane v1, v0;
	v2 =	vperm.xlane v2, v0;
	v7 =	vld [tilespmem:s0+$0x0]  }
0x27a: {  	v3 =	vperm.xlane v3, v0  }
0x27b: {  	v1 =	vsel vm2, v2, v1;
	v2 =	vperm.xlane v6, v0  }
0x27c: {  	v1 =	vsel vm1, v1, v3  }
0x27d: {  	v8 =	vsel vm3, v1, v2  }
.Ltmp11:
0x27e: {  	v1 =	vmul.f32 v7, v4;
	v2 =	vmul.f32 v8, v5;
	(pc) =	sbr.rel @p2 .LBB2_19-.Ltmp11, $4  }
0x27f: {  	_ = 	snop  }
0x280: {  	p1 =	por !p1, !p1;
	s2 =	simm.s32 $0x1;
	v1 =	vadd.f32 v2, v1  }
0x281: {  	s2 =	simm.s32 @!p1 $0x0;
	vm5 =	veq.f32 v8, $1.000000000e+03  }
0x282: {  	s4 =	sadd.s32 $0x200, s4;
	s20 =	sadd.s32 $0x1000, s20;
	s25 =	sshll.u32 s2, $0x9;
	vm4 =	veq.f32 v7, $1.000000000e+03;
	v9 =	vsel vm5, v7, v1  }
0x283: {  	s2 =	sadd.s32 s25, s20;
	v1 =	vsel vm4, v8, v9  }
0x284: {  	s4 =	sor.u32 $0x1CE0, s2;
	[tilespmem:s0+$0x0] =	vst v1  }
0x285: {  	s20 =	sor.u32 $0x1C60, s2;
	v1 =	vld [tilespmem:s4+$0xA280]  }
0x286: {  	s25 =	sor.u32 $0x1D70, s2;
	v2 =	vld [tilespmem:s20+$0xA280]  }
0x287: {  	s2 =	sor.u32 $0x1DF0, s2;
	v3 =	vld.msk [tilespmem:s25+$0xA280], $0xff  }
0x288: {  	v6 =	vld.msk [tilespmem:s2+$0xA280], $0xff;
	_ =	sdelay $0x1  }
0x289: {  	s2 =	sadd.s32 $0x10, s0  }
0x28a: {  	v7 =	vld [tilespmem:s2+$0x0];
	v2 =	vperm.xlane v2, v0;
	v1 =	vperm.xlane v1, v0  }
0x28b: {  	v3 =	vperm.xlane v3, v0  }
0x28c: {  	v1 =	vsel vm2, v2, v1;
	v2 =	vperm.xlane v6, v0  }
0x28d: {  	v1 =	vsel vm1, v1, v3  }
0x28e: {  	v1 =	vsel vm3, v1, v2  }
0x28f: {  	v2 =	vmul.f32 v7, v4;
	v3 =	vmul.f32 v1, v5;
	_ =	sdelay $0x1  }
0x290: {  	v2 =	vadd.f32 v3, v2  }
0x291: {  	vm4 =	veq.f32 v1, $1.000000000e+03  }
0x292: {  	p1 =	seq.s32 s29, $0xF;
	vm5 =	veq.f32 v7, $1.000000000e+03;
	v2 =	vsel vm4, v7, v2  }
0x293: {  	s4 =	sshll.u32 s29, $0xC;
	s0 =	sshll.u32 @!p1 s29, $0x5;
	v1 =	vsel vm5, v1, v2  }
0x294: {  	s25 =	simm.s32 $0xE280;
	s20 =	sadd.s32 s4, s23;
	[tilespmem:s2+$0x0] =	vst v1;
	s2 =	sadd.s32 @!p1 $0x20, s0  }
0x295: {  	[hbm4b:s20+s7] =	stream.linear.scatter [tilespmem:s25], [sflag:$0x6], $0x4000, $0x38;
	[tilespmem:$0x1EA80] =	vst v63  }
0x296: {  	s2 =	sadd.s32 @!p1 s9, s2  }
0x297: {  	s2 =	sshll.u32 @!p1 s2, $0x7  }
0x298: {  	s4 =	simm.s32 @!p1 $0x0;
	s20 =	simm.s32 @!p1 $0x6280;
	s2 =	sadd.s32 @!p1 s8, s2  }
0x299: {  	[tilespmem:s20], [sflag:$0x5] =	stream.linear.gather @!p1 [hbm4b:s2+s4], $0x4000, $0x38;
	[tilespmem:$0x1EA80] =	vst v63  }
0x29a: {  	v1 =	vld @!p1 [tilespmem:s0+$0x20];
	_ =	sdelay $0x4  }
0x29b: {  	v2 =	vshll.u32 @!p1 v1, $0x3  }
0x29c: {  	v3 =	vlaneseq.u32 @!p1;
	v1 =	vand.u32 @!p1 $0x7, v1;
	v2 =	vand.u32 @!p1 $0xFFFFFFC0, v2  }
0x29d: {  	v6 =	vshrl.u32 @!p1 v3, $0x3;
	v1 =	vor.u32 @!p1 v1, v2;
	v2 =	vand.u32 @!p1 $0x7, v3  }
0x29e: {  	v6 =	vmul.u32 @!p1 $0x8, v6;
	v2 =	vperm.xlane @!p1 v1, v2;
	_ =	sdelay $0x1  }
0x29f: {  	v2 =	vadd.s32 @!p1 v6, v2;
	_ =	sdelay $0x3  }
0x2a0: {  	vm4 =	vmmov @!p1 $0xffff;
	s0 =	simm.s32 @!p1 $0xA280  }
0x2a1: {  	v3 =	vor.u32 @!p1 $0x8, v3;
	[tilespmem:s0], [sflag:$0x5] =	stream.indirect_vreg.gather @!p1 [hbm4b:s3+s4], $0x80, v2, vm4, $0xb8;
	[tilespmem:$0x1EA80] =	vst v63  }
0x2a2: {  	v1 =	vperm.xlane @!p1 v1, v3;
	s0 =	simm.s32 @!p1 $0xAA80  }
0x2a3: {  	[tilespmem:s0], [sflag:$0x5] =	stream.indirect_vreg.gather @!p1 [hbm4b:s22+s4], $0x80, v2, vm4, $0xb8;
	[tilespmem:$0x1EA80] =	vst v63  }
0x2a4: {  	v1 =	vadd.s32 @!p1 v6, v1;
	s0 =	simm.s32 @!p1 $0xB280  }
0x2a5: {  	[tilespmem:s0], [sflag:$0x5] =	stream.indirect_vreg.gather @!p1 [hbm4b:s26+s4], $0x80, v2, vm4, $0xb8;
	[tilespmem:$0x1EA80] =	vst v63  }
0x2a6: {  	s0 =	simm.s32 @!p1 $0xBA80  }
0x2a7: {  	[tilespmem:s0], [sflag:$0x5] =	stream.indirect_vreg.gather @!p1 [hbm4b:s28+s4], $0x80, v2, vm4, $0xb8;
	[tilespmem:$0x1EA80] =	vst v63  }
0x2a8: {  	s0 =	simm.s32 @!p1 $0xC280  }
0x2a9: {  	[tilespmem:s0], [sflag:$0x5] =	stream.indirect_vreg.gather @!p1 [hbm4b:s3+s4], $0x80, v1, vm4, $0xb8;
	[tilespmem:$0x1EA80] =	vst v63  }
0x2aa: {  	s0 =	simm.s32 @!p1 $0xCA80  }
0x2ab: {  	[tilespmem:s0], [sflag:$0x5] =	stream.indirect_vreg.gather @!p1 [hbm4b:s22+s4], $0x80, v1, vm4, $0xb8;
	[tilespmem:$0x1EA80] =	vst v63  }
0x2ac: {  	s0 =	simm.s32 @!p1 $0xD280  }
0x2ad: {  	[tilespmem:s0], [sflag:$0x5] =	stream.indirect_vreg.gather @!p1 [hbm4b:s26+s4], $0x80, v1, vm4, $0xb8;
	[tilespmem:$0x1EA80] =	vst v63  }
0x2ae: {  	s0 =	simm.s32 @!p1 $0xDA80  }
0x2af: {  	[tilespmem:s0], [sflag:$0x5] =	stream.indirect_vreg.gather @!p1 [hbm4b:s28+s4], $0x80, v1, vm4, $0xb8;
	[tilespmem:$0x1EA80] =	vst v63  }
0x2b0: {  	_ =	swait.ge [sflag:s24], $0x4000  }
0x2b1: {  	[sflag:s24] =	ssyncset.done $0x0  }
0x2b2: {  	[sflag:s24] =	ssyncadd.s32 $0xFFFFC000  }
0x2b3: {  	_ =	swait.ge [sflag:s24], $0x4000  }
0x2b4: {  	[sflag:s24] =	ssyncset.done $0x0  }
0x2b5: {  	s0 =	simm.s32 @p0 $0x8;
	[sflag:s24] =	ssyncadd.s32 $0xFFFFC000  }
0x2b6: {  	s18 =	sor.u32 $0x1, s18;
	_ =	swait.ge @p0 [sflag:s0], $0x4000  }
0x2b7: {  	s30 =	simm.s32 $0x0;
	s25 =	simm.s32 $0x0;
	[sflag:s0] =	ssyncset.done @p0 $0x0  }
0x2b8: {  	s20 =	simm.s32 $0x0;
	s4 =	simm.s32 $0xFFFFC000;
	[sflag:s0] =	ssyncadd.s32 @p0 $0xFFFFC000  }
.LBB2_21:
0x2b9: {  	s0 =	sadd.s32 $0x4000, s4  }
0x2ba: {  	s2 =	sand.u32 $0x380, s25;
	s0 =	sand.u32 $0x2000, s0  }
0x2bb: {  	s0 =	sor.u32 s2, s0  }
0x2bc: {  	v1 =	vld [tilespmem:s0+$0x12280]  }
0x2bd: {  	v2 =	vld [tilespmem:s0+$0x16280]  }
0x2be: {  	v3 =	vld [tilespmem:s0+$0x12290]  }
0x2bf: {  	v7 =	vld [tilespmem:s0+$0x16290]  }
0x2c0: {  	v8 =	vld [tilespmem:s0+$0x122A0]  }
0x2c1: {  	v13 =	vld [tilespmem:s0+$0x162A0]  }
0x2c2: {  	v14 =	vld [tilespmem:s0+$0x122B0]  }
0x2c3: {  	v17 =	vld [tilespmem:s0+$0x162B0]  }
0x2c4: {  	v20 =	vld [tilespmem:s0+$0x122C0]  }
0x2c5: {  	v23 =	vld [tilespmem:s0+$0x162C0]  }
0x2c6: {  	v24 =	vld [tilespmem:s0+$0x122D0]  }
0x2c7: {  	v29 =	vld [tilespmem:s0+$0x162D0]  }
0x2c8: {  	v30 =	vld [tilespmem:s0+$0x122E0]  }
0x2c9: {  	v31 =	vld [tilespmem:s0+$0x162E0]  }
0x2ca: {  	v32 =	vld [tilespmem:s0+$0x122F0]  }
0x2cb: {  	v33 =	vld [tilespmem:s0+$0x162F0]  }
0x2cc: {  	v34 =	vld [tilespmem:s0+$0x12680]  }
0x2cd: {  	v35 =	vld [tilespmem:s0+$0x16680]  }
0x2ce: {  	v36 =	vld [tilespmem:s0+$0x12690]  }
0x2cf: {  	v37 =	vld [tilespmem:s0+$0x16690]  }
0x2d0: {  	v38 =	vld [tilespmem:s0+$0x126A0]  }
0x2d1: {  	v39 =	vld [tilespmem:s0+$0x166A0]  }
0x2d2: {  	v40 =	vld [tilespmem:s0+$0x126B0]  }
0x2d3: {  	v41 =	vld [tilespmem:s0+$0x166B0]  }
0x2d4: {  	v42 =	vld [tilespmem:s0+$0x126C0]  }
0x2d5: {  	v43 =	vld [tilespmem:s0+$0x166C0]  }
0x2d6: {  	v44 =	vld [tilespmem:s0+$0x126D0]  }
0x2d7: {  	v45 =	vld [tilespmem:s0+$0x166D0]  }
0x2d8: {  	v46 =	vld [tilespmem:s0+$0x126E0]  }
0x2d9: {  	v47 =	vld [tilespmem:s0+$0x166E0]  }
0x2da: {  	v48 =	vld [tilespmem:s0+$0x126F0]  }
0x2db: {  	v49 =	vld [tilespmem:s0+$0x166F0]  }
0x2dc: {  	v50 =	vld [tilespmem:s0+$0x12A80]  }
0x2dd: {  	v51 =	vld [tilespmem:s0+$0x16A80]  }
0x2de: {  	v52 =	vld [tilespmem:s0+$0x12A90]  }
0x2df: {  	v53 =	vld [tilespmem:s0+$0x16A90]  }
0x2e0: {  	v54 =	vld [tilespmem:s0+$0x12AA0]  }
0x2e1: {  	v55 =	vld [tilespmem:s0+$0x16AA0]  }
0x2e2: {  	v56 =	vld [tilespmem:s0+$0x12AB0]  }
0x2e3: {  	v57 =	vld [tilespmem:s0+$0x16AB0]  }
0x2e4: {  	v58 =	vld [tilespmem:s0+$0x12AC0]  }
0x2e5: {  	v59 =	vld [tilespmem:s0+$0x16AC0]  }
0x2e6: {  	v60 =	vld [tilespmem:s0+$0x12AD0]  }
0x2e7: {  	v61 =	vld [tilespmem:s0+$0x16AD0]  }
0x2e8: {  	v62 =	vld [tilespmem:s0+$0x12AE0]  }
0x2e9: {  	v6 =	vld [tilespmem:s0+$0x12EE0]  }
0x2ea: {  	v63 =	vld [tilespmem:s0+$0x16AE0]  }
0x2eb: {  	v10 =	vld [tilespmem:s0+$0x12AF0]  }
0x2ec: {  	v9 =	vld [tilespmem:s0+$0x16AF0]  }
0x2ed: {  	v27 =	vld [tilespmem:s0+$0x12E80]  }
0x2ee: {  	[tilespmem:$0x1FF60] =	vst v6;
	v6 =	vld [tilespmem:s0+$0x16EE0]  }
0x2ef: {  	v28 =	vld [tilespmem:s0+$0x16E80]  }
0x2f0: {  	v25 =	vld [tilespmem:s0+$0x12E90]  }
0x2f1: {  	v26 =	vld [tilespmem:s0+$0x16E90]  }
0x2f2: {  	v21 =	vld [tilespmem:s0+$0x12EA0]  }
0x2f3: {  	[tilespmem:$0x1FF70] =	vst v6;
	v6 =	vmul.f32 v3, v4;
	v3 =	vmul.f32 v7, v5;
	v7 =	vld [tilespmem:s0+$0x12EF0]  }
0x2f4: {  	v22 =	vld [tilespmem:s0+$0x16EA0]  }
0x2f5: {  	v18 =	vld [tilespmem:s0+$0x12EB0]  }
0x2f6: {  	v19 =	vld [tilespmem:s0+$0x16EB0];
	v1 =	vmul.f32 v1, v4;
	v2 =	vmul.f32 v2, v5  }
0x2f7: {  	v15 =	vld [tilespmem:s0+$0x12EC0]  }
0x2f8: {  	v16 =	vld [tilespmem:s0+$0x16EC0];
	v1 =	vadd.f32 v2, v1;
	v2 =	vmul.f32 v8, v4;
	[tilespmem:$0x1FF80] =	vst v7;
	v7 =	vmul.f32 v13, v5  }
0x2f9: {  	v11 =	vld [tilespmem:s0+$0x12ED0];
	v8 =	vmul.f32 v17, v5;
	v3 =	vadd.f32 v3, v6;
	v6 =	vmul.f32 v14, v4  }
0x2fa: {  	v12 =	vld [tilespmem:s0+$0x16ED0];
	[tilespmem:s0+$0x1A280] =	vst v1;
	v1 =	vadd.f32 v7, v2;
	v2 =	vmul.f32 v20, v4;
	v7 =	vmul.f32 v23, v5  }
0x2fb: {  	v29 =	vmul.f32 v29, v5;
	v17 =	vld [tilespmem:s0+$0x17280];
	[tilespmem:s0+$0x1A290] =	vst v3;
	v3 =	vadd.f32 v8, v6;
	v6 =	vmul.f32 v24, v4  }
0x2fc: {  	v14 =	vld [tilespmem:s0+$0x13280];
	[tilespmem:s0+$0x1A2A0] =	vst v1;
	v1 =	vadd.f32 v7, v2;
	v2 =	vmul.f32 v30, v4;
	v7 =	vmul.f32 v31, v5  }
0x2fd: {  	v33 =	vmul.f32 v33, v5;
	v24 =	vld [tilespmem:s0+$0x132A0];
	[tilespmem:s0+$0x1A2B0] =	vst v3;
	v3 =	vadd.f32 v29, v6;
	v6 =	vmul.f32 v32, v4  }
0x2fe: {  	v13 =	vld [tilespmem:s0+$0x16EF0];
	[tilespmem:s0+$0x1A2C0] =	vst v1;
	v1 =	vadd.f32 v7, v2;
	v2 =	vmul.f32 v34, v4;
	v7 =	vmul.f32 v35, v5  }
0x2ff: {  	v37 =	vmul.f32 v37, v5;
	v29 =	vld [tilespmem:s0+$0x172A0];
	[tilespmem:s0+$0x1A2D0] =	vst v3;
	v3 =	vadd.f32 v33, v6;
	v6 =	vmul.f32 v36, v4  }
0x300: {  	v32 =	vld [tilespmem:s0+$0x132C0];
	[tilespmem:s0+$0x1A2E0] =	vst v1;
	v1 =	vadd.f32 v7, v2;
	v2 =	vmul.f32 v38, v4;
	v7 =	vmul.f32 v39, v5  }
0x301: {  	v41 =	vmul.f32 v41, v5;
	v20 =	vld [tilespmem:s0+$0x13290];
	[tilespmem:s0+$0x1A2F0] =	vst v3;
	v3 =	vadd.f32 v37, v6;
	v6 =	vmul.f32 v40, v4  }
0x302: {  	v23 =	vld [tilespmem:s0+$0x17290];
	[tilespmem:s0+$0x1A680] =	vst v1;
	v1 =	vadd.f32 v7, v2;
	v2 =	vmul.f32 v42, v4;
	v7 =	vmul.f32 v43, v5  }
0x303: {  	v45 =	vmul.f32 v45, v5;
	v33 =	vld [tilespmem:s0+$0x172C0];
	[tilespmem:s0+$0x1A690] =	vst v3;
	v3 =	vadd.f32 v41, v6;
	v6 =	vmul.f32 v44, v4  }
0x304: {  	v36 =	vld [tilespmem:s0+$0x132E0];
	[tilespmem:s0+$0x1A6A0] =	vst v1;
	v1 =	vadd.f32 v7, v2;
	v2 =	vmul.f32 v46, v4;
	v7 =	vmul.f32 v47, v5  }
0x305: {  	v49 =	vmul.f32 v49, v5;
	v30 =	vld [tilespmem:s0+$0x132B0];
	[tilespmem:s0+$0x1A6B0] =	vst v3;
	v3 =	vadd.f32 v45, v6;
	v6 =	vmul.f32 v48, v4  }
0x306: {  	v31 =	vld [tilespmem:s0+$0x172B0];
	[tilespmem:s0+$0x1A6C0] =	vst v1;
	v1 =	vadd.f32 v7, v2;
	v2 =	vmul.f32 v50, v4;
	v7 =	vmul.f32 v51, v5  }
0x307: {  	v53 =	vmul.f32 v53, v5;
	v37 =	vld [tilespmem:s0+$0x172E0];
	[tilespmem:s0+$0x1A6D0] =	vst v3;
	v3 =	vadd.f32 v49, v6;
	v6 =	vmul.f32 v52, v4  }
0x308: {  	v40 =	vld [tilespmem:s0+$0x13680];
	[tilespmem:s0+$0x1A6E0] =	vst v1;
	v1 =	vadd.f32 v7, v2;
	v2 =	vmul.f32 v54, v4;
	v7 =	vmul.f32 v55, v5  }
0x309: {  	v57 =	vmul.f32 v57, v5;
	v34 =	vld [tilespmem:s0+$0x132D0];
	[tilespmem:s0+$0x1A6F0] =	vst v3;
	v3 =	vadd.f32 v53, v6;
	v6 =	vmul.f32 v56, v4  }
0x30a: {  	v35 =	vld [tilespmem:s0+$0x172D0];
	[tilespmem:s0+$0x1AA80] =	vst v1;
	v1 =	vadd.f32 v7, v2;
	v2 =	vmul.f32 v58, v4;
	v7 =	vmul.f32 v59, v5  }
0x30b: {  	v61 =	vmul.f32 v61, v5;
	v41 =	vld [tilespmem:s0+$0x17680];
	[tilespmem:s0+$0x1AA90] =	vst v3;
	v3 =	vadd.f32 v57, v6;
	v6 =	vmul.f32 v60, v4  }
0x30c: {  	v38 =	vld [tilespmem:s0+$0x132F0];
	[tilespmem:s0+$0x1AAA0] =	vst v1;
	v1 =	vadd.f32 v7, v2;
	v2 =	vmul.f32 v62, v4;
	v7 =	vmul.f32 v63, v5  }
0x30d: {  	v39 =	vld [tilespmem:s0+$0x172F0];
	v46 =	vmul.f32 v9, v5;
	[tilespmem:s0+$0x1AAB0] =	vst v3;
	v3 =	vadd.f32 v61, v6;
	v6 =	vmul.f32 v10, v4  }
0x30e: {  	v45 =	vld [tilespmem:s0+$0x17690];
	[tilespmem:s0+$0x1AAC0] =	vst v1;
	v1 =	vadd.f32 v7, v2;
	v2 =	vmul.f32 v27, v4;
	v7 =	vmul.f32 v28, v5  }
0x30f: {  	v48 =	vld [tilespmem:s0+$0x176A0];
	v49 =	vmul.f32 v26, v5;
	[tilespmem:s0+$0x1AAD0] =	vst v3;
	v3 =	vadd.f32 v46, v6;
	v6 =	vmul.f32 v25, v4  }
0x310: {  	v42 =	vld [tilespmem:s0+$0x13690];
	[tilespmem:s0+$0x1AAE0] =	vst v1;
	v1 =	vadd.f32 v7, v2;
	v2 =	vmul.f32 v21, v4;
	v7 =	vmul.f32 v22, v5  }
0x311: {  	v52 =	vmul.f32 v19, v5;
	v47 =	vld [tilespmem:s0+$0x136A0];
	[tilespmem:s0+$0x1AAF0] =	vst v3;
	v3 =	vadd.f32 v49, v6;
	v6 =	vmul.f32 v18, v4  }
0x312: {  	v53 =	vld [tilespmem:s0+$0x136C0];
	[tilespmem:s0+$0x1AE80] =	vst v1;
	v1 =	vadd.f32 v7, v2;
	v2 =	vmul.f32 v15, v4;
	v7 =	vmul.f32 v16, v5  }
0x313: {  	v56 =	vld [tilespmem:s0+$0x136D0];
	v55 =	vmul.f32 v12, v5;
	[tilespmem:s0+$0x1AE90] =	vst v3  }
0x314: {  	v3 =	vadd.f32 v52, v6;
	v6 =	vmul.f32 v11, v4;
	[tilespmem:s0+$0x1AEA0] =	vst v1;
	v1 =	vadd.f32 v7, v2;
	v2 =	vld [tilespmem:$0x1FF60]  }
0x315: {  	v7 =	vld [tilespmem:$0x1FF70]  }
0x316: {  	[tilespmem:s0+$0x1AEB0] =	vst v3;
	v3 =	vadd.f32 v55, v6;
	v6 =	vld [tilespmem:$0x1FF80]  }
0x317: {  	v50 =	vld [tilespmem:s0+$0x136B0]  }
0x318: {  	v51 =	vld [tilespmem:s0+$0x176B0]  }
0x319: {  	v44 =	vmul.f32 v45, v5;
	v45 =	vld [tilespmem:s0+$0x13AB0]  }
0x31a: {  	v57 =	vld [tilespmem:s0+$0x176D0];
	v2 =	vmul.f32 v2, v4;
	v7 =	vmul.f32 v7, v5  }
0x31b: {  	v60 =	vld [tilespmem:s0+$0x176E0];
	v58 =	vmul.f32 v13, v5;
	v6 =	vmul.f32 v6, v4  }
0x31c: {  	v54 =	vld [tilespmem:s0+$0x176C0];
	[tilespmem:s0+$0x1AEC0] =	vst v1;
	v1 =	vadd.f32 v7, v2;
	v2 =	vmul.f32 v14, v4;
	v7 =	vmul.f32 v17, v5  }
0x31d: {  	v61 =	vmul.f32 v23, v5;
	v59 =	vld [tilespmem:s0+$0x136E0];
	[tilespmem:s0+$0x1AED0] =	vst v3;
	v3 =	vadd.f32 v58, v6;
	v6 =	vmul.f32 v20, v4  }
0x31e: {  	v46 =	vld [tilespmem:s0+$0x17AB0];
	[tilespmem:s0+$0x1AEE0] =	vst v1;
	v1 =	vadd.f32 v7, v2;
	v2 =	vmul.f32 v24, v4;
	v7 =	vmul.f32 v29, v5  }
0x31f: {  	v62 =	vld [tilespmem:s0+$0x136F0];
	[tilespmem:s0+$0x1AEF0] =	vst v3;
	v3 =	vadd.f32 v61, v6;
	v6 =	vmul.f32 v30, v4;
	v30 =	vmul.f32 v31, v5  }
0x320: {  	v63 =	vld [tilespmem:s0+$0x176F0];
	[tilespmem:s0+$0x1B280] =	vst v1;
	v1 =	vadd.f32 v7, v2;
	v2 =	vmul.f32 v32, v4;
	v7 =	vmul.f32 v33, v5  }
0x321: {  	v49 =	vld [tilespmem:s0+$0x13AC0];
	[tilespmem:s0+$0x1B290] =	vst v3;
	v3 =	vadd.f32 v30, v6;
	v6 =	vmul.f32 v34, v4;
	v34 =	vmul.f32 v35, v5  }
0x322: {  	v52 =	vld [tilespmem:s0+$0x13AD0];
	[tilespmem:s0+$0x1B2A0] =	vst v1;
	v1 =	vadd.f32 v7, v2;
	v2 =	vmul.f32 v36, v4;
	v7 =	vmul.f32 v37, v5  }
0x323: {  	v55 =	vld [tilespmem:s0+$0x13AE0];
	[tilespmem:s0+$0x1B2B0] =	vst v3;
	v3 =	vadd.f32 v34, v6;
	v6 =	vmul.f32 v38, v4;
	v38 =	vmul.f32 v39, v5  }
0x324: {  	v31 =	vld [tilespmem:s0+$0x13A80];
	[tilespmem:s0+$0x1B2C0] =	vst v1;
	v1 =	vadd.f32 v7, v2;
	v2 =	vmul.f32 v40, v4;
	v7 =	vmul.f32 v41, v5  }
0x325: {  	v35 =	vld [tilespmem:s0+$0x13A90];
	[tilespmem:s0+$0x1B2D0] =	vst v3;
	v3 =	vadd.f32 v38, v6;
	v6 =	vmul.f32 v42, v4  }
0x326: {  	v39 =	vld [tilespmem:s0+$0x13AA0];
	[tilespmem:s0+$0x1B2E0] =	vst v1;
	v1 =	vadd.f32 v7, v2;
	v2 =	vmul.f32 v47, v4;
	v7 =	vmul.f32 v48, v5  }
0x327: {  	v33 =	vld [tilespmem:s0+$0x17A80];
	[tilespmem:s0+$0x1B2F0] =	vst v3;
	v3 =	vadd.f32 v44, v6;
	v6 =	vmul.f32 v50, v4;
	v47 =	vmul.f32 v51, v5  }
0x328: {  	v37 =	vld [tilespmem:s0+$0x17A90];
	[tilespmem:s0+$0x1B680] =	vst v1;
	v1 =	vadd.f32 v7, v2;
	v2 =	vmul.f32 v53, v4;
	v7 =	vmul.f32 v54, v5  }
0x329: {  	v41 =	vld [tilespmem:s0+$0x17AA0];
	[tilespmem:s0+$0x1B690] =	vst v3;
	v51 =	vmul.f32 v57, v5;
	v3 =	vadd.f32 v47, v6;
	v6 =	vmul.f32 v56, v4  }
0x32a: {  	v50 =	vld [tilespmem:s0+$0x17AC0];
	[tilespmem:s0+$0x1B6A0] =	vst v1;
	v1 =	vadd.f32 v7, v2;
	v2 =	vmul.f32 v59, v4;
	v7 =	vmul.f32 v60, v5  }
0x32b: {  	v57 =	vld [tilespmem:s0+$0x17AE0];
	v54 =	vmul.f32 v63, v5;
	[tilespmem:s0+$0x1B6B0] =	vst v3;
	v3 =	vadd.f32 v51, v6;
	v6 =	vmul.f32 v62, v4  }
0x32c: {  	v53 =	vld [tilespmem:s0+$0x17AD0];
	[tilespmem:s0+$0x1B6C0] =	vst v1;
	v1 =	vadd.f32 v7, v2;
	v2 =	vmul.f32 v31, v4;
	v7 =	vmul.f32 v33, v5  }
0x32d: {  	v58 =	vmul.f32 v37, v5;
	v59 =	vld [tilespmem:s0+$0x13AF0];
	[tilespmem:s0+$0x1B6D0] =	vst v3;
	v3 =	vadd.f32 v54, v6;
	v6 =	vmul.f32 v35, v4  }
0x32e: {  	v60 =	vld [tilespmem:s0+$0x17AF0];
	[tilespmem:s0+$0x1B6E0] =	vst v1;
	v1 =	vadd.f32 v7, v2;
	v2 =	vmul.f32 v39, v4;
	v7 =	vmul.f32 v41, v5  }
0x32f: {  	v61 =	vmul.f32 v46, v5;
	[tilespmem:s0+$0x1B6F0] =	vst v3;
	v3 =	vadd.f32 v58, v6;
	v6 =	vmul.f32 v45, v4  }
0x330: {  	[tilespmem:s0+$0x1BA80] =	vst v1;
	v1 =	vadd.f32 v7, v2;
	v2 =	vmul.f32 v49, v4;
	v7 =	vmul.f32 v50, v5  }
0x331: {  	v62 =	vmul.f32 v53, v5;
	[tilespmem:s0+$0x1BA90] =	vst v3;
	v3 =	vadd.f32 v61, v6;
	v6 =	vmul.f32 v52, v4  }
0x332: {  	[tilespmem:s0+$0x1BAA0] =	vst v1;
	v1 =	vadd.f32 v7, v2;
	v2 =	vmul.f32 v55, v4;
	v7 =	vmul.f32 v57, v5  }
0x333: {  	v63 =	vmul.f32 v60, v5;
	[tilespmem:s0+$0x1BAB0] =	vst v3;
	v3 =	vadd.f32 v62, v6;
	v6 =	vmul.f32 v59, v4  }
0x334: {  	s2 =	sand.u32 $0x7, s30;
	[tilespmem:s0+$0x1BAC0] =	vst v1;
	v1 =	vadd.f32 v7, v2  }
0x335: {  	s2 =	sshll.u32 s2, $0x7;
	[tilespmem:s0+$0x1BAD0] =	vst v3;
	v2 =	vadd.f32 v63, v6  }
0x336: {  	s2 =	sadd.s32 s2, s20;
	[tilespmem:s0+$0x1BAE0] =	vst v1  }
0x337: {  	[tilespmem:s0+$0x1BAF0] =	vst v2;
	s0 =	sor.u32 $0x1C00, s2  }
0x338: {  	v1 =	vld [tilespmem:s0+$0x12280]  }
0x339: {  	v2 =	vld [tilespmem:s0+$0x16280];
	_ =	sdelay $0x4  }
0x33a: {  	v1 =	vmul.f32 v1, v4;
	v2 =	vmul.f32 v2, v5;
	_ =	sdelay $0x1  }
0x33b: {  	v1 =	vadd.f32 v2, v1;
	_ =	sdelay $0x1  }
0x33c: {  	[tilespmem:s0+$0x1A280] =	vst v1;
	s0 =	sor.u32 $0x1C10, s2  }
0x33d: {  	v1 =	vld [tilespmem:s0+$0x12280]  }
0x33e: {  	v2 =	vld [tilespmem:s0+$0x16280];
	_ =	sdelay $0x4  }
0x33f: {  	v1 =	vmul.f32 v1, v4;
	v2 =	vmul.f32 v2, v5;
	_ =	sdelay $0x1  }
0x340: {  	v1 =	vadd.f32 v2, v1;
	_ =	sdelay $0x1  }
0x341: {  	[tilespmem:s0+$0x1A280] =	vst v1;
	s0 =	sor.u32 $0x1C20, s2  }
0x342: {  	v1 =	vld [tilespmem:s0+$0x12280]  }
0x343: {  	v2 =	vld [tilespmem:s0+$0x16280];
	_ =	sdelay $0x4  }
0x344: {  	v1 =	vmul.f32 v1, v4;
	v2 =	vmul.f32 v2, v5;
	_ =	sdelay $0x1  }
0x345: {  	v1 =	vadd.f32 v2, v1;
	_ =	sdelay $0x1  }
0x346: {  	[tilespmem:s0+$0x1A280] =	vst v1;
	s0 =	sor.u32 $0x1C30, s2  }
0x347: {  	v1 =	vld [tilespmem:s0+$0x12280]  }
0x348: {  	v2 =	vld [tilespmem:s0+$0x16280];
	_ =	sdelay $0x4  }
0x349: {  	v1 =	vmul.f32 v1, v4;
	v2 =	vmul.f32 v2, v5;
	_ =	sdelay $0x1  }
0x34a: {  	v1 =	vadd.f32 v2, v1;
	_ =	sdelay $0x1  }
0x34b: {  	[tilespmem:s0+$0x1A280] =	vst v1;
	s0 =	sor.u32 $0x1C40, s2  }
0x34c: {  	v1 =	vld [tilespmem:s0+$0x12280]  }
0x34d: {  	v2 =	vld [tilespmem:s0+$0x16280];
	_ =	sdelay $0x4  }
0x34e: {  	v1 =	vmul.f32 v1, v4;
	v2 =	vmul.f32 v2, v5;
	_ =	sdelay $0x1  }
0x34f: {  	v1 =	vadd.f32 v2, v1;
	_ =	sdelay $0x1  }
0x350: {  	[tilespmem:s0+$0x1A280] =	vst v1;
	s0 =	sor.u32 $0x1C50, s2  }
0x351: {  	v1 =	vld [tilespmem:s0+$0x12280]  }
0x352: {  	v2 =	vld [tilespmem:s0+$0x16280];
	_ =	sdelay $0x4  }
0x353: {  	v3 =	vmul.f32 v1, v4;
	v6 =	vmul.f32 v2, v5;
	_ =	sdelay $0x1  }
0x354: {  	v3 =	vadd.f32 v6, v3  }
0x355: {  	v48 =	vld [tilespmem:$0x1FFC0]  }
0x356: {  	v56 =	vld [tilespmem:$0x1FFB0];
	s2 =	sor.u32 $0x1C60, s2;
	[tilespmem:s0+$0x1A280] =	vst v3  }
0x357: {  	v3 =	vld.msk [tilespmem:s2+$0x12280], $0xff  }
0x358: {  	v6 =	vld.msk [tilespmem:s2+$0x16280], $0xff;
	_ =	sdelay $0x3  }
0x359: {  	p0 =	sne.s32 s25, $0x780;
	v1 =	vmul.f32 v56, v1;
	v2 =	vmul.f32 v48, v2  }
.Ltmp12:
0x35a: {  	v3 =	vmul.f32 v56, v3;
	v6 =	vmul.f32 v48, v6;
	(pc) =	sbr.rel @p0 .LBB2_21-.Ltmp12, $4  }
0x35b: {  	v1 =	vadd.f32 v2, v1  }
0x35c: {  	v2 =	vadd.f32 v6, v3  }
0x35d: {  	s4 =	sadd.s32 $0x400, s4;
	[tilespmem:s0+$0x1A280] =	vst v1  }
0x35e: {  	s25 =	sadd.s32 $0x80, s25;
	s30 =	sadd.s32 $0x1, s30;
	s20 =	sadd.s32 $0x400, s20;
	[tilespmem:s2+$0x1A280] =	vst.msk $0xff, v2  }
0x35f: {  	p0 =	por $0x0, $0x0;
	s0 =	simm.s32 $0x1  }
0x360: {  	s0 =	simm.s32 @!p0 $0x0  }
0x361: {  	s0 =	sshll.u32 s0, $0x9  }
0x362: {  	s0 =	sadd.s32 $0x0, s0  }
0x363: {  	s2 =	sor.u32 $0x1CE0, s0  }
0x364: {  	s4 =	sor.u32 $0x1C60, s0;
	v1 =	vld [tilespmem:s2+$0x16280]  }
0x365: {  	s30 =	sor.u32 $0x1D70, s0;
	v2 =	vld [tilespmem:s4+$0x16280]  }
0x366: {  	s0 =	sor.u32 $0x1DF0, s0;
	v3 =	vld.msk [tilespmem:s30+$0x16280], $0xff  }
0x367: {  	v6 =	vld.msk [tilespmem:s0+$0x16280], $0xff;
	_ =	sdelay $0x2  }
0x368: {  	v7 =	vld [tilespmem:s17+$0x0];
	v2 =	vperm.xlane v2, v0;
	v1 =	vperm.xlane v1, v0  }
0x369: {  	v3 =	vperm.xlane v3, v0  }
0x36a: {  	v1 =	vsel vm2, v2, v1;
	v2 =	vperm.xlane v6, v0  }
0x36b: {  	v1 =	vsel vm1, v1, v3  }
0x36c: {  	v8 =	vsel vm3, v1, v2  }
0x36d: {  	v1 =	vmul.f32 v7, v4;
	v2 =	vmul.f32 v8, v5;
	_ =	sdelay $0x1  }
0x36e: {  	p0 =	por !p0, !p0;
	s0 =	simm.s32 $0x1;
	v1 =	vadd.f32 v2, v1  }
0x36f: {  	s20 =	simm.s32 $0x1000;
	s0 =	simm.s32 @!p0 $0x0;
	vm5 =	veq.f32 v8, $1.000000000e+03  }
0x370: {  	s4 =	simm.s32 $0x400;
	vm4 =	veq.f32 v7, $1.000000000e+03;
	s25 =	sshll.u32 s0, $0x9;
	s0 =	smov.u32 s17;
	v9 =	vsel vm5, v7, v1  }
.LBB2_23:
0x371: {  	p2 =	sne.s32 s4, $0x600;
	s2 =	sadd.s32 s25, s20;
	v1 =	vsel vm4, v8, v9  }
0x372: {  	s25 =	sor.u32 $0x1CE0, s2;
	[tilespmem:s0+$0x0] =	vst v1  }
0x373: {  	s30 =	sor.u32 $0x1C60, s2;
	v1 =	vld [tilespmem:s25+$0x16280]  }
0x374: {  	s25 =	sor.u32 $0x1D70, s2;
	v2 =	vld [tilespmem:s30+$0x16280]  }
0x375: {  	s2 =	sor.u32 $0x1DF0, s2;
	v3 =	vld.msk [tilespmem:s25+$0x16280], $0xff  }
0x376: {  	v6 =	vld.msk [tilespmem:s2+$0x16280], $0xff;
	_ =	sdelay $0x1  }
0x377: {  	s0 =	sadd.s32 $0x10, s0  }
0x378: {  	v1 =	vperm.xlane v1, v0;
	v2 =	vperm.xlane v2, v0;
	v7 =	vld [tilespmem:s0+$0x0]  }
0x379: {  	v3 =	vperm.xlane v3, v0  }
0x37a: {  	v1 =	vsel vm2, v2, v1;
	v2 =	vperm.xlane v6, v0  }
0x37b: {  	v1 =	vsel vm1, v1, v3  }
0x37c: {  	v8 =	vsel vm3, v1, v2  }
.Ltmp13:
0x37d: {  	v1 =	vmul.f32 v7, v4;
	v2 =	vmul.f32 v8, v5;
	(pc) =	sbr.rel @p2 .LBB2_23-.Ltmp13, $4  }
0x37e: {  	_ = 	snop  }
0x37f: {  	p0 =	por !p0, !p0;
	s2 =	simm.s32 $0x1;
	v1 =	vadd.f32 v2, v1  }
0x380: {  	s2 =	simm.s32 @!p0 $0x0;
	vm5 =	veq.f32 v8, $1.000000000e+03  }
0x381: {  	s4 =	sadd.s32 $0x200, s4;
	s20 =	sadd.s32 $0x1000, s20;
	s25 =	sshll.u32 s2, $0x9;
	vm4 =	veq.f32 v7, $1.000000000e+03;
	v9 =	vsel vm5, v7, v1  }
0x382: {  	s2 =	sadd.s32 s25, s20;
	v1 =	vsel vm4, v8, v9  }
0x383: {  	s4 =	sor.u32 $0x1CE0, s2;
	[tilespmem:s0+$0x0] =	vst v1  }
0x384: {  	s20 =	sor.u32 $0x1C60, s2;
	v1 =	vld [tilespmem:s4+$0x16280]  }
0x385: {  	s30 =	sor.u32 $0x1D70, s2;
	v2 =	vld [tilespmem:s20+$0x16280]  }
0x386: {  	s2 =	sor.u32 $0x1DF0, s2;
	v3 =	vld.msk [tilespmem:s30+$0x16280], $0xff  }
0x387: {  	v6 =	vld.msk [tilespmem:s2+$0x16280], $0xff;
	_ =	sdelay $0x1  }
0x388: {  	s4 =	sadd.s32 $0x10, s0  }
0x389: {  	v7 =	vld [tilespmem:s4+$0x0];
	v2 =	vperm.xlane v2, v0;
	v1 =	vperm.xlane v1, v0  }
0x38a: {  	v3 =	vperm.xlane v3, v0  }
0x38b: {  	v1 =	vsel vm2, v2, v1;
	v2 =	vperm.xlane v6, v0  }
0x38c: {  	v1 =	vsel vm1, v1, v3  }
0x38d: {  	v1 =	vsel vm3, v1, v2  }
0x38e: {  	v2 =	vmul.f32 v7, v4;
	v3 =	vmul.f32 v1, v5;
	_ =	sdelay $0x1  }
0x38f: {  	v2 =	vadd.f32 v3, v2  }
.Ltmp14:
0x390: {  	vm4 =	veq.f32 v1, $1.000000000e+03;
	(pc) =	sbr.rel @p1 .LBB2_26-.Ltmp14, $4  }
0x391: {  	vm5 =	veq.f32 v7, $1.000000000e+03;
	v2 =	vsel vm4, v7, v2  }
0x392: {  	s20 =	sshll.u32 s18, $0xB;
	v1 =	vsel vm5, v1, v2  }
0x393: {  	s30 =	simm.s32 $0x1A280;
	s25 =	sadd.s32 s20, s23;
	[tilespmem:s4+$0x0] =	vst v1  }
0x394: {  	[hbm4b:s25+s7] =	stream.linear.scatter [tilespmem:s30], [sflag:$0x8], $0x4000, $0x38;
	[tilespmem:$0x1EA80] =	vst v63  }
0x395: {  	s0 =	sshll.u32 s29, $0x5  }
0x396: {  	s2 =	sadd.s32 $0x30, s0  }
0x397: {  	s2 =	sadd.s32 s9, s2  }
0x398: {  	s2 =	sshll.u32 s2, $0x7  }
0x399: {  	s4 =	simm.s32 $0x12280;
	s2 =	sadd.s32 s8, s2  }
0x39a: {  	[tilespmem:s4], [sflag:$0x7] =	stream.linear.gather [hbm4b:s2+s7], $0x4000, $0x38;
	[tilespmem:$0x1EA80] =	vst v63  }
0x39b: {  	v1 =	vld [tilespmem:s0+$0x30];
	_ =	sdelay $0x4  }
0x39c: {  	v2 =	vshll.u32 v1, $0x3  }
0x39d: {  	v1 =	vand.u32 $0x7, v1;
	v2 =	vand.u32 $0xFFFFFFC0, v2  }
0x39e: {  	v1 =	vor.u32 v1, v2;
	v2 =	vld [tilespmem:$0x1FFD0];
	_ =	sdelay $0x1  }
0x39f: {  	v3 =	vld [tilespmem:$0x1FFE0];
	_ =	sdelay $0x2  }
0x3a0: {  	v2 =	vperm.xlane v1, v2;
	_ =	sdelay $0x1  }
0x3a1: {  	v2 =	vadd.s32 v3, v2  }
0x3a2: {  	v6 =	vld [tilespmem:$0x1FFF0];
	_ =	sdelay $0x2  }
0x3a3: {  	s25 =	simm.s32 $0x16280  }
0x3a4: {  	[tilespmem:s25], [sflag:$0x7] =	stream.indirect_vreg.gather [hbm4b:s3+s7], $0x80, v2, vm0, $0xb8;
	[tilespmem:$0x1EA80] =	vst v63  }
0x3a5: {  	s30 =	simm.s32 $0x16A80;
	v1 =	vperm.xlane v1, v6  }
0x3a6: {  	[tilespmem:s30], [sflag:$0x7] =	stream.indirect_vreg.gather [hbm4b:s22+s7], $0x80, v2, vm0, $0xb8;
	[tilespmem:$0x1EA80] =	vst v63  }
0x3a7: {  	s2 =	simm.s32 $0x17280;
	v1 =	vadd.s32 v3, v1  }
0x3a8: {  	[tilespmem:s2], [sflag:$0x7] =	stream.indirect_vreg.gather [hbm4b:s26+s7], $0x80, v2, vm0, $0xb8;
	[tilespmem:$0x1EA80] =	vst v63  }
0x3a9: {  	s4 =	simm.s32 $0x17A80  }
0x3aa: {  	[tilespmem:s4], [sflag:$0x7] =	stream.indirect_vreg.gather [hbm4b:s28+s7], $0x80, v2, vm0, $0xb8;
	[tilespmem:$0x1EA80] =	vst v63  }
0x3ab: {  	s18 =	simm.s32 $0x18280  }
0x3ac: {  	[tilespmem:s18], [sflag:$0x7] =	stream.indirect_vreg.gather [hbm4b:s3+s7], $0x80, v1, vm0, $0xb8;
	[tilespmem:$0x1EA80] =	vst v63  }
0x3ad: {  	s20 =	simm.s32 $0x18A80  }
0x3ae: {  	[tilespmem:s20], [sflag:$0x7] =	stream.indirect_vreg.gather [hbm4b:s22+s7], $0x80, v1, vm0, $0xb8;
	[tilespmem:$0x1EA80] =	vst v63  }
.Ltmp15:
0x3af: {  	_ = 	snop;
	(pc) =	sbr.rel .LBB2_16-.Ltmp15, $4  }
0x3b0: {  	s29 =	sadd.s32 $0x1, s29;
	s25 =	simm.s32 $0x19280  }
0x3b1: {  	[tilespmem:s25], [sflag:$0x7] =	stream.indirect_vreg.gather [hbm4b:s26+s7], $0x80, v1, vm0, $0xb8;
	[tilespmem:$0x1EA80] =	vst v63  }
0x3b2: {  	s21 =	sadd.s32 $0x80, s21;
	s17 =	sadd.s32 $0x80, s17;
	s30 =	simm.s32 $0x19A80  }
0x3b3: {  	[tilespmem:s30], [sflag:$0x7] =	stream.indirect_vreg.gather [hbm4b:s28+s7], $0x80, v1, vm0, $0xb8;
	[tilespmem:$0x1EA80] =	vst v63  }
.LBB2_27:
0x3b4: {  	_ =	sfence.sel $0x180000  }
0x3b5: {  	[bflag:$0x0] =	sbarrier.arrive $0xFFFF  }
0x3b6: {  	_ =	strace $0x90000047  }
0x3b7: {  	s0 =	stileid.u32;
	[bflag:$0x2] =	sbarrier.arrive $0xFFFF  }
0x3b8: {  	p0 =	sne.s32 s0, $0x0;
	s0 =	rddreg [dreg:$0x7]  }
0x3b9: {  	s0 =	sadd.s32 @!p0 $0x100000, s0  }
0x3ba: {  	[sflag:s0] =	ssyncadd.tile.s32 @!p0 $0x1;
	_ =	shalt  }
.Lfunc_end2:
_tile_overlayer_lowered:
.L_overlay_start_2:
0x3bb: {  	(tag) =	ssettag $0x2  }
0x3bc: {  	s0 =	rddreg [dreg:$0x0];
	s2 =	stileid.u32  }
0x3bd: {  	s1 =	rddreg [dreg:$0x1];
	p0 =	sne.s32 s2, $0x0  }
0x3be: {  	s3 =	rddreg [dreg:$0x2];
	[bflag:$0x3] =	sbarrier.arrive $0xFFFF;
	s2 =	simm.s32 @!p0 $0x1C09  }
0x3bf: {  	[timem:s3], [sflag:s2] =	dma.local @!p0 [hbm:s0], s1  }
0x3c0: {  	s0 =	simm.s32 @!p0 $0x9  }
0x3c1: {  	_ =	swait.ge @!p0 [sflag:s0], s1  }
0x3c2: {  	s1 =	ssub.s32 @!p0 $0x0, s1;
	[sflag:s0] =	ssyncset.done @!p0 $0x0  }
0x3c3: {  	[sflag:s0] =	ssyncadd.s32 @!p0 s1  }
0x3c4: {  	[bflag:$0x3] =	sbarrier.arrive $0xFFFF  }
0x3c5: {  	_ =	shalt  }

</sc_bundles>
